<compile_context>
chip_gen: v7x
topology: tpu7x:2x2x1
jax: 0.10.2.dev20260603
libtpu: 0.0.44.dev20260713+nightly
codegen_flags: <defaults>
</compile_context>

<pallas_src>
import functools

import jax
import jax.numpy as jnp
from jax import lax
from jax.experimental import pallas as pl
from jax.experimental.pallas import tpu as pltpu
from jax.experimental.pallas import tpu_sc as plsc

NUM_USERS = 1000000
NUM_ITEMS = 1000000
EMB = 16
B = 16384

_info = plsc.get_sparse_core_info()
NC = _info.num_cores
NS = _info.num_subcores
L = _info.num_lanes
NW = NC * NS
BPW = B // NW
G = 16
RD = 2
H = 8
NH = BPW // H

_mesh = plsc.VectorSubcoreMesh(core_axis_name="c", subcore_axis_name="s")


@functools.partial(
    pl.kernel,
    mesh=_mesh,
    out_type=jax.ShapeDtypeStruct((B,), jnp.float32),
    scratch_types=[
        pltpu.VMEM((BPW + L,), jnp.int32),
        pltpu.VMEM((BPW + L,), jnp.int32),
        pltpu.VMEM((RD * H, 2, 8, 128), jnp.float32),
        pltpu.VMEM((RD * H, 2, 8, 128), jnp.float32),
        pltpu.VMEM((BPW + L,), jnp.float32),
        pltpu.SemaphoreType.DMA,
        pltpu.SemaphoreType.DMA,
    ],
    compiler_params=pltpu.CompilerParams(
        needs_layout_passes=False, use_tc_tiling_on_sc=True),
)
def _sc_predict(uid_hbm, iid_hbm, ue_hbm, ie_hbm, out_hbm,
                uid_v, iid_v, ub_v, vb_v, p_v, s0, s1):
    wid = lax.axis_index("s") * NC + lax.axis_index("c")
    base = wid * BPW
    pltpu.sync_copy(uid_hbm.at[pl.ds(base, BPW)], uid_v.at[pl.ds(0, BPW)])
    pltpu.sync_copy(iid_hbm.at[pl.ds(base, BPW)], iid_v.at[pl.ds(0, BPW)])
    uid_v[pl.ds(BPW, L)] = jnp.zeros((L,), jnp.int32)
    iid_v[pl.ds(BPW, L)] = jnp.zeros((L,), jnp.int32)

    lane = lax.iota(jnp.int32, L)
    sems = [s0, s1]

    def fire(hi, r, sem):
        ids_u = uid_v[pl.ds(hi * H, L)]
        ids_i = iid_v[pl.ds(hi * H, L)]
        wus = (ids_u // G) * G
        wis = (ids_i // G) * G
        for g in range(H):
            wu = pl.multiple_of(wus[g], 16)
            wi = pl.multiple_of(wis[g], 16)
            pltpu.async_copy(
                ue_hbm.at[:, :, pl.ds(wu, G)],
                ub_v.at[r * H + g, :, :, pl.ds(0, G)], sem)
            pltpu.async_copy(
                ie_hbm.at[:, :, pl.ds(wi, G)],
                vb_v.at[r * H + g, :, :, pl.ds(0, G)], sem)

    for s in range(RD):
        fire(s, s, sems[s])

    lane8 = lax.rem(lane, H)
    half_mask = lane < H

    def half(hi, carry):
        r = lax.rem(hi, RD)
        for s in range(RD):

            @pl.when(r == s)
            def _(s=s):
                for _ in range(2):
                    pltpu.make_async_copy(
                        ue_hbm.at[:, :, pl.ds(0, 128)],
                        ub_v.at[0], sems[s]).wait()

        ids_u = uid_v[pl.ds(hi * H, L)]
        ids_i = iid_v[pl.ds(hi * H, L)]
        cu = lax.rem(ids_u, G)
        ci = lax.rem(ids_i, G)
        slotv = (jnp.full((L,), 0, jnp.int32) + r) * H + lane8
        acc = jnp.zeros((L,), jnp.float32)
        for j in range(EMB):
            jhi = jnp.full((L,), j // 8, jnp.int32)
            jlo = jnp.full((L,), j % 8, jnp.int32)
            uu = plsc.load_gather(ub_v, [slotv, jhi, jlo, cu])
            vv = plsc.load_gather(vb_v, [slotv, jhi, jlo, ci])
            acc = acc + uu * vv
        plsc.store_compressed(p_v.at[pl.ds(hi * H, L)], acc, mask=half_mask)

        @pl.when(hi + RD < NH)
        def _():
            for s in range(RD):

                @pl.when(r == s)
                def _(s=s):
                    fire(hi + RD, s, sems[s])

        return carry

    lax.fori_loop(0, NH, half, 0)
    pltpu.sync_copy(p_v.at[pl.ds(0, BPW)], out_hbm.at[pl.ds(base, BPW)])


def _tc_loss_body(pred_ref, y_ref, out_ref):
    d = pred_ref[...] - y_ref[...]
    out_ref[0, 0] = jnp.sum(d * d) * (1.0 / B)


_tc_loss = pl.pallas_call(
    _tc_loss_body,
    out_shape=jax.ShapeDtypeStruct((1, 1), jnp.float32),
    out_specs=pl.BlockSpec(memory_space=pltpu.SMEM),
)


def kernel(uid, iid, y, user_emb, item_emb):
    uid = uid.astype(jnp.int32)
    iid = iid.astype(jnp.int32)
    ue3 = user_emb.T.reshape(2, 8, NUM_USERS)
    ie3 = item_emb.T.reshape(2, 8, NUM_ITEMS)
    pred = _sc_predict(uid, iid, ue3, ie3)
    loss = _tc_loss(pred.reshape(128, 128), y.reshape(128, 128))[0, 0]
    return pred, loss

# --- scband reference (transcript-rebuilt; emitter-appended) ---
"""Pipeline reference for scband-mf-66769561584365 (READ-ONLY COPY).

The authoritative reference and input builder live on the scoring server;
editing this copy changes nothing except your own understanding.
"""

import jax, jax.numpy as jnp
import numpy as np

NUM_USERS = 1000000
NUM_ITEMS = 1000000
EMB = 16
B = 16384

def setup_inputs(seed: int = 0) -> dict:
    key = jax.random.key(seed)
    k1, k2, k3, k4, k5 = jax.random.split(key, 5)
    uid = jax.random.randint(k1, (B,), 0, NUM_USERS, dtype=jnp.int64) if jax.config.jax_enable_x64 else jax.random.randint(k1, (B,), 0, NUM_USERS, dtype=jnp.int32)
    iid = jax.random.randint(k2, (B,), 0, NUM_ITEMS, dtype=jnp.int32)
    y = jax.random.uniform(k3, (B,), dtype=jnp.float32)
    # learned parameters: embedding tables, init normal(0, 0.01) per init_paras
    user_emb = jax.random.normal(k4, (NUM_USERS, EMB), dtype=jnp.float32) * 0.01
    item_emb = jax.random.normal(k5, (NUM_ITEMS, EMB), dtype=jnp.float32) * 0.01
    return {"uid": uid, "iid": iid, "y": y, "user_emb": user_emb, "item_emb": item_emb}

def reference(uid, iid, y, user_emb, item_emb):
    # predict: gather user and item embeddings, elementwise product, sum over embed dim
    u = jnp.take(user_emb, uid, axis=0)
    v = jnp.take(item_emb, iid, axis=0)
    prediction = (u * v).sum(1)
    # forward: MSE loss against y
    loss = jnp.mean((prediction - y) ** 2)
    return prediction, loss

if __name__ == "__main__":
    import jax
    _d = setup_inputs()
    print(jax.jit(kernel)(*tuple(_d.values())))

</pallas_src>

<mosaic_0001>
#map = affine_map<(d0, d1) -> (0)>
#map1 = affine_map<(d0, d1) -> (0, 0, 0)>
module attributes {stable_mosaic.version = 14 : i64} {
  func.func @_sc_predict(%arg0: i32, %arg1: i32, %arg2: memref<16384xi32, #tpu.memory_space<hbm>>, %arg3: memref<16384xi32, #tpu.memory_space<hbm>>, %arg4: memref<2x8x1000000xf32, #tpu.memory_space<hbm>>, %arg5: memref<2x8x1000000xf32, #tpu.memory_space<hbm>>, %arg6: memref<16384xf32, #tpu.memory_space<hbm>>, %arg7: memref<528xi32, #tpu.memory_space<vmem>>, %arg8: memref<528xi32, #tpu.memory_space<vmem>>, %arg9: memref<16x2x8x128xf32, #tpu.memory_space<vmem>>, %arg10: memref<16x2x8x128xf32, #tpu.memory_space<vmem>>, %arg11: memref<528xf32, #tpu.memory_space<vmem>>, %arg12: memref<!tpu.dma_semaphore, #tpu.memory_space<semaphore_mem>>, %arg13: memref<!tpu.dma_semaphore, #tpu.memory_space<semaphore_mem>>) attributes {dimension_semantics = [#tpu.dimension_semantics<core_parallel>, #tpu.dimension_semantics<subcore_parallel>], iteration_bounds = array<i64: 2, 16>, scalar_prefetch = 0 : i64, scratch_operands = 7 : i64, tpu.core_type = #tpu.core_type<sc_vector_subcore>, window_params = [{transform_indices = #map}, {transform_indices = #map}, {transform_indices = #map1}, {transform_indices = #map1}, {transform_indices = #map}]} {
    %mul3A = arith.constant 2 : i32
    %mul3A_0 = arith.muli %arg1, %mul3A : i32
    %add3A = arith.addi %mul3A_0, %arg0 : i32
    %mul3A_1 = arith.constant 512 : i32
    %mul3A_2 = arith.muli %add3A, %mul3A_1 : i32
    "tpu.region"() ({
      %run_scoped3A = tpu.sem_alloc : memref<!tpu.dma_semaphore, #tpu.memory_space<semaphore_mem>>
      %dma_start3A_790 = arith.constant 0 : i32
      %dma_start3A_791 = tpu.memref_slice %arg7[%dma_start3A_790] : memref<528xi32, #tpu.memory_space<vmem>> -> memref<512xi32, #tpu.memory_space<vmem>>
      %dma_start3A_792 = tpu.memref_slice %arg2[%mul3A_2] : memref<16384xi32, #tpu.memory_space<hbm>> -> memref<512xi32, #tpu.memory_space<hbm>>
      %dma_start3A_793 = arith.constant 0 : i32
      %dma_start3A_794 = tpu.memref_slice %arg7[%dma_start3A_793] : memref<528xi32, #tpu.memory_space<vmem>> -> memref<512xi32, #tpu.memory_space<vmem>>
      %dma_start3A_795 = tpu.memref_slice %arg2[%mul3A_2] : memref<16384xi32, #tpu.memory_space<hbm>> -> memref<512xi32, #tpu.memory_space<hbm>>
      tpu.enqueue_dma source(%dma_start3A_795 : memref<512xi32, #tpu.memory_space<hbm>>) target(%dma_start3A_794 : memref<512xi32, #tpu.memory_space<vmem>>) target_semaphore(%run_scoped3A : memref<!tpu.dma_semaphore, #tpu.memory_space<semaphore_mem>>)
      %dma_wait3A = arith.constant 0 : i32
      %dma_wait3A_796 = tpu.memref_slice %arg7[%dma_wait3A] : memref<528xi32, #tpu.memory_space<vmem>> -> memref<512xi32, #tpu.memory_space<vmem>>
      %dma_wait3A_797 = tpu.memref_slice %arg2[%mul3A_2] : memref<16384xi32, #tpu.memory_space<hbm>> -> memref<512xi32, #tpu.memory_space<hbm>>
      %dma_wait3A_798 = arith.constant 0 : i32
      %dma_wait3A_799 = tpu.memref_slice %arg7[%dma_wait3A_798] : memref<528xi32, #tpu.memory_space<vmem>> -> memref<512xi32, #tpu.memory_space<vmem>>
      %dma_wait3A_800 = tpu.memref_slice %arg2[%mul3A_2] : memref<16384xi32, #tpu.memory_space<hbm>> -> memref<512xi32, #tpu.memory_space<hbm>>
      tpu.wait_dma2 semaphore(%run_scoped3A : memref<!tpu.dma_semaphore, #tpu.memory_space<semaphore_mem>>) src(%dma_wait3A_800 : memref<512xi32, #tpu.memory_space<hbm>>) dst(%dma_wait3A_799 : memref<512xi32, #tpu.memory_space<vmem>>)
      tpu.yield
    }) : () -> ()
    "tpu.region"() ({
      %run_scoped3A = tpu.sem_alloc : memref<!tpu.dma_semaphore, #tpu.memory_space<semaphore_mem>>
      %dma_start3A_790 = arith.constant 0 : i32
      %dma_start3A_791 = tpu.memref_slice %arg8[%dma_start3A_790] : memref<528xi32, #tpu.memory_space<vmem>> -> memref<512xi32, #tpu.memory_space<vmem>>
      %dma_start3A_792 = tpu.memref_slice %arg3[%mul3A_2] : memref<16384xi32, #tpu.memory_space<hbm>> -> memref<512xi32, #tpu.memory_space<hbm>>
      %dma_start3A_793 = arith.constant 0 : i32
      %dma_start3A_794 = tpu.memref_slice %arg8[%dma_start3A_793] : memref<528xi32, #tpu.memory_space<vmem>> -> memref<512xi32, #tpu.memory_space<vmem>>
      %dma_start3A_795 = tpu.memref_slice %arg3[%mul3A_2] : memref<16384xi32, #tpu.memory_space<hbm>> -> memref<512xi32, #tpu.memory_space<hbm>>
      tpu.enqueue_dma source(%dma_start3A_795 : memref<512xi32, #tpu.memory_space<hbm>>) target(%dma_start3A_794 : memref<512xi32, #tpu.memory_space<vmem>>) target_semaphore(%run_scoped3A : memref<!tpu.dma_semaphore, #tpu.memory_space<semaphore_mem>>)
      %dma_wait3A = arith.constant 0 : i32
      %dma_wait3A_796 = tpu.memref_slice %arg8[%dma_wait3A] : memref<528xi32, #tpu.memory_space<vmem>> -> memref<512xi32, #tpu.memory_space<vmem>>
      %dma_wait3A_797 = tpu.memref_slice %arg3[%mul3A_2] : memref<16384xi32, #tpu.memory_space<hbm>> -> memref<512xi32, #tpu.memory_space<hbm>>
      %dma_wait3A_798 = arith.constant 0 : i32
      %dma_wait3A_799 = tpu.memref_slice %arg8[%dma_wait3A_798] : memref<528xi32, #tpu.memory_space<vmem>> -> memref<512xi32, #tpu.memory_space<vmem>>
      %dma_wait3A_800 = tpu.memref_slice %arg3[%mul3A_2] : memref<16384xi32, #tpu.memory_space<hbm>> -> memref<512xi32, #tpu.memory_space<hbm>>
      tpu.wait_dma2 semaphore(%run_scoped3A : memref<!tpu.dma_semaphore, #tpu.memory_space<semaphore_mem>>) src(%dma_wait3A_800 : memref<512xi32, #tpu.memory_space<hbm>>) dst(%dma_wait3A_799 : memref<512xi32, #tpu.memory_space<vmem>>)
      tpu.yield
    }) : () -> ()
    %broadcast_in_dim3A = arith.constant 0 : i32
    %broadcast_in_dim3A_3 = vector.broadcast %broadcast_in_dim3A : i32 to vector<16xi32>
    %swap3A = arith.constant 512 : index
    %swap3A_4 = tpu.vector_load %arg7[%swap3A] {strides = array<i32>} : memref<528xi32, #tpu.memory_space<vmem>>, vector<16xi32>,
    tpu.vector_store %arg7[%swap3A], %broadcast_in_dim3A_3 {strides = array<i32>} : memref<528xi32, #tpu.memory_space<vmem>>, vector<16xi32>,
    %broadcast_in_dim3A_5 = arith.constant 0 : i32
    %broadcast_in_dim3A_6 = vector.broadcast %broadcast_in_dim3A_5 : i32 to vector<16xi32>
    %swap3A_7 = arith.constant 512 : index
    %swap3A_8 = tpu.vector_load %arg8[%swap3A_7] {strides = array<i32>} : memref<528xi32, #tpu.memory_space<vmem>>, vector<16xi32>,
    tpu.vector_store %arg8[%swap3A_7], %broadcast_in_dim3A_6 {strides = array<i32>} : memref<528xi32, #tpu.memory_space<vmem>>, vector<16xi32>,
    %iota3A = tpu.iota {dimensions = array<i32: 0>} : vector<16xi32>
    %get3A = arith.constant 0 : index
    %get3A_9 = tpu.vector_load %arg7[%get3A] {strides = array<i32>} : memref<528xi32, #tpu.memory_space<vmem>>, vector<16xi32>,
    %get3A_10 = arith.constant 0 : index
    %get3A_11 = tpu.vector_load %arg8[%get3A_10] {strides = array<i32>} : memref<528xi32, #tpu.memory_space<vmem>>, vector<16xi32>,
    %jit3A = arith.constant 16 : i32
    %div3A = vector.broadcast %jit3A : i32 to vector<16xi32>
    %div3A_12 = arith.divsi %get3A_9, %div3A : vector<16xi32>
    %sign3A = arith.constant 0 : i32
    %sign3A_13 = vector.broadcast %sign3A : i32 to vector<16xi32>
    %sign3A_14 = arith.cmpi sgt, %get3A_9, %sign3A_13 : vector<16xi32>
    %sign3A_15 = arith.extui %sign3A_14 : vector<16xi1> to vector<16xi32>
    %sign3A_16 = arith.constant 0 : i32
    %sign3A_17 = vector.broadcast %sign3A_16 : i32 to vector<16xi32>
    %sign3A_18 = arith.cmpi slt, %get3A_9, %sign3A_17 : vector<16xi32>
    %sign3A_19 = arith.extui %sign3A_18 : vector<16xi1> to vector<16xi32>
    %sign3A_20 = arith.subi %sign3A_15, %sign3A_19 : vector<16xi32>
    %sign3A_21 = arith.constant 0 : i32
    %sign3A_22 = arith.cmpi sgt, %jit3A, %sign3A_21 : i32
    %sign3A_23 = arith.extui %sign3A_22 : i1 to i32
    %sign3A_24 = arith.constant 0 : i32
    %sign3A_25 = arith.cmpi slt, %jit3A, %sign3A_24 : i32
    %sign3A_26 = arith.extui %sign3A_25 : i1 to i32
    %sign3A_27 = arith.subi %sign3A_23, %sign3A_26 : i32
    %ne3A = vector.broadcast %sign3A_27 : i32 to vector<16xi32>
    %ne3A_28 = arith.cmpi ne, %sign3A_20, %ne3A : vector<16xi32>
    %rem3A = vector.broadcast %jit3A : i32 to vector<16xi32>
    %rem3A_29 = arith.remsi %get3A_9, %rem3A : vector<16xi32>
    %ne3A_30 = arith.constant 0 : i32
    %ne3A_31 = vector.broadcast %ne3A_30 : i32 to vector<16xi32>
    %ne3A_32 = arith.cmpi ne, %rem3A_29, %ne3A_31 : vector<16xi32>
    %and3A = arith.andi %ne3A_28, %ne3A_32 : vector<16xi1>
    %sub3A = arith.constant 1 : i32
    %sub3A_33 = vector.broadcast %sub3A : i32 to vector<16xi32>
    %sub3A_34 = arith.subi %div3A_12, %sub3A_33 : vector<16xi32>
    %select_n3A = arith.select %and3A, %sub3A_34, %div3A_12 : vector<16xi1>, vector<16xi32>
    %mul3A_35 = arith.constant 16 : i32
    %mul3A_36 = vector.broadcast %mul3A_35 : i32 to vector<16xi32>
    %mul3A_37 = arith.muli %select_n3A, %mul3A_36 : vector<16xi32>
    %jit3A_38 = arith.constant 16 : i32
    %div3A_39 = vector.broadcast %jit3A_38 : i32 to vector<16xi32>
    %div3A_40 = arith.divsi %get3A_11, %div3A_39 : vector<16xi32>
    %sign3A_41 = arith.constant 0 : i32
    %sign3A_42 = vector.broadcast %sign3A_41 : i32 to vector<16xi32>
    %sign3A_43 = arith.cmpi sgt, %get3A_11, %sign3A_42 : vector<16xi32>
    %sign3A_44 = arith.extui %sign3A_43 : vector<16xi1> to vector<16xi32>
    %sign3A_45 = arith.constant 0 : i32
    %sign3A_46 = vector.broadcast %sign3A_45 : i32 to vector<16xi32>
    %sign3A_47 = arith.cmpi slt, %get3A_11, %sign3A_46 : vector<16xi32>
    %sign3A_48 = arith.extui %sign3A_47 : vector<16xi1> to vector<16xi32>
    %sign3A_49 = arith.subi %sign3A_44, %sign3A_48 : vector<16xi32>
    %sign3A_50 = arith.constant 0 : i32
    %sign3A_51 = arith.cmpi sgt, %jit3A_38, %sign3A_50 : i32
    %sign3A_52 = arith.extui %sign3A_51 : i1 to i32
    %sign3A_53 = arith.constant 0 : i32
    %sign3A_54 = arith.cmpi slt, %jit3A_38, %sign3A_53 : i32
    %sign3A_55 = arith.extui %sign3A_54 : i1 to i32
    %sign3A_56 = arith.subi %sign3A_52, %sign3A_55 : i32
    %ne3A_57 = vector.broadcast %sign3A_56 : i32 to vector<16xi32>
    %ne3A_58 = arith.cmpi ne, %sign3A_49, %ne3A_57 : vector<16xi32>
    %rem3A_59 = vector.broadcast %jit3A_38 : i32 to vector<16xi32>
    %rem3A_60 = arith.remsi %get3A_11, %rem3A_59 : vector<16xi32>
    %ne3A_61 = arith.constant 0 : i32
    %ne3A_62 = vector.broadcast %ne3A_61 : i32 to vector<16xi32>
    %ne3A_63 = arith.cmpi ne, %rem3A_60, %ne3A_62 : vector<16xi32>
    %and3A_64 = arith.andi %ne3A_58, %ne3A_63 : vector<16xi1>
    %sub3A_65 = arith.constant 1 : i32
    %sub3A_66 = vector.broadcast %sub3A_65 : i32 to vector<16xi32>
    %sub3A_67 = arith.subi %div3A_40, %sub3A_66 : vector<16xi32>
    %select_n3A_68 = arith.select %and3A_64, %sub3A_67, %div3A_40 : vector<16xi1>, vector<16xi32>
    %mul3A_69 = arith.constant 16 : i32
    %mul3A_70 = vector.broadcast %mul3A_69 : i32 to vector<16xi32>
    %mul3A_71 = arith.muli %select_n3A_68, %mul3A_70 : vector<16xi32>
    %slice3A = vector.extract_strided_slice %mul3A_37 {offsets = [0], sizes = [1], strides = [1]} : vector<16xi32> to vector<1xi32>
    %squeeze3A = vector.extract %slice3A[0] : i32 from vector<1xi32>
    %multiple_of3A = tpu.assume_multiple %squeeze3A, 16 : i32
    %slice3A_72 = vector.extract_strided_slice %mul3A_71 {offsets = [0], sizes = [1], strides = [1]} : vector<16xi32> to vector<1xi32>
    %squeeze3A_73 = vector.extract %slice3A_72[0] : i32 from vector<1xi32>
    %multiple_of3A_74 = tpu.assume_multiple %squeeze3A_73, 16 : i32
    %dma_start3A = arith.constant 0 : i32
    %dma_start3A_75 = arith.constant 0 : i32
    %dma_start3A_76 = arith.constant 0 : i32
    %dma_start3A_77 = arith.constant 0 : i32
    %dma_start3A_78 = tpu.memref_slice %arg9[%dma_start3A, %dma_start3A_75, %dma_start3A_76, %dma_start3A_77] : memref<16x2x8x128xf32, #tpu.memory_space<vmem>> -> memref<1x2x8x16xf32, #tpu.memory_space<vmem>>
    %dma_start3A_79 = tpu.memref_squeeze %dma_start3A_78 : memref<1x2x8x16xf32, #tpu.memory_space<vmem>> -> memref<2x8x16xf32, #tpu.memory_space<vmem>>
    %dma_start3A_80 = arith.constant 0 : i32
    %dma_start3A_81 = arith.constant 0 : i32
    %dma_start3A_82 = tpu.memref_slice %arg4[%dma_start3A_80, %dma_start3A_81, %multiple_of3A] : memref<2x8x1000000xf32, #tpu.memory_space<hbm>> -> memref<2x8x16xf32, #tpu.memory_space<hbm>>
    %dma_start3A_83 = arith.constant 0 : i32
    %dma_start3A_84 = arith.constant 0 : i32
    %dma_start3A_85 = arith.constant 0 : i32
    %dma_start3A_86 = tpu.memref_slice %arg9[%dma_start3A, %dma_start3A_83, %dma_start3A_84, %dma_start3A_85] : memref<16x2x8x128xf32, #tpu.memory_space<vmem>> -> memref<1x2x8x16xf32, #tpu.memory_space<vmem>>
    %dma_start3A_87 = tpu.memref_squeeze %dma_start3A_86 : memref<1x2x8x16xf32, #tpu.memory_space<vmem>> -> memref<2x8x16xf32, #tpu.memory_space<vmem>>
    %dma_start3A_88 = arith.constant 0 : i32
    %dma_start3A_89 = arith.constant 0 : i32
    %dma_start3A_90 = tpu.memref_slice %arg4[%dma_start3A_88, %dma_start3A_89, %multiple_of3A] : memref<2x8x1000000xf32, #tpu.memory_space<hbm>> -> memref<2x8x16xf32, #tpu.memory_space<hbm>>
    tpu.enqueue_dma source(%dma_start3A_90 : memref<2x8x16xf32, #tpu.memory_space<hbm>>) target(%dma_start3A_87 : memref<2x8x16xf32, #tpu.memory_space<vmem>>) target_semaphore(%arg12 : memref<!tpu.dma_semaphore, #tpu.memory_space<semaphore_mem>>)
    %dma_start3A_91 = arith.constant 0 : i32
    %dma_start3A_92 = arith.constant 0 : i32
    %dma_start3A_93 = arith.constant 0 : i32
    %dma_start3A_94 = arith.constant 0 : i32
    %dma_start3A_95 = tpu.memref_slice %arg10[%dma_start3A_91, %dma_start3A_92, %dma_start3A_93, %dma_start3A_94] : memref<16x2x8x128xf32, #tpu.memory_space<vmem>> -> memref<1x2x8x16xf32, #tpu.memory_space<vmem>>
    %dma_start3A_96 = tpu.memref_squeeze %dma_start3A_95 : memref<1x2x8x16xf32, #tpu.memory_space<vmem>> -> memref<2x8x16xf32, #tpu.memory_space<vmem>>
    %dma_start3A_97 = arith.constant 0 : i32
    %dma_start3A_98 = arith.constant 0 : i32
    %dma_start3A_99 = tpu.memref_slice %arg5[%dma_start3A_97, %dma_start3A_98, %multiple_of3A_74] : memref<2x8x1000000xf32, #tpu.memory_space<hbm>> -> memref<2x8x16xf32, #tpu.memory_space<hbm>>
    %dma_start3A_100 = arith.constant 0 : i32
    %dma_start3A_101 = arith.constant 0 : i32
    %dma_start3A_102 = arith.constant 0 : i32
    %dma_start3A_103 = tpu.memref_slice %arg10[%dma_start3A_91, %dma_start3A_100, %dma_start3A_101, %dma_start3A_102] : memref<16x2x8x128xf32, #tpu.memory_space<vmem>> -> memref<1x2x8x16xf32, #tpu.memory_space<vmem>>
    %dma_start3A_104 = tpu.memref_squeeze %dma_start3A_103 : memref<1x2x8x16xf32, #tpu.memory_space<vmem>> -> memref<2x8x16xf32, #tpu.memory_space<vmem>>
    %dma_start3A_105 = arith.constant 0 : i32
    %dma_start3A_106 = arith.constant 0 : i32
    %dma_start3A_107 = tpu.memref_slice %arg5[%dma_start3A_105, %dma_start3A_106, %multiple_of3A_74] : memref<2x8x1000000xf32, #tpu.memory_space<hbm>> -> memref<2x8x16xf32, #tpu.memory_space<hbm>>
    tpu.enqueue_dma source(%dma_start3A_107 : memref<2x8x16xf32, #tpu.memory_space<hbm>>) target(%dma_start3A_104 : memref<2x8x16xf32, #tpu.memory_space<vmem>>) target_semaphore(%arg12 : memref<!tpu.dma_semaphore, #tpu.memory_space<semaphore_mem>>)
    %slice3A_108 = vector.extract_strided_slice %mul3A_37 {offsets = [1], sizes = [1], strides = [1]} : vector<16xi32> to vector<1xi32>
    %squeeze3A_109 = vector.extract %slice3A_108[0] : i32 from vector<1xi32>
    %multiple_of3A_110 = tpu.assume_multiple %squeeze3A_109, 16 : i32
    %slice3A_111 = vector.extract_strided_slice %mul3A_71 {offsets = [1], sizes = [1], strides = [1]} : vector<16xi32> to vector<1xi32>
    %squeeze3A_112 = vector.extract %slice3A_111[0] : i32 from vector<1xi32>
    %multiple_of3A_113 = tpu.assume_multiple %squeeze3A_112, 16 : i32
    %dma_start3A_114 = arith.constant 1 : i32
    %dma_start3A_115 = arith.constant 0 : i32
    %dma_start3A_116 = arith.constant 0 : i32
    %dma_start3A_117 = arith.constant 0 : i32
    %dma_start3A_118 = tpu.memref_slice %arg9[%dma_start3A_114, %dma_start3A_115, %dma_start3A_116, %dma_start3A_117] : memref<16x2x8x128xf32, #tpu.memory_space<vmem>> -> memref<1x2x8x16xf32, #tpu.memory_space<vmem>>
    %dma_start3A_119 = tpu.memref_squeeze %dma_start3A_118 : memref<1x2x8x16xf32, #tpu.memory_space<vmem>> -> memref<2x8x16xf32, #tpu.memory_space<vmem>>
    %dma_start3A_120 = arith.constant 0 : i32
    %dma_start3A_121 = arith.constant 0 : i32
    %dma_start3A_122 = tpu.memref_slice %arg4[%dma_start3A_120, %dma_start3A_121, %multiple_of3A_110] : memref<2x8x1000000xf32, #tpu.memory_space<hbm>> -> memref<2x8x16xf32, #tpu.memory_space<hbm>>
    %dma_start3A_123 = arith.constant 0 : i32
    %dma_start3A_124 = arith.constant 0 : i32
    %dma_start3A_125 = arith.constant 0 : i32
    %dma_start3A_126 = tpu.memref_slice %arg9[%dma_start3A_114, %dma_start3A_123, %dma_start3A_124, %dma_start3A_125] : memref<16x2x8x128xf32, #tpu.memory_space<vmem>> -> memref<1x2x8x16xf32, #tpu.memory_space<vmem>>
    %dma_start3A_127 = tpu.memref_squeeze %dma_start3A_126 : memref<1x2x8x16xf32, #tpu.memory_space<vmem>> -> memref<2x8x16xf32, #tpu.memory_space<vmem>>
    %dma_start3A_128 = arith.constant 0 : i32
    %dma_start3A_129 = arith.constant 0 : i32
    %dma_start3A_130 = tpu.memref_slice %arg4[%dma_start3A_128, %dma_start3A_129, %multiple_of3A_110] : memref<2x8x1000000xf32, #tpu.memory_space<hbm>> -> memref<2x8x16xf32, #tpu.memory_space<hbm>>
    tpu.enqueue_dma source(%dma_start3A_130 : memref<2x8x16xf32, #tpu.memory_space<hbm>>) target(%dma_start3A_127 : memref<2x8x16xf32, #tpu.memory_space<vmem>>) target_semaphore(%arg12 : memref<!tpu.dma_semaphore, #tpu.memory_space<semaphore_mem>>)
    %dma_start3A_131 = arith.constant 1 : i32
    %dma_start3A_132 = arith.constant 0 : i32
    %dma_start3A_133 = arith.constant 0 : i32
    %dma_start3A_134 = arith.constant 0 : i32
    %dma_start3A_135 = tpu.memref_slice %arg10[%dma_start3A_131, %dma_start3A_132, %dma_start3A_133, %dma_start3A_134] : memref<16x2x8x128xf32, #tpu.memory_space<vmem>> -> memref<1x2x8x16xf32, #tpu.memory_space<vmem>>
    %dma_start3A_136 = tpu.memref_squeeze %dma_start3A_135 : memref<1x2x8x16xf32, #tpu.memory_space<vmem>> -> memref<2x8x16xf32, #tpu.memory_space<vmem>>
    %dma_start3A_137 = arith.constant 0 : i32
    %dma_start3A_138 = arith.constant 0 : i32
    %dma_start3A_139 = tpu.memref_slice %arg5[%dma_start3A_137, %dma_start3A_138, %multiple_of3A_113] : memref<2x8x1000000xf32, #tpu.memory_space<hbm>> -> memref<2x8x16xf32, #tpu.memory_space<hbm>>
    %dma_start3A_140 = arith.constant 0 : i32
    %dma_start3A_141 = arith.constant 0 : i32
    %dma_start3A_142 = arith.constant 0 : i32
    %dma_start3A_143 = tpu.memref_slice %arg10[%dma_start3A_131, %dma_start3A_140, %dma_start3A_141, %dma_start3A_142] : memref<16x2x8x128xf32, #tpu.memory_space<vmem>> -> memref<1x2x8x16xf32, #tpu.memory_space<vmem>>
    %dma_start3A_144 = tpu.memref_squeeze %dma_start3A_143 : memref<1x2x8x16xf32, #tpu.memory_space<vmem>> -> memref<2x8x16xf32, #tpu.memory_space<vmem>>
    %dma_start3A_145 = arith.constant 0 : i32
    %dma_start3A_146 = arith.constant 0 : i32
    %dma_start3A_147 = tpu.memref_slice %arg5[%dma_start3A_145, %dma_start3A_146, %multiple_of3A_113] : memref<2x8x1000000xf32, #tpu.memory_space<hbm>> -> memref<2x8x16xf32, #tpu.memory_space<hbm>>
    tpu.enqueue_dma source(%dma_start3A_147 : memref<2x8x16xf32, #tpu.memory_space<hbm>>) target(%dma_start3A_144 : memref<2x8x16xf32, #tpu.memory_space<vmem>>) target_semaphore(%arg12 : memref<!tpu.dma_semaphore, #tpu.memory_space<semaphore_mem>>)
    %slice3A_148 = vector.extract_strided_slice %mul3A_37 {offsets = [2], sizes = [1], strides = [1]} : vector<16xi32> to vector<1xi32>
    %squeeze3A_149 = vector.extract %slice3A_148[0] : i32 from vector<1xi32>
    %multiple_of3A_150 = tpu.assume_multiple %squeeze3A_149, 16 : i32
    %slice3A_151 = vector.extract_strided_slice %mul3A_71 {offsets = [2], sizes = [1], strides = [1]} : vector<16xi32> to vector<1xi32>
    %squeeze3A_152 = vector.extract %slice3A_151[0] : i32 from vector<1xi32>
    %multiple_of3A_153 = tpu.assume_multiple %squeeze3A_152, 16 : i32
    %dma_start3A_154 = arith.constant 2 : i32
    %dma_start3A_155 = arith.constant 0 : i32
    %dma_start3A_156 = arith.constant 0 : i32
    %dma_start3A_157 = arith.constant 0 : i32
    %dma_start3A_158 = tpu.memref_slice %arg9[%dma_start3A_154, %dma_start3A_155, %dma_start3A_156, %dma_start3A_157] : memref<16x2x8x128xf32, #tpu.memory_space<vmem>> -> memref<1x2x8x16xf32, #tpu.memory_space<vmem>>
    %dma_start3A_159 = tpu.memref_squeeze %dma_start3A_158 : memref<1x2x8x16xf32, #tpu.memory_space<vmem>> -> memref<2x8x16xf32, #tpu.memory_space<vmem>>
    %dma_start3A_160 = arith.constant 0 : i32
    %dma_start3A_161 = arith.constant 0 : i32
    %dma_start3A_162 = tpu.memref_slice %arg4[%dma_start3A_160, %dma_start3A_161, %multiple_of3A_150] : memref<2x8x1000000xf32, #tpu.memory_space<hbm>> -> memref<2x8x16xf32, #tpu.memory_space<hbm>>
    %dma_start3A_163 = arith.constant 0 : i32
    %dma_start3A_164 = arith.constant 0 : i32
    %dma_start3A_165 = arith.constant 0 : i32
    %dma_start3A_166 = tpu.memref_slice %arg9[%dma_start3A_154, %dma_start3A_163, %dma_start3A_164, %dma_start3A_165] : memref<16x2x8x128xf32, #tpu.memory_space<vmem>> -> memref<1x2x8x16xf32, #tpu.memory_space<vmem>>
    %dma_start3A_167 = tpu.memref_squeeze %dma_start3A_166 : memref<1x2x8x16xf32, #tpu.memory_space<vmem>> -> memref<2x8x16xf32, #tpu.memory_space<vmem>>
    %dma_start3A_168 = arith.constant 0 : i32
    %dma_start3A_169 = arith.constant 0 : i32
    %dma_start3A_170 = tpu.memref_slice %arg4[%dma_start3A_168, %dma_start3A_169, %multiple_of3A_150] : memref<2x8x1000000xf32, #tpu.memory_space<hbm>> -> memref<2x8x16xf32, #tpu.memory_space<hbm>>
    tpu.enqueue_dma source(%dma_start3A_170 : memref<2x8x16xf32, #tpu.memory_space<hbm>>) target(%dma_start3A_167 : memref<2x8x16xf32, #tpu.memory_space<vmem>>) target_semaphore(%arg12 : memref<!tpu.dma_semaphore, #tpu.memory_space<semaphore_mem>>)
    %dma_start3A_171 = arith.constant 2 : i32
    %dma_start3A_172 = arith.constant 0 : i32
    %dma_start3A_173 = arith.constant 0 : i32
    %dma_start3A_174 = arith.constant 0 : i32
    %dma_start3A_175 = tpu.memref_slice %arg10[%dma_start3A_171, %dma_start3A_172, %dma_start3A_173, %dma_start3A_174] : memref<16x2x8x128xf32, #tpu.memory_space<vmem>> -> memref<1x2x8x16xf32, #tpu.memory_space<vmem>>
    %dma_start3A_176 = tpu.memref_squeeze %dma_start3A_175 : memref<1x2x8x16xf32, #tpu.memory_space<vmem>> -> memref<2x8x16xf32, #tpu.memory_space<vmem>>
    %dma_start3A_177 = arith.constant 0 : i32
    %dma_start3A_178 = arith.constant 0 : i32
    %dma_start3A_179 = tpu.memref_slice %arg5[%dma_start3A_177, %dma_start3A_178, %multiple_of3A_153] : memref<2x8x1000000xf32, #tpu.memory_space<hbm>> -> memref<2x8x16xf32, #tpu.memory_space<hbm>>
    %dma_start3A_180 = arith.constant 0 : i32
    %dma_start3A_181 = arith.constant 0 : i32
    %dma_start3A_182 = arith.constant 0 : i32
    %dma_start3A_183 = tpu.memref_slice %arg10[%dma_start3A_171, %dma_start3A_180, %dma_start3A_181, %dma_start3A_182] : memref<16x2x8x128xf32, #tpu.memory_space<vmem>> -> memref<1x2x8x16xf32, #tpu.memory_space<vmem>>
    %dma_start3A_184 = tpu.memref_squeeze %dma_start3A_183 : memref<1x2x8x16xf32, #tpu.memory_space<vmem>> -> memref<2x8x16xf32, #tpu.memory_space<vmem>>
    %dma_start3A_185 = arith.constant 0 : i32
    %dma_start3A_186 = arith.constant 0 : i32
    %dma_start3A_187 = tpu.memref_slice %arg5[%dma_start3A_185, %dma_start3A_186, %multiple_of3A_153] : memref<2x8x1000000xf32, #tpu.memory_space<hbm>> -> memref<2x8x16xf32, #tpu.memory_space<hbm>>
    tpu.enqueue_dma source(%dma_start3A_187 : memref<2x8x16xf32, #tpu.memory_space<hbm>>) target(%dma_start3A_184 : memref<2x8x16xf32, #tpu.memory_space<vmem>>) target_semaphore(%arg12 : memref<!tpu.dma_semaphore, #tpu.memory_space<semaphore_mem>>)
    %slice3A_188 = vector.extract_strided_slice %mul3A_37 {offsets = [3], sizes = [1], strides = [1]} : vector<16xi32> to vector<1xi32>
    %squeeze3A_189 = vector.extract %slice3A_188[0] : i32 from vector<1xi32>
    %multiple_of3A_190 = tpu.assume_multiple %squeeze3A_189, 16 : i32
    %slice3A_191 = vector.extract_strided_slice %mul3A_71 {offsets = [3], sizes = [1], strides = [1]} : vector<16xi32> to vector<1xi32>
    %squeeze3A_192 = vector.extract %slice3A_191[0] : i32 from vector<1xi32>
    %multiple_of3A_193 = tpu.assume_multiple %squeeze3A_192, 16 : i32
    %dma_start3A_194 = arith.constant 3 : i32
    %dma_start3A_195 = arith.constant 0 : i32
    %dma_start3A_196 = arith.constant 0 : i32
    %dma_start3A_197 = arith.constant 0 : i32
    %dma_start3A_198 = tpu.memref_slice %arg9[%dma_start3A_194, %dma_start3A_195, %dma_start3A_196, %dma_start3A_197] : memref<16x2x8x128xf32, #tpu.memory_space<vmem>> -> memref<1x2x8x16xf32, #tpu.memory_space<vmem>>
    %dma_start3A_199 = tpu.memref_squeeze %dma_start3A_198 : memref<1x2x8x16xf32, #tpu.memory_space<vmem>> -> memref<2x8x16xf32, #tpu.memory_space<vmem>>
    %dma_start3A_200 = arith.constant 0 : i32
    %dma_start3A_201 = arith.constant 0 : i32
    %dma_start3A_202 = tpu.memref_slice %arg4[%dma_start3A_200, %dma_start3A_201, %multiple_of3A_190] : memref<2x8x1000000xf32, #tpu.memory_space<hbm>> -> memref<2x8x16xf32, #tpu.memory_space<hbm>>
    %dma_start3A_203 = arith.constant 0 : i32
    %dma_start3A_204 = arith.constant 0 : i32
    %dma_start3A_205 = arith.constant 0 : i32
    %dma_start3A_206 = tpu.memref_slice %arg9[%dma_start3A_194, %dma_start3A_203, %dma_start3A_204, %dma_start3A_205] : memref<16x2x8x128xf32, #tpu.memory_space<vmem>> -> memref<1x2x8x16xf32, #tpu.memory_space<vmem>>
    %dma_start3A_207 = tpu.memref_squeeze %dma_start3A_206 : memref<1x2x8x16xf32, #tpu.memory_space<vmem>> -> memref<2x8x16xf32, #tpu.memory_space<vmem>>
    %dma_start3A_208 = arith.constant 0 : i32
    %dma_start3A_209 = arith.constant 0 : i32
    %dma_start3A_210 = tpu.memref_slice %arg4[%dma_start3A_208, %dma_start3A_209, %multiple_of3A_190] : memref<2x8x1000000xf32, #tpu.memory_space<hbm>> -> memref<2x8x16xf32, #tpu.memory_space<hbm>>
    tpu.enqueue_dma source(%dma_start3A_210 : memref<2x8x16xf32, #tpu.memory_space<hbm>>) target(%dma_start3A_207 : memref<2x8x16xf32, #tpu.memory_space<vmem>>) target_semaphore(%arg12 : memref<!tpu.dma_semaphore, #tpu.memory_space<semaphore_mem>>)
    %dma_start3A_211 = arith.constant 3 : i32
    %dma_start3A_212 = arith.constant 0 : i32
    %dma_start3A_213 = arith.constant 0 : i32
    %dma_start3A_214 = arith.constant 0 : i32
    %dma_start3A_215 = tpu.memref_slice %arg10[%dma_start3A_211, %dma_start3A_212, %dma_start3A_213, %dma_start3A_214] : memref<16x2x8x128xf32, #tpu.memory_space<vmem>> -> memref<1x2x8x16xf32, #tpu.memory_space<vmem>>
    %dma_start3A_216 = tpu.memref_squeeze %dma_start3A_215 : memref<1x2x8x16xf32, #tpu.memory_space<vmem>> -> memref<2x8x16xf32, #tpu.memory_space<vmem>>
    %dma_start3A_217 = arith.constant 0 : i32
    %dma_start3A_218 = arith.constant 0 : i32
    %dma_start3A_219 = tpu.memref_slice %arg5[%dma_start3A_217, %dma_start3A_218, %multiple_of3A_193] : memref<2x8x1000000xf32, #tpu.memory_space<hbm>> -> memref<2x8x16xf32, #tpu.memory_space<hbm>>
    %dma_start3A_220 = arith.constant 0 : i32
    %dma_start3A_221 = arith.constant 0 : i32
    %dma_start3A_222 = arith.constant 0 : i32
    %dma_start3A_223 = tpu.memref_slice %arg10[%dma_start3A_211, %dma_start3A_220, %dma_start3A_221, %dma_start3A_222] : memref<16x2x8x128xf32, #tpu.memory_space<vmem>> -> memref<1x2x8x16xf32, #tpu.memory_space<vmem>>
    %dma_start3A_224 = tpu.memref_squeeze %dma_start3A_223 : memref<1x2x8x16xf32, #tpu.memory_space<vmem>> -> memref<2x8x16xf32, #tpu.memory_space<vmem>>
    %dma_start3A_225 = arith.constant 0 : i32
    %dma_start3A_226 = arith.constant 0 : i32
    %dma_start3A_227 = tpu.memref_slice %arg5[%dma_start3A_225, %dma_start3A_226, %multiple_of3A_193] : memref<2x8x1000000xf32, #tpu.memory_space<hbm>> -> memref<2x8x16xf32, #tpu.memory_space<hbm>>
    tpu.enqueue_dma source(%dma_start3A_227 : memref<2x8x16xf32, #tpu.memory_space<hbm>>) target(%dma_start3A_224 : memref<2x8x16xf32, #tpu.memory_space<vmem>>) target_semaphore(%arg12 : memref<!tpu.dma_semaphore, #tpu.memory_space<semaphore_mem>>)
    %slice3A_228 = vector.extract_strided_slice %mul3A_37 {offsets = [4], sizes = [1], strides = [1]} : vector<16xi32> to vector<1xi32>
    %squeeze3A_229 = vector.extract %slice3A_228[0] : i32 from vector<1xi32>
    %multiple_of3A_230 = tpu.assume_multiple %squeeze3A_229, 16 : i32
    %slice3A_231 = vector.extract_strided_slice %mul3A_71 {offsets = [4], sizes = [1], strides = [1]} : vector<16xi32> to vector<1xi32>
    %squeeze3A_232 = vector.extract %slice3A_231[0] : i32 from vector<1xi32>
    %multiple_of3A_233 = tpu.assume_multiple %squeeze3A_232, 16 : i32
    %dma_start3A_234 = arith.constant 4 : i32
    %dma_start3A_235 = arith.constant 0 : i32
    %dma_start3A_236 = arith.constant 0 : i32
    %dma_start3A_237 = arith.constant 0 : i32
    %dma_start3A_238 = tpu.memref_slice %arg9[%dma_start3A_234, %dma_start3A_235, %dma_start3A_236, %dma_start3A_237] : memref<16x2x8x128xf32, #tpu.memory_space<vmem>> -> memref<1x2x8x16xf32, #tpu.memory_space<vmem>>
    %dma_start3A_239 = tpu.memref_squeeze %dma_start3A_238 : memref<1x2x8x16xf32, #tpu.memory_space<vmem>> -> memref<2x8x16xf32, #tpu.memory_space<vmem>>
    %dma_start3A_240 = arith.constant 0 : i32
    %dma_start3A_241 = arith.constant 0 : i32
    %dma_start3A_242 = tpu.memref_slice %arg4[%dma_start3A_240, %dma_start3A_241, %multiple_of3A_230] : memref<2x8x1000000xf32, #tpu.memory_space<hbm>> -> memref<2x8x16xf32, #tpu.memory_space<hbm>>
    %dma_start3A_243 = arith.constant 0 : i32
    %dma_start3A_244 = arith.constant 0 : i32
    %dma_start3A_245 = arith.constant 0 : i32
    %dma_start3A_246 = tpu.memref_slice %arg9[%dma_start3A_234, %dma_start3A_243, %dma_start3A_244, %dma_start3A_245] : memref<16x2x8x128xf32, #tpu.memory_space<vmem>> -> memref<1x2x8x16xf32, #tpu.memory_space<vmem>>
    %dma_start3A_247 = tpu.memref_squeeze %dma_start3A_246 : memref<1x2x8x16xf32, #tpu.memory_space<vmem>> -> memref<2x8x16xf32, #tpu.memory_space<vmem>>
    %dma_start3A_248 = arith.constant 0 : i32
    %dma_start3A_249 = arith.constant 0 : i32
    %dma_start3A_250 = tpu.memref_slice %arg4[%dma_start3A_248, %dma_start3A_249, %multiple_of3A_230] : memref<2x8x1000000xf32, #tpu.memory_space<hbm>> -> memref<2x8x16xf32, #tpu.memory_space<hbm>>
    tpu.enqueue_dma source(%dma_start3A_250 : memref<2x8x16xf32, #tpu.memory_space<hbm>>) target(%dma_start3A_247 : memref<2x8x16xf32, #tpu.memory_space<vmem>>) target_semaphore(%arg12 : memref<!tpu.dma_semaphore, #tpu.memory_space<semaphore_mem>>)
    %dma_start3A_251 = arith.constant 4 : i32
    %dma_start3A_252 = arith.constant 0 : i32
    %dma_start3A_253 = arith.constant 0 : i32
    %dma_start3A_254 = arith.constant 0 : i32
    %dma_start3A_255 = tpu.memref_slice %arg10[%dma_start3A_251, %dma_start3A_252, %dma_start3A_253, %dma_start3A_254] : memref<16x2x8x128xf32, #tpu.memory_space<vmem>> -> memref<1x2x8x16xf32, #tpu.memory_space<vmem>>
    %dma_start3A_256 = tpu.memref_squeeze %dma_start3A_255 : memref<1x2x8x16xf32, #tpu.memory_space<vmem>> -> memref<2x8x16xf32, #tpu.memory_space<vmem>>
    %dma_start3A_257 = arith.constant 0 : i32
    %dma_start3A_258 = arith.constant 0 : i32
    %dma_start3A_259 = tpu.memref_slice %arg5[%dma_start3A_257, %dma_start3A_258, %multiple_of3A_233] : memref<2x8x1000000xf32, #tpu.memory_space<hbm>> -> memref<2x8x16xf32, #tpu.memory_space<hbm>>
    %dma_start3A_260 = arith.constant 0 : i32
    %dma_start3A_261 = arith.constant 0 : i32
    %dma_start3A_262 = arith.constant 0 : i32
    %dma_start3A_263 = tpu.memref_slice %arg10[%dma_start3A_251, %dma_start3A_260, %dma_start3A_261, %dma_start3A_262] : memref<16x2x8x128xf32, #tpu.memory_space<vmem>> -> memref<1x2x8x16xf32, #tpu.memory_space<vmem>>
    %dma_start3A_264 = tpu.memref_squeeze %dma_start3A_263 : memref<1x2x8x16xf32, #tpu.memory_space<vmem>> -> memref<2x8x16xf32, #tpu.memory_space<vmem>>
    %dma_start3A_265 = arith.constant 0 : i32
    %dma_start3A_266 = arith.constant 0 : i32
    %dma_start3A_267 = tpu.memref_slice %arg5[%dma_start3A_265, %dma_start3A_266, %multiple_of3A_233] : memref<2x8x1000000xf32, #tpu.memory_space<hbm>> -> memref<2x8x16xf32, #tpu.memory_space<hbm>>
    tpu.enqueue_dma source(%dma_start3A_267 : memref<2x8x16xf32, #tpu.memory_space<hbm>>) target(%dma_start3A_264 : memref<2x8x16xf32, #tpu.memory_space<vmem>>) target_semaphore(%arg12 : memref<!tpu.dma_semaphore, #tpu.memory_space<semaphore_mem>>)
    %slice3A_268 = vector.extract_strided_slice %mul3A_37 {offsets = [5], sizes = [1], strides = [1]} : vector<16xi32> to vector<1xi32>
    %squeeze3A_269 = vector.extract %slice3A_268[0] : i32 from vector<1xi32>
    %multiple_of3A_270 = tpu.assume_multiple %squeeze3A_269, 16 : i32
    %slice3A_271 = vector.extract_strided_slice %mul3A_71 {offsets = [5], sizes = [1], strides = [1]} : vector<16xi32> to vector<1xi32>
    %squeeze3A_272 = vector.extract %slice3A_271[0] : i32 from vector<1xi32>
    %multiple_of3A_273 = tpu.assume_multiple %squeeze3A_272, 16 : i32
    %dma_start3A_274 = arith.constant 5 : i32
    %dma_start3A_275 = arith.constant 0 : i32
    %dma_start3A_276 = arith.constant 0 : i32
    %dma_start3A_277 = arith.constant 0 : i32
    %dma_start3A_278 = tpu.memref_slice %arg9[%dma_start3A_274, %dma_start3A_275, %dma_start3A_276, %dma_start3A_277] : memref<16x2x8x128xf32, #tpu.memory_space<vmem>> -> memref<1x2x8x16xf32, #tpu.memory_space<vmem>>
    %dma_start3A_279 = tpu.memref_squeeze %dma_start3A_278 : memref<1x2x8x16xf32, #tpu.memory_space<vmem>> -> memref<2x8x16xf32, #tpu.memory_space<vmem>>
    %dma_start3A_280 = arith.constant 0 : i32
    %dma_start3A_281 = arith.constant 0 : i32
    %dma_start3A_282 = tpu.memref_slice %arg4[%dma_start3A_280, %dma_start3A_281, %multiple_of3A_270] : memref<2x8x1000000xf32, #tpu.memory_space<hbm>> -> memref<2x8x16xf32, #tpu.memory_space<hbm>>
    %dma_start3A_283 = arith.constant 0 : i32
    %dma_start3A_284 = arith.constant 0 : i32
    %dma_start3A_285 = arith.constant 0 : i32
    %dma_start3A_286 = tpu.memref_slice %arg9[%dma_start3A_274, %dma_start3A_283, %dma_start3A_284, %dma_start3A_285] : memref<16x2x8x128xf32, #tpu.memory_space<vmem>> -> memref<1x2x8x16xf32, #tpu.memory_space<vmem>>
    %dma_start3A_287 = tpu.memref_squeeze %dma_start3A_286 : memref<1x2x8x16xf32, #tpu.memory_space<vmem>> -> memref<2x8x16xf32, #tpu.memory_space<vmem>>
    %dma_start3A_288 = arith.constant 0 : i32
    %dma_start3A_289 = arith.constant 0 : i32
    %dma_start3A_290 = tpu.memref_slice %arg4[%dma_start3A_288, %dma_start3A_289, %multiple_of3A_270] : memref<2x8x1000000xf32, #tpu.memory_space<hbm>> -> memref<2x8x16xf32, #tpu.memory_space<hbm>>
    tpu.enqueue_dma source(%dma_start3A_290 : memref<2x8x16xf32, #tpu.memory_space<hbm>>) target(%dma_start3A_287 : memref<2x8x16xf32, #tpu.memory_space<vmem>>) target_semaphore(%arg12 : memref<!tpu.dma_semaphore, #tpu.memory_space<semaphore_mem>>)
    %dma_start3A_291 = arith.constant 5 : i32
    %dma_start3A_292 = arith.constant 0 : i32
    %dma_start3A_293 = arith.constant 0 : i32
    %dma_start3A_294 = arith.constant 0 : i32
    %dma_start3A_295 = tpu.memref_slice %arg10[%dma_start3A_291, %dma_start3A_292, %dma_start3A_293, %dma_start3A_294] : memref<16x2x8x128xf32, #tpu.memory_space<vmem>> -> memref<1x2x8x16xf32, #tpu.memory_space<vmem>>
    %dma_start3A_296 = tpu.memref_squeeze %dma_start3A_295 : memref<1x2x8x16xf32, #tpu.memory_space<vmem>> -> memref<2x8x16xf32, #tpu.memory_space<vmem>>
    %dma_start3A_297 = arith.constant 0 : i32
    %dma_start3A_298 = arith.constant 0 : i32
    %dma_start3A_299 = tpu.memref_slice %arg5[%dma_start3A_297, %dma_start3A_298, %multiple_of3A_273] : memref<2x8x1000000xf32, #tpu.memory_space<hbm>> -> memref<2x8x16xf32, #tpu.memory_space<hbm>>
    %dma_start3A_300 = arith.constant 0 : i32
    %dma_start3A_301 = arith.constant 0 : i32
    %dma_start3A_302 = arith.constant 0 : i32
    %dma_start3A_303 = tpu.memref_slice %arg10[%dma_start3A_291, %dma_start3A_300, %dma_start3A_301, %dma_start3A_302] : memref<16x2x8x128xf32, #tpu.memory_space<vmem>> -> memref<1x2x8x16xf32, #tpu.memory_space<vmem>>
    %dma_start3A_304 = tpu.memref_squeeze %dma_start3A_303 : memref<1x2x8x16xf32, #tpu.memory_space<vmem>> -> memref<2x8x16xf32, #tpu.memory_space<vmem>>
    %dma_start3A_305 = arith.constant 0 : i32
    %dma_start3A_306 = arith.constant 0 : i32
    %dma_start3A_307 = tpu.memref_slice %arg5[%dma_start3A_305, %dma_start3A_306, %multiple_of3A_273] : memref<2x8x1000000xf32, #tpu.memory_space<hbm>> -> memref<2x8x16xf32, #tpu.memory_space<hbm>>
    tpu.enqueue_dma source(%dma_start3A_307 : memref<2x8x16xf32, #tpu.memory_space<hbm>>) target(%dma_start3A_304 : memref<2x8x16xf32, #tpu.memory_space<vmem>>) target_semaphore(%arg12 : memref<!tpu.dma_semaphore, #tpu.memory_space<semaphore_mem>>)
    %slice3A_308 = vector.extract_strided_slice %mul3A_37 {offsets = [6], sizes = [1], strides = [1]} : vector<16xi32> to vector<1xi32>
    %squeeze3A_309 = vector.extract %slice3A_308[0] : i32 from vector<1xi32>
    %multiple_of3A_310 = tpu.assume_multiple %squeeze3A_309, 16 : i32
    %slice3A_311 = vector.extract_strided_slice %mul3A_71 {offsets = [6], sizes = [1], strides = [1]} : vector<16xi32> to vector<1xi32>
    %squeeze3A_312 = vector.extract %slice3A_311[0] : i32 from vector<1xi32>
    %multiple_of3A_313 = tpu.assume_multiple %squeeze3A_312, 16 : i32
    %dma_start3A_314 = arith.constant 6 : i32
    %dma_start3A_315 = arith.constant 0 : i32
    %dma_start3A_316 = arith.constant 0 : i32
    %dma_start3A_317 = arith.constant 0 : i32
    %dma_start3A_318 = tpu.memref_slice %arg9[%dma_start3A_314, %dma_start3A_315, %dma_start3A_316, %dma_start3A_317] : memref<16x2x8x128xf32, #tpu.memory_space<vmem>> -> memref<1x2x8x16xf32, #tpu.memory_space<vmem>>
    %dma_start3A_319 = tpu.memref_squeeze %dma_start3A_318 : memref<1x2x8x16xf32, #tpu.memory_space<vmem>> -> memref<2x8x16xf32, #tpu.memory_space<vmem>>
    %dma_start3A_320 = arith.constant 0 : i32
    %dma_start3A_321 = arith.constant 0 : i32
    %dma_start3A_322 = tpu.memref_slice %arg4[%dma_start3A_320, %dma_start3A_321, %multiple_of3A_310] : memref<2x8x1000000xf32, #tpu.memory_space<hbm>> -> memref<2x8x16xf32, #tpu.memory_space<hbm>>
    %dma_start3A_323 = arith.constant 0 : i32
    %dma_start3A_324 = arith.constant 0 : i32
    %dma_start3A_325 = arith.constant 0 : i32
    %dma_start3A_326 = tpu.memref_slice %arg9[%dma_start3A_314, %dma_start3A_323, %dma_start3A_324, %dma_start3A_325] : memref<16x2x8x128xf32, #tpu.memory_space<vmem>> -> memref<1x2x8x16xf32, #tpu.memory_space<vmem>>
    %dma_start3A_327 = tpu.memref_squeeze %dma_start3A_326 : memref<1x2x8x16xf32, #tpu.memory_space<vmem>> -> memref<2x8x16xf32, #tpu.memory_space<vmem>>
    %dma_start3A_328 = arith.constant 0 : i32
    %dma_start3A_329 = arith.constant 0 : i32
    %dma_start3A_330 = tpu.memref_slice %arg4[%dma_start3A_328, %dma_start3A_329, %multiple_of3A_310] : memref<2x8x1000000xf32, #tpu.memory_space<hbm>> -> memref<2x8x16xf32, #tpu.memory_space<hbm>>
    tpu.enqueue_dma source(%dma_start3A_330 : memref<2x8x16xf32, #tpu.memory_space<hbm>>) target(%dma_start3A_327 : memref<2x8x16xf32, #tpu.memory_space<vmem>>) target_semaphore(%arg12 : memref<!tpu.dma_semaphore, #tpu.memory_space<semaphore_mem>>)
    %dma_start3A_331 = arith.constant 6 : i32
    %dma_start3A_332 = arith.constant 0 : i32
    %dma_start3A_333 = arith.constant 0 : i32
    %dma_start3A_334 = arith.constant 0 : i32
    %dma_start3A_335 = tpu.memref_slice %arg10[%dma_start3A_331, %dma_start3A_332, %dma_start3A_333, %dma_start3A_334] : memref<16x2x8x128xf32, #tpu.memory_space<vmem>> -> memref<1x2x8x16xf32, #tpu.memory_space<vmem>>
    %dma_start3A_336 = tpu.memref_squeeze %dma_start3A_335 : memref<1x2x8x16xf32, #tpu.memory_space<vmem>> -> memref<2x8x16xf32, #tpu.memory_space<vmem>>
    %dma_start3A_337 = arith.constant 0 : i32
    %dma_start3A_338 = arith.constant 0 : i32
    %dma_start3A_339 = tpu.memref_slice %arg5[%dma_start3A_337, %dma_start3A_338, %multiple_of3A_313] : memref<2x8x1000000xf32, #tpu.memory_space<hbm>> -> memref<2x8x16xf32, #tpu.memory_space<hbm>>
    %dma_start3A_340 = arith.constant 0 : i32
    %dma_start3A_341 = arith.constant 0 : i32
    %dma_start3A_342 = arith.constant 0 : i32
    %dma_start3A_343 = tpu.memref_slice %arg10[%dma_start3A_331, %dma_start3A_340, %dma_start3A_341, %dma_start3A_342] : memref<16x2x8x128xf32, #tpu.memory_space<vmem>> -> memref<1x2x8x16xf32, #tpu.memory_space<vmem>>
    %dma_start3A_344 = tpu.memref_squeeze %dma_start3A_343 : memref<1x2x8x16xf32, #tpu.memory_space<vmem>> -> memref<2x8x16xf32, #tpu.memory_space<vmem>>
    %dma_start3A_345 = arith.constant 0 : i32
    %dma_start3A_346 = arith.constant 0 : i32
    %dma_start3A_347 = tpu.memref_slice %arg5[%dma_start3A_345, %dma_start3A_346, %multiple_of3A_313] : memref<2x8x1000000xf32, #tpu.memory_space<hbm>> -> memref<2x8x16xf32, #tpu.memory_space<hbm>>
    tpu.enqueue_dma source(%dma_start3A_347 : memref<2x8x16xf32, #tpu.memory_space<hbm>>) target(%dma_start3A_344 : memref<2x8x16xf32, #tpu.memory_space<vmem>>) target_semaphore(%arg12 : memref<!tpu.dma_semaphore, #tpu.memory_space<semaphore_mem>>)
    %slice3A_348 = vector.extract_strided_slice %mul3A_37 {offsets = [7], sizes = [1], strides = [1]} : vector<16xi32> to vector<1xi32>
    %squeeze3A_349 = vector.extract %slice3A_348[0] : i32 from vector<1xi32>
    %multiple_of3A_350 = tpu.assume_multiple %squeeze3A_349, 16 : i32
    %slice3A_351 = vector.extract_strided_slice %mul3A_71 {offsets = [7], sizes = [1], strides = [1]} : vector<16xi32> to vector<1xi32>
    %squeeze3A_352 = vector.extract %slice3A_351[0] : i32 from vector<1xi32>
    %multiple_of3A_353 = tpu.assume_multiple %squeeze3A_352, 16 : i32
    %dma_start3A_354 = arith.constant 7 : i32
    %dma_start3A_355 = arith.constant 0 : i32
    %dma_start3A_356 = arith.constant 0 : i32
    %dma_start3A_357 = arith.constant 0 : i32
    %dma_start3A_358 = tpu.memref_slice %arg9[%dma_start3A_354, %dma_start3A_355, %dma_start3A_356, %dma_start3A_357] : memref<16x2x8x128xf32, #tpu.memory_space<vmem>> -> memref<1x2x8x16xf32, #tpu.memory_space<vmem>>
    %dma_start3A_359 = tpu.memref_squeeze %dma_start3A_358 : memref<1x2x8x16xf32, #tpu.memory_space<vmem>> -> memref<2x8x16xf32, #tpu.memory_space<vmem>>
    %dma_start3A_360 = arith.constant 0 : i32
    %dma_start3A_361 = arith.constant 0 : i32
    %dma_start3A_362 = tpu.memref_slice %arg4[%dma_start3A_360, %dma_start3A_361, %multiple_of3A_350] : memref<2x8x1000000xf32, #tpu.memory_space<hbm>> -> memref<2x8x16xf32, #tpu.memory_space<hbm>>
    %dma_start3A_363 = arith.constant 0 : i32
    %dma_start3A_364 = arith.constant 0 : i32
    %dma_start3A_365 = arith.constant 0 : i32
    %dma_start3A_366 = tpu.memref_slice %arg9[%dma_start3A_354, %dma_start3A_363, %dma_start3A_364, %dma_start3A_365] : memref<16x2x8x128xf32, #tpu.memory_space<vmem>> -> memref<1x2x8x16xf32, #tpu.memory_space<vmem>>
    %dma_start3A_367 = tpu.memref_squeeze %dma_start3A_366 : memref<1x2x8x16xf32, #tpu.memory_space<vmem>> -> memref<2x8x16xf32, #tpu.memory_space<vmem>>
    %dma_start3A_368 = arith.constant 0 : i32
    %dma_start3A_369 = arith.constant 0 : i32
    %dma_start3A_370 = tpu.memref_slice %arg4[%dma_start3A_368, %dma_start3A_369, %multiple_of3A_350] : memref<2x8x1000000xf32, #tpu.memory_space<hbm>> -> memref<2x8x16xf32, #tpu.memory_space<hbm>>
    tpu.enqueue_dma source(%dma_start3A_370 : memref<2x8x16xf32, #tpu.memory_space<hbm>>) target(%dma_start3A_367 : memref<2x8x16xf32, #tpu.memory_space<vmem>>) target_semaphore(%arg12 : memref<!tpu.dma_semaphore, #tpu.memory_space<semaphore_mem>>)
    %dma_start3A_371 = arith.constant 7 : i32
    %dma_start3A_372 = arith.constant 0 : i32
    %dma_start3A_373 = arith.constant 0 : i32
    %dma_start3A_374 = arith.constant 0 : i32
    %dma_start3A_375 = tpu.memref_slice %arg10[%dma_start3A_371, %dma_start3A_372, %dma_start3A_373, %dma_start3A_374] : memref<16x2x8x128xf32, #tpu.memory_space<vmem>> -> memref<1x2x8x16xf32, #tpu.memory_space<vmem>>
    %dma_start3A_376 = tpu.memref_squeeze %dma_start3A_375 : memref<1x2x8x16xf32, #tpu.memory_space<vmem>> -> memref<2x8x16xf32, #tpu.memory_space<vmem>>
    %dma_start3A_377 = arith.constant 0 : i32
    %dma_start3A_378 = arith.constant 0 : i32
    %dma_start3A_379 = tpu.memref_slice %arg5[%dma_start3A_377, %dma_start3A_378, %multiple_of3A_353] : memref<2x8x1000000xf32, #tpu.memory_space<hbm>> -> memref<2x8x16xf32, #tpu.memory_space<hbm>>
    %dma_start3A_380 = arith.constant 0 : i32
    %dma_start3A_381 = arith.constant 0 : i32
    %dma_start3A_382 = arith.constant 0 : i32
    %dma_start3A_383 = tpu.memref_slice %arg10[%dma_start3A_371, %dma_start3A_380, %dma_start3A_381, %dma_start3A_382] : memref<16x2x8x128xf32, #tpu.memory_space<vmem>> -> memref<1x2x8x16xf32, #tpu.memory_space<vmem>>
    %dma_start3A_384 = tpu.memref_squeeze %dma_start3A_383 : memref<1x2x8x16xf32, #tpu.memory_space<vmem>> -> memref<2x8x16xf32, #tpu.memory_space<vmem>>
    %dma_start3A_385 = arith.constant 0 : i32
    %dma_start3A_386 = arith.constant 0 : i32
    %dma_start3A_387 = tpu.memref_slice %arg5[%dma_start3A_385, %dma_start3A_386, %multiple_of3A_353] : memref<2x8x1000000xf32, #tpu.memory_space<hbm>> -> memref<2x8x16xf32, #tpu.memory_space<hbm>>
    tpu.enqueue_dma source(%dma_start3A_387 : memref<2x8x16xf32, #tpu.memory_space<hbm>>) target(%dma_start3A_384 : memref<2x8x16xf32, #tpu.memory_space<vmem>>) target_semaphore(%arg12 : memref<!tpu.dma_semaphore, #tpu.memory_space<semaphore_mem>>)
    %get3A_388 = arith.constant 8 : index
    %get3A_389 = tpu.vector_load %arg7[%get3A_388] {strides = array<i32>} : memref<528xi32, #tpu.memory_space<vmem>>, vector<16xi32>,
    %get3A_390 = arith.constant 8 : index
    %get3A_391 = tpu.vector_load %arg8[%get3A_390] {strides = array<i32>} : memref<528xi32, #tpu.memory_space<vmem>>, vector<16xi32>,
    %jit3A_392 = arith.constant 16 : i32
    %div3A_393 = vector.broadcast %jit3A_392 : i32 to vector<16xi32>
    %div3A_394 = arith.divsi %get3A_389, %div3A_393 : vector<16xi32>
    %sign3A_395 = arith.constant 0 : i32
    %sign3A_396 = vector.broadcast %sign3A_395 : i32 to vector<16xi32>
    %sign3A_397 = arith.cmpi sgt, %get3A_389, %sign3A_396 : vector<16xi32>
    %sign3A_398 = arith.extui %sign3A_397 : vector<16xi1> to vector<16xi32>
    %sign3A_399 = arith.constant 0 : i32
    %sign3A_400 = vector.broadcast %sign3A_399 : i32 to vector<16xi32>
    %sign3A_401 = arith.cmpi slt, %get3A_389, %sign3A_400 : vector<16xi32>
    %sign3A_402 = arith.extui %sign3A_401 : vector<16xi1> to vector<16xi32>
    %sign3A_403 = arith.subi %sign3A_398, %sign3A_402 : vector<16xi32>
    %sign3A_404 = arith.constant 0 : i32
    %sign3A_405 = arith.cmpi sgt, %jit3A_392, %sign3A_404 : i32
    %sign3A_406 = arith.extui %sign3A_405 : i1 to i32
    %sign3A_407 = arith.constant 0 : i32
    %sign3A_408 = arith.cmpi slt, %jit3A_392, %sign3A_407 : i32
    %sign3A_409 = arith.extui %sign3A_408 : i1 to i32
    %sign3A_410 = arith.subi %sign3A_406, %sign3A_409 : i32
    %ne3A_411 = vector.broadcast %sign3A_410 : i32 to vector<16xi32>
    %ne3A_412 = arith.cmpi ne, %sign3A_403, %ne3A_411 : vector<16xi32>
    %rem3A_413 = vector.broadcast %jit3A_392 : i32 to vector<16xi32>
    %rem3A_414 = arith.remsi %get3A_389, %rem3A_413 : vector<16xi32>
    %ne3A_415 = arith.constant 0 : i32
    %ne3A_416 = vector.broadcast %ne3A_415 : i32 to vector<16xi32>
    %ne3A_417 = arith.cmpi ne, %rem3A_414, %ne3A_416 : vector<16xi32>
    %and3A_418 = arith.andi %ne3A_412, %ne3A_417 : vector<16xi1>
    %sub3A_419 = arith.constant 1 : i32
    %sub3A_420 = vector.broadcast %sub3A_419 : i32 to vector<16xi32>
    %sub3A_421 = arith.subi %div3A_394, %sub3A_420 : vector<16xi32>
    %select_n3A_422 = arith.select %and3A_418, %sub3A_421, %div3A_394 : vector<16xi1>, vector<16xi32>
    %mul3A_423 = arith.constant 16 : i32
    %mul3A_424 = vector.broadcast %mul3A_423 : i32 to vector<16xi32>
    %mul3A_425 = arith.muli %select_n3A_422, %mul3A_424 : vector<16xi32>
    %jit3A_426 = arith.constant 16 : i32
    %div3A_427 = vector.broadcast %jit3A_426 : i32 to vector<16xi32>
    %div3A_428 = arith.divsi %get3A_391, %div3A_427 : vector<16xi32>
    %sign3A_429 = arith.constant 0 : i32
    %sign3A_430 = vector.broadcast %sign3A_429 : i32 to vector<16xi32>
    %sign3A_431 = arith.cmpi sgt, %get3A_391, %sign3A_430 : vector<16xi32>
    %sign3A_432 = arith.extui %sign3A_431 : vector<16xi1> to vector<16xi32>
    %sign3A_433 = arith.constant 0 : i32
    %sign3A_434 = vector.broadcast %sign3A_433 : i32 to vector<16xi32>
    %sign3A_435 = arith.cmpi slt, %get3A_391, %sign3A_434 : vector<16xi32>
    %sign3A_436 = arith.extui %sign3A_435 : vector<16xi1> to vector<16xi32>
    %sign3A_437 = arith.subi %sign3A_432, %sign3A_436 : vector<16xi32>
    %sign3A_438 = arith.constant 0 : i32
    %sign3A_439 = arith.cmpi sgt, %jit3A_426, %sign3A_438 : i32
    %sign3A_440 = arith.extui %sign3A_439 : i1 to i32
    %sign3A_441 = arith.constant 0 : i32
    %sign3A_442 = arith.cmpi slt, %jit3A_426, %sign3A_441 : i32
    %sign3A_443 = arith.extui %sign3A_442 : i1 to i32
    %sign3A_444 = arith.subi %sign3A_440, %sign3A_443 : i32
    %ne3A_445 = vector.broadcast %sign3A_444 : i32 to vector<16xi32>
    %ne3A_446 = arith.cmpi ne, %sign3A_437, %ne3A_445 : vector<16xi32>
    %rem3A_447 = vector.broadcast %jit3A_426 : i32 to vector<16xi32>
    %rem3A_448 = arith.remsi %get3A_391, %rem3A_447 : vector<16xi32>
    %ne3A_449 = arith.constant 0 : i32
    %ne3A_450 = vector.broadcast %ne3A_449 : i32 to vector<16xi32>
    %ne3A_451 = arith.cmpi ne, %rem3A_448, %ne3A_450 : vector<16xi32>
    %and3A_452 = arith.andi %ne3A_446, %ne3A_451 : vector<16xi1>
    %sub3A_453 = arith.constant 1 : i32
    %sub3A_454 = vector.broadcast %sub3A_453 : i32 to vector<16xi32>
    %sub3A_455 = arith.subi %div3A_428, %sub3A_454 : vector<16xi32>
    %select_n3A_456 = arith.select %and3A_452, %sub3A_455, %div3A_428 : vector<16xi1>, vector<16xi32>
    %mul3A_457 = arith.constant 16 : i32
    %mul3A_458 = vector.broadcast %mul3A_457 : i32 to vector<16xi32>
    %mul3A_459 = arith.muli %select_n3A_456, %mul3A_458 : vector<16xi32>
    %slice3A_460 = vector.extract_strided_slice %mul3A_425 {offsets = [0], sizes = [1], strides = [1]} : vector<16xi32> to vector<1xi32>
    %squeeze3A_461 = vector.extract %slice3A_460[0] : i32 from vector<1xi32>
    %multiple_of3A_462 = tpu.assume_multiple %squeeze3A_461, 16 : i32
    %slice3A_463 = vector.extract_strided_slice %mul3A_459 {offsets = [0], sizes = [1], strides = [1]} : vector<16xi32> to vector<1xi32>
    %squeeze3A_464 = vector.extract %slice3A_463[0] : i32 from vector<1xi32>
    %multiple_of3A_465 = tpu.assume_multiple %squeeze3A_464, 16 : i32
    %dma_start3A_466 = arith.constant 8 : i32
    %dma_start3A_467 = arith.constant 0 : i32
    %dma_start3A_468 = arith.constant 0 : i32
    %dma_start3A_469 = arith.constant 0 : i32
    %dma_start3A_470 = tpu.memref_slice %arg9[%dma_start3A_466, %dma_start3A_467, %dma_start3A_468, %dma_start3A_469] : memref<16x2x8x128xf32, #tpu.memory_space<vmem>> -> memref<1x2x8x16xf32, #tpu.memory_space<vmem>>
    %dma_start3A_471 = tpu.memref_squeeze %dma_start3A_470 : memref<1x2x8x16xf32, #tpu.memory_space<vmem>> -> memref<2x8x16xf32, #tpu.memory_space<vmem>>
    %dma_start3A_472 = arith.constant 0 : i32
    %dma_start3A_473 = arith.constant 0 : i32
    %dma_start3A_474 = tpu.memref_slice %arg4[%dma_start3A_472, %dma_start3A_473, %multiple_of3A_462] : memref<2x8x1000000xf32, #tpu.memory_space<hbm>> -> memref<2x8x16xf32, #tpu.memory_space<hbm>>
    %dma_start3A_475 = arith.constant 0 : i32
    %dma_start3A_476 = arith.constant 0 : i32
    %dma_start3A_477 = arith.constant 0 : i32
    %dma_start3A_478 = tpu.memref_slice %arg9[%dma_start3A_466, %dma_start3A_475, %dma_start3A_476, %dma_start3A_477] : memref<16x2x8x128xf32, #tpu.memory_space<vmem>> -> memref<1x2x8x16xf32, #tpu.memory_space<vmem>>
    %dma_start3A_479 = tpu.memref_squeeze %dma_start3A_478 : memref<1x2x8x16xf32, #tpu.memory_space<vmem>> -> memref<2x8x16xf32, #tpu.memory_space<vmem>>
    %dma_start3A_480 = arith.constant 0 : i32
    %dma_start3A_481 = arith.constant 0 : i32
    %dma_start3A_482 = tpu.memref_slice %arg4[%dma_start3A_480, %dma_start3A_481, %multiple_of3A_462] : memref<2x8x1000000xf32, #tpu.memory_space<hbm>> -> memref<2x8x16xf32, #tpu.memory_space<hbm>>
    tpu.enqueue_dma source(%dma_start3A_482 : memref<2x8x16xf32, #tpu.memory_space<hbm>>) target(%dma_start3A_479 : memref<2x8x16xf32, #tpu.memory_space<vmem>>) target_semaphore(%arg13 : memref<!tpu.dma_semaphore, #tpu.memory_space<semaphore_mem>>)
    %dma_start3A_483 = arith.constant 8 : i32
    %dma_start3A_484 = arith.constant 0 : i32
    %dma_start3A_485 = arith.constant 0 : i32
    %dma_start3A_486 = arith.constant 0 : i32
    %dma_start3A_487 = tpu.memref_slice %arg10[%dma_start3A_483, %dma_start3A_484, %dma_start3A_485, %dma_start3A_486] : memref<16x2x8x128xf32, #tpu.memory_space<vmem>> -> memref<1x2x8x16xf32, #tpu.memory_space<vmem>>
    %dma_start3A_488 = tpu.memref_squeeze %dma_start3A_487 : memref<1x2x8x16xf32, #tpu.memory_space<vmem>> -> memref<2x8x16xf32, #tpu.memory_space<vmem>>
    %dma_start3A_489 = arith.constant 0 : i32
    %dma_start3A_490 = arith.constant 0 : i32
    %dma_start3A_491 = tpu.memref_slice %arg5[%dma_start3A_489, %dma_start3A_490, %multiple_of3A_465] : memref<2x8x1000000xf32, #tpu.memory_space<hbm>> -> memref<2x8x16xf32, #tpu.memory_space<hbm>>
    %dma_start3A_492 = arith.constant 0 : i32
    %dma_start3A_493 = arith.constant 0 : i32
    %dma_start3A_494 = arith.constant 0 : i32
    %dma_start3A_495 = tpu.memref_slice %arg10[%dma_start3A_483, %dma_start3A_492, %dma_start3A_493, %dma_start3A_494] : memref<16x2x8x128xf32, #tpu.memory_space<vmem>> -> memref<1x2x8x16xf32, #tpu.memory_space<vmem>>
    %dma_start3A_496 = tpu.memref_squeeze %dma_start3A_495 : memref<1x2x8x16xf32, #tpu.memory_space<vmem>> -> memref<2x8x16xf32, #tpu.memory_space<vmem>>
    %dma_start3A_497 = arith.constant 0 : i32
    %dma_start3A_498 = arith.constant 0 : i32
    %dma_start3A_499 = tpu.memref_slice %arg5[%dma_start3A_497, %dma_start3A_498, %multiple_of3A_465] : memref<2x8x1000000xf32, #tpu.memory_space<hbm>> -> memref<2x8x16xf32, #tpu.memory_space<hbm>>
    tpu.enqueue_dma source(%dma_start3A_499 : memref<2x8x16xf32, #tpu.memory_space<hbm>>) target(%dma_start3A_496 : memref<2x8x16xf32, #tpu.memory_space<vmem>>) target_semaphore(%arg13 : memref<!tpu.dma_semaphore, #tpu.memory_space<semaphore_mem>>)
    %slice3A_500 = vector.extract_strided_slice %mul3A_425 {offsets = [1], sizes = [1], strides = [1]} : vector<16xi32> to vector<1xi32>
    %squeeze3A_501 = vector.extract %slice3A_500[0] : i32 from vector<1xi32>
    %multiple_of3A_502 = tpu.assume_multiple %squeeze3A_501, 16 : i32
    %slice3A_503 = vector.extract_strided_slice %mul3A_459 {offsets = [1], sizes = [1], strides = [1]} : vector<16xi32> to vector<1xi32>
    %squeeze3A_504 = vector.extract %slice3A_503[0] : i32 from vector<1xi32>
    %multiple_of3A_505 = tpu.assume_multiple %squeeze3A_504, 16 : i32
    %dma_start3A_506 = arith.constant 9 : i32
    %dma_start3A_507 = arith.constant 0 : i32
    %dma_start3A_508 = arith.constant 0 : i32
    %dma_start3A_509 = arith.constant 0 : i32
    %dma_start3A_510 = tpu.memref_slice %arg9[%dma_start3A_506, %dma_start3A_507, %dma_start3A_508, %dma_start3A_509] : memref<16x2x8x128xf32, #tpu.memory_space<vmem>> -> memref<1x2x8x16xf32, #tpu.memory_space<vmem>>
    %dma_start3A_511 = tpu.memref_squeeze %dma_start3A_510 : memref<1x2x8x16xf32, #tpu.memory_space<vmem>> -> memref<2x8x16xf32, #tpu.memory_space<vmem>>
    %dma_start3A_512 = arith.constant 0 : i32
    %dma_start3A_513 = arith.constant 0 : i32
    %dma_start3A_514 = tpu.memref_slice %arg4[%dma_start3A_512, %dma_start3A_513, %multiple_of3A_502] : memref<2x8x1000000xf32, #tpu.memory_space<hbm>> -> memref<2x8x16xf32, #tpu.memory_space<hbm>>
    %dma_start3A_515 = arith.constant 0 : i32
    %dma_start3A_516 = arith.constant 0 : i32
    %dma_start3A_517 = arith.constant 0 : i32
    %dma_start3A_518 = tpu.memref_slice %arg9[%dma_start3A_506, %dma_start3A_515, %dma_start3A_516, %dma_start3A_517] : memref<16x2x8x128xf32, #tpu.memory_space<vmem>> -> memref<1x2x8x16xf32, #tpu.memory_space<vmem>>
    %dma_start3A_519 = tpu.memref_squeeze %dma_start3A_518 : memref<1x2x8x16xf32, #tpu.memory_space<vmem>> -> memref<2x8x16xf32, #tpu.memory_space<vmem>>
    %dma_start3A_520 = arith.constant 0 : i32
    %dma_start3A_521 = arith.constant 0 : i32
    %dma_start3A_522 = tpu.memref_slice %arg4[%dma_start3A_520, %dma_start3A_521, %multiple_of3A_502] : memref<2x8x1000000xf32, #tpu.memory_space<hbm>> -> memref<2x8x16xf32, #tpu.memory_space<hbm>>
    tpu.enqueue_dma source(%dma_start3A_522 : memref<2x8x16xf32, #tpu.memory_space<hbm>>) target(%dma_start3A_519 : memref<2x8x16xf32, #tpu.memory_space<vmem>>) target_semaphore(%arg13 : memref<!tpu.dma_semaphore, #tpu.memory_space<semaphore_mem>>)
    %dma_start3A_523 = arith.constant 9 : i32
    %dma_start3A_524 = arith.constant 0 : i32
    %dma_start3A_525 = arith.constant 0 : i32
    %dma_start3A_526 = arith.constant 0 : i32
    %dma_start3A_527 = tpu.memref_slice %arg10[%dma_start3A_523, %dma_start3A_524, %dma_start3A_525, %dma_start3A_526] : memref<16x2x8x128xf32, #tpu.memory_space<vmem>> -> memref<1x2x8x16xf32, #tpu.memory_space<vmem>>
    %dma_start3A_528 = tpu.memref_squeeze %dma_start3A_527 : memref<1x2x8x16xf32, #tpu.memory_space<vmem>> -> memref<2x8x16xf32, #tpu.memory_space<vmem>>
    %dma_start3A_529 = arith.constant 0 : i32
    %dma_start3A_530 = arith.constant 0 : i32
    %dma_start3A_531 = tpu.memref_slice %arg5[%dma_start3A_529, %dma_start3A_530, %multiple_of3A_505] : memref<2x8x1000000xf32, #tpu.memory_space<hbm>> -> memref<2x8x16xf32, #tpu.memory_space<hbm>>
    %dma_start3A_532 = arith.constant 0 : i32
    %dma_start3A_533 = arith.constant 0 : i32
    %dma_start3A_534 = arith.constant 0 : i32
    %dma_start3A_535 = tpu.memref_slice %arg10[%dma_start3A_523, %dma_start3A_532, %dma_start3A_533, %dma_start3A_534] : memref<16x2x8x128xf32, #tpu.memory_space<vmem>> -> memref<1x2x8x16xf32, #tpu.memory_space<vmem>>
    %dma_start3A_536 = tpu.memref_squeeze %dma_start3A_535 : memref<1x2x8x16xf32, #tpu.memory_space<vmem>> -> memref<2x8x16xf32, #tpu.memory_space<vmem>>
    %dma_start3A_537 = arith.constant 0 : i32
    %dma_start3A_538 = arith.constant 0 : i32
    %dma_start3A_539 = tpu.memref_slice %arg5[%dma_start3A_537, %dma_start3A_538, %multiple_of3A_505] : memref<2x8x1000000xf32, #tpu.memory_space<hbm>> -> memref<2x8x16xf32, #tpu.memory_space<hbm>>
    tpu.enqueue_dma source(%dma_start3A_539 : memref<2x8x16xf32, #tpu.memory_space<hbm>>) target(%dma_start3A_536 : memref<2x8x16xf32, #tpu.memory_space<vmem>>) target_semaphore(%arg13 : memref<!tpu.dma_semaphore, #tpu.memory_space<semaphore_mem>>)
    %slice3A_540 = vector.extract_strided_slice %mul3A_425 {offsets = [2], sizes = [1], strides = [1]} : vector<16xi32> to vector<1xi32>
    %squeeze3A_541 = vector.extract %slice3A_540[0] : i32 from vector<1xi32>
    %multiple_of3A_542 = tpu.assume_multiple %squeeze3A_541, 16 : i32
    %slice3A_543 = vector.extract_strided_slice %mul3A_459 {offsets = [2], sizes = [1], strides = [1]} : vector<16xi32> to vector<1xi32>
    %squeeze3A_544 = vector.extract %slice3A_543[0] : i32 from vector<1xi32>
    %multiple_of3A_545 = tpu.assume_multiple %squeeze3A_544, 16 : i32
    %dma_start3A_546 = arith.constant 10 : i32
    %dma_start3A_547 = arith.constant 0 : i32
    %dma_start3A_548 = arith.constant 0 : i32
    %dma_start3A_549 = arith.constant 0 : i32
    %dma_start3A_550 = tpu.memref_slice %arg9[%dma_start3A_546, %dma_start3A_547, %dma_start3A_548, %dma_start3A_549] : memref<16x2x8x128xf32, #tpu.memory_space<vmem>> -> memref<1x2x8x16xf32, #tpu.memory_space<vmem>>
    %dma_start3A_551 = tpu.memref_squeeze %dma_start3A_550 : memref<1x2x8x16xf32, #tpu.memory_space<vmem>> -> memref<2x8x16xf32, #tpu.memory_space<vmem>>
    %dma_start3A_552 = arith.constant 0 : i32
    %dma_start3A_553 = arith.constant 0 : i32
    %dma_start3A_554 = tpu.memref_slice %arg4[%dma_start3A_552, %dma_start3A_553, %multiple_of3A_542] : memref<2x8x1000000xf32, #tpu.memory_space<hbm>> -> memref<2x8x16xf32, #tpu.memory_space<hbm>>
    %dma_start3A_555 = arith.constant 0 : i32
    %dma_start3A_556 = arith.constant 0 : i32
    %dma_start3A_557 = arith.constant 0 : i32
    %dma_start3A_558 = tpu.memref_slice %arg9[%dma_start3A_546, %dma_start3A_555, %dma_start3A_556, %dma_start3A_557] : memref<16x2x8x128xf32, #tpu.memory_space<vmem>> -> memref<1x2x8x16xf32, #tpu.memory_space<vmem>>
    %dma_start3A_559 = tpu.memref_squeeze %dma_start3A_558 : memref<1x2x8x16xf32, #tpu.memory_space<vmem>> -> memref<2x8x16xf32, #tpu.memory_space<vmem>>
    %dma_start3A_560 = arith.constant 0 : i32
    %dma_start3A_561 = arith.constant 0 : i32
    %dma_start3A_562 = tpu.memref_slice %arg4[%dma_start3A_560, %dma_start3A_561, %multiple_of3A_542] : memref<2x8x1000000xf32, #tpu.memory_space<hbm>> -> memref<2x8x16xf32, #tpu.memory_space<hbm>>
    tpu.enqueue_dma source(%dma_start3A_562 : memref<2x8x16xf32, #tpu.memory_space<hbm>>) target(%dma_start3A_559 : memref<2x8x16xf32, #tpu.memory_space<vmem>>) target_semaphore(%arg13 : memref<!tpu.dma_semaphore, #tpu.memory_space<semaphore_mem>>)
    %dma_start3A_563 = arith.constant 10 : i32
    %dma_start3A_564 = arith.constant 0 : i32
    %dma_start3A_565 = arith.constant 0 : i32
    %dma_start3A_566 = arith.constant 0 : i32
    %dma_start3A_567 = tpu.memref_slice %arg10[%dma_start3A_563, %dma_start3A_564, %dma_start3A_565, %dma_start3A_566] : memref<16x2x8x128xf32, #tpu.memory_space<vmem>> -> memref<1x2x8x16xf32, #tpu.memory_space<vmem>>
    %dma_start3A_568 = tpu.memref_squeeze %dma_start3A_567 : memref<1x2x8x16xf32, #tpu.memory_space<vmem>> -> memref<2x8x16xf32, #tpu.memory_space<vmem>>
    %dma_start3A_569 = arith.constant 0 : i32
    %dma_start3A_570 = arith.constant 0 : i32
    %dma_start3A_571 = tpu.memref_slice %arg5[%dma_start3A_569, %dma_start3A_570, %multiple_of3A_545] : memref<2x8x1000000xf32, #tpu.memory_space<hbm>> -> memref<2x8x16xf32, #tpu.memory_space<hbm>>
    %dma_start3A_572 = arith.constant 0 : i32
    %dma_start3A_573 = arith.constant 0 : i32
    %dma_start3A_574 = arith.constant 0 : i32
    %dma_start3A_575 = tpu.memref_slice %arg10[%dma_start3A_563, %dma_start3A_572, %dma_start3A_573, %dma_start3A_574] : memref<16x2x8x128xf32, #tpu.memory_space<vmem>> -> memref<1x2x8x16xf32, #tpu.memory_space<vmem>>
    %dma_start3A_576 = tpu.memref_squeeze %dma_start3A_575 : memref<1x2x8x16xf32, #tpu.memory_space<vmem>> -> memref<2x8x16xf32, #tpu.memory_space<vmem>>
    %dma_start3A_577 = arith.constant 0 : i32
    %dma_start3A_578 = arith.constant 0 : i32
    %dma_start3A_579 = tpu.memref_slice %arg5[%dma_start3A_577, %dma_start3A_578, %multiple_of3A_545] : memref<2x8x1000000xf32, #tpu.memory_space<hbm>> -> memref<2x8x16xf32, #tpu.memory_space<hbm>>
    tpu.enqueue_dma source(%dma_start3A_579 : memref<2x8x16xf32, #tpu.memory_space<hbm>>) target(%dma_start3A_576 : memref<2x8x16xf32, #tpu.memory_space<vmem>>) target_semaphore(%arg13 : memref<!tpu.dma_semaphore, #tpu.memory_space<semaphore_mem>>)
    %slice3A_580 = vector.extract_strided_slice %mul3A_425 {offsets = [3], sizes = [1], strides = [1]} : vector<16xi32> to vector<1xi32>
    %squeeze3A_581 = vector.extract %slice3A_580[0] : i32 from vector<1xi32>
    %multiple_of3A_582 = tpu.assume_multiple %squeeze3A_581, 16 : i32
    %slice3A_583 = vector.extract_strided_slice %mul3A_459 {offsets = [3], sizes = [1], strides = [1]} : vector<16xi32> to vector<1xi32>
    %squeeze3A_584 = vector.extract %slice3A_583[0] : i32 from vector<1xi32>
    %multiple_of3A_585 = tpu.assume_multiple %squeeze3A_584, 16 : i32
    %dma_start3A_586 = arith.constant 11 : i32
    %dma_start3A_587 = arith.constant 0 : i32
    %dma_start3A_588 = arith.constant 0 : i32
    %dma_start3A_589 = arith.constant 0 : i32
    %dma_start3A_590 = tpu.memref_slice %arg9[%dma_start3A_586, %dma_start3A_587, %dma_start3A_588, %dma_start3A_589] : memref<16x2x8x128xf32, #tpu.memory_space<vmem>> -> memref<1x2x8x16xf32, #tpu.memory_space<vmem>>
    %dma_start3A_591 = tpu.memref_squeeze %dma_start3A_590 : memref<1x2x8x16xf32, #tpu.memory_space<vmem>> -> memref<2x8x16xf32, #tpu.memory_space<vmem>>
    %dma_start3A_592 = arith.constant 0 : i32
    %dma_start3A_593 = arith.constant 0 : i32
    %dma_start3A_594 = tpu.memref_slice %arg4[%dma_start3A_592, %dma_start3A_593, %multiple_of3A_582] : memref<2x8x1000000xf32, #tpu.memory_space<hbm>> -> memref<2x8x16xf32, #tpu.memory_space<hbm>>
    %dma_start3A_595 = arith.constant 0 : i32
    %dma_start3A_596 = arith.constant 0 : i32
    %dma_start3A_597 = arith.constant 0 : i32
    %dma_start3A_598 = tpu.memref_slice %arg9[%dma_start3A_586, %dma_start3A_595, %dma_start3A_596, %dma_start3A_597] : memref<16x2x8x128xf32, #tpu.memory_space<vmem>> -> memref<1x2x8x16xf32, #tpu.memory_space<vmem>>
    %dma_start3A_599 = tpu.memref_squeeze %dma_start3A_598 : memref<1x2x8x16xf32, #tpu.memory_space<vmem>> -> memref<2x8x16xf32, #tpu.memory_space<vmem>>
    %dma_start3A_600 = arith.constant 0 : i32
    %dma_start3A_601 = arith.constant 0 : i32
    %dma_start3A_602 = tpu.memref_slice %arg4[%dma_start3A_600, %dma_start3A_601, %multiple_of3A_582] : memref<2x8x1000000xf32, #tpu.memory_space<hbm>> -> memref<2x8x16xf32, #tpu.memory_space<hbm>>
    tpu.enqueue_dma source(%dma_start3A_602 : memref<2x8x16xf32, #tpu.memory_space<hbm>>) target(%dma_start3A_599 : memref<2x8x16xf32, #tpu.memory_space<vmem>>) target_semaphore(%arg13 : memref<!tpu.dma_semaphore, #tpu.memory_space<semaphore_mem>>)
    %dma_start3A_603 = arith.constant 11 : i32
    %dma_start3A_604 = arith.constant 0 : i32
    %dma_start3A_605 = arith.constant 0 : i32
    %dma_start3A_606 = arith.constant 0 : i32
    %dma_start3A_607 = tpu.memref_slice %arg10[%dma_start3A_603, %dma_start3A_604, %dma_start3A_605, %dma_start3A_606] : memref<16x2x8x128xf32, #tpu.memory_space<vmem>> -> memref<1x2x8x16xf32, #tpu.memory_space<vmem>>
    %dma_start3A_608 = tpu.memref_squeeze %dma_start3A_607 : memref<1x2x8x16xf32, #tpu.memory_space<vmem>> -> memref<2x8x16xf32, #tpu.memory_space<vmem>>
    %dma_start3A_609 = arith.constant 0 : i32
    %dma_start3A_610 = arith.constant 0 : i32
    %dma_start3A_611 = tpu.memref_slice %arg5[%dma_start3A_609, %dma_start3A_610, %multiple_of3A_585] : memref<2x8x1000000xf32, #tpu.memory_space<hbm>> -> memref<2x8x16xf32, #tpu.memory_space<hbm>>
    %dma_start3A_612 = arith.constant 0 : i32
    %dma_start3A_613 = arith.constant 0 : i32
    %dma_start3A_614 = arith.constant 0 : i32
    %dma_start3A_615 = tpu.memref_slice %arg10[%dma_start3A_603, %dma_start3A_612, %dma_start3A_613, %dma_start3A_614] : memref<16x2x8x128xf32, #tpu.memory_space<vmem>> -> memref<1x2x8x16xf32, #tpu.memory_space<vmem>>
    %dma_start3A_616 = tpu.memref_squeeze %dma_start3A_615 : memref<1x2x8x16xf32, #tpu.memory_space<vmem>> -> memref<2x8x16xf32, #tpu.memory_space<vmem>>
    %dma_start3A_617 = arith.constant 0 : i32
    %dma_start3A_618 = arith.constant 0 : i32
    %dma_start3A_619 = tpu.memref_slice %arg5[%dma_start3A_617, %dma_start3A_618, %multiple_of3A_585] : memref<2x8x1000000xf32, #tpu.memory_space<hbm>> -> memref<2x8x16xf32, #tpu.memory_space<hbm>>
    tpu.enqueue_dma source(%dma_start3A_619 : memref<2x8x16xf32, #tpu.memory_space<hbm>>) target(%dma_start3A_616 : memref<2x8x16xf32, #tpu.memory_space<vmem>>) target_semaphore(%arg13 : memref<!tpu.dma_semaphore, #tpu.memory_space<semaphore_mem>>)
    %slice3A_620 = vector.extract_strided_slice %mul3A_425 {offsets = [4], sizes = [1], strides = [1]} : vector<16xi32> to vector<1xi32>
    %squeeze3A_621 = vector.extract %slice3A_620[0] : i32 from vector<1xi32>
    %multiple_of3A_622 = tpu.assume_multiple %squeeze3A_621, 16 : i32
    %slice3A_623 = vector.extract_strided_slice %mul3A_459 {offsets = [4], sizes = [1], strides = [1]} : vector<16xi32> to vector<1xi32>
    %squeeze3A_624 = vector.extract %slice3A_623[0] : i32 from vector<1xi32>
    %multiple_of3A_625 = tpu.assume_multiple %squeeze3A_624, 16 : i32
    %dma_start3A_626 = arith.constant 12 : i32
    %dma_start3A_627 = arith.constant 0 : i32
    %dma_start3A_628 = arith.constant 0 : i32
    %dma_start3A_629 = arith.constant 0 : i32
    %dma_start3A_630 = tpu.memref_slice %arg9[%dma_start3A_626, %dma_start3A_627, %dma_start3A_628, %dma_start3A_629] : memref<16x2x8x128xf32, #tpu.memory_space<vmem>> -> memref<1x2x8x16xf32, #tpu.memory_space<vmem>>
    %dma_start3A_631 = tpu.memref_squeeze %dma_start3A_630 : memref<1x2x8x16xf32, #tpu.memory_space<vmem>> -> memref<2x8x16xf32, #tpu.memory_space<vmem>>
    %dma_start3A_632 = arith.constant 0 : i32
    %dma_start3A_633 = arith.constant 0 : i32
    %dma_start3A_634 = tpu.memref_slice %arg4[%dma_start3A_632, %dma_start3A_633, %multiple_of3A_622] : memref<2x8x1000000xf32, #tpu.memory_space<hbm>> -> memref<2x8x16xf32, #tpu.memory_space<hbm>>
    %dma_start3A_635 = arith.constant 0 : i32
    %dma_start3A_636 = arith.constant 0 : i32
    %dma_start3A_637 = arith.constant 0 : i32
    %dma_start3A_638 = tpu.memref_slice %arg9[%dma_start3A_626, %dma_start3A_635, %dma_start3A_636, %dma_start3A_637] : memref<16x2x8x128xf32, #tpu.memory_space<vmem>> -> memref<1x2x8x16xf32, #tpu.memory_space<vmem>>
    %dma_start3A_639 = tpu.memref_squeeze %dma_start3A_638 : memref<1x2x8x16xf32, #tpu.memory_space<vmem>> -> memref<2x8x16xf32, #tpu.memory_space<vmem>>
    %dma_start3A_640 = arith.constant 0 : i32
    %dma_start3A_641 = arith.constant 0 : i32
    %dma_start3A_642 = tpu.memref_slice %arg4[%dma_start3A_640, %dma_start3A_641, %multiple_of3A_622] : memref<2x8x1000000xf32, #tpu.memory_space<hbm>> -> memref<2x8x16xf32, #tpu.memory_space<hbm>>
    tpu.enqueue_dma source(%dma_start3A_642 : memref<2x8x16xf32, #tpu.memory_space<hbm>>) target(%dma_start3A_639 : memref<2x8x16xf32, #tpu.memory_space<vmem>>) target_semaphore(%arg13 : memref<!tpu.dma_semaphore, #tpu.memory_space<semaphore_mem>>)
    %dma_start3A_643 = arith.constant 12 : i32
    %dma_start3A_644 = arith.constant 0 : i32
    %dma_start3A_645 = arith.constant 0 : i32
    %dma_start3A_646 = arith.constant 0 : i32
    %dma_start3A_647 = tpu.memref_slice %arg10[%dma_start3A_643, %dma_start3A_644, %dma_start3A_645, %dma_start3A_646] : memref<16x2x8x128xf32, #tpu.memory_space<vmem>> -> memref<1x2x8x16xf32, #tpu.memory_space<vmem>>
    %dma_start3A_648 = tpu.memref_squeeze %dma_start3A_647 : memref<1x2x8x16xf32, #tpu.memory_space<vmem>> -> memref<2x8x16xf32, #tpu.memory_space<vmem>>
    %dma_start3A_649 = arith.constant 0 : i32
    %dma_start3A_650 = arith.constant 0 : i32
    %dma_start3A_651 = tpu.memref_slice %arg5[%dma_start3A_649, %dma_start3A_650, %multiple_of3A_625] : memref<2x8x1000000xf32, #tpu.memory_space<hbm>> -> memref<2x8x16xf32, #tpu.memory_space<hbm>>
    %dma_start3A_652 = arith.constant 0 : i32
    %dma_start3A_653 = arith.constant 0 : i32
    %dma_start3A_654 = arith.constant 0 : i32
    %dma_start3A_655 = tpu.memref_slice %arg10[%dma_start3A_643, %dma_start3A_652, %dma_start3A_653, %dma_start3A_654] : memref<16x2x8x128xf32, #tpu.memory_space<vmem>> -> memref<1x2x8x16xf32, #tpu.memory_space<vmem>>
    %dma_start3A_656 = tpu.memref_squeeze %dma_start3A_655 : memref<1x2x8x16xf32, #tpu.memory_space<vmem>> -> memref<2x8x16xf32, #tpu.memory_space<vmem>>
    %dma_start3A_657 = arith.constant 0 : i32
    %dma_start3A_658 = arith.constant 0 : i32
    %dma_start3A_659 = tpu.memref_slice %arg5[%dma_start3A_657, %dma_start3A_658, %multiple_of3A_625] : memref<2x8x1000000xf32, #tpu.memory_space<hbm>> -> memref<2x8x16xf32, #tpu.memory_space<hbm>>
    tpu.enqueue_dma source(%dma_start3A_659 : memref<2x8x16xf32, #tpu.memory_space<hbm>>) target(%dma_start3A_656 : memref<2x8x16xf32, #tpu.memory_space<vmem>>) target_semaphore(%arg13 : memref<!tpu.dma_semaphore, #tpu.memory_space<semaphore_mem>>)
    %slice3A_660 = vector.extract_strided_slice %mul3A_425 {offsets = [5], sizes = [1], strides = [1]} : vector<16xi32> to vector<1xi32>
    %squeeze3A_661 = vector.extract %slice3A_660[0] : i32 from vector<1xi32>
    %multiple_of3A_662 = tpu.assume_multiple %squeeze3A_661, 16 : i32
    %slice3A_663 = vector.extract_strided_slice %mul3A_459 {offsets = [5], sizes = [1], strides = [1]} : vector<16xi32> to vector<1xi32>
    %squeeze3A_664 = vector.extract %slice3A_663[0] : i32 from vector<1xi32>
    %multiple_of3A_665 = tpu.assume_multiple %squeeze3A_664, 16 : i32
    %dma_start3A_666 = arith.constant 13 : i32
    %dma_start3A_667 = arith.constant 0 : i32
    %dma_start3A_668 = arith.constant 0 : i32
    %dma_start3A_669 = arith.constant 0 : i32
    %dma_start3A_670 = tpu.memref_slice %arg9[%dma_start3A_666, %dma_start3A_667, %dma_start3A_668, %dma_start3A_669] : memref<16x2x8x128xf32, #tpu.memory_space<vmem>> -> memref<1x2x8x16xf32, #tpu.memory_space<vmem>>
    %dma_start3A_671 = tpu.memref_squeeze %dma_start3A_670 : memref<1x2x8x16xf32, #tpu.memory_space<vmem>> -> memref<2x8x16xf32, #tpu.memory_space<vmem>>
    %dma_start3A_672 = arith.constant 0 : i32
    %dma_start3A_673 = arith.constant 0 : i32
    %dma_start3A_674 = tpu.memref_slice %arg4[%dma_start3A_672, %dma_start3A_673, %multiple_of3A_662] : memref<2x8x1000000xf32, #tpu.memory_space<hbm>> -> memref<2x8x16xf32, #tpu.memory_space<hbm>>
    %dma_start3A_675 = arith.constant 0 : i32
    %dma_start3A_676 = arith.constant 0 : i32
    %dma_start3A_677 = arith.constant 0 : i32
    %dma_start3A_678 = tpu.memref_slice %arg9[%dma_start3A_666, %dma_start3A_675, %dma_start3A_676, %dma_start3A_677] : memref<16x2x8x128xf32, #tpu.memory_space<vmem>> -> memref<1x2x8x16xf32, #tpu.memory_space<vmem>>
    %dma_start3A_679 = tpu.memref_squeeze %dma_start3A_678 : memref<1x2x8x16xf32, #tpu.memory_space<vmem>> -> memref<2x8x16xf32, #tpu.memory_space<vmem>>
    %dma_start3A_680 = arith.constant 0 : i32
    %dma_start3A_681 = arith.constant 0 : i32
    %dma_start3A_682 = tpu.memref_slice %arg4[%dma_start3A_680, %dma_start3A_681, %multiple_of3A_662] : memref<2x8x1000000xf32, #tpu.memory_space<hbm>> -> memref<2x8x16xf32, #tpu.memory_space<hbm>>
    tpu.enqueue_dma source(%dma_start3A_682 : memref<2x8x16xf32, #tpu.memory_space<hbm>>) target(%dma_start3A_679 : memref<2x8x16xf32, #tpu.memory_space<vmem>>) target_semaphore(%arg13 : memref<!tpu.dma_semaphore, #tpu.memory_space<semaphore_mem>>)
    %dma_start3A_683 = arith.constant 13 : i32
    %dma_start3A_684 = arith.constant 0 : i32
    %dma_start3A_685 = arith.constant 0 : i32
    %dma_start3A_686 = arith.constant 0 : i32
    %dma_start3A_687 = tpu.memref_slice %arg10[%dma_start3A_683, %dma_start3A_684, %dma_start3A_685, %dma_start3A_686] : memref<16x2x8x128xf32, #tpu.memory_space<vmem>> -> memref<1x2x8x16xf32, #tpu.memory_space<vmem>>
    %dma_start3A_688 = tpu.memref_squeeze %dma_start3A_687 : memref<1x2x8x16xf32, #tpu.memory_space<vmem>> -> memref<2x8x16xf32, #tpu.memory_space<vmem>>
    %dma_start3A_689 = arith.constant 0 : i32
    %dma_start3A_690 = arith.constant 0 : i32
    %dma_start3A_691 = tpu.memref_slice %arg5[%dma_start3A_689, %dma_start3A_690, %multiple_of3A_665] : memref<2x8x1000000xf32, #tpu.memory_space<hbm>> -> memref<2x8x16xf32, #tpu.memory_space<hbm>>
    %dma_start3A_692 = arith.constant 0 : i32
    %dma_start3A_693 = arith.constant 0 : i32
    %dma_start3A_694 = arith.constant 0 : i32
    %dma_start3A_695 = tpu.memref_slice %arg10[%dma_start3A_683, %dma_start3A_692, %dma_start3A_693, %dma_start3A_694] : memref<16x2x8x128xf32, #tpu.memory_space<vmem>> -> memref<1x2x8x16xf32, #tpu.memory_space<vmem>>
    %dma_start3A_696 = tpu.memref_squeeze %dma_start3A_695 : memref<1x2x8x16xf32, #tpu.memory_space<vmem>> -> memref<2x8x16xf32, #tpu.memory_space<vmem>>
    %dma_start3A_697 = arith.constant 0 : i32
    %dma_start3A_698 = arith.constant 0 : i32
    %dma_start3A_699 = tpu.memref_slice %arg5[%dma_start3A_697, %dma_start3A_698, %multiple_of3A_665] : memref<2x8x1000000xf32, #tpu.memory_space<hbm>> -> memref<2x8x16xf32, #tpu.memory_space<hbm>>
    tpu.enqueue_dma source(%dma_start3A_699 : memref<2x8x16xf32, #tpu.memory_space<hbm>>) target(%dma_start3A_696 : memref<2x8x16xf32, #tpu.memory_space<vmem>>) target_semaphore(%arg13 : memref<!tpu.dma_semaphore, #tpu.memory_space<semaphore_mem>>)
    %slice3A_700 = vector.extract_strided_slice %mul3A_425 {offsets = [6], sizes = [1], strides = [1]} : vector<16xi32> to vector<1xi32>
    %squeeze3A_701 = vector.extract %slice3A_700[0] : i32 from vector<1xi32>
    %multiple_of3A_702 = tpu.assume_multiple %squeeze3A_701, 16 : i32
    %slice3A_703 = vector.extract_strided_slice %mul3A_459 {offsets = [6], sizes = [1], strides = [1]} : vector<16xi32> to vector<1xi32>
    %squeeze3A_704 = vector.extract %slice3A_703[0] : i32 from vector<1xi32>
    %multiple_of3A_705 = tpu.assume_multiple %squeeze3A_704, 16 : i32
    %dma_start3A_706 = arith.constant 14 : i32
    %dma_start3A_707 = arith.constant 0 : i32
    %dma_start3A_708 = arith.constant 0 : i32
    %dma_start3A_709 = arith.constant 0 : i32
    %dma_start3A_710 = tpu.memref_slice %arg9[%dma_start3A_706, %dma_start3A_707, %dma_start3A_708, %dma_start3A_709] : memref<16x2x8x128xf32, #tpu.memory_space<vmem>> -> memref<1x2x8x16xf32, #tpu.memory_space<vmem>>
    %dma_start3A_711 = tpu.memref_squeeze %dma_start3A_710 : memref<1x2x8x16xf32, #tpu.memory_space<vmem>> -> memref<2x8x16xf32, #tpu.memory_space<vmem>>
    %dma_start3A_712 = arith.constant 0 : i32
    %dma_start3A_713 = arith.constant 0 : i32
    %dma_start3A_714 = tpu.memref_slice %arg4[%dma_start3A_712, %dma_start3A_713, %multiple_of3A_702] : memref<2x8x1000000xf32, #tpu.memory_space<hbm>> -> memref<2x8x16xf32, #tpu.memory_space<hbm>>
    %dma_start3A_715 = arith.constant 0 : i32
    %dma_start3A_716 = arith.constant 0 : i32
    %dma_start3A_717 = arith.constant 0 : i32
    %dma_start3A_718 = tpu.memref_slice %arg9[%dma_start3A_706, %dma_start3A_715, %dma_start3A_716, %dma_start3A_717] : memref<16x2x8x128xf32, #tpu.memory_space<vmem>> -> memref<1x2x8x16xf32, #tpu.memory_space<vmem>>
    %dma_start3A_719 = tpu.memref_squeeze %dma_start3A_718 : memref<1x2x8x16xf32, #tpu.memory_space<vmem>> -> memref<2x8x16xf32, #tpu.memory_space<vmem>>
    %dma_start3A_720 = arith.constant 0 : i32
    %dma_start3A_721 = arith.constant 0 : i32
    %dma_start3A_722 = tpu.memref_slice %arg4[%dma_start3A_720, %dma_start3A_721, %multiple_of3A_702] : memref<2x8x1000000xf32, #tpu.memory_space<hbm>> -> memref<2x8x16xf32, #tpu.memory_space<hbm>>
    tpu.enqueue_dma source(%dma_start3A_722 : memref<2x8x16xf32, #tpu.memory_space<hbm>>) target(%dma_start3A_719 : memref<2x8x16xf32, #tpu.memory_space<vmem>>) target_semaphore(%arg13 : memref<!tpu.dma_semaphore, #tpu.memory_space<semaphore_mem>>)
    %dma_start3A_723 = arith.constant 14 : i32
    %dma_start3A_724 = arith.constant 0 : i32
    %dma_start3A_725 = arith.constant 0 : i32
    %dma_start3A_726 = arith.constant 0 : i32
    %dma_start3A_727 = tpu.memref_slice %arg10[%dma_start3A_723, %dma_start3A_724, %dma_start3A_725, %dma_start3A_726] : memref<16x2x8x128xf32, #tpu.memory_space<vmem>> -> memref<1x2x8x16xf32, #tpu.memory_space<vmem>>
    %dma_start3A_728 = tpu.memref_squeeze %dma_start3A_727 : memref<1x2x8x16xf32, #tpu.memory_space<vmem>> -> memref<2x8x16xf32, #tpu.memory_space<vmem>>
    %dma_start3A_729 = arith.constant 0 : i32
    %dma_start3A_730 = arith.constant 0 : i32
    %dma_start3A_731 = tpu.memref_slice %arg5[%dma_start3A_729, %dma_start3A_730, %multiple_of3A_705] : memref<2x8x1000000xf32, #tpu.memory_space<hbm>> -> memref<2x8x16xf32, #tpu.memory_space<hbm>>
    %dma_start3A_732 = arith.constant 0 : i32
    %dma_start3A_733 = arith.constant 0 : i32
    %dma_start3A_734 = arith.constant 0 : i32
    %dma_start3A_735 = tpu.memref_slice %arg10[%dma_start3A_723, %dma_start3A_732, %dma_start3A_733, %dma_start3A_734] : memref<16x2x8x128xf32, #tpu.memory_space<vmem>> -> memref<1x2x8x16xf32, #tpu.memory_space<vmem>>
    %dma_start3A_736 = tpu.memref_squeeze %dma_start3A_735 : memref<1x2x8x16xf32, #tpu.memory_space<vmem>> -> memref<2x8x16xf32, #tpu.memory_space<vmem>>
    %dma_start3A_737 = arith.constant 0 : i32
    %dma_start3A_738 = arith.constant 0 : i32
    %dma_start3A_739 = tpu.memref_slice %arg5[%dma_start3A_737, %dma_start3A_738, %multiple_of3A_705] : memref<2x8x1000000xf32, #tpu.memory_space<hbm>> -> memref<2x8x16xf32, #tpu.memory_space<hbm>>
    tpu.enqueue_dma source(%dma_start3A_739 : memref<2x8x16xf32, #tpu.memory_space<hbm>>) target(%dma_start3A_736 : memref<2x8x16xf32, #tpu.memory_space<vmem>>) target_semaphore(%arg13 : memref<!tpu.dma_semaphore, #tpu.memory_space<semaphore_mem>>)
    %slice3A_740 = vector.extract_strided_slice %mul3A_425 {offsets = [7], sizes = [1], strides = [1]} : vector<16xi32> to vector<1xi32>
    %squeeze3A_741 = vector.extract %slice3A_740[0] : i32 from vector<1xi32>
    %multiple_of3A_742 = tpu.assume_multiple %squeeze3A_741, 16 : i32
    %slice3A_743 = vector.extract_strided_slice %mul3A_459 {offsets = [7], sizes = [1], strides = [1]} : vector<16xi32> to vector<1xi32>
    %squeeze3A_744 = vector.extract %slice3A_743[0] : i32 from vector<1xi32>
    %multiple_of3A_745 = tpu.assume_multiple %squeeze3A_744, 16 : i32
    %dma_start3A_746 = arith.constant 15 : i32
    %dma_start3A_747 = arith.constant 0 : i32
    %dma_start3A_748 = arith.constant 0 : i32
    %dma_start3A_749 = arith.constant 0 : i32
    %dma_start3A_750 = tpu.memref_slice %arg9[%dma_start3A_746, %dma_start3A_747, %dma_start3A_748, %dma_start3A_749] : memref<16x2x8x128xf32, #tpu.memory_space<vmem>> -> memref<1x2x8x16xf32, #tpu.memory_space<vmem>>
    %dma_start3A_751 = tpu.memref_squeeze %dma_start3A_750 : memref<1x2x8x16xf32, #tpu.memory_space<vmem>> -> memref<2x8x16xf32, #tpu.memory_space<vmem>>
    %dma_start3A_752 = arith.constant 0 : i32
    %dma_start3A_753 = arith.constant 0 : i32
    %dma_start3A_754 = tpu.memref_slice %arg4[%dma_start3A_752, %dma_start3A_753, %multiple_of3A_742] : memref<2x8x1000000xf32, #tpu.memory_space<hbm>> -> memref<2x8x16xf32, #tpu.memory_space<hbm>>
    %dma_start3A_755 = arith.constant 0 : i32
    %dma_start3A_756 = arith.constant 0 : i32
    %dma_start3A_757 = arith.constant 0 : i32
    %dma_start3A_758 = tpu.memref_slice %arg9[%dma_start3A_746, %dma_start3A_755, %dma_start3A_756, %dma_start3A_757] : memref<16x2x8x128xf32, #tpu.memory_space<vmem>> -> memref<1x2x8x16xf32, #tpu.memory_space<vmem>>
    %dma_start3A_759 = tpu.memref_squeeze %dma_start3A_758 : memref<1x2x8x16xf32, #tpu.memory_space<vmem>> -> memref<2x8x16xf32, #tpu.memory_space<vmem>>
    %dma_start3A_760 = arith.constant 0 : i32
    %dma_start3A_761 = arith.constant 0 : i32
    %dma_start3A_762 = tpu.memref_slice %arg4[%dma_start3A_760, %dma_start3A_761, %multiple_of3A_742] : memref<2x8x1000000xf32, #tpu.memory_space<hbm>> -> memref<2x8x16xf32, #tpu.memory_space<hbm>>
    tpu.enqueue_dma source(%dma_start3A_762 : memref<2x8x16xf32, #tpu.memory_space<hbm>>) target(%dma_start3A_759 : memref<2x8x16xf32, #tpu.memory_space<vmem>>) target_semaphore(%arg13 : memref<!tpu.dma_semaphore, #tpu.memory_space<semaphore_mem>>)
    %dma_start3A_763 = arith.constant 15 : i32
    %dma_start3A_764 = arith.constant 0 : i32
    %dma_start3A_765 = arith.constant 0 : i32
    %dma_start3A_766 = arith.constant 0 : i32
    %dma_start3A_767 = tpu.memref_slice %arg10[%dma_start3A_763, %dma_start3A_764, %dma_start3A_765, %dma_start3A_766] : memref<16x2x8x128xf32, #tpu.memory_space<vmem>> -> memref<1x2x8x16xf32, #tpu.memory_space<vmem>>
    %dma_start3A_768 = tpu.memref_squeeze %dma_start3A_767 : memref<1x2x8x16xf32, #tpu.memory_space<vmem>> -> memref<2x8x16xf32, #tpu.memory_space<vmem>>
    %dma_start3A_769 = arith.constant 0 : i32
    %dma_start3A_770 = arith.constant 0 : i32
    %dma_start3A_771 = tpu.memref_slice %arg5[%dma_start3A_769, %dma_start3A_770, %multiple_of3A_745] : memref<2x8x1000000xf32, #tpu.memory_space<hbm>> -> memref<2x8x16xf32, #tpu.memory_space<hbm>>
    %dma_start3A_772 = arith.constant 0 : i32
    %dma_start3A_773 = arith.constant 0 : i32
    %dma_start3A_774 = arith.constant 0 : i32
    %dma_start3A_775 = tpu.memref_slice %arg10[%dma_start3A_763, %dma_start3A_772, %dma_start3A_773, %dma_start3A_774] : memref<16x2x8x128xf32, #tpu.memory_space<vmem>> -> memref<1x2x8x16xf32, #tpu.memory_space<vmem>>
    %dma_start3A_776 = tpu.memref_squeeze %dma_start3A_775 : memref<1x2x8x16xf32, #tpu.memory_space<vmem>> -> memref<2x8x16xf32, #tpu.memory_space<vmem>>
    %dma_start3A_777 = arith.constant 0 : i32
    %dma_start3A_778 = arith.constant 0 : i32
    %dma_start3A_779 = tpu.memref_slice %arg5[%dma_start3A_777, %dma_start3A_778, %multiple_of3A_745] : memref<2x8x1000000xf32, #tpu.memory_space<hbm>> -> memref<2x8x16xf32, #tpu.memory_space<hbm>>
    tpu.enqueue_dma source(%dma_start3A_779 : memref<2x8x16xf32, #tpu.memory_space<hbm>>) target(%dma_start3A_776 : memref<2x8x16xf32, #tpu.memory_space<vmem>>) target_semaphore(%arg13 : memref<!tpu.dma_semaphore, #tpu.memory_space<semaphore_mem>>)
    %rem3A_780 = arith.constant 8 : i32
    %rem3A_781 = vector.broadcast %rem3A_780 : i32 to vector<16xi32>
    %rem3A_782 = arith.remsi %iota3A, %rem3A_781 : vector<16xi32>
    %lt3A = arith.constant 8 : i32
    %lt3A_783 = vector.broadcast %lt3A : i32 to vector<16xi32>
    %lt3A_784 = arith.cmpi slt, %iota3A, %lt3A_783 : vector<16xi32>
    %scan3A = arith.constant 0 : i32
    %scan3A_785 = arith.constant 0 : i32
    %scan3A_786 = arith.constant 64 : i32
    %scan3A_787 = arith.addi %scan3A_785, %scan3A_786 : i32
    %scan3A_788 = arith.constant 1 : i32
    scf.for %scan3A_790 = %scan3A_785 to %scan3A_787 step %scan3A_788  : i32 {
      %rem3A_791 = arith.constant 2 : i32
      %rem3A_792 = arith.remsi %scan3A_790, %rem3A_791 : i32
      %eq3A = arith.constant 0 : i32
      %eq3A_793 = arith.cmpi eq, %rem3A_792, %eq3A : i32
      %convert_element_type3A = arith.extui %eq3A_793 : i1 to i32
      %cond3A = arith.constant 0 : i32
      %cond3A_794 = arith.cmpi ne, %convert_element_type3A, %cond3A : i32
      scf.if %cond3A_794 {
        %dma_wait3A = arith.constant 0 : i32
        %dma_wait3A_962 = arith.constant 0 : i32
        %dma_wait3A_963 = arith.constant 0 : i32
        %dma_wait3A_964 = arith.constant 0 : i32
        %dma_wait3A_965 = tpu.memref_slice %arg9[%dma_wait3A, %dma_wait3A_962, %dma_wait3A_963, %dma_wait3A_964] : memref<16x2x8x128xf32, #tpu.memory_space<vmem>> -> memref<1x2x8x128xf32, #tpu.memory_space<vmem>>
        %dma_wait3A_966 = tpu.memref_squeeze %dma_wait3A_965 : memref<1x2x8x128xf32, #tpu.memory_space<vmem>> -> memref<2x8x128xf32, #tpu.memory_space<vmem>>
        %dma_wait3A_967 = arith.constant 0 : i32
        %dma_wait3A_968 = arith.constant 0 : i32
        %dma_wait3A_969 = arith.constant 0 : i32
        %dma_wait3A_970 = tpu.memref_slice %arg4[%dma_wait3A_967, %dma_wait3A_968, %dma_wait3A_969] : memref<2x8x1000000xf32, #tpu.memory_space<hbm>> -> memref<2x8x128xf32, #tpu.memory_space<hbm>>
        %dma_wait3A_971 = arith.constant 0 : i32
        %dma_wait3A_972 = arith.constant 0 : i32
        %dma_wait3A_973 = arith.constant 0 : i32
        %dma_wait3A_974 = tpu.memref_slice %arg9[%dma_wait3A, %dma_wait3A_971, %dma_wait3A_972, %dma_wait3A_973] : memref<16x2x8x128xf32, #tpu.memory_space<vmem>> -> memref<1x2x8x128xf32, #tpu.memory_space<vmem>>
        %dma_wait3A_975 = tpu.memref_squeeze %dma_wait3A_974 : memref<1x2x8x128xf32, #tpu.memory_space<vmem>> -> memref<2x8x128xf32, #tpu.memory_space<vmem>>
        %dma_wait3A_976 = arith.constant 0 : i32
        %dma_wait3A_977 = arith.constant 0 : i32
        %dma_wait3A_978 = arith.constant 0 : i32
        %dma_wait3A_979 = tpu.memref_slice %arg4[%dma_wait3A_976, %dma_wait3A_977, %dma_wait3A_978] : memref<2x8x1000000xf32, #tpu.memory_space<hbm>> -> memref<2x8x128xf32, #tpu.memory_space<hbm>>
        tpu.wait_dma2 semaphore(%arg12 : memref<!tpu.dma_semaphore, #tpu.memory_space<semaphore_mem>>) src(%dma_wait3A_979 : memref<2x8x128xf32, #tpu.memory_space<hbm>>) dst(%dma_wait3A_975 : memref<2x8x128xf32, #tpu.memory_space<vmem>>)
        %dma_wait3A_980 = arith.constant 0 : i32
        %dma_wait3A_981 = arith.constant 0 : i32
        %dma_wait3A_982 = arith.constant 0 : i32
        %dma_wait3A_983 = arith.constant 0 : i32
        %dma_wait3A_984 = tpu.memref_slice %arg9[%dma_wait3A_980, %dma_wait3A_981, %dma_wait3A_982, %dma_wait3A_983] : memref<16x2x8x128xf32, #tpu.memory_space<vmem>> -> memref<1x2x8x128xf32, #tpu.memory_space<vmem>>
        %dma_wait3A_985 = tpu.memref_squeeze %dma_wait3A_984 : memref<1x2x8x128xf32, #tpu.memory_space<vmem>> -> memref<2x8x128xf32, #tpu.memory_space<vmem>>
        %dma_wait3A_986 = arith.constant 0 : i32
        %dma_wait3A_987 = arith.constant 0 : i32
        %dma_wait3A_988 = arith.constant 0 : i32
        %dma_wait3A_989 = tpu.memref_slice %arg4[%dma_wait3A_986, %dma_wait3A_987, %dma_wait3A_988] : memref<2x8x1000000xf32, #tpu.memory_space<hbm>> -> memref<2x8x128xf32, #tpu.memory_space<hbm>>
        %dma_wait3A_990 = arith.constant 0 : i32
        %dma_wait3A_991 = arith.constant 0 : i32
        %dma_wait3A_992 = arith.constant 0 : i32
        %dma_wait3A_993 = tpu.memref_slice %arg9[%dma_wait3A_980, %dma_wait3A_990, %dma_wait3A_991, %dma_wait3A_992] : memref<16x2x8x128xf32, #tpu.memory_space<vmem>> -> memref<1x2x8x128xf32, #tpu.memory_space<vmem>>
        %dma_wait3A_994 = tpu.memref_squeeze %dma_wait3A_993 : memref<1x2x8x128xf32, #tpu.memory_space<vmem>> -> memref<2x8x128xf32, #tpu.memory_space<vmem>>
        %dma_wait3A_995 = arith.constant 0 : i32
        %dma_wait3A_996 = arith.constant 0 : i32
        %dma_wait3A_997 = arith.constant 0 : i32
        %dma_wait3A_998 = tpu.memref_slice %arg4[%dma_wait3A_995, %dma_wait3A_996, %dma_wait3A_997] : memref<2x8x1000000xf32, #tpu.memory_space<hbm>> -> memref<2x8x128xf32, #tpu.memory_space<hbm>>
        tpu.wait_dma2 semaphore(%arg12 : memref<!tpu.dma_semaphore, #tpu.memory_space<semaphore_mem>>) src(%dma_wait3A_998 : memref<2x8x128xf32, #tpu.memory_space<hbm>>) dst(%dma_wait3A_994 : memref<2x8x128xf32, #tpu.memory_space<vmem>>)
      } else {
      }
      %eq3A_795 = arith.constant 1 : i32
      %eq3A_796 = arith.cmpi eq, %rem3A_792, %eq3A_795 : i32
      %convert_element_type3A_797 = arith.extui %eq3A_796 : i1 to i32
      %cond3A_798 = arith.constant 0 : i32
      %cond3A_799 = arith.cmpi ne, %convert_element_type3A_797, %cond3A_798 : i32
      scf.if %cond3A_799 {
        %dma_wait3A = arith.constant 0 : i32
        %dma_wait3A_962 = arith.constant 0 : i32
        %dma_wait3A_963 = arith.constant 0 : i32
        %dma_wait3A_964 = arith.constant 0 : i32
        %dma_wait3A_965 = tpu.memref_slice %arg9[%dma_wait3A, %dma_wait3A_962, %dma_wait3A_963, %dma_wait3A_964] : memref<16x2x8x128xf32, #tpu.memory_space<vmem>> -> memref<1x2x8x128xf32, #tpu.memory_space<vmem>>
        %dma_wait3A_966 = tpu.memref_squeeze %dma_wait3A_965 : memref<1x2x8x128xf32, #tpu.memory_space<vmem>> -> memref<2x8x128xf32, #tpu.memory_space<vmem>>
        %dma_wait3A_967 = arith.constant 0 : i32
        %dma_wait3A_968 = arith.constant 0 : i32
        %dma_wait3A_969 = arith.constant 0 : i32
        %dma_wait3A_970 = tpu.memref_slice %arg4[%dma_wait3A_967, %dma_wait3A_968, %dma_wait3A_969] : memref<2x8x1000000xf32, #tpu.memory_space<hbm>> -> memref<2x8x128xf32, #tpu.memory_space<hbm>>
        %dma_wait3A_971 = arith.constant 0 : i32
        %dma_wait3A_972 = arith.constant 0 : i32
        %dma_wait3A_973 = arith.constant 0 : i32
        %dma_wait3A_974 = tpu.memref_slice %arg9[%dma_wait3A, %dma_wait3A_971, %dma_wait3A_972, %dma_wait3A_973] : memref<16x2x8x128xf32, #tpu.memory_space<vmem>> -> memref<1x2x8x128xf32, #tpu.memory_space<vmem>>
        %dma_wait3A_975 = tpu.memref_squeeze %dma_wait3A_974 : memref<1x2x8x128xf32, #tpu.memory_space<vmem>> -> memref<2x8x128xf32, #tpu.memory_space<vmem>>
        %dma_wait3A_976 = arith.constant 0 : i32
        %dma_wait3A_977 = arith.constant 0 : i32
        %dma_wait3A_978 = arith.constant 0 : i32
        %dma_wait3A_979 = tpu.memref_slice %arg4[%dma_wait3A_976, %dma_wait3A_977, %dma_wait3A_978] : memref<2x8x1000000xf32, #tpu.memory_space<hbm>> -> memref<2x8x128xf32, #tpu.memory_space<hbm>>
        tpu.wait_dma2 semaphore(%arg13 : memref<!tpu.dma_semaphore, #tpu.memory_space<semaphore_mem>>) src(%dma_wait3A_979 : memref<2x8x128xf32, #tpu.memory_space<hbm>>) dst(%dma_wait3A_975 : memref<2x8x128xf32, #tpu.memory_space<vmem>>)
        %dma_wait3A_980 = arith.constant 0 : i32
        %dma_wait3A_981 = arith.constant 0 : i32
        %dma_wait3A_982 = arith.constant 0 : i32
        %dma_wait3A_983 = arith.constant 0 : i32
        %dma_wait3A_984 = tpu.memref_slice %arg9[%dma_wait3A_980, %dma_wait3A_981, %dma_wait3A_982, %dma_wait3A_983] : memref<16x2x8x128xf32, #tpu.memory_space<vmem>> -> memref<1x2x8x128xf32, #tpu.memory_space<vmem>>
        %dma_wait3A_985 = tpu.memref_squeeze %dma_wait3A_984 : memref<1x2x8x128xf32, #tpu.memory_space<vmem>> -> memref<2x8x128xf32, #tpu.memory_space<vmem>>
        %dma_wait3A_986 = arith.constant 0 : i32
        %dma_wait3A_987 = arith.constant 0 : i32
        %dma_wait3A_988 = arith.constant 0 : i32
        %dma_wait3A_989 = tpu.memref_slice %arg4[%dma_wait3A_986, %dma_wait3A_987, %dma_wait3A_988] : memref<2x8x1000000xf32, #tpu.memory_space<hbm>> -> memref<2x8x128xf32, #tpu.memory_space<hbm>>
        %dma_wait3A_990 = arith.constant 0 : i32
        %dma_wait3A_991 = arith.constant 0 : i32
        %dma_wait3A_992 = arith.constant 0 : i32
        %dma_wait3A_993 = tpu.memref_slice %arg9[%dma_wait3A_980, %dma_wait3A_990, %dma_wait3A_991, %dma_wait3A_992] : memref<16x2x8x128xf32, #tpu.memory_space<vmem>> -> memref<1x2x8x128xf32, #tpu.memory_space<vmem>>
        %dma_wait3A_994 = tpu.memref_squeeze %dma_wait3A_993 : memref<1x2x8x128xf32, #tpu.memory_space<vmem>> -> memref<2x8x128xf32, #tpu.memory_space<vmem>>
        %dma_wait3A_995 = arith.constant 0 : i32
        %dma_wait3A_996 = arith.constant 0 : i32
        %dma_wait3A_997 = arith.constant 0 : i32
        %dma_wait3A_998 = tpu.memref_slice %arg4[%dma_wait3A_995, %dma_wait3A_996, %dma_wait3A_997] : memref<2x8x1000000xf32, #tpu.memory_space<hbm>> -> memref<2x8x128xf32, #tpu.memory_space<hbm>>
        tpu.wait_dma2 semaphore(%arg13 : memref<!tpu.dma_semaphore, #tpu.memory_space<semaphore_mem>>) src(%dma_wait3A_998 : memref<2x8x128xf32, #tpu.memory_space<hbm>>) dst(%dma_wait3A_994 : memref<2x8x128xf32, #tpu.memory_space<vmem>>)
      } else {
      }
      %mul3A_800 = arith.constant 8 : i32
      %mul3A_801 = arith.muli %scan3A_790, %mul3A_800 : i32
      %get3A_802 = arith.index_cast %mul3A_801 : i32 to index
      %get3A_803 = tpu.vector_load %arg7[%get3A_802] {strides = array<i32>} : memref<528xi32, #tpu.memory_space<vmem>>, vector<16xi32>,
      %mul3A_804 = arith.constant 8 : i32
      %mul3A_805 = arith.muli %scan3A_790, %mul3A_804 : i32
      %get3A_806 = arith.index_cast %mul3A_805 : i32 to index
      %get3A_807 = tpu.vector_load %arg8[%get3A_806] {strides = array<i32>} : memref<528xi32, #tpu.memory_space<vmem>>, vector<16xi32>,
      %rem3A_808 = arith.constant 16 : i32
      %rem3A_809 = vector.broadcast %rem3A_808 : i32 to vector<16xi32>
      %rem3A_810 = arith.remsi %get3A_803, %rem3A_809 : vector<16xi32>
      %rem3A_811 = arith.constant 16 : i32
      %rem3A_812 = vector.broadcast %rem3A_811 : i32 to vector<16xi32>
      %rem3A_813 = arith.remsi %get3A_807, %rem3A_812 : vector<16xi32>
      %broadcast_in_dim3A_814 = arith.constant 0 : i32
      %broadcast_in_dim3A_815 = vector.broadcast %broadcast_in_dim3A_814 : i32 to vector<16xi32>
      %add3A_816 = vector.broadcast %rem3A_792 : i32 to vector<16xi32>
      %add3A_817 = arith.addi %broadcast_in_dim3A_815, %add3A_816 : vector<16xi32>
      %mul3A_818 = arith.constant 8 : i32
      %mul3A_819 = vector.broadcast %mul3A_818 : i32 to vector<16xi32>
      %mul3A_820 = arith.muli %add3A_817, %mul3A_819 : vector<16xi32>
      %add3A_821 = arith.addi %mul3A_820, %rem3A_782 : vector<16xi32>
      %broadcast_in_dim3A_822 = arith.constant 0.000000e+00 : f32
      %broadcast_in_dim3A_823 = vector.broadcast %broadcast_in_dim3A_822 : f32 to vector<16xf32>
      %broadcast_in_dim3A_824 = arith.constant 0 : i32
      %broadcast_in_dim3A_825 = vector.broadcast %broadcast_in_dim3A_824 : i32 to vector<16xi32>
      %broadcast_in_dim3A_826 = arith.constant 0 : i32
      %broadcast_in_dim3A_827 = vector.broadcast %broadcast_in_dim3A_826 : i32 to vector<16xi32>
      %gather3A = tpu.vector_load_idx %arg9[%add3A_821, %broadcast_in_dim3A_825, %broadcast_in_dim3A_827, %rem3A_810] : memref<16x2x8x128xf32, #tpu.memory_space<vmem>>[vector<16xi32>, vector<16xi32>, vector<16xi32>, vector<16xi32>], vector<16xf32>,
      %gather3A_828 = tpu.vector_load_idx %arg10[%add3A_821, %broadcast_in_dim3A_825, %broadcast_in_dim3A_827, %rem3A_813] : memref<16x2x8x128xf32, #tpu.memory_space<vmem>>[vector<16xi32>, vector<16xi32>, vector<16xi32>, vector<16xi32>], vector<16xf32>,
      %mul3A_829 = arith.mulf %gather3A, %gather3A_828 : vector<16xf32>
      %add3A_830 = arith.addf %broadcast_in_dim3A_823, %mul3A_829 : vector<16xf32>
      %broadcast_in_dim3A_831 = arith.constant 0 : i32
      %broadcast_in_dim3A_832 = vector.broadcast %broadcast_in_dim3A_831 : i32 to vector<16xi32>
      %broadcast_in_dim3A_833 = arith.constant 1 : i32
      %broadcast_in_dim3A_834 = vector.broadcast %broadcast_in_dim3A_833 : i32 to vector<16xi32>
      %gather3A_835 = tpu.vector_load_idx %arg9[%add3A_821, %broadcast_in_dim3A_832, %broadcast_in_dim3A_834, %rem3A_810] : memref<16x2x8x128xf32, #tpu.memory_space<vmem>>[vector<16xi32>, vector<16xi32>, vector<16xi32>, vector<16xi32>], vector<16xf32>,
      %gather3A_836 = tpu.vector_load_idx %arg10[%add3A_821, %broadcast_in_dim3A_832, %broadcast_in_dim3A_834, %rem3A_813] : memref<16x2x8x128xf32, #tpu.memory_space<vmem>>[vector<16xi32>, vector<16xi32>, vector<16xi32>, vector<16xi32>], vector<16xf32>,
      %mul3A_837 = arith.mulf %gather3A_835, %gather3A_836 : vector<16xf32>
      %add3A_838 = arith.addf %add3A_830, %mul3A_837 : vector<16xf32>
      %broadcast_in_dim3A_839 = arith.constant 0 : i32
      %broadcast_in_dim3A_840 = vector.broadcast %broadcast_in_dim3A_839 : i32 to vector<16xi32>
      %broadcast_in_dim3A_841 = arith.constant 2 : i32
      %broadcast_in_dim3A_842 = vector.broadcast %broadcast_in_dim3A_841 : i32 to vector<16xi32>
      %gather3A_843 = tpu.vector_load_idx %arg9[%add3A_821, %broadcast_in_dim3A_840, %broadcast_in_dim3A_842, %rem3A_810] : memref<16x2x8x128xf32, #tpu.memory_space<vmem>>[vector<16xi32>, vector<16xi32>, vector<16xi32>, vector<16xi32>], vector<16xf32>,
      %gather3A_844 = tpu.vector_load_idx %arg10[%add3A_821, %broadcast_in_dim3A_840, %broadcast_in_dim3A_842, %rem3A_813] : memref<16x2x8x128xf32, #tpu.memory_space<vmem>>[vector<16xi32>, vector<16xi32>, vector<16xi32>, vector<16xi32>], vector<16xf32>,
      %mul3A_845 = arith.mulf %gather3A_843, %gather3A_844 : vector<16xf32>
      %add3A_846 = arith.addf %add3A_838, %mul3A_845 : vector<16xf32>
      %broadcast_in_dim3A_847 = arith.constant 0 : i32
      %broadcast_in_dim3A_848 = vector.broadcast %broadcast_in_dim3A_847 : i32 to vector<16xi32>
      %broadcast_in_dim3A_849 = arith.constant 3 : i32
      %broadcast_in_dim3A_850 = vector.broadcast %broadcast_in_dim3A_849 : i32 to vector<16xi32>
      %gather3A_851 = tpu.vector_load_idx %arg9[%add3A_821, %broadcast_in_dim3A_848, %broadcast_in_dim3A_850, %rem3A_810] : memref<16x2x8x128xf32, #tpu.memory_space<vmem>>[vector<16xi32>, vector<16xi32>, vector<16xi32>, vector<16xi32>], vector<16xf32>,
      %gather3A_852 = tpu.vector_load_idx %arg10[%add3A_821, %broadcast_in_dim3A_848, %broadcast_in_dim3A_850, %rem3A_813] : memref<16x2x8x128xf32, #tpu.memory_space<vmem>>[vector<16xi32>, vector<16xi32>, vector<16xi32>, vector<16xi32>], vector<16xf32>,
      %mul3A_853 = arith.mulf %gather3A_851, %gather3A_852 : vector<16xf32>
      %add3A_854 = arith.addf %add3A_846, %mul3A_853 : vector<16xf32>
      %broadcast_in_dim3A_855 = arith.constant 0 : i32
      %broadcast_in_dim3A_856 = vector.broadcast %broadcast_in_dim3A_855 : i32 to vector<16xi32>
      %broadcast_in_dim3A_857 = arith.constant 4 : i32
      %broadcast_in_dim3A_858 = vector.broadcast %broadcast_in_dim3A_857 : i32 to vector<16xi32>
      %gather3A_859 = tpu.vector_load_idx %arg9[%add3A_821, %broadcast_in_dim3A_856, %broadcast_in_dim3A_858, %rem3A_810] : memref<16x2x8x128xf32, #tpu.memory_space<vmem>>[vector<16xi32>, vector<16xi32>, vector<16xi32>, vector<16xi32>], vector<16xf32>,
      %gather3A_860 = tpu.vector_load_idx %arg10[%add3A_821, %broadcast_in_dim3A_856, %broadcast_in_dim3A_858, %rem3A_813] : memref<16x2x8x128xf32, #tpu.memory_space<vmem>>[vector<16xi32>, vector<16xi32>, vector<16xi32>, vector<16xi32>], vector<16xf32>,
      %mul3A_861 = arith.mulf %gather3A_859, %gather3A_860 : vector<16xf32>
      %add3A_862 = arith.addf %add3A_854, %mul3A_861 : vector<16xf32>
      %broadcast_in_dim3A_863 = arith.constant 0 : i32
      %broadcast_in_dim3A_864 = vector.broadcast %broadcast_in_dim3A_863 : i32 to vector<16xi32>
      %broadcast_in_dim3A_865 = arith.constant 5 : i32
      %broadcast_in_dim3A_866 = vector.broadcast %broadcast_in_dim3A_865 : i32 to vector<16xi32>
      %gather3A_867 = tpu.vector_load_idx %arg9[%add3A_821, %broadcast_in_dim3A_864, %broadcast_in_dim3A_866, %rem3A_810] : memref<16x2x8x128xf32, #tpu.memory_space<vmem>>[vector<16xi32>, vector<16xi32>, vector<16xi32>, vector<16xi32>], vector<16xf32>,
      %gather3A_868 = tpu.vector_load_idx %arg10[%add3A_821, %broadcast_in_dim3A_864, %broadcast_in_dim3A_866, %rem3A_813] : memref<16x2x8x128xf32, #tpu.memory_space<vmem>>[vector<16xi32>, vector<16xi32>, vector<16xi32>, vector<16xi32>], vector<16xf32>,
      %mul3A_869 = arith.mulf %gather3A_867, %gather3A_868 : vector<16xf32>
      %add3A_870 = arith.addf %add3A_862, %mul3A_869 : vector<16xf32>
      %broadcast_in_dim3A_871 = arith.constant 0 : i32
      %broadcast_in_dim3A_872 = vector.broadcast %broadcast_in_dim3A_871 : i32 to vector<16xi32>
      %broadcast_in_dim3A_873 = arith.constant 6 : i32
      %broadcast_in_dim3A_874 = vector.broadcast %broadcast_in_dim3A_873 : i32 to vector<16xi32>
      %gather3A_875 = tpu.vector_load_idx %arg9[%add3A_821, %broadcast_in_dim3A_872, %broadcast_in_dim3A_874, %rem3A_810] : memref<16x2x8x128xf32, #tpu.memory_space<vmem>>[vector<16xi32>, vector<16xi32>, vector<16xi32>, vector<16xi32>], vector<16xf32>,
      %gather3A_876 = tpu.vector_load_idx %arg10[%add3A_821, %broadcast_in_dim3A_872, %broadcast_in_dim3A_874, %rem3A_813] : memref<16x2x8x128xf32, #tpu.memory_space<vmem>>[vector<16xi32>, vector<16xi32>, vector<16xi32>, vector<16xi32>], vector<16xf32>,
      %mul3A_877 = arith.mulf %gather3A_875, %gather3A_876 : vector<16xf32>
      %add3A_878 = arith.addf %add3A_870, %mul3A_877 : vector<16xf32>
      %broadcast_in_dim3A_879 = arith.constant 0 : i32
      %broadcast_in_dim3A_880 = vector.broadcast %broadcast_in_dim3A_879 : i32 to vector<16xi32>
      %broadcast_in_dim3A_881 = arith.constant 7 : i32
      %broadcast_in_dim3A_882 = vector.broadcast %broadcast_in_dim3A_881 : i32 to vector<16xi32>
      %gather3A_883 = tpu.vector_load_idx %arg9[%add3A_821, %broadcast_in_dim3A_880, %broadcast_in_dim3A_882, %rem3A_810] : memref<16x2x8x128xf32, #tpu.memory_space<vmem>>[vector<16xi32>, vector<16xi32>, vector<16xi32>, vector<16xi32>], vector<16xf32>,
      %gather3A_884 = tpu.vector_load_idx %arg10[%add3A_821, %broadcast_in_dim3A_880, %broadcast_in_dim3A_882, %rem3A_813] : memref<16x2x8x128xf32, #tpu.memory_space<vmem>>[vector<16xi32>, vector<16xi32>, vector<16xi32>, vector<16xi32>], vector<16xf32>,
      %mul3A_885 = arith.mulf %gather3A_883, %gather3A_884 : vector<16xf32>
      %add3A_886 = arith.addf %add3A_878, %mul3A_885 : vector<16xf32>
      %broadcast_in_dim3A_887 = arith.constant 1 : i32
      %broadcast_in_dim3A_888 = vector.broadcast %broadcast_in_dim3A_887 : i32 to vector<16xi32>
      %broadcast_in_dim3A_889 = arith.constant 0 : i32
      %broadcast_in_dim3A_890 = vector.broadcast %broadcast_in_dim3A_889 : i32 to vector<16xi32>
      %gather3A_891 = tpu.vector_load_idx %arg9[%add3A_821, %broadcast_in_dim3A_888, %broadcast_in_dim3A_890, %rem3A_810] : memref<16x2x8x128xf32, #tpu.memory_space<vmem>>[vector<16xi32>, vector<16xi32>, vector<16xi32>, vector<16xi32>], vector<16xf32>,
      %gather3A_892 = tpu.vector_load_idx %arg10[%add3A_821, %broadcast_in_dim3A_888, %broadcast_in_dim3A_890, %rem3A_813] : memref<16x2x8x128xf32, #tpu.memory_space<vmem>>[vector<16xi32>, vector<16xi32>, vector<16xi32>, vector<16xi32>], vector<16xf32>,
      %mul3A_893 = arith.mulf %gather3A_891, %gather3A_892 : vector<16xf32>
      %add3A_894 = arith.addf %add3A_886, %mul3A_893 : vector<16xf32>
      %broadcast_in_dim3A_895 = arith.constant 1 : i32
      %broadcast_in_dim3A_896 = vector.broadcast %broadcast_in_dim3A_895 : i32 to vector<16xi32>
      %broadcast_in_dim3A_897 = arith.constant 1 : i32
      %broadcast_in_dim3A_898 = vector.broadcast %broadcast_in_dim3A_897 : i32 to vector<16xi32>
      %gather3A_899 = tpu.vector_load_idx %arg9[%add3A_821, %broadcast_in_dim3A_896, %broadcast_in_dim3A_898, %rem3A_810] : memref<16x2x8x128xf32, #tpu.memory_space<vmem>>[vector<16xi32>, vector<16xi32>, vector<16xi32>, vector<16xi32>], vector<16xf32>,
      %gather3A_900 = tpu.vector_load_idx %arg10[%add3A_821, %broadcast_in_dim3A_896, %broadcast_in_dim3A_898, %rem3A_813] : memref<16x2x8x128xf32, #tpu.memory_space<vmem>>[vector<16xi32>, vector<16xi32>, vector<16xi32>, vector<16xi32>], vector<16xf32>,
      %mul3A_901 = arith.mulf %gather3A_899, %gather3A_900 : vector<16xf32>
      %add3A_902 = arith.addf %add3A_894, %mul3A_901 : vector<16xf32>
      %broadcast_in_dim3A_903 = arith.constant 1 : i32
      %broadcast_in_dim3A_904 = vector.broadcast %broadcast_in_dim3A_903 : i32 to vector<16xi32>
      %broadcast_in_dim3A_905 = arith.constant 2 : i32
      %broadcast_in_dim3A_906 = vector.broadcast %broadcast_in_dim3A_905 : i32 to vector<16xi32>
      %gather3A_907 = tpu.vector_load_idx %arg9[%add3A_821, %broadcast_in_dim3A_904, %broadcast_in_dim3A_906, %rem3A_810] : memref<16x2x8x128xf32, #tpu.memory_space<vmem>>[vector<16xi32>, vector<16xi32>, vector<16xi32>, vector<16xi32>], vector<16xf32>,
      %gather3A_908 = tpu.vector_load_idx %arg10[%add3A_821, %broadcast_in_dim3A_904, %broadcast_in_dim3A_906, %rem3A_813] : memref<16x2x8x128xf32, #tpu.memory_space<vmem>>[vector<16xi32>, vector<16xi32>, vector<16xi32>, vector<16xi32>], vector<16xf32>,
      %mul3A_909 = arith.mulf %gather3A_907, %gather3A_908 : vector<16xf32>
      %add3A_910 = arith.addf %add3A_902, %mul3A_909 : vector<16xf32>
      %broadcast_in_dim3A_911 = arith.constant 1 : i32
      %broadcast_in_dim3A_912 = vector.broadcast %broadcast_in_dim3A_911 : i32 to vector<16xi32>
      %broadcast_in_dim3A_913 = arith.constant 3 : i32
      %broadcast_in_dim3A_914 = vector.broadcast %broadcast_in_dim3A_913 : i32 to vector<16xi32>
      %gather3A_915 = tpu.vector_load_idx %arg9[%add3A_821, %broadcast_in_dim3A_912, %broadcast_in_dim3A_914, %rem3A_810] : memref<16x2x8x128xf32, #tpu.memory_space<vmem>>[vector<16xi32>, vector<16xi32>, vector<16xi32>, vector<16xi32>], vector<16xf32>,
      %gather3A_916 = tpu.vector_load_idx %arg10[%add3A_821, %broadcast_in_dim3A_912, %broadcast_in_dim3A_914, %rem3A_813] : memref<16x2x8x128xf32, #tpu.memory_space<vmem>>[vector<16xi32>, vector<16xi32>, vector<16xi32>, vector<16xi32>], vector<16xf32>,
      %mul3A_917 = arith.mulf %gather3A_915, %gather3A_916 : vector<16xf32>
      %add3A_918 = arith.addf %add3A_910, %mul3A_917 : vector<16xf32>
      %broadcast_in_dim3A_919 = arith.constant 1 : i32
      %broadcast_in_dim3A_920 = vector.broadcast %broadcast_in_dim3A_919 : i32 to vector<16xi32>
      %broadcast_in_dim3A_921 = arith.constant 4 : i32
      %broadcast_in_dim3A_922 = vector.broadcast %broadcast_in_dim3A_921 : i32 to vector<16xi32>
      %gather3A_923 = tpu.vector_load_idx %arg9[%add3A_821, %broadcast_in_dim3A_920, %broadcast_in_dim3A_922, %rem3A_810] : memref<16x2x8x128xf32, #tpu.memory_space<vmem>>[vector<16xi32>, vector<16xi32>, vector<16xi32>, vector<16xi32>], vector<16xf32>,
      %gather3A_924 = tpu.vector_load_idx %arg10[%add3A_821, %broadcast_in_dim3A_920, %broadcast_in_dim3A_922, %rem3A_813] : memref<16x2x8x128xf32, #tpu.memory_space<vmem>>[vector<16xi32>, vector<16xi32>, vector<16xi32>, vector<16xi32>], vector<16xf32>,
      %mul3A_925 = arith.mulf %gather3A_923, %gather3A_924 : vector<16xf32>
      %add3A_926 = arith.addf %add3A_918, %mul3A_925 : vector<16xf32>
      %broadcast_in_dim3A_927 = arith.constant 1 : i32
      %broadcast_in_dim3A_928 = vector.broadcast %broadcast_in_dim3A_927 : i32 to vector<16xi32>
      %broadcast_in_dim3A_929 = arith.constant 5 : i32
      %broadcast_in_dim3A_930 = vector.broadcast %broadcast_in_dim3A_929 : i32 to vector<16xi32>
      %gather3A_931 = tpu.vector_load_idx %arg9[%add3A_821, %broadcast_in_dim3A_928, %broadcast_in_dim3A_930, %rem3A_810] : memref<16x2x8x128xf32, #tpu.memory_space<vmem>>[vector<16xi32>, vector<16xi32>, vector<16xi32>, vector<16xi32>], vector<16xf32>,
      %gather3A_932 = tpu.vector_load_idx %arg10[%add3A_821, %broadcast_in_dim3A_928, %broadcast_in_dim3A_930, %rem3A_813] : memref<16x2x8x128xf32, #tpu.memory_space<vmem>>[vector<16xi32>, vector<16xi32>, vector<16xi32>, vector<16xi32>], vector<16xf32>,
      %mul3A_933 = arith.mulf %gather3A_931, %gather3A_932 : vector<16xf32>
      %add3A_934 = arith.addf %add3A_926, %mul3A_933 : vector<16xf32>
      %broadcast_in_dim3A_935 = arith.constant 1 : i32
      %broadcast_in_dim3A_936 = vector.broadcast %broadcast_in_dim3A_935 : i32 to vector<16xi32>
      %broadcast_in_dim3A_937 = arith.constant 6 : i32
      %broadcast_in_dim3A_938 = vector.broadcast %broadcast_in_dim3A_937 : i32 to vector<16xi32>
      %gather3A_939 = tpu.vector_load_idx %arg9[%add3A_821, %broadcast_in_dim3A_936, %broadcast_in_dim3A_938, %rem3A_810] : memref<16x2x8x128xf32, #tpu.memory_space<vmem>>[vector<16xi32>, vector<16xi32>, vector<16xi32>, vector<16xi32>], vector<16xf32>,
      %gather3A_940 = tpu.vector_load_idx %arg10[%add3A_821, %broadcast_in_dim3A_936, %broadcast_in_dim3A_938, %rem3A_813] : memref<16x2x8x128xf32, #tpu.memory_space<vmem>>[vector<16xi32>, vector<16xi32>, vector<16xi32>, vector<16xi32>], vector<16xf32>,
      %mul3A_941 = arith.mulf %gather3A_939, %gather3A_940 : vector<16xf32>
      %add3A_942 = arith.addf %add3A_934, %mul3A_941 : vector<16xf32>
      %broadcast_in_dim3A_943 = arith.constant 1 : i32
      %broadcast_in_dim3A_944 = vector.broadcast %broadcast_in_dim3A_943 : i32 to vector<16xi32>
      %broadcast_in_dim3A_945 = arith.constant 7 : i32
      %broadcast_in_dim3A_946 = vector.broadcast %broadcast_in_dim3A_945 : i32 to vector<16xi32>
      %gather3A_947 = tpu.vector_load_idx %arg9[%add3A_821, %broadcast_in_dim3A_944, %broadcast_in_dim3A_946, %rem3A_810] : memref<16x2x8x128xf32, #tpu.memory_space<vmem>>[vector<16xi32>, vector<16xi32>, vector<16xi32>, vector<16xi32>], vector<16xf32>,
      %gather3A_948 = tpu.vector_load_idx %arg10[%add3A_821, %broadcast_in_dim3A_944, %broadcast_in_dim3A_946, %rem3A_813] : memref<16x2x8x128xf32, #tpu.memory_space<vmem>>[vector<16xi32>, vector<16xi32>, vector<16xi32>, vector<16xi32>], vector<16xf32>,
      %mul3A_949 = arith.mulf %gather3A_947, %gather3A_948 : vector<16xf32>
      %add3A_950 = arith.addf %add3A_942, %mul3A_949 : vector<16xf32>
      %mul3A_951 = arith.constant 8 : i32
      %mul3A_952 = arith.muli %scan3A_790, %mul3A_951 : i32
      %swap3A_953 = arith.index_cast %mul3A_952 : i32 to index
      %swap3A_954 = tpu.vector_load %arg11[%swap3A_953] masked %lt3A_784 {strides = array<i32>} : memref<528xf32, #tpu.memory_space<vmem>>, vector<16xf32>, vector<16xi1>
      tpu.vector_store %arg11[%swap3A_953], %add3A_950 masked %lt3A_784 {strides = array<i32>} : memref<528xf32, #tpu.memory_space<vmem>>, vector<16xf32>, vector<16xi1>
      %add3A_955 = arith.constant 2 : i32
      %add3A_956 = arith.addi %scan3A_790, %add3A_955 : i32
      %lt3A_957 = arith.constant 64 : i32
      %lt3A_958 = arith.cmpi slt, %add3A_956, %lt3A_957 : i32
      %convert_element_type3A_959 = arith.extui %lt3A_958 : i1 to i32
      %cond3A_960 = arith.constant 0 : i32
      %cond3A_961 = arith.cmpi ne, %convert_element_type3A_959, %cond3A_960 : i32
      scf.if %cond3A_961 {
        %eq3A_962 = arith.constant 0 : i32
        %eq3A_963 = arith.cmpi eq, %rem3A_792, %eq3A_962 : i32
        %convert_element_type3A_964 = arith.extui %eq3A_963 : i1 to i32
        %cond3A_965 = arith.constant 0 : i32
        %cond3A_966 = arith.cmpi ne, %convert_element_type3A_964, %cond3A_965 : i32
        scf.if %cond3A_966 {
          %add3A_972 = arith.constant 2 : i32
          %add3A_973 = arith.addi %scan3A_790, %add3A_972 : i32
          %mul3A_974 = arith.constant 8 : i32
          %mul3A_975 = arith.muli %add3A_973, %mul3A_974 : i32
          %get3A_976 = arith.index_cast %mul3A_975 : i32 to index
          %get3A_977 = tpu.vector_load %arg7[%get3A_976] {strides = array<i32>} : memref<528xi32, #tpu.memory_space<vmem>>, vector<16xi32>,
          %mul3A_978 = arith.constant 8 : i32
          %mul3A_979 = arith.muli %add3A_973, %mul3A_978 : i32
          %get3A_980 = arith.index_cast %mul3A_979 : i32 to index
          %get3A_981 = tpu.vector_load %arg8[%get3A_980] {strides = array<i32>} : memref<528xi32, #tpu.memory_space<vmem>>, vector<16xi32>,
          %jit3A_982 = arith.constant 16 : i32
          %div3A_983 = vector.broadcast %jit3A_982 : i32 to vector<16xi32>
          %div3A_984 = arith.divsi %get3A_977, %div3A_983 : vector<16xi32>
          %sign3A_985 = arith.constant 0 : i32
          %sign3A_986 = vector.broadcast %sign3A_985 : i32 to vector<16xi32>
          %sign3A_987 = arith.cmpi sgt, %get3A_977, %sign3A_986 : vector<16xi32>
          %sign3A_988 = arith.extui %sign3A_987 : vector<16xi1> to vector<16xi32>
          %sign3A_989 = arith.constant 0 : i32
          %sign3A_990 = vector.broadcast %sign3A_989 : i32 to vector<16xi32>
          %sign3A_991 = arith.cmpi slt, %get3A_977, %sign3A_990 : vector<16xi32>
          %sign3A_992 = arith.extui %sign3A_991 : vector<16xi1> to vector<16xi32>
          %sign3A_993 = arith.subi %sign3A_988, %sign3A_992 : vector<16xi32>
          %sign3A_994 = arith.constant 0 : i32
          %sign3A_995 = arith.cmpi sgt, %jit3A_982, %sign3A_994 : i32
          %sign3A_996 = arith.extui %sign3A_995 : i1 to i32
          %sign3A_997 = arith.constant 0 : i32
          %sign3A_998 = arith.cmpi slt, %jit3A_982, %sign3A_997 : i32
          %sign3A_999 = arith.extui %sign3A_998 : i1 to i32
          %sign3A_1000 = arith.subi %sign3A_996, %sign3A_999 : i32
          %ne3A_1001 = vector.broadcast %sign3A_1000 : i32 to vector<16xi32>
          %ne3A_1002 = arith.cmpi ne, %sign3A_993, %ne3A_1001 : vector<16xi32>
          %rem3A_1003 = vector.broadcast %jit3A_982 : i32 to vector<16xi32>
          %rem3A_1004 = arith.remsi %get3A_977, %rem3A_1003 : vector<16xi32>
          %ne3A_1005 = arith.constant 0 : i32
          %ne3A_1006 = vector.broadcast %ne3A_1005 : i32 to vector<16xi32>
          %ne3A_1007 = arith.cmpi ne, %rem3A_1004, %ne3A_1006 : vector<16xi32>
          %and3A_1008 = arith.andi %ne3A_1002, %ne3A_1007 : vector<16xi1>
          %sub3A_1009 = arith.constant 1 : i32
          %sub3A_1010 = vector.broadcast %sub3A_1009 : i32 to vector<16xi32>
          %sub3A_1011 = arith.subi %div3A_984, %sub3A_1010 : vector<16xi32>
          %select_n3A_1012 = arith.select %and3A_1008, %sub3A_1011, %div3A_984 : vector<16xi1>, vector<16xi32>
          %mul3A_1013 = arith.constant 16 : i32
          %mul3A_1014 = vector.broadcast %mul3A_1013 : i32 to vector<16xi32>
          %mul3A_1015 = arith.muli %select_n3A_1012, %mul3A_1014 : vector<16xi32>
          %jit3A_1016 = arith.constant 16 : i32
          %div3A_1017 = vector.broadcast %jit3A_1016 : i32 to vector<16xi32>
          %div3A_1018 = arith.divsi %get3A_981, %div3A_1017 : vector<16xi32>
          %sign3A_1019 = arith.constant 0 : i32
          %sign3A_1020 = vector.broadcast %sign3A_1019 : i32 to vector<16xi32>
          %sign3A_1021 = arith.cmpi sgt, %get3A_981, %sign3A_1020 : vector<16xi32>
          %sign3A_1022 = arith.extui %sign3A_1021 : vector<16xi1> to vector<16xi32>
          %sign3A_1023 = arith.constant 0 : i32
          %sign3A_1024 = vector.broadcast %sign3A_1023 : i32 to vector<16xi32>
          %sign3A_1025 = arith.cmpi slt, %get3A_981, %sign3A_1024 : vector<16xi32>
          %sign3A_1026 = arith.extui %sign3A_1025 : vector<16xi1> to vector<16xi32>
          %sign3A_1027 = arith.subi %sign3A_1022, %sign3A_1026 : vector<16xi32>
          %sign3A_1028 = arith.constant 0 : i32
          %sign3A_1029 = arith.cmpi sgt, %jit3A_1016, %sign3A_1028 : i32
          %sign3A_1030 = arith.extui %sign3A_1029 : i1 to i32
          %sign3A_1031 = arith.constant 0 : i32
          %sign3A_1032 = arith.cmpi slt, %jit3A_1016, %sign3A_1031 : i32
          %sign3A_1033 = arith.extui %sign3A_1032 : i1 to i32
          %sign3A_1034 = arith.subi %sign3A_1030, %sign3A_1033 : i32
          %ne3A_1035 = vector.broadcast %sign3A_1034 : i32 to vector<16xi32>
          %ne3A_1036 = arith.cmpi ne, %sign3A_1027, %ne3A_1035 : vector<16xi32>
          %rem3A_1037 = vector.broadcast %jit3A_1016 : i32 to vector<16xi32>
          %rem3A_1038 = arith.remsi %get3A_981, %rem3A_1037 : vector<16xi32>
          %ne3A_1039 = arith.constant 0 : i32
          %ne3A_1040 = vector.broadcast %ne3A_1039 : i32 to vector<16xi32>
          %ne3A_1041 = arith.cmpi ne, %rem3A_1038, %ne3A_1040 : vector<16xi32>
          %and3A_1042 = arith.andi %ne3A_1036, %ne3A_1041 : vector<16xi1>
          %sub3A_1043 = arith.constant 1 : i32
          %sub3A_1044 = vector.broadcast %sub3A_1043 : i32 to vector<16xi32>
          %sub3A_1045 = arith.subi %div3A_1018, %sub3A_1044 : vector<16xi32>
          %select_n3A_1046 = arith.select %and3A_1042, %sub3A_1045, %div3A_1018 : vector<16xi1>, vector<16xi32>
          %mul3A_1047 = arith.constant 16 : i32
          %mul3A_1048 = vector.broadcast %mul3A_1047 : i32 to vector<16xi32>
          %mul3A_1049 = arith.muli %select_n3A_1046, %mul3A_1048 : vector<16xi32>
          %slice3A_1050 = vector.extract_strided_slice %mul3A_1015 {offsets = [0], sizes = [1], strides = [1]} : vector<16xi32> to vector<1xi32>
          %squeeze3A_1051 = vector.extract %slice3A_1050[0] : i32 from vector<1xi32>
          %multiple_of3A_1052 = tpu.assume_multiple %squeeze3A_1051, 16 : i32
          %slice3A_1053 = vector.extract_strided_slice %mul3A_1049 {offsets = [0], sizes = [1], strides = [1]} : vector<16xi32> to vector<1xi32>
          %squeeze3A_1054 = vector.extract %slice3A_1053[0] : i32 from vector<1xi32>
          %multiple_of3A_1055 = tpu.assume_multiple %squeeze3A_1054, 16 : i32
          %dma_start3A_1056 = arith.constant 0 : i32
          %dma_start3A_1057 = arith.constant 0 : i32
          %dma_start3A_1058 = arith.constant 0 : i32
          %dma_start3A_1059 = arith.constant 0 : i32
          %dma_start3A_1060 = tpu.memref_slice %arg9[%dma_start3A_1056, %dma_start3A_1057, %dma_start3A_1058, %dma_start3A_1059] : memref<16x2x8x128xf32, #tpu.memory_space<vmem>> -> memref<1x2x8x16xf32, #tpu.memory_space<vmem>>
          %dma_start3A_1061 = tpu.memref_squeeze %dma_start3A_1060 : memref<1x2x8x16xf32, #tpu.memory_space<vmem>> -> memref<2x8x16xf32, #tpu.memory_space<vmem>>
          %dma_start3A_1062 = arith.constant 0 : i32
          %dma_start3A_1063 = arith.constant 0 : i32
          %dma_start3A_1064 = tpu.memref_slice %arg4[%dma_start3A_1062, %dma_start3A_1063, %multiple_of3A_1052] : memref<2x8x1000000xf32, #tpu.memory_space<hbm>> -> memref<2x8x16xf32, #tpu.memory_space<hbm>>
          %dma_start3A_1065 = arith.constant 0 : i32
          %dma_start3A_1066 = arith.constant 0 : i32
          %dma_start3A_1067 = arith.constant 0 : i32
          %dma_start3A_1068 = tpu.memref_slice %arg9[%dma_start3A_1056, %dma_start3A_1065, %dma_start3A_1066, %dma_start3A_1067] : memref<16x2x8x128xf32, #tpu.memory_space<vmem>> -> memref<1x2x8x16xf32, #tpu.memory_space<vmem>>
          %dma_start3A_1069 = tpu.memref_squeeze %dma_start3A_1068 : memref<1x2x8x16xf32, #tpu.memory_space<vmem>> -> memref<2x8x16xf32, #tpu.memory_space<vmem>>
          %dma_start3A_1070 = arith.constant 0 : i32
          %dma_start3A_1071 = arith.constant 0 : i32
          %dma_start3A_1072 = tpu.memref_slice %arg4[%dma_start3A_1070, %dma_start3A_1071, %multiple_of3A_1052] : memref<2x8x1000000xf32, #tpu.memory_space<hbm>> -> memref<2x8x16xf32, #tpu.memory_space<hbm>>
          tpu.enqueue_dma source(%dma_start3A_1072 : memref<2x8x16xf32, #tpu.memory_space<hbm>>) target(%dma_start3A_1069 : memref<2x8x16xf32, #tpu.memory_space<vmem>>) target_semaphore(%arg12 : memref<!tpu.dma_semaphore, #tpu.memory_space<semaphore_mem>>)
          %dma_start3A_1073 = arith.constant 0 : i32
          %dma_start3A_1074 = arith.constant 0 : i32
          %dma_start3A_1075 = arith.constant 0 : i32
          %dma_start3A_1076 = arith.constant 0 : i32
          %dma_start3A_1077 = tpu.memref_slice %arg10[%dma_start3A_1073, %dma_start3A_1074, %dma_start3A_1075, %dma_start3A_1076] : memref<16x2x8x128xf32, #tpu.memory_space<vmem>> -> memref<1x2x8x16xf32, #tpu.memory_space<vmem>>
          %dma_start3A_1078 = tpu.memref_squeeze %dma_start3A_1077 : memref<1x2x8x16xf32, #tpu.memory_space<vmem>> -> memref<2x8x16xf32, #tpu.memory_space<vmem>>
          %dma_start3A_1079 = arith.constant 0 : i32
          %dma_start3A_1080 = arith.constant 0 : i32
          %dma_start3A_1081 = tpu.memref_slice %arg5[%dma_start3A_1079, %dma_start3A_1080, %multiple_of3A_1055] : memref<2x8x1000000xf32, #tpu.memory_space<hbm>> -> memref<2x8x16xf32, #tpu.memory_space<hbm>>
          %dma_start3A_1082 = arith.constant 0 : i32
          %dma_start3A_1083 = arith.constant 0 : i32
          %dma_start3A_1084 = arith.constant 0 : i32
          %dma_start3A_1085 = tpu.memref_slice %arg10[%dma_start3A_1073, %dma_start3A_1082, %dma_start3A_1083, %dma_start3A_1084] : memref<16x2x8x128xf32, #tpu.memory_space<vmem>> -> memref<1x2x8x16xf32, #tpu.memory_space<vmem>>
          %dma_start3A_1086 = tpu.memref_squeeze %dma_start3A_1085 : memref<1x2x8x16xf32, #tpu.memory_space<vmem>> -> memref<2x8x16xf32, #tpu.memory_space<vmem>>
          %dma_start3A_1087 = arith.constant 0 : i32
          %dma_start3A_1088 = arith.constant 0 : i32
          %dma_start3A_1089 = tpu.memref_slice %arg5[%dma_start3A_1087, %dma_start3A_1088, %multiple_of3A_1055] : memref<2x8x1000000xf32, #tpu.memory_space<hbm>> -> memref<2x8x16xf32, #tpu.memory_space<hbm>>
          tpu.enqueue_dma source(%dma_start3A_1089 : memref<2x8x16xf32, #tpu.memory_space<hbm>>) target(%dma_start3A_1086 : memref<2x8x16xf32, #tpu.memory_space<vmem>>) target_semaphore(%arg12 : memref<!tpu.dma_semaphore, #tpu.memory_space<semaphore_mem>>)
          %slice3A_1090 = vector.extract_strided_slice %mul3A_1015 {offsets = [1], sizes = [1], strides = [1]} : vector<16xi32> to vector<1xi32>
          %squeeze3A_1091 = vector.extract %slice3A_1090[0] : i32 from vector<1xi32>
          %multiple_of3A_1092 = tpu.assume_multiple %squeeze3A_1091, 16 : i32
          %slice3A_1093 = vector.extract_strided_slice %mul3A_1049 {offsets = [1], sizes = [1], strides = [1]} : vector<16xi32> to vector<1xi32>
          %squeeze3A_1094 = vector.extract %slice3A_1093[0] : i32 from vector<1xi32>
          %multiple_of3A_1095 = tpu.assume_multiple %squeeze3A_1094, 16 : i32
          %dma_start3A_1096 = arith.constant 1 : i32
          %dma_start3A_1097 = arith.constant 0 : i32
          %dma_start3A_1098 = arith.constant 0 : i32
          %dma_start3A_1099 = arith.constant 0 : i32
          %dma_start3A_1100 = tpu.memref_slice %arg9[%dma_start3A_1096, %dma_start3A_1097, %dma_start3A_1098, %dma_start3A_1099] : memref<16x2x8x128xf32, #tpu.memory_space<vmem>> -> memref<1x2x8x16xf32, #tpu.memory_space<vmem>>
          %dma_start3A_1101 = tpu.memref_squeeze %dma_start3A_1100 : memref<1x2x8x16xf32, #tpu.memory_space<vmem>> -> memref<2x8x16xf32, #tpu.memory_space<vmem>>
          %dma_start3A_1102 = arith.constant 0 : i32
          %dma_start3A_1103 = arith.constant 0 : i32
          %dma_start3A_1104 = tpu.memref_slice %arg4[%dma_start3A_1102, %dma_start3A_1103, %multiple_of3A_1092] : memref<2x8x1000000xf32, #tpu.memory_space<hbm>> -> memref<2x8x16xf32, #tpu.memory_space<hbm>>
          %dma_start3A_1105 = arith.constant 0 : i32
          %dma_start3A_1106 = arith.constant 0 : i32
          %dma_start3A_1107 = arith.constant 0 : i32
          %dma_start3A_1108 = tpu.memref_slice %arg9[%dma_start3A_1096, %dma_start3A_1105, %dma_start3A_1106, %dma_start3A_1107] : memref<16x2x8x128xf32, #tpu.memory_space<vmem>> -> memref<1x2x8x16xf32, #tpu.memory_space<vmem>>
          %dma_start3A_1109 = tpu.memref_squeeze %dma_start3A_1108 : memref<1x2x8x16xf32, #tpu.memory_space<vmem>> -> memref<2x8x16xf32, #tpu.memory_space<vmem>>
          %dma_start3A_1110 = arith.constant 0 : i32
          %dma_start3A_1111 = arith.constant 0 : i32
          %dma_start3A_1112 = tpu.memref_slice %arg4[%dma_start3A_1110, %dma_start3A_1111, %multiple_of3A_1092] : memref<2x8x1000000xf32, #tpu.memory_space<hbm>> -> memref<2x8x16xf32, #tpu.memory_space<hbm>>
          tpu.enqueue_dma source(%dma_start3A_1112 : memref<2x8x16xf32, #tpu.memory_space<hbm>>) target(%dma_start3A_1109 : memref<2x8x16xf32, #tpu.memory_space<vmem>>) target_semaphore(%arg12 : memref<!tpu.dma_semaphore, #tpu.memory_space<semaphore_mem>>)
          %dma_start3A_1113 = arith.constant 1 : i32
          %dma_start3A_1114 = arith.constant 0 : i32
          %dma_start3A_1115 = arith.constant 0 : i32
          %dma_start3A_1116 = arith.constant 0 : i32
          %dma_start3A_1117 = tpu.memref_slice %arg10[%dma_start3A_1113, %dma_start3A_1114, %dma_start3A_1115, %dma_start3A_1116] : memref<16x2x8x128xf32, #tpu.memory_space<vmem>> -> memref<1x2x8x16xf32, #tpu.memory_space<vmem>>
          %dma_start3A_1118 = tpu.memref_squeeze %dma_start3A_1117 : memref<1x2x8x16xf32, #tpu.memory_space<vmem>> -> memref<2x8x16xf32, #tpu.memory_space<vmem>>
          %dma_start3A_1119 = arith.constant 0 : i32
          %dma_start3A_1120 = arith.constant 0 : i32
          %dma_start3A_1121 = tpu.memref_slice %arg5[%dma_start3A_1119, %dma_start3A_1120, %multiple_of3A_1095] : memref<2x8x1000000xf32, #tpu.memory_space<hbm>> -> memref<2x8x16xf32, #tpu.memory_space<hbm>>
          %dma_start3A_1122 = arith.constant 0 : i32
          %dma_start3A_1123 = arith.constant 0 : i32
          %dma_start3A_1124 = arith.constant 0 : i32
          %dma_start3A_1125 = tpu.memref_slice %arg10[%dma_start3A_1113, %dma_start3A_1122, %dma_start3A_1123, %dma_start3A_1124] : memref<16x2x8x128xf32, #tpu.memory_space<vmem>> -> memref<1x2x8x16xf32, #tpu.memory_space<vmem>>
          %dma_start3A_1126 = tpu.memref_squeeze %dma_start3A_1125 : memref<1x2x8x16xf32, #tpu.memory_space<vmem>> -> memref<2x8x16xf32, #tpu.memory_space<vmem>>
          %dma_start3A_1127 = arith.constant 0 : i32
          %dma_start3A_1128 = arith.constant 0 : i32
          %dma_start3A_1129 = tpu.memref_slice %arg5[%dma_start3A_1127, %dma_start3A_1128, %multiple_of3A_1095] : memref<2x8x1000000xf32, #tpu.memory_space<hbm>> -> memref<2x8x16xf32, #tpu.memory_space<hbm>>
          tpu.enqueue_dma source(%dma_start3A_1129 : memref<2x8x16xf32, #tpu.memory_space<hbm>>) target(%dma_start3A_1126 : memref<2x8x16xf32, #tpu.memory_space<vmem>>) target_semaphore(%arg12 : memref<!tpu.dma_semaphore, #tpu.memory_space<semaphore_mem>>)
          %slice3A_1130 = vector.extract_strided_slice %mul3A_1015 {offsets = [2], sizes = [1], strides = [1]} : vector<16xi32> to vector<1xi32>
          %squeeze3A_1131 = vector.extract %slice3A_1130[0] : i32 from vector<1xi32>
          %multiple_of3A_1132 = tpu.assume_multiple %squeeze3A_1131, 16 : i32
          %slice3A_1133 = vector.extract_strided_slice %mul3A_1049 {offsets = [2], sizes = [1], strides = [1]} : vector<16xi32> to vector<1xi32>
          %squeeze3A_1134 = vector.extract %slice3A_1133[0] : i32 from vector<1xi32>
          %multiple_of3A_1135 = tpu.assume_multiple %squeeze3A_1134, 16 : i32
          %dma_start3A_1136 = arith.constant 2 : i32
          %dma_start3A_1137 = arith.constant 0 : i32
          %dma_start3A_1138 = arith.constant 0 : i32
          %dma_start3A_1139 = arith.constant 0 : i32
          %dma_start3A_1140 = tpu.memref_slice %arg9[%dma_start3A_1136, %dma_start3A_1137, %dma_start3A_1138, %dma_start3A_1139] : memref<16x2x8x128xf32, #tpu.memory_space<vmem>> -> memref<1x2x8x16xf32, #tpu.memory_space<vmem>>
          %dma_start3A_1141 = tpu.memref_squeeze %dma_start3A_1140 : memref<1x2x8x16xf32, #tpu.memory_space<vmem>> -> memref<2x8x16xf32, #tpu.memory_space<vmem>>
          %dma_start3A_1142 = arith.constant 0 : i32
          %dma_start3A_1143 = arith.constant 0 : i32
          %dma_start3A_1144 = tpu.memref_slice %arg4[%dma_start3A_1142, %dma_start3A_1143, %multiple_of3A_1132] : memref<2x8x1000000xf32, #tpu.memory_space<hbm>> -> memref<2x8x16xf32, #tpu.memory_space<hbm>>
          %dma_start3A_1145 = arith.constant 0 : i32
          %dma_start3A_1146 = arith.constant 0 : i32
          %dma_start3A_1147 = arith.constant 0 : i32
          %dma_start3A_1148 = tpu.memref_slice %arg9[%dma_start3A_1136, %dma_start3A_1145, %dma_start3A_1146, %dma_start3A_1147] : memref<16x2x8x128xf32, #tpu.memory_space<vmem>> -> memref<1x2x8x16xf32, #tpu.memory_space<vmem>>
          %dma_start3A_1149 = tpu.memref_squeeze %dma_start3A_1148 : memref<1x2x8x16xf32, #tpu.memory_space<vmem>> -> memref<2x8x16xf32, #tpu.memory_space<vmem>>
          %dma_start3A_1150 = arith.constant 0 : i32
          %dma_start3A_1151 = arith.constant 0 : i32
          %dma_start3A_1152 = tpu.memref_slice %arg4[%dma_start3A_1150, %dma_start3A_1151, %multiple_of3A_1132] : memref<2x8x1000000xf32, #tpu.memory_space<hbm>> -> memref<2x8x16xf32, #tpu.memory_space<hbm>>
          tpu.enqueue_dma source(%dma_start3A_1152 : memref<2x8x16xf32, #tpu.memory_space<hbm>>) target(%dma_start3A_1149 : memref<2x8x16xf32, #tpu.memory_space<vmem>>) target_semaphore(%arg12 : memref<!tpu.dma_semaphore, #tpu.memory_space<semaphore_mem>>)
          %dma_start3A_1153 = arith.constant 2 : i32
          %dma_start3A_1154 = arith.constant 0 : i32
          %dma_start3A_1155 = arith.constant 0 : i32
          %dma_start3A_1156 = arith.constant 0 : i32
          %dma_start3A_1157 = tpu.memref_slice %arg10[%dma_start3A_1153, %dma_start3A_1154, %dma_start3A_1155, %dma_start3A_1156] : memref<16x2x8x128xf32, #tpu.memory_space<vmem>> -> memref<1x2x8x16xf32, #tpu.memory_space<vmem>>
          %dma_start3A_1158 = tpu.memref_squeeze %dma_start3A_1157 : memref<1x2x8x16xf32, #tpu.memory_space<vmem>> -> memref<2x8x16xf32, #tpu.memory_space<vmem>>
          %dma_start3A_1159 = arith.constant 0 : i32
          %dma_start3A_1160 = arith.constant 0 : i32
          %dma_start3A_1161 = tpu.memref_slice %arg5[%dma_start3A_1159, %dma_start3A_1160, %multiple_of3A_1135] : memref<2x8x1000000xf32, #tpu.memory_space<hbm>> -> memref<2x8x16xf32, #tpu.memory_space<hbm>>
          %dma_start3A_1162 = arith.constant 0 : i32
          %dma_start3A_1163 = arith.constant 0 : i32
          %dma_start3A_1164 = arith.constant 0 : i32
          %dma_start3A_1165 = tpu.memref_slice %arg10[%dma_start3A_1153, %dma_start3A_1162, %dma_start3A_1163, %dma_start3A_1164] : memref<16x2x8x128xf32, #tpu.memory_space<vmem>> -> memref<1x2x8x16xf32, #tpu.memory_space<vmem>>
          %dma_start3A_1166 = tpu.memref_squeeze %dma_start3A_1165 : memref<1x2x8x16xf32, #tpu.memory_space<vmem>> -> memref<2x8x16xf32, #tpu.memory_space<vmem>>
          %dma_start3A_1167 = arith.constant 0 : i32
          %dma_start3A_1168 = arith.constant 0 : i32
          %dma_start3A_1169 = tpu.memref_slice %arg5[%dma_start3A_1167, %dma_start3A_1168, %multiple_of3A_1135] : memref<2x8x1000000xf32, #tpu.memory_space<hbm>> -> memref<2x8x16xf32, #tpu.memory_space<hbm>>
          tpu.enqueue_dma source(%dma_start3A_1169 : memref<2x8x16xf32, #tpu.memory_space<hbm>>) target(%dma_start3A_1166 : memref<2x8x16xf32, #tpu.memory_space<vmem>>) target_semaphore(%arg12 : memref<!tpu.dma_semaphore, #tpu.memory_space<semaphore_mem>>)
          %slice3A_1170 = vector.extract_strided_slice %mul3A_1015 {offsets = [3], sizes = [1], strides = [1]} : vector<16xi32> to vector<1xi32>
          %squeeze3A_1171 = vector.extract %slice3A_1170[0] : i32 from vector<1xi32>
          %multiple_of3A_1172 = tpu.assume_multiple %squeeze3A_1171, 16 : i32
          %slice3A_1173 = vector.extract_strided_slice %mul3A_1049 {offsets = [3], sizes = [1], strides = [1]} : vector<16xi32> to vector<1xi32>
          %squeeze3A_1174 = vector.extract %slice3A_1173[0] : i32 from vector<1xi32>
          %multiple_of3A_1175 = tpu.assume_multiple %squeeze3A_1174, 16 : i32
          %dma_start3A_1176 = arith.constant 3 : i32
          %dma_start3A_1177 = arith.constant 0 : i32
          %dma_start3A_1178 = arith.constant 0 : i32
          %dma_start3A_1179 = arith.constant 0 : i32
          %dma_start3A_1180 = tpu.memref_slice %arg9[%dma_start3A_1176, %dma_start3A_1177, %dma_start3A_1178, %dma_start3A_1179] : memref<16x2x8x128xf32, #tpu.memory_space<vmem>> -> memref<1x2x8x16xf32, #tpu.memory_space<vmem>>
          %dma_start3A_1181 = tpu.memref_squeeze %dma_start3A_1180 : memref<1x2x8x16xf32, #tpu.memory_space<vmem>> -> memref<2x8x16xf32, #tpu.memory_space<vmem>>
          %dma_start3A_1182 = arith.constant 0 : i32
          %dma_start3A_1183 = arith.constant 0 : i32
          %dma_start3A_1184 = tpu.memref_slice %arg4[%dma_start3A_1182, %dma_start3A_1183, %multiple_of3A_1172] : memref<2x8x1000000xf32, #tpu.memory_space<hbm>> -> memref<2x8x16xf32, #tpu.memory_space<hbm>>
          %dma_start3A_1185 = arith.constant 0 : i32
          %dma_start3A_1186 = arith.constant 0 : i32
          %dma_start3A_1187 = arith.constant 0 : i32
          %dma_start3A_1188 = tpu.memref_slice %arg9[%dma_start3A_1176, %dma_start3A_1185, %dma_start3A_1186, %dma_start3A_1187] : memref<16x2x8x128xf32, #tpu.memory_space<vmem>> -> memref<1x2x8x16xf32, #tpu.memory_space<vmem>>
          %dma_start3A_1189 = tpu.memref_squeeze %dma_start3A_1188 : memref<1x2x8x16xf32, #tpu.memory_space<vmem>> -> memref<2x8x16xf32, #tpu.memory_space<vmem>>
          %dma_start3A_1190 = arith.constant 0 : i32
          %dma_start3A_1191 = arith.constant 0 : i32
          %dma_start3A_1192 = tpu.memref_slice %arg4[%dma_start3A_1190, %dma_start3A_1191, %multiple_of3A_1172] : memref<2x8x1000000xf32, #tpu.memory_space<hbm>> -> memref<2x8x16xf32, #tpu.memory_space<hbm>>
          tpu.enqueue_dma source(%dma_start3A_1192 : memref<2x8x16xf32, #tpu.memory_space<hbm>>) target(%dma_start3A_1189 : memref<2x8x16xf32, #tpu.memory_space<vmem>>) target_semaphore(%arg12 : memref<!tpu.dma_semaphore, #tpu.memory_space<semaphore_mem>>)
          %dma_start3A_1193 = arith.constant 3 : i32
          %dma_start3A_1194 = arith.constant 0 : i32
          %dma_start3A_1195 = arith.constant 0 : i32
          %dma_start3A_1196 = arith.constant 0 : i32
          %dma_start3A_1197 = tpu.memref_slice %arg10[%dma_start3A_1193, %dma_start3A_1194, %dma_start3A_1195, %dma_start3A_1196] : memref<16x2x8x128xf32, #tpu.memory_space<vmem>> -> memref<1x2x8x16xf32, #tpu.memory_space<vmem>>
          %dma_start3A_1198 = tpu.memref_squeeze %dma_start3A_1197 : memref<1x2x8x16xf32, #tpu.memory_space<vmem>> -> memref<2x8x16xf32, #tpu.memory_space<vmem>>
          %dma_start3A_1199 = arith.constant 0 : i32
          %dma_start3A_1200 = arith.constant 0 : i32
          %dma_start3A_1201 = tpu.memref_slice %arg5[%dma_start3A_1199, %dma_start3A_1200, %multiple_of3A_1175] : memref<2x8x1000000xf32, #tpu.memory_space<hbm>> -> memref<2x8x16xf32, #tpu.memory_space<hbm>>
          %dma_start3A_1202 = arith.constant 0 : i32
          %dma_start3A_1203 = arith.constant 0 : i32
          %dma_start3A_1204 = arith.constant 0 : i32
          %dma_start3A_1205 = tpu.memref_slice %arg10[%dma_start3A_1193, %dma_start3A_1202, %dma_start3A_1203, %dma_start3A_1204] : memref<16x2x8x128xf32, #tpu.memory_space<vmem>> -> memref<1x2x8x16xf32, #tpu.memory_space<vmem>>
          %dma_start3A_1206 = tpu.memref_squeeze %dma_start3A_1205 : memref<1x2x8x16xf32, #tpu.memory_space<vmem>> -> memref<2x8x16xf32, #tpu.memory_space<vmem>>
          %dma_start3A_1207 = arith.constant 0 : i32
          %dma_start3A_1208 = arith.constant 0 : i32
          %dma_start3A_1209 = tpu.memref_slice %arg5[%dma_start3A_1207, %dma_start3A_1208, %multiple_of3A_1175] : memref<2x8x1000000xf32, #tpu.memory_space<hbm>> -> memref<2x8x16xf32, #tpu.memory_space<hbm>>
          tpu.enqueue_dma source(%dma_start3A_1209 : memref<2x8x16xf32, #tpu.memory_space<hbm>>) target(%dma_start3A_1206 : memref<2x8x16xf32, #tpu.memory_space<vmem>>) target_semaphore(%arg12 : memref<!tpu.dma_semaphore, #tpu.memory_space<semaphore_mem>>)
          %slice3A_1210 = vector.extract_strided_slice %mul3A_1015 {offsets = [4], sizes = [1], strides = [1]} : vector<16xi32> to vector<1xi32>
          %squeeze3A_1211 = vector.extract %slice3A_1210[0] : i32 from vector<1xi32>
          %multiple_of3A_1212 = tpu.assume_multiple %squeeze3A_1211, 16 : i32
          %slice3A_1213 = vector.extract_strided_slice %mul3A_1049 {offsets = [4], sizes = [1], strides = [1]} : vector<16xi32> to vector<1xi32>
          %squeeze3A_1214 = vector.extract %slice3A_1213[0] : i32 from vector<1xi32>
          %multiple_of3A_1215 = tpu.assume_multiple %squeeze3A_1214, 16 : i32
          %dma_start3A_1216 = arith.constant 4 : i32
          %dma_start3A_1217 = arith.constant 0 : i32
          %dma_start3A_1218 = arith.constant 0 : i32
          %dma_start3A_1219 = arith.constant 0 : i32
          %dma_start3A_1220 = tpu.memref_slice %arg9[%dma_start3A_1216, %dma_start3A_1217, %dma_start3A_1218, %dma_start3A_1219] : memref<16x2x8x128xf32, #tpu.memory_space<vmem>> -> memref<1x2x8x16xf32, #tpu.memory_space<vmem>>
          %dma_start3A_1221 = tpu.memref_squeeze %dma_start3A_1220 : memref<1x2x8x16xf32, #tpu.memory_space<vmem>> -> memref<2x8x16xf32, #tpu.memory_space<vmem>>
          %dma_start3A_1222 = arith.constant 0 : i32
          %dma_start3A_1223 = arith.constant 0 : i32
          %dma_start3A_1224 = tpu.memref_slice %arg4[%dma_start3A_1222, %dma_start3A_1223, %multiple_of3A_1212] : memref<2x8x1000000xf32, #tpu.memory_space<hbm>> -> memref<2x8x16xf32, #tpu.memory_space<hbm>>
          %dma_start3A_1225 = arith.constant 0 : i32
          %dma_start3A_1226 = arith.constant 0 : i32
          %dma_start3A_1227 = arith.constant 0 : i32
          %dma_start3A_1228 = tpu.memref_slice %arg9[%dma_start3A_1216, %dma_start3A_1225, %dma_start3A_1226, %dma_start3A_1227] : memref<16x2x8x128xf32, #tpu.memory_space<vmem>> -> memref<1x2x8x16xf32, #tpu.memory_space<vmem>>
          %dma_start3A_1229 = tpu.memref_squeeze %dma_start3A_1228 : memref<1x2x8x16xf32, #tpu.memory_space<vmem>> -> memref<2x8x16xf32, #tpu.memory_space<vmem>>
          %dma_start3A_1230 = arith.constant 0 : i32
          %dma_start3A_1231 = arith.constant 0 : i32
          %dma_start3A_1232 = tpu.memref_slice %arg4[%dma_start3A_1230, %dma_start3A_1231, %multiple_of3A_1212] : memref<2x8x1000000xf32, #tpu.memory_space<hbm>> -> memref<2x8x16xf32, #tpu.memory_space<hbm>>
          tpu.enqueue_dma source(%dma_start3A_1232 : memref<2x8x16xf32, #tpu.memory_space<hbm>>) target(%dma_start3A_1229 : memref<2x8x16xf32, #tpu.memory_space<vmem>>) target_semaphore(%arg12 : memref<!tpu.dma_semaphore, #tpu.memory_space<semaphore_mem>>)
          %dma_start3A_1233 = arith.constant 4 : i32
          %dma_start3A_1234 = arith.constant 0 : i32
          %dma_start3A_1235 = arith.constant 0 : i32
          %dma_start3A_1236 = arith.constant 0 : i32
          %dma_start3A_1237 = tpu.memref_slice %arg10[%dma_start3A_1233, %dma_start3A_1234, %dma_start3A_1235, %dma_start3A_1236] : memref<16x2x8x128xf32, #tpu.memory_space<vmem>> -> memref<1x2x8x16xf32, #tpu.memory_space<vmem>>
          %dma_start3A_1238 = tpu.memref_squeeze %dma_start3A_1237 : memref<1x2x8x16xf32, #tpu.memory_space<vmem>> -> memref<2x8x16xf32, #tpu.memory_space<vmem>>
          %dma_start3A_1239 = arith.constant 0 : i32
          %dma_start3A_1240 = arith.constant 0 : i32
          %dma_start3A_1241 = tpu.memref_slice %arg5[%dma_start3A_1239, %dma_start3A_1240, %multiple_of3A_1215] : memref<2x8x1000000xf32, #tpu.memory_space<hbm>> -> memref<2x8x16xf32, #tpu.memory_space<hbm>>
          %dma_start3A_1242 = arith.constant 0 : i32
          %dma_start3A_1243 = arith.constant 0 : i32
          %dma_start3A_1244 = arith.constant 0 : i32
          %dma_start3A_1245 = tpu.memref_slice %arg10[%dma_start3A_1233, %dma_start3A_1242, %dma_start3A_1243, %dma_start3A_1244] : memref<16x2x8x128xf32, #tpu.memory_space<vmem>> -> memref<1x2x8x16xf32, #tpu.memory_space<vmem>>
          %dma_start3A_1246 = tpu.memref_squeeze %dma_start3A_1245 : memref<1x2x8x16xf32, #tpu.memory_space<vmem>> -> memref<2x8x16xf32, #tpu.memory_space<vmem>>
          %dma_start3A_1247 = arith.constant 0 : i32
          %dma_start3A_1248 = arith.constant 0 : i32
          %dma_start3A_1249 = tpu.memref_slice %arg5[%dma_start3A_1247, %dma_start3A_1248, %multiple_of3A_1215] : memref<2x8x1000000xf32, #tpu.memory_space<hbm>> -> memref<2x8x16xf32, #tpu.memory_space<hbm>>
          tpu.enqueue_dma source(%dma_start3A_1249 : memref<2x8x16xf32, #tpu.memory_space<hbm>>) target(%dma_start3A_1246 : memref<2x8x16xf32, #tpu.memory_space<vmem>>) target_semaphore(%arg12 : memref<!tpu.dma_semaphore, #tpu.memory_space<semaphore_mem>>)
          %slice3A_1250 = vector.extract_strided_slice %mul3A_1015 {offsets = [5], sizes = [1], strides = [1]} : vector<16xi32> to vector<1xi32>
          %squeeze3A_1251 = vector.extract %slice3A_1250[0] : i32 from vector<1xi32>
          %multiple_of3A_1252 = tpu.assume_multiple %squeeze3A_1251, 16 : i32
          %slice3A_1253 = vector.extract_strided_slice %mul3A_1049 {offsets = [5], sizes = [1], strides = [1]} : vector<16xi32> to vector<1xi32>
          %squeeze3A_1254 = vector.extract %slice3A_1253[0] : i32 from vector<1xi32>
          %multiple_of3A_1255 = tpu.assume_multiple %squeeze3A_1254, 16 : i32
          %dma_start3A_1256 = arith.constant 5 : i32
          %dma_start3A_1257 = arith.constant 0 : i32
          %dma_start3A_1258 = arith.constant 0 : i32
          %dma_start3A_1259 = arith.constant 0 : i32
          %dma_start3A_1260 = tpu.memref_slice %arg9[%dma_start3A_1256, %dma_start3A_1257, %dma_start3A_1258, %dma_start3A_1259] : memref<16x2x8x128xf32, #tpu.memory_space<vmem>> -> memref<1x2x8x16xf32, #tpu.memory_space<vmem>>
          %dma_start3A_1261 = tpu.memref_squeeze %dma_start3A_1260 : memref<1x2x8x16xf32, #tpu.memory_space<vmem>> -> memref<2x8x16xf32, #tpu.memory_space<vmem>>
          %dma_start3A_1262 = arith.constant 0 : i32
          %dma_start3A_1263 = arith.constant 0 : i32
          %dma_start3A_1264 = tpu.memref_slice %arg4[%dma_start3A_1262, %dma_start3A_1263, %multiple_of3A_1252] : memref<2x8x1000000xf32, #tpu.memory_space<hbm>> -> memref<2x8x16xf32, #tpu.memory_space<hbm>>
          %dma_start3A_1265 = arith.constant 0 : i32
          %dma_start3A_1266 = arith.constant 0 : i32
          %dma_start3A_1267 = arith.constant 0 : i32
          %dma_start3A_1268 = tpu.memref_slice %arg9[%dma_start3A_1256, %dma_start3A_1265, %dma_start3A_1266, %dma_start3A_1267] : memref<16x2x8x128xf32, #tpu.memory_space<vmem>> -> memref<1x2x8x16xf32, #tpu.memory_space<vmem>>
          %dma_start3A_1269 = tpu.memref_squeeze %dma_start3A_1268 : memref<1x2x8x16xf32, #tpu.memory_space<vmem>> -> memref<2x8x16xf32, #tpu.memory_space<vmem>>
          %dma_start3A_1270 = arith.constant 0 : i32
          %dma_start3A_1271 = arith.constant 0 : i32
          %dma_start3A_1272 = tpu.memref_slice %arg4[%dma_start3A_1270, %dma_start3A_1271, %multiple_of3A_1252] : memref<2x8x1000000xf32, #tpu.memory_space<hbm>> -> memref<2x8x16xf32, #tpu.memory_space<hbm>>
          tpu.enqueue_dma source(%dma_start3A_1272 : memref<2x8x16xf32, #tpu.memory_space<hbm>>) target(%dma_start3A_1269 : memref<2x8x16xf32, #tpu.memory_space<vmem>>) target_semaphore(%arg12 : memref<!tpu.dma_semaphore, #tpu.memory_space<semaphore_mem>>)
          %dma_start3A_1273 = arith.constant 5 : i32
          %dma_start3A_1274 = arith.constant 0 : i32
          %dma_start3A_1275 = arith.constant 0 : i32
          %dma_start3A_1276 = arith.constant 0 : i32
          %dma_start3A_1277 = tpu.memref_slice %arg10[%dma_start3A_1273, %dma_start3A_1274, %dma_start3A_1275, %dma_start3A_1276] : memref<16x2x8x128xf32, #tpu.memory_space<vmem>> -> memref<1x2x8x16xf32, #tpu.memory_space<vmem>>
          %dma_start3A_1278 = tpu.memref_squeeze %dma_start3A_1277 : memref<1x2x8x16xf32, #tpu.memory_space<vmem>> -> memref<2x8x16xf32, #tpu.memory_space<vmem>>
          %dma_start3A_1279 = arith.constant 0 : i32
          %dma_start3A_1280 = arith.constant 0 : i32
          %dma_start3A_1281 = tpu.memref_slice %arg5[%dma_start3A_1279, %dma_start3A_1280, %multiple_of3A_1255] : memref<2x8x1000000xf32, #tpu.memory_space<hbm>> -> memref<2x8x16xf32, #tpu.memory_space<hbm>>
          %dma_start3A_1282 = arith.constant 0 : i32
          %dma_start3A_1283 = arith.constant 0 : i32
          %dma_start3A_1284 = arith.constant 0 : i32
          %dma_start3A_1285 = tpu.memref_slice %arg10[%dma_start3A_1273, %dma_start3A_1282, %dma_start3A_1283, %dma_start3A_1284] : memref<16x2x8x128xf32, #tpu.memory_space<vmem>> -> memref<1x2x8x16xf32, #tpu.memory_space<vmem>>
          %dma_start3A_1286 = tpu.memref_squeeze %dma_start3A_1285 : memref<1x2x8x16xf32, #tpu.memory_space<vmem>> -> memref<2x8x16xf32, #tpu.memory_space<vmem>>
          %dma_start3A_1287 = arith.constant 0 : i32
          %dma_start3A_1288 = arith.constant 0 : i32
          %dma_start3A_1289 = tpu.memref_slice %arg5[%dma_start3A_1287, %dma_start3A_1288, %multiple_of3A_1255] : memref<2x8x1000000xf32, #tpu.memory_space<hbm>> -> memref<2x8x16xf32, #tpu.memory_space<hbm>>
          tpu.enqueue_dma source(%dma_start3A_1289 : memref<2x8x16xf32, #tpu.memory_space<hbm>>) target(%dma_start3A_1286 : memref<2x8x16xf32, #tpu.memory_space<vmem>>) target_semaphore(%arg12 : memref<!tpu.dma_semaphore, #tpu.memory_space<semaphore_mem>>)
          %slice3A_1290 = vector.extract_strided_slice %mul3A_1015 {offsets = [6], sizes = [1], strides = [1]} : vector<16xi32> to vector<1xi32>
          %squeeze3A_1291 = vector.extract %slice3A_1290[0] : i32 from vector<1xi32>
          %multiple_of3A_1292 = tpu.assume_multiple %squeeze3A_1291, 16 : i32
          %slice3A_1293 = vector.extract_strided_slice %mul3A_1049 {offsets = [6], sizes = [1], strides = [1]} : vector<16xi32> to vector<1xi32>
          %squeeze3A_1294 = vector.extract %slice3A_1293[0] : i32 from vector<1xi32>
          %multiple_of3A_1295 = tpu.assume_multiple %squeeze3A_1294, 16 : i32
          %dma_start3A_1296 = arith.constant 6 : i32
          %dma_start3A_1297 = arith.constant 0 : i32
          %dma_start3A_1298 = arith.constant 0 : i32
          %dma_start3A_1299 = arith.constant 0 : i32
          %dma_start3A_1300 = tpu.memref_slice %arg9[%dma_start3A_1296, %dma_start3A_1297, %dma_start3A_1298, %dma_start3A_1299] : memref<16x2x8x128xf32, #tpu.memory_space<vmem>> -> memref<1x2x8x16xf32, #tpu.memory_space<vmem>>
          %dma_start3A_1301 = tpu.memref_squeeze %dma_start3A_1300 : memref<1x2x8x16xf32, #tpu.memory_space<vmem>> -> memref<2x8x16xf32, #tpu.memory_space<vmem>>
          %dma_start3A_1302 = arith.constant 0 : i32
          %dma_start3A_1303 = arith.constant 0 : i32
          %dma_start3A_1304 = tpu.memref_slice %arg4[%dma_start3A_1302, %dma_start3A_1303, %multiple_of3A_1292] : memref<2x8x1000000xf32, #tpu.memory_space<hbm>> -> memref<2x8x16xf32, #tpu.memory_space<hbm>>
          %dma_start3A_1305 = arith.constant 0 : i32
          %dma_start3A_1306 = arith.constant 0 : i32
          %dma_start3A_1307 = arith.constant 0 : i32
          %dma_start3A_1308 = tpu.memref_slice %arg9[%dma_start3A_1296, %dma_start3A_1305, %dma_start3A_1306, %dma_start3A_1307] : memref<16x2x8x128xf32, #tpu.memory_space<vmem>> -> memref<1x2x8x16xf32, #tpu.memory_space<vmem>>
          %dma_start3A_1309 = tpu.memref_squeeze %dma_start3A_1308 : memref<1x2x8x16xf32, #tpu.memory_space<vmem>> -> memref<2x8x16xf32, #tpu.memory_space<vmem>>
          %dma_start3A_1310 = arith.constant 0 : i32
          %dma_start3A_1311 = arith.constant 0 : i32
          %dma_start3A_1312 = tpu.memref_slice %arg4[%dma_start3A_1310, %dma_start3A_1311, %multiple_of3A_1292] : memref<2x8x1000000xf32, #tpu.memory_space<hbm>> -> memref<2x8x16xf32, #tpu.memory_space<hbm>>
          tpu.enqueue_dma source(%dma_start3A_1312 : memref<2x8x16xf32, #tpu.memory_space<hbm>>) target(%dma_start3A_1309 : memref<2x8x16xf32, #tpu.memory_space<vmem>>) target_semaphore(%arg12 : memref<!tpu.dma_semaphore, #tpu.memory_space<semaphore_mem>>)
          %dma_start3A_1313 = arith.constant 6 : i32
          %dma_start3A_1314 = arith.constant 0 : i32
          %dma_start3A_1315 = arith.constant 0 : i32
          %dma_start3A_1316 = arith.constant 0 : i32
          %dma_start3A_1317 = tpu.memref_slice %arg10[%dma_start3A_1313, %dma_start3A_1314, %dma_start3A_1315, %dma_start3A_1316] : memref<16x2x8x128xf32, #tpu.memory_space<vmem>> -> memref<1x2x8x16xf32, #tpu.memory_space<vmem>>
          %dma_start3A_1318 = tpu.memref_squeeze %dma_start3A_1317 : memref<1x2x8x16xf32, #tpu.memory_space<vmem>> -> memref<2x8x16xf32, #tpu.memory_space<vmem>>
          %dma_start3A_1319 = arith.constant 0 : i32
          %dma_start3A_1320 = arith.constant 0 : i32
          %dma_start3A_1321 = tpu.memref_slice %arg5[%dma_start3A_1319, %dma_start3A_1320, %multiple_of3A_1295] : memref<2x8x1000000xf32, #tpu.memory_space<hbm>> -> memref<2x8x16xf32, #tpu.memory_space<hbm>>
          %dma_start3A_1322 = arith.constant 0 : i32
          %dma_start3A_1323 = arith.constant 0 : i32
          %dma_start3A_1324 = arith.constant 0 : i32
          %dma_start3A_1325 = tpu.memref_slice %arg10[%dma_start3A_1313, %dma_start3A_1322, %dma_start3A_1323, %dma_start3A_1324] : memref<16x2x8x128xf32, #tpu.memory_space<vmem>> -> memref<1x2x8x16xf32, #tpu.memory_space<vmem>>
          %dma_start3A_1326 = tpu.memref_squeeze %dma_start3A_1325 : memref<1x2x8x16xf32, #tpu.memory_space<vmem>> -> memref<2x8x16xf32, #tpu.memory_space<vmem>>
          %dma_start3A_1327 = arith.constant 0 : i32
          %dma_start3A_1328 = arith.constant 0 : i32
          %dma_start3A_1329 = tpu.memref_slice %arg5[%dma_start3A_1327, %dma_start3A_1328, %multiple_of3A_1295] : memref<2x8x1000000xf32, #tpu.memory_space<hbm>> -> memref<2x8x16xf32, #tpu.memory_space<hbm>>
          tpu.enqueue_dma source(%dma_start3A_1329 : memref<2x8x16xf32, #tpu.memory_space<hbm>>) target(%dma_start3A_1326 : memref<2x8x16xf32, #tpu.memory_space<vmem>>) target_semaphore(%arg12 : memref<!tpu.dma_semaphore, #tpu.memory_space<semaphore_mem>>)
          %slice3A_1330 = vector.extract_strided_slice %mul3A_1015 {offsets = [7], sizes = [1], strides = [1]} : vector<16xi32> to vector<1xi32>
          %squeeze3A_1331 = vector.extract %slice3A_1330[0] : i32 from vector<1xi32>
          %multiple_of3A_1332 = tpu.assume_multiple %squeeze3A_1331, 16 : i32
          %slice3A_1333 = vector.extract_strided_slice %mul3A_1049 {offsets = [7], sizes = [1], strides = [1]} : vector<16xi32> to vector<1xi32>
          %squeeze3A_1334 = vector.extract %slice3A_1333[0] : i32 from vector<1xi32>
          %multiple_of3A_1335 = tpu.assume_multiple %squeeze3A_1334, 16 : i32
          %dma_start3A_1336 = arith.constant 7 : i32
          %dma_start3A_1337 = arith.constant 0 : i32
          %dma_start3A_1338 = arith.constant 0 : i32
          %dma_start3A_1339 = arith.constant 0 : i32
          %dma_start3A_1340 = tpu.memref_slice %arg9[%dma_start3A_1336, %dma_start3A_1337, %dma_start3A_1338, %dma_start3A_1339] : memref<16x2x8x128xf32, #tpu.memory_space<vmem>> -> memref<1x2x8x16xf32, #tpu.memory_space<vmem>>
          %dma_start3A_1341 = tpu.memref_squeeze %dma_start3A_1340 : memref<1x2x8x16xf32, #tpu.memory_space<vmem>> -> memref<2x8x16xf32, #tpu.memory_space<vmem>>
          %dma_start3A_1342 = arith.constant 0 : i32
          %dma_start3A_1343 = arith.constant 0 : i32
          %dma_start3A_1344 = tpu.memref_slice %arg4[%dma_start3A_1342, %dma_start3A_1343, %multiple_of3A_1332] : memref<2x8x1000000xf32, #tpu.memory_space<hbm>> -> memref<2x8x16xf32, #tpu.memory_space<hbm>>
          %dma_start3A_1345 = arith.constant 0 : i32
          %dma_start3A_1346 = arith.constant 0 : i32
          %dma_start3A_1347 = arith.constant 0 : i32
          %dma_start3A_1348 = tpu.memref_slice %arg9[%dma_start3A_1336, %dma_start3A_1345, %dma_start3A_1346, %dma_start3A_1347] : memref<16x2x8x128xf32, #tpu.memory_space<vmem>> -> memref<1x2x8x16xf32, #tpu.memory_space<vmem>>
          %dma_start3A_1349 = tpu.memref_squeeze %dma_start3A_1348 : memref<1x2x8x16xf32, #tpu.memory_space<vmem>> -> memref<2x8x16xf32, #tpu.memory_space<vmem>>
          %dma_start3A_1350 = arith.constant 0 : i32
          %dma_start3A_1351 = arith.constant 0 : i32
          %dma_start3A_1352 = tpu.memref_slice %arg4[%dma_start3A_1350, %dma_start3A_1351, %multiple_of3A_1332] : memref<2x8x1000000xf32, #tpu.memory_space<hbm>> -> memref<2x8x16xf32, #tpu.memory_space<hbm>>
          tpu.enqueue_dma source(%dma_start3A_1352 : memref<2x8x16xf32, #tpu.memory_space<hbm>>) target(%dma_start3A_1349 : memref<2x8x16xf32, #tpu.memory_space<vmem>>) target_semaphore(%arg12 : memref<!tpu.dma_semaphore, #tpu.memory_space<semaphore_mem>>)
          %dma_start3A_1353 = arith.constant 7 : i32
          %dma_start3A_1354 = arith.constant 0 : i32
          %dma_start3A_1355 = arith.constant 0 : i32
          %dma_start3A_1356 = arith.constant 0 : i32
          %dma_start3A_1357 = tpu.memref_slice %arg10[%dma_start3A_1353, %dma_start3A_1354, %dma_start3A_1355, %dma_start3A_1356] : memref<16x2x8x128xf32, #tpu.memory_space<vmem>> -> memref<1x2x8x16xf32, #tpu.memory_space<vmem>>
          %dma_start3A_1358 = tpu.memref_squeeze %dma_start3A_1357 : memref<1x2x8x16xf32, #tpu.memory_space<vmem>> -> memref<2x8x16xf32, #tpu.memory_space<vmem>>
          %dma_start3A_1359 = arith.constant 0 : i32
          %dma_start3A_1360 = arith.constant 0 : i32
          %dma_start3A_1361 = tpu.memref_slice %arg5[%dma_start3A_1359, %dma_start3A_1360, %multiple_of3A_1335] : memref<2x8x1000000xf32, #tpu.memory_space<hbm>> -> memref<2x8x16xf32, #tpu.memory_space<hbm>>
          %dma_start3A_1362 = arith.constant 0 : i32
          %dma_start3A_1363 = arith.constant 0 : i32
          %dma_start3A_1364 = arith.constant 0 : i32
          %dma_start3A_1365 = tpu.memref_slice %arg10[%dma_start3A_1353, %dma_start3A_1362, %dma_start3A_1363, %dma_start3A_1364] : memref<16x2x8x128xf32, #tpu.memory_space<vmem>> -> memref<1x2x8x16xf32, #tpu.memory_space<vmem>>
          %dma_start3A_1366 = tpu.memref_squeeze %dma_start3A_1365 : memref<1x2x8x16xf32, #tpu.memory_space<vmem>> -> memref<2x8x16xf32, #tpu.memory_space<vmem>>
          %dma_start3A_1367 = arith.constant 0 : i32
          %dma_start3A_1368 = arith.constant 0 : i32
          %dma_start3A_1369 = tpu.memref_slice %arg5[%dma_start3A_1367, %dma_start3A_1368, %multiple_of3A_1335] : memref<2x8x1000000xf32, #tpu.memory_space<hbm>> -> memref<2x8x16xf32, #tpu.memory_space<hbm>>
          tpu.enqueue_dma source(%dma_start3A_1369 : memref<2x8x16xf32, #tpu.memory_space<hbm>>) target(%dma_start3A_1366 : memref<2x8x16xf32, #tpu.memory_space<vmem>>) target_semaphore(%arg12 : memref<!tpu.dma_semaphore, #tpu.memory_space<semaphore_mem>>)
        } else {
        }
        %eq3A_967 = arith.constant 1 : i32
        %eq3A_968 = arith.cmpi eq, %rem3A_792, %eq3A_967 : i32
        %convert_element_type3A_969 = arith.extui %eq3A_968 : i1 to i32
        %cond3A_970 = arith.constant 0 : i32
        %cond3A_971 = arith.cmpi ne, %convert_element_type3A_969, %cond3A_970 : i32
        scf.if %cond3A_971 {
          %add3A_972 = arith.constant 2 : i32
          %add3A_973 = arith.addi %scan3A_790, %add3A_972 : i32
          %mul3A_974 = arith.constant 8 : i32
          %mul3A_975 = arith.muli %add3A_973, %mul3A_974 : i32
          %get3A_976 = arith.index_cast %mul3A_975 : i32 to index
          %get3A_977 = tpu.vector_load %arg7[%get3A_976] {strides = array<i32>} : memref<528xi32, #tpu.memory_space<vmem>>, vector<16xi32>,
          %mul3A_978 = arith.constant 8 : i32
          %mul3A_979 = arith.muli %add3A_973, %mul3A_978 : i32
          %get3A_980 = arith.index_cast %mul3A_979 : i32 to index
          %get3A_981 = tpu.vector_load %arg8[%get3A_980] {strides = array<i32>} : memref<528xi32, #tpu.memory_space<vmem>>, vector<16xi32>,
          %jit3A_982 = arith.constant 16 : i32
          %div3A_983 = vector.broadcast %jit3A_982 : i32 to vector<16xi32>
          %div3A_984 = arith.divsi %get3A_977, %div3A_983 : vector<16xi32>
          %sign3A_985 = arith.constant 0 : i32
          %sign3A_986 = vector.broadcast %sign3A_985 : i32 to vector<16xi32>
          %sign3A_987 = arith.cmpi sgt, %get3A_977, %sign3A_986 : vector<16xi32>
          %sign3A_988 = arith.extui %sign3A_987 : vector<16xi1> to vector<16xi32>
          %sign3A_989 = arith.constant 0 : i32
          %sign3A_990 = vector.broadcast %sign3A_989 : i32 to vector<16xi32>
          %sign3A_991 = arith.cmpi slt, %get3A_977, %sign3A_990 : vector<16xi32>
          %sign3A_992 = arith.extui %sign3A_991 : vector<16xi1> to vector<16xi32>
          %sign3A_993 = arith.subi %sign3A_988, %sign3A_992 : vector<16xi32>
          %sign3A_994 = arith.constant 0 : i32
          %sign3A_995 = arith.cmpi sgt, %jit3A_982, %sign3A_994 : i32
          %sign3A_996 = arith.extui %sign3A_995 : i1 to i32
          %sign3A_997 = arith.constant 0 : i32
          %sign3A_998 = arith.cmpi slt, %jit3A_982, %sign3A_997 : i32
          %sign3A_999 = arith.extui %sign3A_998 : i1 to i32
          %sign3A_1000 = arith.subi %sign3A_996, %sign3A_999 : i32
          %ne3A_1001 = vector.broadcast %sign3A_1000 : i32 to vector<16xi32>
          %ne3A_1002 = arith.cmpi ne, %sign3A_993, %ne3A_1001 : vector<16xi32>
          %rem3A_1003 = vector.broadcast %jit3A_982 : i32 to vector<16xi32>
          %rem3A_1004 = arith.remsi %get3A_977, %rem3A_1003 : vector<16xi32>
          %ne3A_1005 = arith.constant 0 : i32
          %ne3A_1006 = vector.broadcast %ne3A_1005 : i32 to vector<16xi32>
          %ne3A_1007 = arith.cmpi ne, %rem3A_1004, %ne3A_1006 : vector<16xi32>
          %and3A_1008 = arith.andi %ne3A_1002, %ne3A_1007 : vector<16xi1>
          %sub3A_1009 = arith.constant 1 : i32
          %sub3A_1010 = vector.broadcast %sub3A_1009 : i32 to vector<16xi32>
          %sub3A_1011 = arith.subi %div3A_984, %sub3A_1010 : vector<16xi32>
          %select_n3A_1012 = arith.select %and3A_1008, %sub3A_1011, %div3A_984 : vector<16xi1>, vector<16xi32>
          %mul3A_1013 = arith.constant 16 : i32
          %mul3A_1014 = vector.broadcast %mul3A_1013 : i32 to vector<16xi32>
          %mul3A_1015 = arith.muli %select_n3A_1012, %mul3A_1014 : vector<16xi32>
          %jit3A_1016 = arith.constant 16 : i32
          %div3A_1017 = vector.broadcast %jit3A_1016 : i32 to vector<16xi32>
          %div3A_1018 = arith.divsi %get3A_981, %div3A_1017 : vector<16xi32>
          %sign3A_1019 = arith.constant 0 : i32
          %sign3A_1020 = vector.broadcast %sign3A_1019 : i32 to vector<16xi32>
          %sign3A_1021 = arith.cmpi sgt, %get3A_981, %sign3A_1020 : vector<16xi32>
          %sign3A_1022 = arith.extui %sign3A_1021 : vector<16xi1> to vector<16xi32>
          %sign3A_1023 = arith.constant 0 : i32
          %sign3A_1024 = vector.broadcast %sign3A_1023 : i32 to vector<16xi32>
          %sign3A_1025 = arith.cmpi slt, %get3A_981, %sign3A_1024 : vector<16xi32>
          %sign3A_1026 = arith.extui %sign3A_1025 : vector<16xi1> to vector<16xi32>
          %sign3A_1027 = arith.subi %sign3A_1022, %sign3A_1026 : vector<16xi32>
          %sign3A_1028 = arith.constant 0 : i32
          %sign3A_1029 = arith.cmpi sgt, %jit3A_1016, %sign3A_1028 : i32
          %sign3A_1030 = arith.extui %sign3A_1029 : i1 to i32
          %sign3A_1031 = arith.constant 0 : i32
          %sign3A_1032 = arith.cmpi slt, %jit3A_1016, %sign3A_1031 : i32
          %sign3A_1033 = arith.extui %sign3A_1032 : i1 to i32
          %sign3A_1034 = arith.subi %sign3A_1030, %sign3A_1033 : i32
          %ne3A_1035 = vector.broadcast %sign3A_1034 : i32 to vector<16xi32>
          %ne3A_1036 = arith.cmpi ne, %sign3A_1027, %ne3A_1035 : vector<16xi32>
          %rem3A_1037 = vector.broadcast %jit3A_1016 : i32 to vector<16xi32>
          %rem3A_1038 = arith.remsi %get3A_981, %rem3A_1037 : vector<16xi32>
          %ne3A_1039 = arith.constant 0 : i32
          %ne3A_1040 = vector.broadcast %ne3A_1039 : i32 to vector<16xi32>
          %ne3A_1041 = arith.cmpi ne, %rem3A_1038, %ne3A_1040 : vector<16xi32>
          %and3A_1042 = arith.andi %ne3A_1036, %ne3A_1041 : vector<16xi1>
          %sub3A_1043 = arith.constant 1 : i32
          %sub3A_1044 = vector.broadcast %sub3A_1043 : i32 to vector<16xi32>
          %sub3A_1045 = arith.subi %div3A_1018, %sub3A_1044 : vector<16xi32>
          %select_n3A_1046 = arith.select %and3A_1042, %sub3A_1045, %div3A_1018 : vector<16xi1>, vector<16xi32>
          %mul3A_1047 = arith.constant 16 : i32
          %mul3A_1048 = vector.broadcast %mul3A_1047 : i32 to vector<16xi32>
          %mul3A_1049 = arith.muli %select_n3A_1046, %mul3A_1048 : vector<16xi32>
          %slice3A_1050 = vector.extract_strided_slice %mul3A_1015 {offsets = [0], sizes = [1], strides = [1]} : vector<16xi32> to vector<1xi32>
          %squeeze3A_1051 = vector.extract %slice3A_1050[0] : i32 from vector<1xi32>
          %multiple_of3A_1052 = tpu.assume_multiple %squeeze3A_1051, 16 : i32
          %slice3A_1053 = vector.extract_strided_slice %mul3A_1049 {offsets = [0], sizes = [1], strides = [1]} : vector<16xi32> to vector<1xi32>
          %squeeze3A_1054 = vector.extract %slice3A_1053[0] : i32 from vector<1xi32>
          %multiple_of3A_1055 = tpu.assume_multiple %squeeze3A_1054, 16 : i32
          %dma_start3A_1056 = arith.constant 8 : i32
          %dma_start3A_1057 = arith.constant 0 : i32
          %dma_start3A_1058 = arith.constant 0 : i32
          %dma_start3A_1059 = arith.constant 0 : i32
          %dma_start3A_1060 = tpu.memref_slice %arg9[%dma_start3A_1056, %dma_start3A_1057, %dma_start3A_1058, %dma_start3A_1059] : memref<16x2x8x128xf32, #tpu.memory_space<vmem>> -> memref<1x2x8x16xf32, #tpu.memory_space<vmem>>
          %dma_start3A_1061 = tpu.memref_squeeze %dma_start3A_1060 : memref<1x2x8x16xf32, #tpu.memory_space<vmem>> -> memref<2x8x16xf32, #tpu.memory_space<vmem>>
          %dma_start3A_1062 = arith.constant 0 : i32
          %dma_start3A_1063 = arith.constant 0 : i32
          %dma_start3A_1064 = tpu.memref_slice %arg4[%dma_start3A_1062, %dma_start3A_1063, %multiple_of3A_1052] : memref<2x8x1000000xf32, #tpu.memory_space<hbm>> -> memref<2x8x16xf32, #tpu.memory_space<hbm>>
          %dma_start3A_1065 = arith.constant 0 : i32
          %dma_start3A_1066 = arith.constant 0 : i32
          %dma_start3A_1067 = arith.constant 0 : i32
          %dma_start3A_1068 = tpu.memref_slice %arg9[%dma_start3A_1056, %dma_start3A_1065, %dma_start3A_1066, %dma_start3A_1067] : memref<16x2x8x128xf32, #tpu.memory_space<vmem>> -> memref<1x2x8x16xf32, #tpu.memory_space<vmem>>
          %dma_start3A_1069 = tpu.memref_squeeze %dma_start3A_1068 : memref<1x2x8x16xf32, #tpu.memory_space<vmem>> -> memref<2x8x16xf32, #tpu.memory_space<vmem>>
          %dma_start3A_1070 = arith.constant 0 : i32
          %dma_start3A_1071 = arith.constant 0 : i32
          %dma_start3A_1072 = tpu.memref_slice %arg4[%dma_start3A_1070, %dma_start3A_1071, %multiple_of3A_1052] : memref<2x8x1000000xf32, #tpu.memory_space<hbm>> -> memref<2x8x16xf32, #tpu.memory_space<hbm>>
          tpu.enqueue_dma source(%dma_start3A_1072 : memref<2x8x16xf32, #tpu.memory_space<hbm>>) target(%dma_start3A_1069 : memref<2x8x16xf32, #tpu.memory_space<vmem>>) target_semaphore(%arg13 : memref<!tpu.dma_semaphore, #tpu.memory_space<semaphore_mem>>)
          %dma_start3A_1073 = arith.constant 8 : i32
          %dma_start3A_1074 = arith.constant 0 : i32
          %dma_start3A_1075 = arith.constant 0 : i32
          %dma_start3A_1076 = arith.constant 0 : i32
          %dma_start3A_1077 = tpu.memref_slice %arg10[%dma_start3A_1073, %dma_start3A_1074, %dma_start3A_1075, %dma_start3A_1076] : memref<16x2x8x128xf32, #tpu.memory_space<vmem>> -> memref<1x2x8x16xf32, #tpu.memory_space<vmem>>
          %dma_start3A_1078 = tpu.memref_squeeze %dma_start3A_1077 : memref<1x2x8x16xf32, #tpu.memory_space<vmem>> -> memref<2x8x16xf32, #tpu.memory_space<vmem>>
          %dma_start3A_1079 = arith.constant 0 : i32
          %dma_start3A_1080 = arith.constant 0 : i32
          %dma_start3A_1081 = tpu.memref_slice %arg5[%dma_start3A_1079, %dma_start3A_1080, %multiple_of3A_1055] : memref<2x8x1000000xf32, #tpu.memory_space<hbm>> -> memref<2x8x16xf32, #tpu.memory_space<hbm>>
          %dma_start3A_1082 = arith.constant 0 : i32
          %dma_start3A_1083 = arith.constant 0 : i32
          %dma_start3A_1084 = arith.constant 0 : i32
          %dma_start3A_1085 = tpu.memref_slice %arg10[%dma_start3A_1073, %dma_start3A_1082, %dma_start3A_1083, %dma_start3A_1084] : memref<16x2x8x128xf32, #tpu.memory_space<vmem>> -> memref<1x2x8x16xf32, #tpu.memory_space<vmem>>
          %dma_start3A_1086 = tpu.memref_squeeze %dma_start3A_1085 : memref<1x2x8x16xf32, #tpu.memory_space<vmem>> -> memref<2x8x16xf32, #tpu.memory_space<vmem>>
          %dma_start3A_1087 = arith.constant 0 : i32
          %dma_start3A_1088 = arith.constant 0 : i32
          %dma_start3A_1089 = tpu.memref_slice %arg5[%dma_start3A_1087, %dma_start3A_1088, %multiple_of3A_1055] : memref<2x8x1000000xf32, #tpu.memory_space<hbm>> -> memref<2x8x16xf32, #tpu.memory_space<hbm>>
          tpu.enqueue_dma source(%dma_start3A_1089 : memref<2x8x16xf32, #tpu.memory_space<hbm>>) target(%dma_start3A_1086 : memref<2x8x16xf32, #tpu.memory_space<vmem>>) target_semaphore(%arg13 : memref<!tpu.dma_semaphore, #tpu.memory_space<semaphore_mem>>)
          %slice3A_1090 = vector.extract_strided_slice %mul3A_1015 {offsets = [1], sizes = [1], strides = [1]} : vector<16xi32> to vector<1xi32>
          %squeeze3A_1091 = vector.extract %slice3A_1090[0] : i32 from vector<1xi32>
          %multiple_of3A_1092 = tpu.assume_multiple %squeeze3A_1091, 16 : i32
          %slice3A_1093 = vector.extract_strided_slice %mul3A_1049 {offsets = [1], sizes = [1], strides = [1]} : vector<16xi32> to vector<1xi32>
          %squeeze3A_1094 = vector.extract %slice3A_1093[0] : i32 from vector<1xi32>
          %multiple_of3A_1095 = tpu.assume_multiple %squeeze3A_1094, 16 : i32
          %dma_start3A_1096 = arith.constant 9 : i32
          %dma_start3A_1097 = arith.constant 0 : i32
          %dma_start3A_1098 = arith.constant 0 : i32
          %dma_start3A_1099 = arith.constant 0 : i32
          %dma_start3A_1100 = tpu.memref_slice %arg9[%dma_start3A_1096, %dma_start3A_1097, %dma_start3A_1098, %dma_start3A_1099] : memref<16x2x8x128xf32, #tpu.memory_space<vmem>> -> memref<1x2x8x16xf32, #tpu.memory_space<vmem>>
          %dma_start3A_1101 = tpu.memref_squeeze %dma_start3A_1100 : memref<1x2x8x16xf32, #tpu.memory_space<vmem>> -> memref<2x8x16xf32, #tpu.memory_space<vmem>>
          %dma_start3A_1102 = arith.constant 0 : i32
          %dma_start3A_1103 = arith.constant 0 : i32
          %dma_start3A_1104 = tpu.memref_slice %arg4[%dma_start3A_1102, %dma_start3A_1103, %multiple_of3A_1092] : memref<2x8x1000000xf32, #tpu.memory_space<hbm>> -> memref<2x8x16xf32, #tpu.memory_space<hbm>>
          %dma_start3A_1105 = arith.constant 0 : i32
          %dma_start3A_1106 = arith.constant 0 : i32
          %dma_start3A_1107 = arith.constant 0 : i32
          %dma_start3A_1108 = tpu.memref_slice %arg9[%dma_start3A_1096, %dma_start3A_1105, %dma_start3A_1106, %dma_start3A_1107] : memref<16x2x8x128xf32, #tpu.memory_space<vmem>> -> memref<1x2x8x16xf32, #tpu.memory_space<vmem>>
          %dma_start3A_1109 = tpu.memref_squeeze %dma_start3A_1108 : memref<1x2x8x16xf32, #tpu.memory_space<vmem>> -> memref<2x8x16xf32, #tpu.memory_space<vmem>>
          %dma_start3A_1110 = arith.constant 0 : i32
          %dma_start3A_1111 = arith.constant 0 : i32
          %dma_start3A_1112 = tpu.memref_slice %arg4[%dma_start3A_1110, %dma_start3A_1111, %multiple_of3A_1092] : memref<2x8x1000000xf32, #tpu.memory_space<hbm>> -> memref<2x8x16xf32, #tpu.memory_space<hbm>>
          tpu.enqueue_dma source(%dma_start3A_1112 : memref<2x8x16xf32, #tpu.memory_space<hbm>>) target(%dma_start3A_1109 : memref<2x8x16xf32, #tpu.memory_space<vmem>>) target_semaphore(%arg13 : memref<!tpu.dma_semaphore, #tpu.memory_space<semaphore_mem>>)
          %dma_start3A_1113 = arith.constant 9 : i32
          %dma_start3A_1114 = arith.constant 0 : i32
          %dma_start3A_1115 = arith.constant 0 : i32
          %dma_start3A_1116 = arith.constant 0 : i32
          %dma_start3A_1117 = tpu.memref_slice %arg10[%dma_start3A_1113, %dma_start3A_1114, %dma_start3A_1115, %dma_start3A_1116] : memref<16x2x8x128xf32, #tpu.memory_space<vmem>> -> memref<1x2x8x16xf32, #tpu.memory_space<vmem>>
          %dma_start3A_1118 = tpu.memref_squeeze %dma_start3A_1117 : memref<1x2x8x16xf32, #tpu.memory_space<vmem>> -> memref<2x8x16xf32, #tpu.memory_space<vmem>>
          %dma_start3A_1119 = arith.constant 0 : i32
          %dma_start3A_1120 = arith.constant 0 : i32
          %dma_start3A_1121 = tpu.memref_slice %arg5[%dma_start3A_1119, %dma_start3A_1120, %multiple_of3A_1095] : memref<2x8x1000000xf32, #tpu.memory_space<hbm>> -> memref<2x8x16xf32, #tpu.memory_space<hbm>>
          %dma_start3A_1122 = arith.constant 0 : i32
          %dma_start3A_1123 = arith.constant 0 : i32
          %dma_start3A_1124 = arith.constant 0 : i32
          %dma_start3A_1125 = tpu.memref_slice %arg10[%dma_start3A_1113, %dma_start3A_1122, %dma_start3A_1123, %dma_start3A_1124] : memref<16x2x8x128xf32, #tpu.memory_space<vmem>> -> memref<1x2x8x16xf32, #tpu.memory_space<vmem>>
          %dma_start3A_1126 = tpu.memref_squeeze %dma_start3A_1125 : memref<1x2x8x16xf32, #tpu.memory_space<vmem>> -> memref<2x8x16xf32, #tpu.memory_space<vmem>>
          %dma_start3A_1127 = arith.constant 0 : i32
          %dma_start3A_1128 = arith.constant 0 : i32
          %dma_start3A_1129 = tpu.memref_slice %arg5[%dma_start3A_1127, %dma_start3A_1128, %multiple_of3A_1095] : memref<2x8x1000000xf32, #tpu.memory_space<hbm>> -> memref<2x8x16xf32, #tpu.memory_space<hbm>>
          tpu.enqueue_dma source(%dma_start3A_1129 : memref<2x8x16xf32, #tpu.memory_space<hbm>>) target(%dma_start3A_1126 : memref<2x8x16xf32, #tpu.memory_space<vmem>>) target_semaphore(%arg13 : memref<!tpu.dma_semaphore, #tpu.memory_space<semaphore_mem>>)
          %slice3A_1130 = vector.extract_strided_slice %mul3A_1015 {offsets = [2], sizes = [1], strides = [1]} : vector<16xi32> to vector<1xi32>
          %squeeze3A_1131 = vector.extract %slice3A_1130[0] : i32 from vector<1xi32>
          %multiple_of3A_1132 = tpu.assume_multiple %squeeze3A_1131, 16 : i32
          %slice3A_1133 = vector.extract_strided_slice %mul3A_1049 {offsets = [2], sizes = [1], strides = [1]} : vector<16xi32> to vector<1xi32>
          %squeeze3A_1134 = vector.extract %slice3A_1133[0] : i32 from vector<1xi32>
          %multiple_of3A_1135 = tpu.assume_multiple %squeeze3A_1134, 16 : i32
          %dma_start3A_1136 = arith.constant 10 : i32
          %dma_start3A_1137 = arith.constant 0 : i32
          %dma_start3A_1138 = arith.constant 0 : i32
          %dma_start3A_1139 = arith.constant 0 : i32
          %dma_start3A_1140 = tpu.memref_slice %arg9[%dma_start3A_1136, %dma_start3A_1137, %dma_start3A_1138, %dma_start3A_1139] : memref<16x2x8x128xf32, #tpu.memory_space<vmem>> -> memref<1x2x8x16xf32, #tpu.memory_space<vmem>>
          %dma_start3A_1141 = tpu.memref_squeeze %dma_start3A_1140 : memref<1x2x8x16xf32, #tpu.memory_space<vmem>> -> memref<2x8x16xf32, #tpu.memory_space<vmem>>
          %dma_start3A_1142 = arith.constant 0 : i32
          %dma_start3A_1143 = arith.constant 0 : i32
          %dma_start3A_1144 = tpu.memref_slice %arg4[%dma_start3A_1142, %dma_start3A_1143, %multiple_of3A_1132] : memref<2x8x1000000xf32, #tpu.memory_space<hbm>> -> memref<2x8x16xf32, #tpu.memory_space<hbm>>
          %dma_start3A_1145 = arith.constant 0 : i32
          %dma_start3A_1146 = arith.constant 0 : i32
          %dma_start3A_1147 = arith.constant 0 : i32
          %dma_start3A_1148 = tpu.memref_slice %arg9[%dma_start3A_1136, %dma_start3A_1145, %dma_start3A_1146, %dma_start3A_1147] : memref<16x2x8x128xf32, #tpu.memory_space<vmem>> -> memref<1x2x8x16xf32, #tpu.memory_space<vmem>>
          %dma_start3A_1149 = tpu.memref_squeeze %dma_start3A_1148 : memref<1x2x8x16xf32, #tpu.memory_space<vmem>> -> memref<2x8x16xf32, #tpu.memory_space<vmem>>
          %dma_start3A_1150 = arith.constant 0 : i32
          %dma_start3A_1151 = arith.constant 0 : i32
          %dma_start3A_1152 = tpu.memref_slice %arg4[%dma_start3A_1150, %dma_start3A_1151, %multiple_of3A_1132] : memref<2x8x1000000xf32, #tpu.memory_space<hbm>> -> memref<2x8x16xf32, #tpu.memory_space<hbm>>
          tpu.enqueue_dma source(%dma_start3A_1152 : memref<2x8x16xf32, #tpu.memory_space<hbm>>) target(%dma_start3A_1149 : memref<2x8x16xf32, #tpu.memory_space<vmem>>) target_semaphore(%arg13 : memref<!tpu.dma_semaphore, #tpu.memory_space<semaphore_mem>>)
          %dma_start3A_1153 = arith.constant 10 : i32
          %dma_start3A_1154 = arith.constant 0 : i32
          %dma_start3A_1155 = arith.constant 0 : i32
          %dma_start3A_1156 = arith.constant 0 : i32
          %dma_start3A_1157 = tpu.memref_slice %arg10[%dma_start3A_1153, %dma_start3A_1154, %dma_start3A_1155, %dma_start3A_1156] : memref<16x2x8x128xf32, #tpu.memory_space<vmem>> -> memref<1x2x8x16xf32, #tpu.memory_space<vmem>>
          %dma_start3A_1158 = tpu.memref_squeeze %dma_start3A_1157 : memref<1x2x8x16xf32, #tpu.memory_space<vmem>> -> memref<2x8x16xf32, #tpu.memory_space<vmem>>
          %dma_start3A_1159 = arith.constant 0 : i32
          %dma_start3A_1160 = arith.constant 0 : i32
          %dma_start3A_1161 = tpu.memref_slice %arg5[%dma_start3A_1159, %dma_start3A_1160, %multiple_of3A_1135] : memref<2x8x1000000xf32, #tpu.memory_space<hbm>> -> memref<2x8x16xf32, #tpu.memory_space<hbm>>
          %dma_start3A_1162 = arith.constant 0 : i32
          %dma_start3A_1163 = arith.constant 0 : i32
          %dma_start3A_1164 = arith.constant 0 : i32
          %dma_start3A_1165 = tpu.memref_slice %arg10[%dma_start3A_1153, %dma_start3A_1162, %dma_start3A_1163, %dma_start3A_1164] : memref<16x2x8x128xf32, #tpu.memory_space<vmem>> -> memref<1x2x8x16xf32, #tpu.memory_space<vmem>>
          %dma_start3A_1166 = tpu.memref_squeeze %dma_start3A_1165 : memref<1x2x8x16xf32, #tpu.memory_space<vmem>> -> memref<2x8x16xf32, #tpu.memory_space<vmem>>
          %dma_start3A_1167 = arith.constant 0 : i32
          %dma_start3A_1168 = arith.constant 0 : i32
          %dma_start3A_1169 = tpu.memref_slice %arg5[%dma_start3A_1167, %dma_start3A_1168, %multiple_of3A_1135] : memref<2x8x1000000xf32, #tpu.memory_space<hbm>> -> memref<2x8x16xf32, #tpu.memory_space<hbm>>
          tpu.enqueue_dma source(%dma_start3A_1169 : memref<2x8x16xf32, #tpu.memory_space<hbm>>) target(%dma_start3A_1166 : memref<2x8x16xf32, #tpu.memory_space<vmem>>) target_semaphore(%arg13 : memref<!tpu.dma_semaphore, #tpu.memory_space<semaphore_mem>>)
          %slice3A_1170 = vector.extract_strided_slice %mul3A_1015 {offsets = [3], sizes = [1], strides = [1]} : vector<16xi32> to vector<1xi32>
          %squeeze3A_1171 = vector.extract %slice3A_1170[0] : i32 from vector<1xi32>
          %multiple_of3A_1172 = tpu.assume_multiple %squeeze3A_1171, 16 : i32
          %slice3A_1173 = vector.extract_strided_slice %mul3A_1049 {offsets = [3], sizes = [1], strides = [1]} : vector<16xi32> to vector<1xi32>
          %squeeze3A_1174 = vector.extract %slice3A_1173[0] : i32 from vector<1xi32>
          %multiple_of3A_1175 = tpu.assume_multiple %squeeze3A_1174, 16 : i32
          %dma_start3A_1176 = arith.constant 11 : i32
          %dma_start3A_1177 = arith.constant 0 : i32
          %dma_start3A_1178 = arith.constant 0 : i32
          %dma_start3A_1179 = arith.constant 0 : i32
          %dma_start3A_1180 = tpu.memref_slice %arg9[%dma_start3A_1176, %dma_start3A_1177, %dma_start3A_1178, %dma_start3A_1179] : memref<16x2x8x128xf32, #tpu.memory_space<vmem>> -> memref<1x2x8x16xf32, #tpu.memory_space<vmem>>
          %dma_start3A_1181 = tpu.memref_squeeze %dma_start3A_1180 : memref<1x2x8x16xf32, #tpu.memory_space<vmem>> -> memref<2x8x16xf32, #tpu.memory_space<vmem>>
          %dma_start3A_1182 = arith.constant 0 : i32
          %dma_start3A_1183 = arith.constant 0 : i32
          %dma_start3A_1184 = tpu.memref_slice %arg4[%dma_start3A_1182, %dma_start3A_1183, %multiple_of3A_1172] : memref<2x8x1000000xf32, #tpu.memory_space<hbm>> -> memref<2x8x16xf32, #tpu.memory_space<hbm>>
          %dma_start3A_1185 = arith.constant 0 : i32
          %dma_start3A_1186 = arith.constant 0 : i32
          %dma_start3A_1187 = arith.constant 0 : i32
          %dma_start3A_1188 = tpu.memref_slice %arg9[%dma_start3A_1176, %dma_start3A_1185, %dma_start3A_1186, %dma_start3A_1187] : memref<16x2x8x128xf32, #tpu.memory_space<vmem>> -> memref<1x2x8x16xf32, #tpu.memory_space<vmem>>
          %dma_start3A_1189 = tpu.memref_squeeze %dma_start3A_1188 : memref<1x2x8x16xf32, #tpu.memory_space<vmem>> -> memref<2x8x16xf32, #tpu.memory_space<vmem>>
          %dma_start3A_1190 = arith.constant 0 : i32
          %dma_start3A_1191 = arith.constant 0 : i32
          %dma_start3A_1192 = tpu.memref_slice %arg4[%dma_start3A_1190, %dma_start3A_1191, %multiple_of3A_1172] : memref<2x8x1000000xf32, #tpu.memory_space<hbm>> -> memref<2x8x16xf32, #tpu.memory_space<hbm>>
          tpu.enqueue_dma source(%dma_start3A_1192 : memref<2x8x16xf32, #tpu.memory_space<hbm>>) target(%dma_start3A_1189 : memref<2x8x16xf32, #tpu.memory_space<vmem>>) target_semaphore(%arg13 : memref<!tpu.dma_semaphore, #tpu.memory_space<semaphore_mem>>)
          %dma_start3A_1193 = arith.constant 11 : i32
          %dma_start3A_1194 = arith.constant 0 : i32
          %dma_start3A_1195 = arith.constant 0 : i32
          %dma_start3A_1196 = arith.constant 0 : i32
          %dma_start3A_1197 = tpu.memref_slice %arg10[%dma_start3A_1193, %dma_start3A_1194, %dma_start3A_1195, %dma_start3A_1196] : memref<16x2x8x128xf32, #tpu.memory_space<vmem>> -> memref<1x2x8x16xf32, #tpu.memory_space<vmem>>
          %dma_start3A_1198 = tpu.memref_squeeze %dma_start3A_1197 : memref<1x2x8x16xf32, #tpu.memory_space<vmem>> -> memref<2x8x16xf32, #tpu.memory_space<vmem>>
          %dma_start3A_1199 = arith.constant 0 : i32
          %dma_start3A_1200 = arith.constant 0 : i32
          %dma_start3A_1201 = tpu.memref_slice %arg5[%dma_start3A_1199, %dma_start3A_1200, %multiple_of3A_1175] : memref<2x8x1000000xf32, #tpu.memory_space<hbm>> -> memref<2x8x16xf32, #tpu.memory_space<hbm>>
          %dma_start3A_1202 = arith.constant 0 : i32
          %dma_start3A_1203 = arith.constant 0 : i32
          %dma_start3A_1204 = arith.constant 0 : i32
          %dma_start3A_1205 = tpu.memref_slice %arg10[%dma_start3A_1193, %dma_start3A_1202, %dma_start3A_1203, %dma_start3A_1204] : memref<16x2x8x128xf32, #tpu.memory_space<vmem>> -> memref<1x2x8x16xf32, #tpu.memory_space<vmem>>
          %dma_start3A_1206 = tpu.memref_squeeze %dma_start3A_1205 : memref<1x2x8x16xf32, #tpu.memory_space<vmem>> -> memref<2x8x16xf32, #tpu.memory_space<vmem>>
          %dma_start3A_1207 = arith.constant 0 : i32
          %dma_start3A_1208 = arith.constant 0 : i32
          %dma_start3A_1209 = tpu.memref_slice %arg5[%dma_start3A_1207, %dma_start3A_1208, %multiple_of3A_1175] : memref<2x8x1000000xf32, #tpu.memory_space<hbm>> -> memref<2x8x16xf32, #tpu.memory_space<hbm>>
          tpu.enqueue_dma source(%dma_start3A_1209 : memref<2x8x16xf32, #tpu.memory_space<hbm>>) target(%dma_start3A_1206 : memref<2x8x16xf32, #tpu.memory_space<vmem>>) target_semaphore(%arg13 : memref<!tpu.dma_semaphore, #tpu.memory_space<semaphore_mem>>)
          %slice3A_1210 = vector.extract_strided_slice %mul3A_1015 {offsets = [4], sizes = [1], strides = [1]} : vector<16xi32> to vector<1xi32>
          %squeeze3A_1211 = vector.extract %slice3A_1210[0] : i32 from vector<1xi32>
          %multiple_of3A_1212 = tpu.assume_multiple %squeeze3A_1211, 16 : i32
          %slice3A_1213 = vector.extract_strided_slice %mul3A_1049 {offsets = [4], sizes = [1], strides = [1]} : vector<16xi32> to vector<1xi32>
          %squeeze3A_1214 = vector.extract %slice3A_1213[0] : i32 from vector<1xi32>
          %multiple_of3A_1215 = tpu.assume_multiple %squeeze3A_1214, 16 : i32
          %dma_start3A_1216 = arith.constant 12 : i32
          %dma_start3A_1217 = arith.constant 0 : i32
          %dma_start3A_1218 = arith.constant 0 : i32
          %dma_start3A_1219 = arith.constant 0 : i32
          %dma_start3A_1220 = tpu.memref_slice %arg9[%dma_start3A_1216, %dma_start3A_1217, %dma_start3A_1218, %dma_start3A_1219] : memref<16x2x8x128xf32, #tpu.memory_space<vmem>> -> memref<1x2x8x16xf32, #tpu.memory_space<vmem>>
          %dma_start3A_1221 = tpu.memref_squeeze %dma_start3A_1220 : memref<1x2x8x16xf32, #tpu.memory_space<vmem>> -> memref<2x8x16xf32, #tpu.memory_space<vmem>>
          %dma_start3A_1222 = arith.constant 0 : i32
          %dma_start3A_1223 = arith.constant 0 : i32
          %dma_start3A_1224 = tpu.memref_slice %arg4[%dma_start3A_1222, %dma_start3A_1223, %multiple_of3A_1212] : memref<2x8x1000000xf32, #tpu.memory_space<hbm>> -> memref<2x8x16xf32, #tpu.memory_space<hbm>>
          %dma_start3A_1225 = arith.constant 0 : i32
          %dma_start3A_1226 = arith.constant 0 : i32
          %dma_start3A_1227 = arith.constant 0 : i32
          %dma_start3A_1228 = tpu.memref_slice %arg9[%dma_start3A_1216, %dma_start3A_1225, %dma_start3A_1226, %dma_start3A_1227] : memref<16x2x8x128xf32, #tpu.memory_space<vmem>> -> memref<1x2x8x16xf32, #tpu.memory_space<vmem>>
          %dma_start3A_1229 = tpu.memref_squeeze %dma_start3A_1228 : memref<1x2x8x16xf32, #tpu.memory_space<vmem>> -> memref<2x8x16xf32, #tpu.memory_space<vmem>>
          %dma_start3A_1230 = arith.constant 0 : i32
          %dma_start3A_1231 = arith.constant 0 : i32
          %dma_start3A_1232 = tpu.memref_slice %arg4[%dma_start3A_1230, %dma_start3A_1231, %multiple_of3A_1212] : memref<2x8x1000000xf32, #tpu.memory_space<hbm>> -> memref<2x8x16xf32, #tpu.memory_space<hbm>>
          tpu.enqueue_dma source(%dma_start3A_1232 : memref<2x8x16xf32, #tpu.memory_space<hbm>>) target(%dma_start3A_1229 : memref<2x8x16xf32, #tpu.memory_space<vmem>>) target_semaphore(%arg13 : memref<!tpu.dma_semaphore, #tpu.memory_space<semaphore_mem>>)
          %dma_start3A_1233 = arith.constant 12 : i32
          %dma_start3A_1234 = arith.constant 0 : i32
          %dma_start3A_1235 = arith.constant 0 : i32
          %dma_start3A_1236 = arith.constant 0 : i32
          %dma_start3A_1237 = tpu.memref_slice %arg10[%dma_start3A_1233, %dma_start3A_1234, %dma_start3A_1235, %dma_start3A_1236] : memref<16x2x8x128xf32, #tpu.memory_space<vmem>> -> memref<1x2x8x16xf32, #tpu.memory_space<vmem>>
          %dma_start3A_1238 = tpu.memref_squeeze %dma_start3A_1237 : memref<1x2x8x16xf32, #tpu.memory_space<vmem>> -> memref<2x8x16xf32, #tpu.memory_space<vmem>>
          %dma_start3A_1239 = arith.constant 0 : i32
          %dma_start3A_1240 = arith.constant 0 : i32
          %dma_start3A_1241 = tpu.memref_slice %arg5[%dma_start3A_1239, %dma_start3A_1240, %multiple_of3A_1215] : memref<2x8x1000000xf32, #tpu.memory_space<hbm>> -> memref<2x8x16xf32, #tpu.memory_space<hbm>>
          %dma_start3A_1242 = arith.constant 0 : i32
          %dma_start3A_1243 = arith.constant 0 : i32
          %dma_start3A_1244 = arith.constant 0 : i32
          %dma_start3A_1245 = tpu.memref_slice %arg10[%dma_start3A_1233, %dma_start3A_1242, %dma_start3A_1243, %dma_start3A_1244] : memref<16x2x8x128xf32, #tpu.memory_space<vmem>> -> memref<1x2x8x16xf32, #tpu.memory_space<vmem>>
          %dma_start3A_1246 = tpu.memref_squeeze %dma_start3A_1245 : memref<1x2x8x16xf32, #tpu.memory_space<vmem>> -> memref<2x8x16xf32, #tpu.memory_space<vmem>>
          %dma_start3A_1247 = arith.constant 0 : i32
          %dma_start3A_1248 = arith.constant 0 : i32
          %dma_start3A_1249 = tpu.memref_slice %arg5[%dma_start3A_1247, %dma_start3A_1248, %multiple_of3A_1215] : memref<2x8x1000000xf32, #tpu.memory_space<hbm>> -> memref<2x8x16xf32, #tpu.memory_space<hbm>>
          tpu.enqueue_dma source(%dma_start3A_1249 : memref<2x8x16xf32, #tpu.memory_space<hbm>>) target(%dma_start3A_1246 : memref<2x8x16xf32, #tpu.memory_space<vmem>>) target_semaphore(%arg13 : memref<!tpu.dma_semaphore, #tpu.memory_space<semaphore_mem>>)
          %slice3A_1250 = vector.extract_strided_slice %mul3A_1015 {offsets = [5], sizes = [1], strides = [1]} : vector<16xi32> to vector<1xi32>
          %squeeze3A_1251 = vector.extract %slice3A_1250[0] : i32 from vector<1xi32>
          %multiple_of3A_1252 = tpu.assume_multiple %squeeze3A_1251, 16 : i32
          %slice3A_1253 = vector.extract_strided_slice %mul3A_1049 {offsets = [5], sizes = [1], strides = [1]} : vector<16xi32> to vector<1xi32>
          %squeeze3A_1254 = vector.extract %slice3A_1253[0] : i32 from vector<1xi32>
          %multiple_of3A_1255 = tpu.assume_multiple %squeeze3A_1254, 16 : i32
          %dma_start3A_1256 = arith.constant 13 : i32
          %dma_start3A_1257 = arith.constant 0 : i32
          %dma_start3A_1258 = arith.constant 0 : i32
          %dma_start3A_1259 = arith.constant 0 : i32
          %dma_start3A_1260 = tpu.memref_slice %arg9[%dma_start3A_1256, %dma_start3A_1257, %dma_start3A_1258, %dma_start3A_1259] : memref<16x2x8x128xf32, #tpu.memory_space<vmem>> -> memref<1x2x8x16xf32, #tpu.memory_space<vmem>>
          %dma_start3A_1261 = tpu.memref_squeeze %dma_start3A_1260 : memref<1x2x8x16xf32, #tpu.memory_space<vmem>> -> memref<2x8x16xf32, #tpu.memory_space<vmem>>
          %dma_start3A_1262 = arith.constant 0 : i32
          %dma_start3A_1263 = arith.constant 0 : i32
          %dma_start3A_1264 = tpu.memref_slice %arg4[%dma_start3A_1262, %dma_start3A_1263, %multiple_of3A_1252] : memref<2x8x1000000xf32, #tpu.memory_space<hbm>> -> memref<2x8x16xf32, #tpu.memory_space<hbm>>
          %dma_start3A_1265 = arith.constant 0 : i32
          %dma_start3A_1266 = arith.constant 0 : i32
          %dma_start3A_1267 = arith.constant 0 : i32
          %dma_start3A_1268 = tpu.memref_slice %arg9[%dma_start3A_1256, %dma_start3A_1265, %dma_start3A_1266, %dma_start3A_1267] : memref<16x2x8x128xf32, #tpu.memory_space<vmem>> -> memref<1x2x8x16xf32, #tpu.memory_space<vmem>>
          %dma_start3A_1269 = tpu.memref_squeeze %dma_start3A_1268 : memref<1x2x8x16xf32, #tpu.memory_space<vmem>> -> memref<2x8x16xf32, #tpu.memory_space<vmem>>
          %dma_start3A_1270 = arith.constant 0 : i32
          %dma_start3A_1271 = arith.constant 0 : i32
          %dma_start3A_1272 = tpu.memref_slice %arg4[%dma_start3A_1270, %dma_start3A_1271, %multiple_of3A_1252] : memref<2x8x1000000xf32, #tpu.memory_space<hbm>> -> memref<2x8x16xf32, #tpu.memory_space<hbm>>
          tpu.enqueue_dma source(%dma_start3A_1272 : memref<2x8x16xf32, #tpu.memory_space<hbm>>) target(%dma_start3A_1269 : memref<2x8x16xf32, #tpu.memory_space<vmem>>) target_semaphore(%arg13 : memref<!tpu.dma_semaphore, #tpu.memory_space<semaphore_mem>>)
          %dma_start3A_1273 = arith.constant 13 : i32
          %dma_start3A_1274 = arith.constant 0 : i32
          %dma_start3A_1275 = arith.constant 0 : i32
          %dma_start3A_1276 = arith.constant 0 : i32
          %dma_start3A_1277 = tpu.memref_slice %arg10[%dma_start3A_1273, %dma_start3A_1274, %dma_start3A_1275, %dma_start3A_1276] : memref<16x2x8x128xf32, #tpu.memory_space<vmem>> -> memref<1x2x8x16xf32, #tpu.memory_space<vmem>>
          %dma_start3A_1278 = tpu.memref_squeeze %dma_start3A_1277 : memref<1x2x8x16xf32, #tpu.memory_space<vmem>> -> memref<2x8x16xf32, #tpu.memory_space<vmem>>
          %dma_start3A_1279 = arith.constant 0 : i32
          %dma_start3A_1280 = arith.constant 0 : i32
          %dma_start3A_1281 = tpu.memref_slice %arg5[%dma_start3A_1279, %dma_start3A_1280, %multiple_of3A_1255] : memref<2x8x1000000xf32, #tpu.memory_space<hbm>> -> memref<2x8x16xf32, #tpu.memory_space<hbm>>
          %dma_start3A_1282 = arith.constant 0 : i32
          %dma_start3A_1283 = arith.constant 0 : i32
          %dma_start3A_1284 = arith.constant 0 : i32
          %dma_start3A_1285 = tpu.memref_slice %arg10[%dma_start3A_1273, %dma_start3A_1282, %dma_start3A_1283, %dma_start3A_1284] : memref<16x2x8x128xf32, #tpu.memory_space<vmem>> -> memref<1x2x8x16xf32, #tpu.memory_space<vmem>>
          %dma_start3A_1286 = tpu.memref_squeeze %dma_start3A_1285 : memref<1x2x8x16xf32, #tpu.memory_space<vmem>> -> memref<2x8x16xf32, #tpu.memory_space<vmem>>
          %dma_start3A_1287 = arith.constant 0 : i32
          %dma_start3A_1288 = arith.constant 0 : i32
          %dma_start3A_1289 = tpu.memref_slice %arg5[%dma_start3A_1287, %dma_start3A_1288, %multiple_of3A_1255] : memref<2x8x1000000xf32, #tpu.memory_space<hbm>> -> memref<2x8x16xf32, #tpu.memory_space<hbm>>
          tpu.enqueue_dma source(%dma_start3A_1289 : memref<2x8x16xf32, #tpu.memory_space<hbm>>) target(%dma_start3A_1286 : memref<2x8x16xf32, #tpu.memory_space<vmem>>) target_semaphore(%arg13 : memref<!tpu.dma_semaphore, #tpu.memory_space<semaphore_mem>>)
          %slice3A_1290 = vector.extract_strided_slice %mul3A_1015 {offsets = [6], sizes = [1], strides = [1]} : vector<16xi32> to vector<1xi32>
          %squeeze3A_1291 = vector.extract %slice3A_1290[0] : i32 from vector<1xi32>
          %multiple_of3A_1292 = tpu.assume_multiple %squeeze3A_1291, 16 : i32
          %slice3A_1293 = vector.extract_strided_slice %mul3A_1049 {offsets = [6], sizes = [1], strides = [1]} : vector<16xi32> to vector<1xi32>
          %squeeze3A_1294 = vector.extract %slice3A_1293[0] : i32 from vector<1xi32>
          %multiple_of3A_1295 = tpu.assume_multiple %squeeze3A_1294, 16 : i32
          %dma_start3A_1296 = arith.constant 14 : i32
          %dma_start3A_1297 = arith.constant 0 : i32
          %dma_start3A_1298 = arith.constant 0 : i32
          %dma_start3A_1299 = arith.constant 0 : i32
          %dma_start3A_1300 = tpu.memref_slice %arg9[%dma_start3A_1296, %dma_start3A_1297, %dma_start3A_1298, %dma_start3A_1299] : memref<16x2x8x128xf32, #tpu.memory_space<vmem>> -> memref<1x2x8x16xf32, #tpu.memory_space<vmem>>
          %dma_start3A_1301 = tpu.memref_squeeze %dma_start3A_1300 : memref<1x2x8x16xf32, #tpu.memory_space<vmem>> -> memref<2x8x16xf32, #tpu.memory_space<vmem>>
          %dma_start3A_1302 = arith.constant 0 : i32
          %dma_start3A_1303 = arith.constant 0 : i32
          %dma_start3A_1304 = tpu.memref_slice %arg4[%dma_start3A_1302, %dma_start3A_1303, %multiple_of3A_1292] : memref<2x8x1000000xf32, #tpu.memory_space<hbm>> -> memref<2x8x16xf32, #tpu.memory_space<hbm>>
          %dma_start3A_1305 = arith.constant 0 : i32
          %dma_start3A_1306 = arith.constant 0 : i32
          %dma_start3A_1307 = arith.constant 0 : i32
          %dma_start3A_1308 = tpu.memref_slice %arg9[%dma_start3A_1296, %dma_start3A_1305, %dma_start3A_1306, %dma_start3A_1307] : memref<16x2x8x128xf32, #tpu.memory_space<vmem>> -> memref<1x2x8x16xf32, #tpu.memory_space<vmem>>
          %dma_start3A_1309 = tpu.memref_squeeze %dma_start3A_1308 : memref<1x2x8x16xf32, #tpu.memory_space<vmem>> -> memref<2x8x16xf32, #tpu.memory_space<vmem>>
          %dma_start3A_1310 = arith.constant 0 : i32
          %dma_start3A_1311 = arith.constant 0 : i32
          %dma_start3A_1312 = tpu.memref_slice %arg4[%dma_start3A_1310, %dma_start3A_1311, %multiple_of3A_1292] : memref<2x8x1000000xf32, #tpu.memory_space<hbm>> -> memref<2x8x16xf32, #tpu.memory_space<hbm>>
          tpu.enqueue_dma source(%dma_start3A_1312 : memref<2x8x16xf32, #tpu.memory_space<hbm>>) target(%dma_start3A_1309 : memref<2x8x16xf32, #tpu.memory_space<vmem>>) target_semaphore(%arg13 : memref<!tpu.dma_semaphore, #tpu.memory_space<semaphore_mem>>)
          %dma_start3A_1313 = arith.constant 14 : i32
          %dma_start3A_1314 = arith.constant 0 : i32
          %dma_start3A_1315 = arith.constant 0 : i32
          %dma_start3A_1316 = arith.constant 0 : i32
          %dma_start3A_1317 = tpu.memref_slice %arg10[%dma_start3A_1313, %dma_start3A_1314, %dma_start3A_1315, %dma_start3A_1316] : memref<16x2x8x128xf32, #tpu.memory_space<vmem>> -> memref<1x2x8x16xf32, #tpu.memory_space<vmem>>
          %dma_start3A_1318 = tpu.memref_squeeze %dma_start3A_1317 : memref<1x2x8x16xf32, #tpu.memory_space<vmem>> -> memref<2x8x16xf32, #tpu.memory_space<vmem>>
          %dma_start3A_1319 = arith.constant 0 : i32
          %dma_start3A_1320 = arith.constant 0 : i32
          %dma_start3A_1321 = tpu.memref_slice %arg5[%dma_start3A_1319, %dma_start3A_1320, %multiple_of3A_1295] : memref<2x8x1000000xf32, #tpu.memory_space<hbm>> -> memref<2x8x16xf32, #tpu.memory_space<hbm>>
          %dma_start3A_1322 = arith.constant 0 : i32
          %dma_start3A_1323 = arith.constant 0 : i32
          %dma_start3A_1324 = arith.constant 0 : i32
          %dma_start3A_1325 = tpu.memref_slice %arg10[%dma_start3A_1313, %dma_start3A_1322, %dma_start3A_1323, %dma_start3A_1324] : memref<16x2x8x128xf32, #tpu.memory_space<vmem>> -> memref<1x2x8x16xf32, #tpu.memory_space<vmem>>
          %dma_start3A_1326 = tpu.memref_squeeze %dma_start3A_1325 : memref<1x2x8x16xf32, #tpu.memory_space<vmem>> -> memref<2x8x16xf32, #tpu.memory_space<vmem>>
          %dma_start3A_1327 = arith.constant 0 : i32
          %dma_start3A_1328 = arith.constant 0 : i32
          %dma_start3A_1329 = tpu.memref_slice %arg5[%dma_start3A_1327, %dma_start3A_1328, %multiple_of3A_1295] : memref<2x8x1000000xf32, #tpu.memory_space<hbm>> -> memref<2x8x16xf32, #tpu.memory_space<hbm>>
          tpu.enqueue_dma source(%dma_start3A_1329 : memref<2x8x16xf32, #tpu.memory_space<hbm>>) target(%dma_start3A_1326 : memref<2x8x16xf32, #tpu.memory_space<vmem>>) target_semaphore(%arg13 : memref<!tpu.dma_semaphore, #tpu.memory_space<semaphore_mem>>)
          %slice3A_1330 = vector.extract_strided_slice %mul3A_1015 {offsets = [7], sizes = [1], strides = [1]} : vector<16xi32> to vector<1xi32>
          %squeeze3A_1331 = vector.extract %slice3A_1330[0] : i32 from vector<1xi32>
          %multiple_of3A_1332 = tpu.assume_multiple %squeeze3A_1331, 16 : i32
          %slice3A_1333 = vector.extract_strided_slice %mul3A_1049 {offsets = [7], sizes = [1], strides = [1]} : vector<16xi32> to vector<1xi32>
          %squeeze3A_1334 = vector.extract %slice3A_1333[0] : i32 from vector<1xi32>
          %multiple_of3A_1335 = tpu.assume_multiple %squeeze3A_1334, 16 : i32
          %dma_start3A_1336 = arith.constant 15 : i32
          %dma_start3A_1337 = arith.constant 0 : i32
          %dma_start3A_1338 = arith.constant 0 : i32
          %dma_start3A_1339 = arith.constant 0 : i32
          %dma_start3A_1340 = tpu.memref_slice %arg9[%dma_start3A_1336, %dma_start3A_1337, %dma_start3A_1338, %dma_start3A_1339] : memref<16x2x8x128xf32, #tpu.memory_space<vmem>> -> memref<1x2x8x16xf32, #tpu.memory_space<vmem>>
          %dma_start3A_1341 = tpu.memref_squeeze %dma_start3A_1340 : memref<1x2x8x16xf32, #tpu.memory_space<vmem>> -> memref<2x8x16xf32, #tpu.memory_space<vmem>>
          %dma_start3A_1342 = arith.constant 0 : i32
          %dma_start3A_1343 = arith.constant 0 : i32
          %dma_start3A_1344 = tpu.memref_slice %arg4[%dma_start3A_1342, %dma_start3A_1343, %multiple_of3A_1332] : memref<2x8x1000000xf32, #tpu.memory_space<hbm>> -> memref<2x8x16xf32, #tpu.memory_space<hbm>>
          %dma_start3A_1345 = arith.constant 0 : i32
          %dma_start3A_1346 = arith.constant 0 : i32
          %dma_start3A_1347 = arith.constant 0 : i32
          %dma_start3A_1348 = tpu.memref_slice %arg9[%dma_start3A_1336, %dma_start3A_1345, %dma_start3A_1346, %dma_start3A_1347] : memref<16x2x8x128xf32, #tpu.memory_space<vmem>> -> memref<1x2x8x16xf32, #tpu.memory_space<vmem>>
          %dma_start3A_1349 = tpu.memref_squeeze %dma_start3A_1348 : memref<1x2x8x16xf32, #tpu.memory_space<vmem>> -> memref<2x8x16xf32, #tpu.memory_space<vmem>>
          %dma_start3A_1350 = arith.constant 0 : i32
          %dma_start3A_1351 = arith.constant 0 : i32
          %dma_start3A_1352 = tpu.memref_slice %arg4[%dma_start3A_1350, %dma_start3A_1351, %multiple_of3A_1332] : memref<2x8x1000000xf32, #tpu.memory_space<hbm>> -> memref<2x8x16xf32, #tpu.memory_space<hbm>>
          tpu.enqueue_dma source(%dma_start3A_1352 : memref<2x8x16xf32, #tpu.memory_space<hbm>>) target(%dma_start3A_1349 : memref<2x8x16xf32, #tpu.memory_space<vmem>>) target_semaphore(%arg13 : memref<!tpu.dma_semaphore, #tpu.memory_space<semaphore_mem>>)
          %dma_start3A_1353 = arith.constant 15 : i32
          %dma_start3A_1354 = arith.constant 0 : i32
          %dma_start3A_1355 = arith.constant 0 : i32
          %dma_start3A_1356 = arith.constant 0 : i32
          %dma_start3A_1357 = tpu.memref_slice %arg10[%dma_start3A_1353, %dma_start3A_1354, %dma_start3A_1355, %dma_start3A_1356] : memref<16x2x8x128xf32, #tpu.memory_space<vmem>> -> memref<1x2x8x16xf32, #tpu.memory_space<vmem>>
          %dma_start3A_1358 = tpu.memref_squeeze %dma_start3A_1357 : memref<1x2x8x16xf32, #tpu.memory_space<vmem>> -> memref<2x8x16xf32, #tpu.memory_space<vmem>>
          %dma_start3A_1359 = arith.constant 0 : i32
          %dma_start3A_1360 = arith.constant 0 : i32
          %dma_start3A_1361 = tpu.memref_slice %arg5[%dma_start3A_1359, %dma_start3A_1360, %multiple_of3A_1335] : memref<2x8x1000000xf32, #tpu.memory_space<hbm>> -> memref<2x8x16xf32, #tpu.memory_space<hbm>>
          %dma_start3A_1362 = arith.constant 0 : i32
          %dma_start3A_1363 = arith.constant 0 : i32
          %dma_start3A_1364 = arith.constant 0 : i32
          %dma_start3A_1365 = tpu.memref_slice %arg10[%dma_start3A_1353, %dma_start3A_1362, %dma_start3A_1363, %dma_start3A_1364] : memref<16x2x8x128xf32, #tpu.memory_space<vmem>> -> memref<1x2x8x16xf32, #tpu.memory_space<vmem>>
          %dma_start3A_1366 = tpu.memref_squeeze %dma_start3A_1365 : memref<1x2x8x16xf32, #tpu.memory_space<vmem>> -> memref<2x8x16xf32, #tpu.memory_space<vmem>>
          %dma_start3A_1367 = arith.constant 0 : i32
          %dma_start3A_1368 = arith.constant 0 : i32
          %dma_start3A_1369 = tpu.memref_slice %arg5[%dma_start3A_1367, %dma_start3A_1368, %multiple_of3A_1335] : memref<2x8x1000000xf32, #tpu.memory_space<hbm>> -> memref<2x8x16xf32, #tpu.memory_space<hbm>>
          tpu.enqueue_dma source(%dma_start3A_1369 : memref<2x8x16xf32, #tpu.memory_space<hbm>>) target(%dma_start3A_1366 : memref<2x8x16xf32, #tpu.memory_space<vmem>>) target_semaphore(%arg13 : memref<!tpu.dma_semaphore, #tpu.memory_space<semaphore_mem>>)
        } else {
        }
      } else {
      }
    }
    %scan3A_789 = arith.constant 64 : i32
    "tpu.region"() ({
      %run_scoped3A = tpu.sem_alloc : memref<!tpu.dma_semaphore, #tpu.memory_space<semaphore_mem>>
      %dma_start3A_790 = arith.constant 0 : i32
      %dma_start3A_791 = tpu.memref_slice %arg11[%dma_start3A_790] : memref<528xf32, #tpu.memory_space<vmem>> -> memref<512xf32, #tpu.memory_space<vmem>>
      %dma_start3A_792 = tpu.memref_slice %arg6[%mul3A_2] : memref<16384xf32, #tpu.memory_space<hbm>> -> memref<512xf32, #tpu.memory_space<hbm>>
      %dma_start3A_793 = tpu.memref_slice %arg6[%mul3A_2] : memref<16384xf32, #tpu.memory_space<hbm>> -> memref<512xf32, #tpu.memory_space<hbm>>
      %dma_start3A_794 = arith.constant 0 : i32
      %dma_start3A_795 = tpu.memref_slice %arg11[%dma_start3A_794] : memref<528xf32, #tpu.memory_space<vmem>> -> memref<512xf32, #tpu.memory_space<vmem>>
      tpu.enqueue_dma source(%dma_start3A_795 : memref<512xf32, #tpu.memory_space<vmem>>) target(%dma_start3A_793 : memref<512xf32, #tpu.memory_space<hbm>>) target_semaphore(%run_scoped3A : memref<!tpu.dma_semaphore, #tpu.memory_space<semaphore_mem>>)
      %dma_wait3A = arith.constant 0 : i32
      %dma_wait3A_796 = tpu.memref_slice %arg11[%dma_wait3A] : memref<528xf32, #tpu.memory_space<vmem>> -> memref<512xf32, #tpu.memory_space<vmem>>
      %dma_wait3A_797 = tpu.memref_slice %arg6[%mul3A_2] : memref<16384xf32, #tpu.memory_space<hbm>> -> memref<512xf32, #tpu.memory_space<hbm>>
      %dma_wait3A_798 = tpu.memref_slice %arg6[%mul3A_2] : memref<16384xf32, #tpu.memory_space<hbm>> -> memref<512xf32, #tpu.memory_space<hbm>>
      %dma_wait3A_799 = arith.constant 0 : i32
      %dma_wait3A_800 = tpu.memref_slice %arg11[%dma_wait3A_799] : memref<528xf32, #tpu.memory_space<vmem>> -> memref<512xf32, #tpu.memory_space<vmem>>
      tpu.wait_dma2 semaphore(%run_scoped3A : memref<!tpu.dma_semaphore, #tpu.memory_space<semaphore_mem>>) src(%dma_wait3A_800 : memref<512xf32, #tpu.memory_space<vmem>>) dst(%dma_wait3A_798 : memref<512xf32, #tpu.memory_space<hbm>>)
      tpu.yield
    }) : () -> ()
    return
  }
}

module attributes {stable_mosaic.version = 14 : i64} {
  func.func @_tc_loss_body(%arg0: memref<128x128xf32, #tpu.memory_space<vmem>>, %arg1: memref<128x128xf32, #tpu.memory_space<vmem>>, %arg2: memref<1x1xf32, #tpu.memory_space<smem>>) attributes {dimension_semantics = [], scalar_prefetch = 0 : i64, scratch_operands = 0 : i64, tpu.core_type = #tpu.core_type<tc>} {
    %get3A = arith.constant 0 : index
    %get3A_0 = arith.constant 0 : index
    %get3A_1 = vector.load %arg0[%get3A, %get3A_0] : memref<128x128xf32, #tpu.memory_space<vmem>>, vector<128x128xf32>
    %get3A_2 = arith.constant 0 : index
    %get3A_3 = arith.constant 0 : index
    %get3A_4 = vector.load %arg1[%get3A_2, %get3A_3] : memref<128x128xf32, #tpu.memory_space<vmem>>, vector<128x128xf32>
    %sub3A = arith.subf %get3A_1, %get3A_4 : vector<128x128xf32>
    %mul3A = arith.mulf %sub3A, %sub3A : vector<128x128xf32>
    %reduce_sum3A = vector.shape_cast %mul3A : vector<128x128xf32> to vector<1x128x128xf32>
    %reduce_sum3A_5 = arith.constant dense<0.000000e+00> : vector<1xf32>
    %reduce_sum3A_6 = vector.multi_reduction <add>, %reduce_sum3A, %reduce_sum3A_5 [1, 2] : vector<1x128x128xf32> to vector<1xf32>
    %reduce_sum3A_7 = vector.shape_cast %reduce_sum3A_6 : vector<1xf32> to vector<1x1x1xf32>
    %reduce_sum3A_8 = vector.extract %reduce_sum3A_7[0, 0, 0] : f32 from vector<1x1x1xf32>
    %mul3A_9 = arith.constant 6.10351563E-5 : f32
    %mul3A_10 = arith.mulf %reduce_sum3A_8, %mul3A_9 : f32
    %swap3A = arith.constant 0 : index
    %swap3A_11 = arith.constant 0 : index
    %swap3A_12 = memref.load %arg2[%swap3A, %swap3A_11] : memref<1x1xf32, #tpu.memory_space<smem>>
    memref.store %mul3A_10, %arg2[%swap3A, %swap3A_11] : memref<1x1xf32, #tpu.memory_space<smem>>
    return
  }
}

</mosaic_0001>

<sc_bundles>
// kernel: kernel.4.cloned.1.call-start
scs
__scs_entry_jumppad:
0x0: {  	(pc) =	sbr.rel $0x88, $3  }
0x1: {  	(tag) =	ssettag $0x0;
	lr =	simm.s32 $0x1  }
0x2: {  	[smem:$0x3F9C] =	sst lr;
	_ =	strace $0xD0000000  }
0x3: {  	_ = 	snop  }
0x4: {  	_ = 	snop  }
0x5: {  	_ = 	snop  }
0x6: {  	_ = 	snop  }
0x7: {  	_ = 	snop  }
__scs_overlays_trampoline_lowered:
0x8: {  	[smem:$0x3FAB] =	sst s0  }
0x9: {  	[smem:$0x3FAC] =	sst s1  }
0xa: {  	[smem:$0x3FAD] =	sst s2  }
0xb: {  	[smem:$0x3FAE] =	sst s3  }
0xc: {  	[smem:$0x3FAF] =	sst s4  }
0xd: {  	[smem:$0x3FB0] =	sst s5  }
0xe: {  	[smem:$0x3FB1] =	sst s6  }
0xf: {  	[smem:$0x3FB2] =	sst s7  }
0x10: {  	[smem:$0x3FB3] =	sst s8  }
0x11: {  	[smem:$0x3FB4] =	sst s9;
	s0 =	simm.s32 @!p0 $0x0  }
0x12: {  	s1 =	sld [smem:$0x3F9A];
	s0 =	simm.s32 @p0 $0x1  }
0x13: {  	[smem:$0x3FB5] =	sst s0;
	s0 =	simm.s32 @!p1 $0x0  }
0x14: {  	s2 =	sld [smem:$0x3F99];
	s0 =	simm.s32 @p1 $0x1  }
0x15: {  	[smem:$0x3FB6] =	sst s0;
	s0 =	simm.s32 @!p2 $0x0  }
0x16: {  	s3 =	sld [smem:$0x3FDB];
	s0 =	simm.s32 @p2 $0x1  }
0x17: {  	s4 =	simm.s32 $0x1BF5;
	[smem:$0x3FB8] =	sst s0  }
0x18: {  	s0 =	sld [smem:$0x3F9B];
	_ =	swait.ge [sflag:s4], $0x0  }
0x19: {  	s7 =	sld [smem:$0x3F9C]  }
0x1a: {  	s8 =	sadd.s32 $0xFFFFE003, lr  }
0x1b: {  	s9 =	sadd.s32 $0xFFFFFEF7, lr;
	s5 =	simm.s32 $0xFFFFFFFF;
	p2 =	slt.u32 s8, $0xFFFFF086  }
0x1c: {  	p1 =	slt.u32 s9, $0xF7A;
	s5 =	simm.s32 @!p2 $0x0  }
0x1d: {  	s5 =	simm.s32 @p1 $0x1;
	p0 =	seq.s32 s7, s2  }
0x1e: {  	s7 =	smul.u32 @!p0 $0xF7A, s2;
	p2 =	seq.s32 @!p0 s5, $0x0  }
0x1f: {  	s9 =	smul.u32 $0xF7A, s1;
	s8 =	simm.s32 @!p0 $0x1BF5;
	p2 =	por !p2, p0  }
0x20: {  	[sflag:s8] =	ssyncset.s32 @!p0 $0xFFFFF086;
	s6 =	sadd.s32 @!p0 s3, s7;
	s7 =	simm.s32 @!p0 $0x108  }
0x21: {  	s3 =	sadd.s32 s3, s9;
	s6 =	sadd.s32 @!p0 $0x88, s6;
	s7 =	simm.s32 @p2 $0x1082  }
0x22: {  	[simem:s7], [sflag:s8] =	dma.local @!p0 [hbm:s6], $0xF7A  }
0x23: {  	s9 =	sor.u32 $0xD0000000, s2;
	s6 =	simm.s32 $0x108;
	_ =	swait.ge @!p0 [sflag:s8], $0x0  }
0x24: {  	s3 =	sadd.s32 $0x88, s3;
	s6 =	simm.s32 @!p1 $0x1082;
	[sflag:s4] =	ssyncset.s32 $0xFFFFF086  }
0x25: {  	[simem:s6], [sflag:s4] =	dma.local [hbm:s3], $0xF7A  }
0x26: {  	[smem:$0x3F9C] =	sst s1;
	(tag) =	ssettag s2;
	_ =	strace s9  }
0x27: {  	s1 =	sld [smem:$0x3FAC]  }
0x28: {  	s2 =	sld [smem:$0x3FAD]  }
0x29: {  	s4 =	sld [smem:$0x3FAF]  }
0x2a: {  	p0 =	seq.s32 s5, $0x0;
	s5 =	sld [smem:$0x3FB0]  }
0x2b: {  	s6 =	sld [smem:$0x3FB1]  }
0x2c: {  	s7 =	sld [smem:$0x3FB2]  }
0x2d: {  	s3 =	simm.s32 $0x108;
	s8 =	sld [smem:$0x3FB3]  }
0x2e: {  	s3 =	simm.s32 @!p0 $0x1082;
	s9 =	sld [smem:$0x3FB4]  }
0x2f: {  	lr =	sadd.s32 s0, s3;
	s0 =	sld [smem:$0x3FAB]  }
0x30: {  	s3 =	sld [smem:$0x3FAE]  }
0x31: {  	[smem:$0x3FB7] =	sst s10  }
0x32: {  	s10 =	sld [smem:$0x3FB5];
	_ =	sdelay $0x3  }
0x33: {  	p0 =	seq.s32 s10, $0x1;
	s10 =	sld [smem:$0x3FB7];
	_ =	sdelay $0x3  }
0x34: {  	[smem:$0x3FB7] =	sst s10  }
0x35: {  	s10 =	sld [smem:$0x3FB6];
	_ =	sdelay $0x3  }
0x36: {  	p1 =	seq.s32 s10, $0x1;
	s10 =	sld [smem:$0x3FB7];
	_ =	sdelay $0x3  }
0x37: {  	[smem:$0x3FB7] =	sst s10  }
0x38: {  	s10 =	sld [smem:$0x3FB8]  }
0x39: {  	_ = 	snop;
	(pc) =	sbr.ind lr, $3  }
0x3a: {  	_ = 	snop  }
0x3b: {  	_ = 	snop  }
0x3c: {  	p2 =	seq.s32 s10, $0x1;
	s10 =	sld [smem:$0x3FB7]  }
0x3d: {  	_ =	shalt  }
0x3e: {  	_ =	shalt  }
0x3f: {  	_ =	shalt  }
0x40: {  	_ =	shalt  }
0x41: {  	_ =	shalt  }
0x42: {  	_ =	shalt  }
0x43: {  	_ =	shalt  }
0x44: {  	_ =	shalt  }
0x45: {  	_ =	shalt  }
0x46: {  	_ =	shalt  }
0x47: {  	_ =	shalt  }
0x48: {  	_ =	shalt  }
0x49: {  	_ =	shalt  }
0x4a: {  	_ =	shalt  }
0x4b: {  	_ =	shalt  }
0x4c: {  	_ =	shalt  }
0x4d: {  	_ =	shalt  }
0x4e: {  	_ =	shalt  }
0x4f: {  	_ =	shalt  }
0x50: {  	_ =	shalt  }
0x51: {  	_ =	shalt  }
0x52: {  	_ =	shalt  }
0x53: {  	_ =	shalt  }
0x54: {  	_ =	shalt  }
0x55: {  	_ =	shalt  }
0x56: {  	_ =	shalt  }
0x57: {  	_ =	shalt  }
0x58: {  	_ =	shalt  }
0x59: {  	_ =	shalt  }
0x5a: {  	_ =	shalt  }
0x5b: {  	_ =	shalt  }
0x5c: {  	_ =	shalt  }
0x5d: {  	_ =	shalt  }
0x5e: {  	_ =	shalt  }
0x5f: {  	_ =	shalt  }
0x60: {  	_ =	shalt  }
0x61: {  	_ =	shalt  }
0x62: {  	_ =	shalt  }
0x63: {  	_ =	shalt  }
0x64: {  	_ =	shalt  }
0x65: {  	_ =	shalt  }
0x66: {  	_ =	shalt  }
0x67: {  	_ =	shalt  }
0x68: {  	_ =	shalt  }
0x69: {  	_ =	shalt  }
0x6a: {  	_ =	shalt  }
0x6b: {  	_ =	shalt  }
0x6c: {  	_ =	shalt  }
0x6d: {  	_ =	shalt  }
0x6e: {  	_ =	shalt  }
0x6f: {  	_ =	shalt  }
0x70: {  	_ =	shalt  }
0x71: {  	_ =	shalt  }
0x72: {  	_ =	shalt  }
0x73: {  	_ =	shalt  }
0x74: {  	_ =	shalt  }
0x75: {  	_ =	shalt  }
0x76: {  	_ =	shalt  }
0x77: {  	_ =	shalt  }
0x78: {  	_ =	shalt  }
0x79: {  	_ =	shalt  }
0x7a: {  	_ =	shalt  }
0x7b: {  	_ =	shalt  }
0x7c: {  	_ =	shalt  }
0x7d: {  	_ =	shalt  }
0x7e: {  	_ =	shalt  }
0x7f: {  	_ =	shalt  }
0x80: {  	_ =	shalt  }
0x81: {  	_ =	shalt  }
0x82: {  	_ =	shalt  }
0x83: {  	_ =	shalt  }
0x84: {  	_ =	shalt  }
0x85: {  	_ =	shalt  }
0x86: {  	_ =	shalt  }
0x87: {  	_ =	shalt  }
.Lfunc_end0:
.L_simem_size_0:
called_computation_lowered:
.L_overlay_start_0:
0x88: {  	s2 =	sld [smem:$0x3FD9]  }
0x89: {  	s3 =	sld [smem:$0x3FFE];
	_ =	sdelay $0x1  }
0x8a: {  	s1 =	srdreg.scid  }
0x8b: {  	s0 =	sand.u32 $0x1, s1  }
0x8c: {  	s15 =	sshll.u32 s0, $0xA;
	s2 =	sadd.s32 s3, s2  }
0x8d: {  	s2 =	sadd.s32 s2, s15  }
0x8e: {  	[smem:$0x3FC3] =	sst s2  }
0x8f: {  	_ = 	snop  }
0x90: {  	s2 =	sld [smem:$0x3FC9]  }
0x91: {  	s16 =	sld [smem:$0x3FD0]  }
0x92: {  	s4 =	sld [smem:$0x3FC8]  }
0x93: {  	s5 =	sld [smem:$0x3FC6]  }
0x94: {  	s7 =	simm.s32 $0xA;
	s8 =	simm.s32 $0x10;
	s6 =	sld [smem:$0x3FC5]  }
0x95: {  	[smem:s8], [sflag:s7] =	dma.local [hbm:s16], $0x1  }
0x96: {  	_ =	swait.eq [sflag:s7], $0x1  }
0x97: {  	[sflag:s7] =	ssyncset.done $0x0  }
0x98: {  	[sflag:s7] =	ssyncadd.s32 $0xFFFFFFFF  }
0x99: {  	s17 =	sld [smem:$0x10];
	(tm) =	ssettm $0x1  }
0x9a: {  	s18 =	sld [smem:$0x3FFB];
	_ =	sdelay $0x3  }
0x9b: {  	_ =	strace s18  }
0x9c: {  	s7 =	sld [smem:$0x3FFC];
	_ =	sdelay $0x3  }
0x9d: {  	_ =	strace s7  }
0x9e: {  	s7 =	sld [smem:$0x3FFD];
	_ =	sdelay $0x3  }
0x9f: {  	_ =	strace s7  }
0xa0: {  	_ =	strace $0x8FFFFFFF  }
0xa1: {  	s19 =	sld [smem:$0x3FDB];
	_ =	sdelay $0x1  }
0xa2: {  	s20 =	simm.s32 $_scs_section_size  }
0xa3: {  	s9 =	simm.s32 $_size__tile_overlayer_lowered;
	s10 =	simm.s32 $_tile_overlayer_lowered  }
0xa4: {  	s23 =	simm.s32 $0x1BFF;
	s22 =	sshll.u32 s10, $0x1;
	s7 =	sadd.s32 s20, s19  }
0xa5: {  	s11 =	simm.s32 $0x0;
	s21 =	sshll.u32 s9, $0x1;
	s9 =	sadd.s32 s22, s7  }
0xa6: {  	[timem:s11], [sflag:s23] =	dma.local [hbm:s9], s21  }
0xa7: {  	_ =	swait.ge [sflag:s23], s21  }
0xa8: {  	s8 =	ssub.s32 $0x0, s21;
	[sflag:s23] =	ssyncset.done $0x0  }
0xa9: {  	[sflag:s23] =	ssyncadd.s32 s8;
	_ =	sdelay $0x1  }
0xaa: {  	s24 =	simm.s32 $0x1B8B  }
0xab: {  	_ =	swait.ge [sflag:s24], $0x1  }
0xac: {  	[sflag:s24] =	ssyncset.done $0x0  }
0xad: {  	s25 =	simm.s32 $0x1B8E;
	[sflag:s24] =	ssyncadd.s32 $0xFFFFFFFF  }
0xae: {  	s26 =	simm.s32 $execute0_lowered;
	[smem:$0x3FD2] =	sst s25  }
0xaf: {  	s8 =	sshll.u32 s26, $0x1;
	_ =	strace $0x80000046;
	[dreg:$0x1] =	wrdreg $0xFFFFFFFF  }
0xb0: {  	s28 =	simm.s32 $_size_execute0_lowered;
	s7 =	sadd.s32 s7, s8;
	[dreg:$0x0] =	wrdreg $0x0  }
0xb1: {  	s8 =	sshll.u32 s28, $0x1;
	[dreg:$0x2] =	wrdreg s7  }
0xb2: {  	[dreg:$0x3] =	wrdreg s8  }
0xb3: {  	[dreg:$0x4] =	wrdreg $0xC0  }
0xb4: {  	_ =	task [dreg:s11], $0x5FFFF  }
0xb5: {  	[dreg:$0x1] =	wrdreg $0xFFFFFFFF  }
0xb6: {  	[dreg:$0x0] =	wrdreg $0x60  }
0xb7: {  	[dreg:$0x2] =	wrdreg s2  }
0xb8: {  	[dreg:$0x3] =	wrdreg s4  }
0xb9: {  	[dreg:$0x4] =	wrdreg s5  }
0xba: {  	[dreg:$0x5] =	wrdreg s6  }
0xbb: {  	[dreg:$0x6] =	wrdreg s17  }
0xbc: {  	[dreg:$0x7] =	wrdreg $0x9  }
0xbd: {  	_ =	task.clear_ibuf [dreg:s11], $0x8FFFF;
	_ =	strace $0x90000046  }
0xbe: {  	s29 =	simm.s32 $0x9;
	_ =	strace $0x80000048  }
0xbf: {  	_ =	swait.ge [sflag:s29], $0x1  }
0xc0: {  	[sflag:s29] =	ssyncadd.s32 $0xFFFFFFFF  }
0xc1: {  	_ =	strace $0x90000048  }
0xc2: {  	_ =	sfence  }
0xc3: {  	s30 =	sld [smem:$0x0];
	_ =	sdelay $0x2  }
0xc4: {  	s31 =	sshll.u32 s1, $0xD;
	s1 =	sshrl.u32 s1, $0x2  }
0xc5: {  	s3 =	sand.u32 $0x4000, s31;
	s1 =	sadd.s32 s1, s30  }
0xc6: {  	s0 =	sor.u32 s3, s0;
	s1 =	sshll.u32 s1, $0x11  }
0xc7: {  	s0 =	sor.u32 s1, s0  }
0xc8: {  	s0 =	sadd.s32 $0x8F2B, s0  }
0xc9: {  	[sflag:s0] =	ssyncadd.remote.s32 $0x1  }
0xca: {  	_ =	sfence.sel $0xFFFF  }
0xcb: {  	[dreg:$0x0] =	wrdreg $0xFFFFFFFF;
	(pc) =	sbr.abs _section_cstart, $3  }
0xcc: {  	[dreg:$0x1] =	wrdreg $0xFFFFFFFF  }
0xcd: {  	_ =	task.clear_ibuf [dreg:s11], $0x2FFFF;
	_ =	strace $0x9FFFFFFF  }
0xce: {  	(tm) =	ssettm $0x7FFFFFFF  }
0xcf: {  	_ =	shalt  }
tec
execute0_lowered:
.L_overlay_start_1:
0x0: {  	(tag) =	ssettag $0x1  }
0x1: {  	s0 =	rddreg [dreg:$0x0]  }
0x2: {  	s3 =	rddreg [dreg:$0x1]  }
0x3: {  	s1 =	rddreg [dreg:$0x2]  }
0x4: {  	s2 =	rddreg [dreg:$0x3]  }
0x5: {  	s5 =	rddreg [dreg:$0x4]  }
0x6: {  	s6 =	srdreg.scid;
	s4 =	simm.s32 $0x0;
	s8 =	stileid.u32  }
0x7: {  	s11 =	simm.s32 $0x500;
	s28 =	simm.s32 $0x8500;
	s14 =	simm.s32 $0xFE00  }
0x8: {  	s15 =	simm.s32 $0xFE80;
	s16 =	simm.s32 $0xFF00;
	s17 =	simm.s32 $0xFF80  }
0x9: {  	s18 =	simm.s32 $0x10000;
	s19 =	simm.s32 $0x10080;
	s20 =	simm.s32 $0x10100  }
0xa: {  	s21 =	simm.s32 $0x10180;
	s22 =	simm.s32 $0x10200;
	s23 =	simm.s32 $0x10280  }
0xb: {  	s24 =	simm.s32 $0x10300;
	s29 =	simm.s32 $0x10480;
	s6 =	sand.u32 $0x1, s6  }
0xc: {  	s8 =	sshll.u32 s8, $0x7;
	s7 =	ssub.s32 $0x2, s6;
	s6 =	sshll.u32 s6, $0x6  }
0xd: {  	s30 =	simm.s32 $0x0;
	[smem:$0x7FF] =	sst s4;
	s6 =	sor.u32 s6, s8  }
.Ltmp0:
0xe: {  	_ =	strace $0x80000047;
	s0 =	sadd.s32 s0, s6;
	(pc) =	sbr.rel .LBB2_1-.Ltmp0, $4  }
0xf: {  	s9 =	sshrl.u32 s7, $0x1;
	s25 =	sadd.s32 s3, s6;
	[dreg:$0x6] =	wrdreg s0  }
0x10: {  	v0 =	vlaneseq.u32;
	s7 =	ssub.s32 s7, s9;
	s26 =	sadd.s32 s5, s6;
	[dreg:$0x7] =	wrdreg s25  }
0x11: {  	v1 =	vand.u32 $0x7, v0;
	s3 =	simm.s32 $0x3;
	[dreg:$0x8] =	wrdreg s26;
	s31 =	smax.u32 s7, $0x1  }
0x12: {  	v0 =	vimm.s32 $0x0;
	v1 =	vmul.u32 $0x800, v1;
	s25 =	simm.s32 $0x10380;
	s26 =	simm.s32 $0x10400;
	[dreg:$0x9] =	wrdreg s31  }
.LBB2_7:
0x13: {  	s0 =	rddreg [dreg:$0x8];
	s3 =	simm.s32 $0x10500  }
0x14: {  	[hbm4b:s0+s4] =	stream.linear.scatter [tilespmem:s3], [sflag:$0x3], $0x200, $0x38;
	[tilespmem:$0x10780] =	vst v63  }
0x15: {  	s3 =	simm.s32 $0x3  }
0x16: {  	_ =	swait.ge [sflag:s3], $0x200  }
0x17: {  	s30 =	sadd.s32 $0x1, s30;
	s31 =	rddreg [dreg:$0x9]  }
0x18: {  	p0 =	sne.s32 s30, s31  }
.Ltmp1:
0x19: {  	_ = 	snop;
	(pc) =	sbr.rel @!p0 .LBB2_8-.Ltmp1, $3  }
0x1a: {  	_ =	sdelay $0x1  }
0x1b: {  	[sflag:s3] =	ssyncset.done $0x0  }
0x1c: {  	[sflag:s3] =	ssyncadd.s32 $0xFFFFFE00  }
.LBB2_1:
0x1d: {  	s0 =	rddreg [dreg:$0x6]  }
0x1e: {  	[tilespmem:s4], [sflag:$0x3] =	stream.linear.gather [hbm4b:s0+s4], $0x200, $0x38;
	[tilespmem:$0x10780] =	vst v63  }
0x1f: {  	_ =	swait.ge [sflag:s3], $0x200  }
0x20: {  	[sflag:s3] =	ssyncset.done $0x0  }
0x21: {  	s5 =	simm.s32 $0x280;
	s13 =	rddreg [dreg:$0x7];
	[sflag:s3] =	ssyncadd.s32 $0xFFFFFE00  }
0x22: {  	[tilespmem:s5], [sflag:$0x3] =	stream.linear.gather [hbm4b:s13+s4], $0x200, $0x38;
	[tilespmem:$0x10780] =	vst v63  }
0x23: {  	_ =	swait.ge [sflag:s3], $0x200  }
0x24: {  	[sflag:s3] =	ssyncset.done $0x0  }
0x25: {  	[sflag:s3] =	ssyncadd.s32 $0xFFFFFE00  }
0x26: {  	v2 =	vld [tilespmem:$0x0];
	_ =	sdelay $0x4  }
0x27: {  	v3 =	vshra.s32 v2, $0x1F;
	v4 =	vand.u32 $0xF, v2  }
0x28: {  	vm0 =	vlt.s32 v2, $0x1;
	v3 =	vshrl.u32 v3, $0x1C;
	vm1 =	vne.s32 v4, $0x0  }
0x29: {  	v2 =	vadd.s32 v3, v2;
	vm0 =	vmand vm0, vm1  }
0x2a: {  	v2 =	vshrl.u32 v2, $0x4;
	v3 =	vsel vm0, $0xFFFFFFFF, v0  }
0x2b: {  	v2 =	vadd.s32 v3, v2  }
0x2c: {  	v3 =	vshll.u32 v2, $0x4  }
0x2d: {  	(v2sf) =	vpush v3, $0x0;
	_ =	sdelay $0xe  }
0x2e: {  	s5 =	spop (v2sf)  }
0x2f: {  	s6 =	sshll.u32 s5, $0x3  }
0x30: {  	s0 =	sand.u32 $0x70, s5;
	s3 =	sand.u32 $0xFFFFFC00, s6  }
0x31: {  	s0 =	sor.u32 s0, s3  }
0x32: {  	[tilespmem:$0x200] =	vst v0;
	s0 =	sshrl.u32 s0, $0x3  }
0x33: {  	[tilespmem:$0x480] =	vst v0;
	s0 =	sadd.s32 s1, s0  }
0x34: {  	v2 =	vld [tilespmem:$0x280];
	[tilespmem:s11], [sflag:$0x1] =	stream.linear.gather [hbm4b:s0+s4], $0x10, $0x38  }
0x35: {  	s8 =	simm.s32 $0x580;
	s7 =	sadd.s32 $0x10, s0  }
0x36: {  	[tilespmem:s8], [sflag:$0x1] =	stream.linear.gather [hbm4b:s7+s4], $0x10, $0x38;
	[tilespmem:$0x10780] =	vst v63  }
0x37: {  	s10 =	simm.s32 $0x600;
	s9 =	sadd.s32 $0x20, s0  }
0x38: {  	[tilespmem:s10], [sflag:$0x1] =	stream.linear.gather [hbm4b:s9+s4], $0x10, $0x38;
	[tilespmem:$0x10780] =	vst v63  }
0x39: {  	s13 =	simm.s32 $0x680;
	s12 =	sadd.s32 $0x30, s0  }
0x3a: {  	v58 =	vshra.s32 v2, $0x1F;
	v5 =	vand.u32 $0xF, v2;
	[tilespmem:s13], [sflag:$0x1] =	stream.linear.gather [hbm4b:s12+s4], $0x10, $0x38;
	[tilespmem:$0x10780] =	vst v63  }
0x3b: {  	vm10 =	vlt.s32 v2, $0x1;
	v4 =	vshrl.u32 v58, $0x1C;
	vm11 =	vne.s32 v5, $0x0;
	s6 =	simm.s32 $0x700;
	s5 =	sadd.s32 $0x40, s0  }
0x3c: {  	v2 =	vadd.s32 v4, v2;
	vm0 =	vmand vm10, vm11;
	[tilespmem:s6], [sflag:$0x1] =	stream.linear.gather [hbm4b:s5+s4], $0x10, $0x38;
	[tilespmem:$0x10780] =	vst v63  }
0x3d: {  	v2 =	vshrl.u32 v2, $0x4;
	v59 =	vsel vm0, $0xFFFFFFFF, v0;
	s7 =	sadd.s32 $0x50, s0;
	s8 =	simm.s32 $0x780  }
0x3e: {  	v2 =	vadd.s32 v59, v2;
	[tilespmem:s8], [sflag:$0x1] =	stream.linear.gather [hbm4b:s7+s4], $0x10, $0x38;
	[tilespmem:$0x10780] =	vst v63  }
0x3f: {  	v2 =	vshll.u32 v2, $0x4;
	s9 =	sadd.s32 $0x60, s0;
	s10 =	simm.s32 $0x800  }
0x40: {  	(v2sf) =	vpush v2, $0x0;
	[tilespmem:s10], [sflag:$0x1] =	stream.linear.gather [hbm4b:s9+s4], $0x10, $0x38;
	[tilespmem:$0x10780] =	vst v63  }
0x41: {  	s12 =	sadd.s32 $0x70, s0;
	s13 =	simm.s32 $0x880  }
0x42: {  	[tilespmem:s13], [sflag:$0x1] =	stream.linear.gather [hbm4b:s12+s4], $0x10, $0x38;
	[tilespmem:$0x10780] =	vst v63  }
0x43: {  	s0 =	sadd.s32 $0xF4280, s0;
	s6 =	simm.s32 $0x900  }
0x44: {  	[tilespmem:s6], [sflag:$0x1] =	stream.linear.gather [hbm4b:s0+s4], $0x10, $0x38;
	[tilespmem:$0x10780] =	vst v63  }
0x45: {  	s7 =	sadd.s32 $0x10, s0;
	s8 =	simm.s32 $0x980  }
0x46: {  	[tilespmem:s8], [sflag:$0x1] =	stream.linear.gather [hbm4b:s7+s4], $0x10, $0x38;
	[tilespmem:$0x10780] =	vst v63  }
0x47: {  	s9 =	sadd.s32 $0x20, s0;
	s10 =	simm.s32 $0xA00  }
0x48: {  	[tilespmem:s10], [sflag:$0x1] =	stream.linear.gather [hbm4b:s9+s4], $0x10, $0x38;
	[tilespmem:$0x10780] =	vst v63  }
0x49: {  	s12 =	sadd.s32 $0x30, s0;
	s13 =	simm.s32 $0xA80  }
0x4a: {  	[tilespmem:s13], [sflag:$0x1] =	stream.linear.gather [hbm4b:s12+s4], $0x10, $0x38;
	[tilespmem:$0x10780] =	vst v63  }
0x4b: {  	s6 =	sadd.s32 $0x40, s0;
	s7 =	simm.s32 $0xB00  }
0x4c: {  	[tilespmem:s7], [sflag:$0x1] =	stream.linear.gather [hbm4b:s6+s4], $0x10, $0x38;
	[tilespmem:$0x10780] =	vst v63  }
0x4d: {  	s8 =	sadd.s32 $0x50, s0;
	s9 =	simm.s32 $0xB80  }
0x4e: {  	[tilespmem:s9], [sflag:$0x1] =	stream.linear.gather [hbm4b:s8+s4], $0x10, $0x38;
	[tilespmem:$0x10780] =	vst v63  }
0x4f: {  	s5 =	spop (v2sf);
	s10 =	sadd.s32 $0x60, s0;
	s12 =	simm.s32 $0xC00  }
0x50: {  	[tilespmem:s12], [sflag:$0x1] =	stream.linear.gather [hbm4b:s10+s4], $0x10, $0x38;
	[tilespmem:$0x10780] =	vst v63  }
0x51: {  	s0 =	sadd.s32 $0x70, s0;
	s13 =	simm.s32 $0xC80;
	s6 =	sshll.u32 s5, $0x3  }
0x52: {  	[tilespmem:s13], [sflag:$0x1] =	stream.linear.gather [hbm4b:s0+s4], $0x10, $0x38;
	[tilespmem:$0x10780] =	vst v63  }
0x53: {  	s3 =	sand.u32 $0xFFFFFC00, s6;
	s0 =	sand.u32 $0x70, s5  }
0x54: {  	s0 =	sor.u32 s0, s3  }
0x55: {  	s0 =	sshrl.u32 s0, $0x3  }
0x56: {  	s0 =	sadd.s32 s2, s0  }
0x57: {  	[tilespmem:s28], [sflag:$0x1] =	stream.linear.gather [hbm4b:s0+s4], $0x10, $0x38;
	[tilespmem:$0x10780] =	vst v63  }
0x58: {  	s8 =	simm.s32 $0x8580;
	s7 =	sadd.s32 $0x10, s0  }
0x59: {  	[tilespmem:s8], [sflag:$0x1] =	stream.linear.gather [hbm4b:s7+s4], $0x10, $0x38;
	[tilespmem:$0x10780] =	vst v63  }
0x5a: {  	s10 =	simm.s32 $0x8600;
	s9 =	sadd.s32 $0x20, s0  }
0x5b: {  	[tilespmem:s10], [sflag:$0x1] =	stream.linear.gather [hbm4b:s9+s4], $0x10, $0x38;
	[tilespmem:$0x10780] =	vst v63  }
0x5c: {  	s13 =	simm.s32 $0x8680;
	s12 =	sadd.s32 $0x30, s0  }
0x5d: {  	[tilespmem:s13], [sflag:$0x1] =	stream.linear.gather [hbm4b:s12+s4], $0x10, $0x38;
	[tilespmem:$0x10780] =	vst v63  }
0x5e: {  	s6 =	simm.s32 $0x8700;
	s5 =	sadd.s32 $0x40, s0  }
0x5f: {  	[tilespmem:s6], [sflag:$0x1] =	stream.linear.gather [hbm4b:s5+s4], $0x10, $0x38;
	[tilespmem:$0x10780] =	vst v63  }
0x60: {  	s7 =	sadd.s32 $0x50, s0;
	s8 =	simm.s32 $0x8780  }
0x61: {  	[tilespmem:s8], [sflag:$0x1] =	stream.linear.gather [hbm4b:s7+s4], $0x10, $0x38;
	[tilespmem:$0x10780] =	vst v63  }
0x62: {  	s9 =	sadd.s32 $0x60, s0;
	s10 =	simm.s32 $0x8800  }
0x63: {  	(v2sf) =	vpush v3, $0x1;
	[tilespmem:s10], [sflag:$0x1] =	stream.linear.gather [hbm4b:s9+s4], $0x10, $0x38;
	[tilespmem:$0x10780] =	vst v63  }
0x64: {  	s12 =	sadd.s32 $0x70, s0;
	s13 =	simm.s32 $0x8880  }
0x65: {  	[tilespmem:s13], [sflag:$0x1] =	stream.linear.gather [hbm4b:s12+s4], $0x10, $0x38;
	[tilespmem:$0x10780] =	vst v63  }
0x66: {  	s0 =	sadd.s32 $0xF4280, s0;
	s6 =	simm.s32 $0x8900  }
0x67: {  	[tilespmem:s6], [sflag:$0x1] =	stream.linear.gather [hbm4b:s0+s4], $0x10, $0x38;
	[tilespmem:$0x10780] =	vst v63  }
0x68: {  	s7 =	sadd.s32 $0x10, s0;
	s8 =	simm.s32 $0x8980  }
0x69: {  	[tilespmem:s8], [sflag:$0x1] =	stream.linear.gather [hbm4b:s7+s4], $0x10, $0x38;
	[tilespmem:$0x10780] =	vst v63  }
0x6a: {  	s9 =	sadd.s32 $0x20, s0;
	s10 =	simm.s32 $0x8A00  }
0x6b: {  	[tilespmem:s10], [sflag:$0x1] =	stream.linear.gather [hbm4b:s9+s4], $0x10, $0x38;
	[tilespmem:$0x10780] =	vst v63  }
0x6c: {  	s12 =	sadd.s32 $0x30, s0;
	s13 =	simm.s32 $0x8A80  }
0x6d: {  	[tilespmem:s13], [sflag:$0x1] =	stream.linear.gather [hbm4b:s12+s4], $0x10, $0x38;
	[tilespmem:$0x10780] =	vst v63  }
0x6e: {  	s5 =	sadd.s32 $0x40, s0;
	s6 =	simm.s32 $0x8B00  }
0x6f: {  	[tilespmem:s6], [sflag:$0x1] =	stream.linear.gather [hbm4b:s5+s4], $0x10, $0x38;
	[tilespmem:$0x10780] =	vst v63  }
0x70: {  	s7 =	sadd.s32 $0x50, s0;
	s8 =	simm.s32 $0x8B80  }
0x71: {  	[tilespmem:s8], [sflag:$0x1] =	stream.linear.gather [hbm4b:s7+s4], $0x10, $0x38;
	[tilespmem:$0x10780] =	vst v63  }
0x72: {  	s9 =	sadd.s32 $0x60, s0;
	s10 =	simm.s32 $0x8C00;
	s13 =	spop (v2sf)  }
0x73: {  	[tilespmem:s10], [sflag:$0x1] =	stream.linear.gather [hbm4b:s9+s4], $0x10, $0x38;
	[tilespmem:$0x10780] =	vst v63  }
0x74: {  	s0 =	sadd.s32 $0x70, s0;
	s12 =	simm.s32 $0x8C80;
	s5 =	sshll.u32 s13, $0x3  }
0x75: {  	[tilespmem:s12], [sflag:$0x1] =	stream.linear.gather [hbm4b:s0+s4], $0x10, $0x38;
	[tilespmem:$0x10780] =	vst v63  }
0x76: {  	s3 =	sand.u32 $0xFFFFFC00, s5;
	s0 =	sand.u32 $0x70, s13  }
0x77: {  	s0 =	sor.u32 s0, s3  }
0x78: {  	s0 =	sshrl.u32 s0, $0x3  }
0x79: {  	s6 =	simm.s32 $0xD00;
	s0 =	sadd.s32 s1, s0  }
0x7a: {  	[tilespmem:s6], [sflag:$0x1] =	stream.linear.gather [hbm4b:s0+s4], $0x10, $0x38;
	[tilespmem:$0x10780] =	vst v63  }
0x7b: {  	s8 =	simm.s32 $0xD80;
	s7 =	sadd.s32 $0x10, s0  }
0x7c: {  	[tilespmem:s8], [sflag:$0x1] =	stream.linear.gather [hbm4b:s7+s4], $0x10, $0x38;
	[tilespmem:$0x10780] =	vst v63  }
0x7d: {  	s10 =	simm.s32 $0xE00;
	s9 =	sadd.s32 $0x20, s0  }
0x7e: {  	[tilespmem:s10], [sflag:$0x1] =	stream.linear.gather [hbm4b:s9+s4], $0x10, $0x38;
	[tilespmem:$0x10780] =	vst v63  }
0x7f: {  	s13 =	simm.s32 $0xE80;
	s12 =	sadd.s32 $0x30, s0  }
0x80: {  	[tilespmem:s13], [sflag:$0x1] =	stream.linear.gather [hbm4b:s12+s4], $0x10, $0x38;
	[tilespmem:$0x10780] =	vst v63  }
0x81: {  	s5 =	sadd.s32 $0x40, s0;
	s6 =	simm.s32 $0xF00  }
0x82: {  	[tilespmem:s6], [sflag:$0x1] =	stream.linear.gather [hbm4b:s5+s4], $0x10, $0x38;
	[tilespmem:$0x10780] =	vst v63  }
0x83: {  	s7 =	sadd.s32 $0x50, s0;
	s8 =	simm.s32 $0xF80  }
0x84: {  	[tilespmem:s8], [sflag:$0x1] =	stream.linear.gather [hbm4b:s7+s4], $0x10, $0x38;
	[tilespmem:$0x10780] =	vst v63  }
0x85: {  	s9 =	sadd.s32 $0x60, s0;
	s10 =	simm.s32 $0x1000  }
0x86: {  	(v2sf) =	vpush v2, $0x1;
	[tilespmem:s10], [sflag:$0x1] =	stream.linear.gather [hbm4b:s9+s4], $0x10, $0x38;
	[tilespmem:$0x10780] =	vst v63  }
0x87: {  	s12 =	sadd.s32 $0x70, s0;
	s13 =	simm.s32 $0x1080  }
0x88: {  	[tilespmem:s13], [sflag:$0x1] =	stream.linear.gather [hbm4b:s12+s4], $0x10, $0x38;
	[tilespmem:$0x10780] =	vst v63  }
0x89: {  	s0 =	sadd.s32 $0xF4280, s0;
	s6 =	simm.s32 $0x1100  }
0x8a: {  	[tilespmem:s6], [sflag:$0x1] =	stream.linear.gather [hbm4b:s0+s4], $0x10, $0x38;
	[tilespmem:$0x10780] =	vst v63  }
0x8b: {  	s7 =	sadd.s32 $0x10, s0;
	s8 =	simm.s32 $0x1180  }
0x8c: {  	[tilespmem:s8], [sflag:$0x1] =	stream.linear.gather [hbm4b:s7+s4], $0x10, $0x38;
	[tilespmem:$0x10780] =	vst v63  }
0x8d: {  	s9 =	sadd.s32 $0x20, s0;
	s10 =	simm.s32 $0x1200  }
0x8e: {  	[tilespmem:s10], [sflag:$0x1] =	stream.linear.gather [hbm4b:s9+s4], $0x10, $0x38;
	[tilespmem:$0x10780] =	vst v63  }
0x8f: {  	s12 =	sadd.s32 $0x30, s0;
	s13 =	simm.s32 $0x1280  }
0x90: {  	[tilespmem:s13], [sflag:$0x1] =	stream.linear.gather [hbm4b:s12+s4], $0x10, $0x38;
	[tilespmem:$0x10780] =	vst v63  }
0x91: {  	s5 =	sadd.s32 $0x40, s0;
	s6 =	simm.s32 $0x1300  }
0x92: {  	[tilespmem:s6], [sflag:$0x1] =	stream.linear.gather [hbm4b:s5+s4], $0x10, $0x38;
	[tilespmem:$0x10780] =	vst v63  }
0x93: {  	s7 =	sadd.s32 $0x50, s0;
	s8 =	simm.s32 $0x1380  }
0x94: {  	[tilespmem:s8], [sflag:$0x1] =	stream.linear.gather [hbm4b:s7+s4], $0x10, $0x38;
	[tilespmem:$0x10780] =	vst v63  }
0x95: {  	s9 =	sadd.s32 $0x60, s0;
	s10 =	simm.s32 $0x1400;
	s13 =	spop (v2sf)  }
0x96: {  	[tilespmem:s10], [sflag:$0x1] =	stream.linear.gather [hbm4b:s9+s4], $0x10, $0x38;
	[tilespmem:$0x10780] =	vst v63  }
0x97: {  	s0 =	sadd.s32 $0x70, s0;
	s12 =	simm.s32 $0x1480;
	s5 =	sshll.u32 s13, $0x3  }
0x98: {  	[tilespmem:s12], [sflag:$0x1] =	stream.linear.gather [hbm4b:s0+s4], $0x10, $0x38;
	[tilespmem:$0x10780] =	vst v63  }
0x99: {  	s3 =	sand.u32 $0xFFFFFC00, s5;
	s0 =	sand.u32 $0x70, s13  }
0x9a: {  	s0 =	sor.u32 s0, s3  }
0x9b: {  	s0 =	sshrl.u32 s0, $0x3  }
0x9c: {  	s6 =	simm.s32 $0x8D00;
	s0 =	sadd.s32 s2, s0  }
0x9d: {  	[tilespmem:s6], [sflag:$0x1] =	stream.linear.gather [hbm4b:s0+s4], $0x10, $0x38;
	[tilespmem:$0x10780] =	vst v63  }
0x9e: {  	s8 =	simm.s32 $0x8D80;
	s7 =	sadd.s32 $0x10, s0  }
0x9f: {  	[tilespmem:s8], [sflag:$0x1] =	stream.linear.gather [hbm4b:s7+s4], $0x10, $0x38;
	[tilespmem:$0x10780] =	vst v63  }
0xa0: {  	s10 =	simm.s32 $0x8E00;
	s9 =	sadd.s32 $0x20, s0  }
0xa1: {  	[tilespmem:s10], [sflag:$0x1] =	stream.linear.gather [hbm4b:s9+s4], $0x10, $0x38;
	[tilespmem:$0x10780] =	vst v63  }
0xa2: {  	s13 =	simm.s32 $0x8E80;
	s12 =	sadd.s32 $0x30, s0  }
0xa3: {  	[tilespmem:s13], [sflag:$0x1] =	stream.linear.gather [hbm4b:s12+s4], $0x10, $0x38;
	[tilespmem:$0x10780] =	vst v63  }
0xa4: {  	s5 =	sadd.s32 $0x40, s0;
	s6 =	simm.s32 $0x8F00  }
0xa5: {  	[tilespmem:s6], [sflag:$0x1] =	stream.linear.gather [hbm4b:s5+s4], $0x10, $0x38;
	[tilespmem:$0x10780] =	vst v63  }
0xa6: {  	s7 =	sadd.s32 $0x50, s0;
	s8 =	simm.s32 $0x8F80  }
0xa7: {  	[tilespmem:s8], [sflag:$0x1] =	stream.linear.gather [hbm4b:s7+s4], $0x10, $0x38;
	[tilespmem:$0x10780] =	vst v63  }
0xa8: {  	s9 =	sadd.s32 $0x60, s0;
	s10 =	simm.s32 $0x9000  }
0xa9: {  	(v2sf) =	vpush v3, $0x2;
	[tilespmem:s10], [sflag:$0x1] =	stream.linear.gather [hbm4b:s9+s4], $0x10, $0x38;
	[tilespmem:$0x10780] =	vst v63  }
0xaa: {  	s12 =	sadd.s32 $0x70, s0;
	s13 =	simm.s32 $0x9080  }
0xab: {  	[tilespmem:s13], [sflag:$0x1] =	stream.linear.gather [hbm4b:s12+s4], $0x10, $0x38;
	[tilespmem:$0x10780] =	vst v63  }
0xac: {  	s0 =	sadd.s32 $0xF4280, s0;
	s6 =	simm.s32 $0x9100  }
0xad: {  	[tilespmem:s6], [sflag:$0x1] =	stream.linear.gather [hbm4b:s0+s4], $0x10, $0x38;
	[tilespmem:$0x10780] =	vst v63  }
0xae: {  	s7 =	sadd.s32 $0x10, s0;
	s8 =	simm.s32 $0x9180  }
0xaf: {  	[tilespmem:s8], [sflag:$0x1] =	stream.linear.gather [hbm4b:s7+s4], $0x10, $0x38;
	[tilespmem:$0x10780] =	vst v63  }
0xb0: {  	s9 =	sadd.s32 $0x20, s0;
	s10 =	simm.s32 $0x9200  }
0xb1: {  	[tilespmem:s10], [sflag:$0x1] =	stream.linear.gather [hbm4b:s9+s4], $0x10, $0x38;
	[tilespmem:$0x10780] =	vst v63  }
0xb2: {  	s12 =	sadd.s32 $0x30, s0;
	s13 =	simm.s32 $0x9280  }
0xb3: {  	[tilespmem:s13], [sflag:$0x1] =	stream.linear.gather [hbm4b:s12+s4], $0x10, $0x38;
	[tilespmem:$0x10780] =	vst v63  }
0xb4: {  	s5 =	sadd.s32 $0x40, s0;
	s6 =	simm.s32 $0x9300  }
0xb5: {  	[tilespmem:s6], [sflag:$0x1] =	stream.linear.gather [hbm4b:s5+s4], $0x10, $0x38;
	[tilespmem:$0x10780] =	vst v63  }
0xb6: {  	s7 =	sadd.s32 $0x50, s0;
	s8 =	simm.s32 $0x9380  }
0xb7: {  	[tilespmem:s8], [sflag:$0x1] =	stream.linear.gather [hbm4b:s7+s4], $0x10, $0x38;
	[tilespmem:$0x10780] =	vst v63  }
0xb8: {  	s9 =	sadd.s32 $0x60, s0;
	s10 =	simm.s32 $0x9400;
	s13 =	spop (v2sf)  }
0xb9: {  	[tilespmem:s10], [sflag:$0x1] =	stream.linear.gather [hbm4b:s9+s4], $0x10, $0x38;
	[tilespmem:$0x10780] =	vst v63  }
0xba: {  	s0 =	sadd.s32 $0x70, s0;
	s12 =	simm.s32 $0x9480;
	s5 =	sshll.u32 s13, $0x3  }
0xbb: {  	[tilespmem:s12], [sflag:$0x1] =	stream.linear.gather [hbm4b:s0+s4], $0x10, $0x38;
	[tilespmem:$0x10780] =	vst v63  }
0xbc: {  	s3 =	sand.u32 $0xFFFFFC00, s5;
	s0 =	sand.u32 $0x70, s13  }
0xbd: {  	s0 =	sor.u32 s0, s3  }
0xbe: {  	s0 =	sshrl.u32 s0, $0x3  }
0xbf: {  	s6 =	simm.s32 $0x1500;
	s0 =	sadd.s32 s1, s0  }
0xc0: {  	[tilespmem:s6], [sflag:$0x1] =	stream.linear.gather [hbm4b:s0+s4], $0x10, $0x38;
	[tilespmem:$0x10780] =	vst v63  }
0xc1: {  	s8 =	simm.s32 $0x1580;
	s7 =	sadd.s32 $0x10, s0  }
0xc2: {  	[tilespmem:s8], [sflag:$0x1] =	stream.linear.gather [hbm4b:s7+s4], $0x10, $0x38;
	[tilespmem:$0x10780] =	vst v63  }
0xc3: {  	s10 =	simm.s32 $0x1600;
	s9 =	sadd.s32 $0x20, s0  }
0xc4: {  	[tilespmem:s10], [sflag:$0x1] =	stream.linear.gather [hbm4b:s9+s4], $0x10, $0x38;
	[tilespmem:$0x10780] =	vst v63  }
0xc5: {  	s13 =	simm.s32 $0x1680;
	s12 =	sadd.s32 $0x30, s0  }
0xc6: {  	[tilespmem:s13], [sflag:$0x1] =	stream.linear.gather [hbm4b:s12+s4], $0x10, $0x38;
	[tilespmem:$0x10780] =	vst v63  }
0xc7: {  	s5 =	sadd.s32 $0x40, s0;
	s6 =	simm.s32 $0x1700  }
0xc8: {  	[tilespmem:s6], [sflag:$0x1] =	stream.linear.gather [hbm4b:s5+s4], $0x10, $0x38;
	[tilespmem:$0x10780] =	vst v63  }
0xc9: {  	s7 =	sadd.s32 $0x50, s0;
	s8 =	simm.s32 $0x1780  }
0xca: {  	[tilespmem:s8], [sflag:$0x1] =	stream.linear.gather [hbm4b:s7+s4], $0x10, $0x38;
	[tilespmem:$0x10780] =	vst v63  }
0xcb: {  	s9 =	sadd.s32 $0x60, s0;
	s10 =	simm.s32 $0x1800  }
0xcc: {  	(v2sf) =	vpush v2, $0x2;
	[tilespmem:s10], [sflag:$0x1] =	stream.linear.gather [hbm4b:s9+s4], $0x10, $0x38;
	[tilespmem:$0x10780] =	vst v63  }
0xcd: {  	s12 =	sadd.s32 $0x70, s0;
	s13 =	simm.s32 $0x1880  }
0xce: {  	[tilespmem:s13], [sflag:$0x1] =	stream.linear.gather [hbm4b:s12+s4], $0x10, $0x38;
	[tilespmem:$0x10780] =	vst v63  }
0xcf: {  	s0 =	sadd.s32 $0xF4280, s0;
	s6 =	simm.s32 $0x1900  }
0xd0: {  	[tilespmem:s6], [sflag:$0x1] =	stream.linear.gather [hbm4b:s0+s4], $0x10, $0x38;
	[tilespmem:$0x10780] =	vst v63  }
0xd1: {  	s7 =	sadd.s32 $0x10, s0;
	s8 =	simm.s32 $0x1980  }
0xd2: {  	[tilespmem:s8], [sflag:$0x1] =	stream.linear.gather [hbm4b:s7+s4], $0x10, $0x38;
	[tilespmem:$0x10780] =	vst v63  }
0xd3: {  	s9 =	sadd.s32 $0x20, s0;
	s10 =	simm.s32 $0x1A00  }
0xd4: {  	[tilespmem:s10], [sflag:$0x1] =	stream.linear.gather [hbm4b:s9+s4], $0x10, $0x38;
	[tilespmem:$0x10780] =	vst v63  }
0xd5: {  	s12 =	sadd.s32 $0x30, s0;
	s13 =	simm.s32 $0x1A80  }
0xd6: {  	[tilespmem:s13], [sflag:$0x1] =	stream.linear.gather [hbm4b:s12+s4], $0x10, $0x38;
	[tilespmem:$0x10780] =	vst v63  }
0xd7: {  	s5 =	sadd.s32 $0x40, s0;
	s6 =	simm.s32 $0x1B00  }
0xd8: {  	[tilespmem:s6], [sflag:$0x1] =	stream.linear.gather [hbm4b:s5+s4], $0x10, $0x38;
	[tilespmem:$0x10780] =	vst v63  }
0xd9: {  	s7 =	sadd.s32 $0x50, s0;
	s8 =	simm.s32 $0x1B80  }
0xda: {  	[tilespmem:s8], [sflag:$0x1] =	stream.linear.gather [hbm4b:s7+s4], $0x10, $0x38;
	[tilespmem:$0x10780] =	vst v63  }
0xdb: {  	s9 =	sadd.s32 $0x60, s0;
	s10 =	simm.s32 $0x1C00;
	s13 =	spop (v2sf)  }
0xdc: {  	[tilespmem:s10], [sflag:$0x1] =	stream.linear.gather [hbm4b:s9+s4], $0x10, $0x38;
	[tilespmem:$0x10780] =	vst v63  }
0xdd: {  	s0 =	sadd.s32 $0x70, s0;
	s12 =	simm.s32 $0x1C80;
	s5 =	sshll.u32 s13, $0x3  }
0xde: {  	[tilespmem:s12], [sflag:$0x1] =	stream.linear.gather [hbm4b:s0+s4], $0x10, $0x38;
	[tilespmem:$0x10780] =	vst v63  }
0xdf: {  	s3 =	sand.u32 $0xFFFFFC00, s5;
	s0 =	sand.u32 $0x70, s13  }
0xe0: {  	s0 =	sor.u32 s0, s3  }
0xe1: {  	s0 =	sshrl.u32 s0, $0x3  }
0xe2: {  	s6 =	simm.s32 $0x9500;
	s0 =	sadd.s32 s2, s0  }
0xe3: {  	[tilespmem:s6], [sflag:$0x1] =	stream.linear.gather [hbm4b:s0+s4], $0x10, $0x38;
	[tilespmem:$0x10780] =	vst v63  }
0xe4: {  	s8 =	simm.s32 $0x9580;
	s7 =	sadd.s32 $0x10, s0  }
0xe5: {  	[tilespmem:s8], [sflag:$0x1] =	stream.linear.gather [hbm4b:s7+s4], $0x10, $0x38;
	[tilespmem:$0x10780] =	vst v63  }
0xe6: {  	s10 =	simm.s32 $0x9600;
	s9 =	sadd.s32 $0x20, s0  }
0xe7: {  	[tilespmem:s10], [sflag:$0x1] =	stream.linear.gather [hbm4b:s9+s4], $0x10, $0x38;
	[tilespmem:$0x10780] =	vst v63  }
0xe8: {  	s13 =	simm.s32 $0x9680;
	s12 =	sadd.s32 $0x30, s0  }
0xe9: {  	[tilespmem:s13], [sflag:$0x1] =	stream.linear.gather [hbm4b:s12+s4], $0x10, $0x38;
	[tilespmem:$0x10780] =	vst v63  }
0xea: {  	s5 =	sadd.s32 $0x40, s0;
	s6 =	simm.s32 $0x9700  }
0xeb: {  	[tilespmem:s6], [sflag:$0x1] =	stream.linear.gather [hbm4b:s5+s4], $0x10, $0x38;
	[tilespmem:$0x10780] =	vst v63  }
0xec: {  	s7 =	sadd.s32 $0x50, s0;
	s8 =	simm.s32 $0x9780  }
0xed: {  	[tilespmem:s8], [sflag:$0x1] =	stream.linear.gather [hbm4b:s7+s4], $0x10, $0x38;
	[tilespmem:$0x10780] =	vst v63  }
0xee: {  	s9 =	sadd.s32 $0x60, s0;
	s10 =	simm.s32 $0x9800  }
0xef: {  	(v2sf) =	vpush v3, $0x3;
	[tilespmem:s10], [sflag:$0x1] =	stream.linear.gather [hbm4b:s9+s4], $0x10, $0x38;
	[tilespmem:$0x10780] =	vst v63  }
0xf0: {  	s12 =	sadd.s32 $0x70, s0;
	s13 =	simm.s32 $0x9880  }
0xf1: {  	[tilespmem:s13], [sflag:$0x1] =	stream.linear.gather [hbm4b:s12+s4], $0x10, $0x38;
	[tilespmem:$0x10780] =	vst v63  }
0xf2: {  	s0 =	sadd.s32 $0xF4280, s0;
	s6 =	simm.s32 $0x9900  }
0xf3: {  	[tilespmem:s6], [sflag:$0x1] =	stream.linear.gather [hbm4b:s0+s4], $0x10, $0x38;
	[tilespmem:$0x10780] =	vst v63  }
0xf4: {  	s7 =	sadd.s32 $0x10, s0;
	s8 =	simm.s32 $0x9980  }
0xf5: {  	[tilespmem:s8], [sflag:$0x1] =	stream.linear.gather [hbm4b:s7+s4], $0x10, $0x38;
	[tilespmem:$0x10780] =	vst v63  }
0xf6: {  	s9 =	sadd.s32 $0x20, s0;
	s10 =	simm.s32 $0x9A00  }
0xf7: {  	[tilespmem:s10], [sflag:$0x1] =	stream.linear.gather [hbm4b:s9+s4], $0x10, $0x38;
	[tilespmem:$0x10780] =	vst v63  }
0xf8: {  	s12 =	sadd.s32 $0x30, s0;
	s13 =	simm.s32 $0x9A80  }
0xf9: {  	[tilespmem:s13], [sflag:$0x1] =	stream.linear.gather [hbm4b:s12+s4], $0x10, $0x38;
	[tilespmem:$0x10780] =	vst v63  }
0xfa: {  	s5 =	sadd.s32 $0x40, s0;
	s6 =	simm.s32 $0x9B00  }
0xfb: {  	[tilespmem:s6], [sflag:$0x1] =	stream.linear.gather [hbm4b:s5+s4], $0x10, $0x38;
	[tilespmem:$0x10780] =	vst v63  }
0xfc: {  	s7 =	sadd.s32 $0x50, s0;
	s8 =	simm.s32 $0x9B80  }
0xfd: {  	[tilespmem:s8], [sflag:$0x1] =	stream.linear.gather [hbm4b:s7+s4], $0x10, $0x38;
	[tilespmem:$0x10780] =	vst v63  }
0xfe: {  	s9 =	sadd.s32 $0x60, s0;
	s10 =	simm.s32 $0x9C00;
	s13 =	spop (v2sf)  }
0xff: {  	[tilespmem:s10], [sflag:$0x1] =	stream.linear.gather [hbm4b:s9+s4], $0x10, $0x38;
	[tilespmem:$0x10780] =	vst v63  }
0x100: {  	s0 =	sadd.s32 $0x70, s0;
	s12 =	simm.s32 $0x9C80;
	s5 =	sshll.u32 s13, $0x3  }
0x101: {  	[tilespmem:s12], [sflag:$0x1] =	stream.linear.gather [hbm4b:s0+s4], $0x10, $0x38;
	[tilespmem:$0x10780] =	vst v63  }
0x102: {  	s3 =	sand.u32 $0xFFFFFC00, s5;
	s0 =	sand.u32 $0x70, s13  }
0x103: {  	s0 =	sor.u32 s0, s3  }
0x104: {  	s0 =	sshrl.u32 s0, $0x3  }
0x105: {  	s6 =	simm.s32 $0x1D00;
	s0 =	sadd.s32 s1, s0  }
0x106: {  	[tilespmem:s6], [sflag:$0x1] =	stream.linear.gather [hbm4b:s0+s4], $0x10, $0x38;
	[tilespmem:$0x10780] =	vst v63  }
0x107: {  	s8 =	simm.s32 $0x1D80;
	s7 =	sadd.s32 $0x10, s0  }
0x108: {  	[tilespmem:s8], [sflag:$0x1] =	stream.linear.gather [hbm4b:s7+s4], $0x10, $0x38;
	[tilespmem:$0x10780] =	vst v63  }
0x109: {  	s10 =	simm.s32 $0x1E00;
	s9 =	sadd.s32 $0x20, s0  }
0x10a: {  	[tilespmem:s10], [sflag:$0x1] =	stream.linear.gather [hbm4b:s9+s4], $0x10, $0x38;
	[tilespmem:$0x10780] =	vst v63  }
0x10b: {  	s13 =	simm.s32 $0x1E80;
	s12 =	sadd.s32 $0x30, s0  }
0x10c: {  	[tilespmem:s13], [sflag:$0x1] =	stream.linear.gather [hbm4b:s12+s4], $0x10, $0x38;
	[tilespmem:$0x10780] =	vst v63  }
0x10d: {  	s5 =	sadd.s32 $0x40, s0;
	s6 =	simm.s32 $0x1F00  }
0x10e: {  	[tilespmem:s6], [sflag:$0x1] =	stream.linear.gather [hbm4b:s5+s4], $0x10, $0x38;
	[tilespmem:$0x10780] =	vst v63  }
0x10f: {  	s7 =	sadd.s32 $0x50, s0;
	s8 =	simm.s32 $0x1F80  }
0x110: {  	[tilespmem:s8], [sflag:$0x1] =	stream.linear.gather [hbm4b:s7+s4], $0x10, $0x38;
	[tilespmem:$0x10780] =	vst v63  }
0x111: {  	s9 =	sadd.s32 $0x60, s0;
	s10 =	simm.s32 $0x2000  }
0x112: {  	(v2sf) =	vpush v2, $0x3;
	[tilespmem:s10], [sflag:$0x1] =	stream.linear.gather [hbm4b:s9+s4], $0x10, $0x38;
	[tilespmem:$0x10780] =	vst v63  }
0x113: {  	s12 =	sadd.s32 $0x70, s0;
	s13 =	simm.s32 $0x2080  }
0x114: {  	[tilespmem:s13], [sflag:$0x1] =	stream.linear.gather [hbm4b:s12+s4], $0x10, $0x38;
	[tilespmem:$0x10780] =	vst v63  }
0x115: {  	s0 =	sadd.s32 $0xF4280, s0;
	s6 =	simm.s32 $0x2100  }
0x116: {  	[tilespmem:s6], [sflag:$0x1] =	stream.linear.gather [hbm4b:s0+s4], $0x10, $0x38;
	[tilespmem:$0x10780] =	vst v63  }
0x117: {  	s7 =	sadd.s32 $0x10, s0;
	s8 =	simm.s32 $0x2180  }
0x118: {  	[tilespmem:s8], [sflag:$0x1] =	stream.linear.gather [hbm4b:s7+s4], $0x10, $0x38;
	[tilespmem:$0x10780] =	vst v63  }
0x119: {  	s9 =	sadd.s32 $0x20, s0;
	s10 =	simm.s32 $0x2200  }
0x11a: {  	[tilespmem:s10], [sflag:$0x1] =	stream.linear.gather [hbm4b:s9+s4], $0x10, $0x38;
	[tilespmem:$0x10780] =	vst v63  }
0x11b: {  	s12 =	sadd.s32 $0x30, s0;
	s13 =	simm.s32 $0x2280  }
0x11c: {  	[tilespmem:s13], [sflag:$0x1] =	stream.linear.gather [hbm4b:s12+s4], $0x10, $0x38;
	[tilespmem:$0x10780] =	vst v63  }
0x11d: {  	s5 =	sadd.s32 $0x40, s0;
	s6 =	simm.s32 $0x2300  }
0x11e: {  	[tilespmem:s6], [sflag:$0x1] =	stream.linear.gather [hbm4b:s5+s4], $0x10, $0x38;
	[tilespmem:$0x10780] =	vst v63  }
0x11f: {  	s7 =	sadd.s32 $0x50, s0;
	s8 =	simm.s32 $0x2380  }
0x120: {  	[tilespmem:s8], [sflag:$0x1] =	stream.linear.gather [hbm4b:s7+s4], $0x10, $0x38;
	[tilespmem:$0x10780] =	vst v63  }
0x121: {  	s9 =	sadd.s32 $0x60, s0;
	s10 =	simm.s32 $0x2400;
	s13 =	spop (v2sf)  }
0x122: {  	[tilespmem:s10], [sflag:$0x1] =	stream.linear.gather [hbm4b:s9+s4], $0x10, $0x38;
	[tilespmem:$0x10780] =	vst v63  }
0x123: {  	s0 =	sadd.s32 $0x70, s0;
	s12 =	simm.s32 $0x2480;
	s5 =	sshll.u32 s13, $0x3  }
0x124: {  	[tilespmem:s12], [sflag:$0x1] =	stream.linear.gather [hbm4b:s0+s4], $0x10, $0x38;
	[tilespmem:$0x10780] =	vst v63  }
0x125: {  	s3 =	sand.u32 $0xFFFFFC00, s5;
	s0 =	sand.u32 $0x70, s13  }
0x126: {  	s0 =	sor.u32 s0, s3  }
0x127: {  	s0 =	sshrl.u32 s0, $0x3  }
0x128: {  	s6 =	simm.s32 $0x9D00;
	s0 =	sadd.s32 s2, s0  }
0x129: {  	[tilespmem:s6], [sflag:$0x1] =	stream.linear.gather [hbm4b:s0+s4], $0x10, $0x38;
	[tilespmem:$0x10780] =	vst v63  }
0x12a: {  	s8 =	simm.s32 $0x9D80;
	s7 =	sadd.s32 $0x10, s0  }
0x12b: {  	[tilespmem:s8], [sflag:$0x1] =	stream.linear.gather [hbm4b:s7+s4], $0x10, $0x38;
	[tilespmem:$0x10780] =	vst v63  }
0x12c: {  	s10 =	simm.s32 $0x9E00;
	s9 =	sadd.s32 $0x20, s0  }
0x12d: {  	[tilespmem:s10], [sflag:$0x1] =	stream.linear.gather [hbm4b:s9+s4], $0x10, $0x38;
	[tilespmem:$0x10780] =	vst v63  }
0x12e: {  	s13 =	simm.s32 $0x9E80;
	s12 =	sadd.s32 $0x30, s0  }
0x12f: {  	[tilespmem:s13], [sflag:$0x1] =	stream.linear.gather [hbm4b:s12+s4], $0x10, $0x38;
	[tilespmem:$0x10780] =	vst v63  }
0x130: {  	s5 =	sadd.s32 $0x40, s0;
	s6 =	simm.s32 $0x9F00  }
0x131: {  	[tilespmem:s6], [sflag:$0x1] =	stream.linear.gather [hbm4b:s5+s4], $0x10, $0x38;
	[tilespmem:$0x10780] =	vst v63  }
0x132: {  	s7 =	sadd.s32 $0x50, s0;
	s8 =	simm.s32 $0x9F80  }
0x133: {  	[tilespmem:s8], [sflag:$0x1] =	stream.linear.gather [hbm4b:s7+s4], $0x10, $0x38;
	[tilespmem:$0x10780] =	vst v63  }
0x134: {  	s9 =	sadd.s32 $0x60, s0;
	s10 =	simm.s32 $0xA000  }
0x135: {  	(v2sf) =	vpush v3, $0x4;
	[tilespmem:s10], [sflag:$0x1] =	stream.linear.gather [hbm4b:s9+s4], $0x10, $0x38;
	[tilespmem:$0x10780] =	vst v63  }
0x136: {  	s12 =	sadd.s32 $0x70, s0;
	s13 =	simm.s32 $0xA080  }
0x137: {  	[tilespmem:s13], [sflag:$0x1] =	stream.linear.gather [hbm4b:s12+s4], $0x10, $0x38;
	[tilespmem:$0x10780] =	vst v63  }
0x138: {  	s0 =	sadd.s32 $0xF4280, s0;
	s6 =	simm.s32 $0xA100  }
0x139: {  	[tilespmem:s6], [sflag:$0x1] =	stream.linear.gather [hbm4b:s0+s4], $0x10, $0x38;
	[tilespmem:$0x10780] =	vst v63  }
0x13a: {  	s7 =	sadd.s32 $0x10, s0;
	s8 =	simm.s32 $0xA180  }
0x13b: {  	[tilespmem:s8], [sflag:$0x1] =	stream.linear.gather [hbm4b:s7+s4], $0x10, $0x38;
	[tilespmem:$0x10780] =	vst v63  }
0x13c: {  	s9 =	sadd.s32 $0x20, s0;
	s10 =	simm.s32 $0xA200  }
0x13d: {  	[tilespmem:s10], [sflag:$0x1] =	stream.linear.gather [hbm4b:s9+s4], $0x10, $0x38;
	[tilespmem:$0x10780] =	vst v63  }
0x13e: {  	s12 =	sadd.s32 $0x30, s0;
	s13 =	simm.s32 $0xA280  }
0x13f: {  	[tilespmem:s13], [sflag:$0x1] =	stream.linear.gather [hbm4b:s12+s4], $0x10, $0x38;
	[tilespmem:$0x10780] =	vst v63  }
0x140: {  	s5 =	sadd.s32 $0x40, s0;
	s6 =	simm.s32 $0xA300  }
0x141: {  	[tilespmem:s6], [sflag:$0x1] =	stream.linear.gather [hbm4b:s5+s4], $0x10, $0x38;
	[tilespmem:$0x10780] =	vst v63  }
0x142: {  	s7 =	sadd.s32 $0x50, s0;
	s8 =	simm.s32 $0xA380  }
0x143: {  	[tilespmem:s8], [sflag:$0x1] =	stream.linear.gather [hbm4b:s7+s4], $0x10, $0x38;
	[tilespmem:$0x10780] =	vst v63  }
0x144: {  	s9 =	sadd.s32 $0x60, s0;
	s10 =	simm.s32 $0xA400;
	s13 =	spop (v2sf)  }
0x145: {  	[tilespmem:s10], [sflag:$0x1] =	stream.linear.gather [hbm4b:s9+s4], $0x10, $0x38;
	[tilespmem:$0x10780] =	vst v63  }
0x146: {  	s0 =	sadd.s32 $0x70, s0;
	s12 =	simm.s32 $0xA480;
	s5 =	sshll.u32 s13, $0x3  }
0x147: {  	[tilespmem:s12], [sflag:$0x1] =	stream.linear.gather [hbm4b:s0+s4], $0x10, $0x38;
	[tilespmem:$0x10780] =	vst v63  }
0x148: {  	s3 =	sand.u32 $0xFFFFFC00, s5;
	s0 =	sand.u32 $0x70, s13  }
0x149: {  	s0 =	sor.u32 s0, s3  }
0x14a: {  	s0 =	sshrl.u32 s0, $0x3  }
0x14b: {  	s6 =	simm.s32 $0x2500;
	s0 =	sadd.s32 s1, s0  }
0x14c: {  	[tilespmem:s6], [sflag:$0x1] =	stream.linear.gather [hbm4b:s0+s4], $0x10, $0x38;
	[tilespmem:$0x10780] =	vst v63  }
0x14d: {  	s8 =	simm.s32 $0x2580;
	s7 =	sadd.s32 $0x10, s0  }
0x14e: {  	[tilespmem:s8], [sflag:$0x1] =	stream.linear.gather [hbm4b:s7+s4], $0x10, $0x38;
	[tilespmem:$0x10780] =	vst v63  }
0x14f: {  	s10 =	simm.s32 $0x2600;
	s9 =	sadd.s32 $0x20, s0  }
0x150: {  	[tilespmem:s10], [sflag:$0x1] =	stream.linear.gather [hbm4b:s9+s4], $0x10, $0x38;
	[tilespmem:$0x10780] =	vst v63  }
0x151: {  	s13 =	simm.s32 $0x2680;
	s12 =	sadd.s32 $0x30, s0  }
0x152: {  	[tilespmem:s13], [sflag:$0x1] =	stream.linear.gather [hbm4b:s12+s4], $0x10, $0x38;
	[tilespmem:$0x10780] =	vst v63  }
0x153: {  	s5 =	sadd.s32 $0x40, s0;
	s6 =	simm.s32 $0x2700  }
0x154: {  	[tilespmem:s6], [sflag:$0x1] =	stream.linear.gather [hbm4b:s5+s4], $0x10, $0x38;
	[tilespmem:$0x10780] =	vst v63  }
0x155: {  	s7 =	sadd.s32 $0x50, s0;
	s8 =	simm.s32 $0x2780  }
0x156: {  	[tilespmem:s8], [sflag:$0x1] =	stream.linear.gather [hbm4b:s7+s4], $0x10, $0x38;
	[tilespmem:$0x10780] =	vst v63  }
0x157: {  	s9 =	sadd.s32 $0x60, s0;
	s10 =	simm.s32 $0x2800  }
0x158: {  	(v2sf) =	vpush v2, $0x4;
	[tilespmem:s10], [sflag:$0x1] =	stream.linear.gather [hbm4b:s9+s4], $0x10, $0x38;
	[tilespmem:$0x10780] =	vst v63  }
0x159: {  	s12 =	sadd.s32 $0x70, s0;
	s13 =	simm.s32 $0x2880  }
0x15a: {  	[tilespmem:s13], [sflag:$0x1] =	stream.linear.gather [hbm4b:s12+s4], $0x10, $0x38;
	[tilespmem:$0x10780] =	vst v63  }
0x15b: {  	s0 =	sadd.s32 $0xF4280, s0;
	s6 =	simm.s32 $0x2900  }
0x15c: {  	[tilespmem:s6], [sflag:$0x1] =	stream.linear.gather [hbm4b:s0+s4], $0x10, $0x38;
	[tilespmem:$0x10780] =	vst v63  }
0x15d: {  	s7 =	sadd.s32 $0x10, s0;
	s8 =	simm.s32 $0x2980  }
0x15e: {  	[tilespmem:s8], [sflag:$0x1] =	stream.linear.gather [hbm4b:s7+s4], $0x10, $0x38;
	[tilespmem:$0x10780] =	vst v63  }
0x15f: {  	s9 =	sadd.s32 $0x20, s0;
	s10 =	simm.s32 $0x2A00  }
0x160: {  	[tilespmem:s10], [sflag:$0x1] =	stream.linear.gather [hbm4b:s9+s4], $0x10, $0x38;
	[tilespmem:$0x10780] =	vst v63  }
0x161: {  	s12 =	sadd.s32 $0x30, s0;
	s13 =	simm.s32 $0x2A80  }
0x162: {  	[tilespmem:s13], [sflag:$0x1] =	stream.linear.gather [hbm4b:s12+s4], $0x10, $0x38;
	[tilespmem:$0x10780] =	vst v63  }
0x163: {  	s5 =	sadd.s32 $0x40, s0;
	s6 =	simm.s32 $0x2B00  }
0x164: {  	[tilespmem:s6], [sflag:$0x1] =	stream.linear.gather [hbm4b:s5+s4], $0x10, $0x38;
	[tilespmem:$0x10780] =	vst v63  }
0x165: {  	s7 =	sadd.s32 $0x50, s0;
	s8 =	simm.s32 $0x2B80  }
0x166: {  	[tilespmem:s8], [sflag:$0x1] =	stream.linear.gather [hbm4b:s7+s4], $0x10, $0x38;
	[tilespmem:$0x10780] =	vst v63  }
0x167: {  	s9 =	sadd.s32 $0x60, s0;
	s10 =	simm.s32 $0x2C00;
	s13 =	spop (v2sf)  }
0x168: {  	[tilespmem:s10], [sflag:$0x1] =	stream.linear.gather [hbm4b:s9+s4], $0x10, $0x38;
	[tilespmem:$0x10780] =	vst v63  }
0x169: {  	s0 =	sadd.s32 $0x70, s0;
	s12 =	simm.s32 $0x2C80;
	s5 =	sshll.u32 s13, $0x3  }
0x16a: {  	[tilespmem:s12], [sflag:$0x1] =	stream.linear.gather [hbm4b:s0+s4], $0x10, $0x38;
	[tilespmem:$0x10780] =	vst v63  }
0x16b: {  	s3 =	sand.u32 $0xFFFFFC00, s5;
	s0 =	sand.u32 $0x70, s13  }
0x16c: {  	s0 =	sor.u32 s0, s3  }
0x16d: {  	s0 =	sshrl.u32 s0, $0x3  }
0x16e: {  	s6 =	simm.s32 $0xA500;
	s0 =	sadd.s32 s2, s0  }
0x16f: {  	[tilespmem:s6], [sflag:$0x1] =	stream.linear.gather [hbm4b:s0+s4], $0x10, $0x38;
	[tilespmem:$0x10780] =	vst v63  }
0x170: {  	s8 =	simm.s32 $0xA580;
	s7 =	sadd.s32 $0x10, s0  }
0x171: {  	[tilespmem:s8], [sflag:$0x1] =	stream.linear.gather [hbm4b:s7+s4], $0x10, $0x38;
	[tilespmem:$0x10780] =	vst v63  }
0x172: {  	s10 =	simm.s32 $0xA600;
	s9 =	sadd.s32 $0x20, s0  }
0x173: {  	[tilespmem:s10], [sflag:$0x1] =	stream.linear.gather [hbm4b:s9+s4], $0x10, $0x38;
	[tilespmem:$0x10780] =	vst v63  }
0x174: {  	s13 =	simm.s32 $0xA680;
	s12 =	sadd.s32 $0x30, s0  }
0x175: {  	[tilespmem:s13], [sflag:$0x1] =	stream.linear.gather [hbm4b:s12+s4], $0x10, $0x38;
	[tilespmem:$0x10780] =	vst v63  }
0x176: {  	s5 =	sadd.s32 $0x40, s0;
	s6 =	simm.s32 $0xA700  }
0x177: {  	[tilespmem:s6], [sflag:$0x1] =	stream.linear.gather [hbm4b:s5+s4], $0x10, $0x38;
	[tilespmem:$0x10780] =	vst v63  }
0x178: {  	s7 =	sadd.s32 $0x50, s0;
	s8 =	simm.s32 $0xA780  }
0x179: {  	[tilespmem:s8], [sflag:$0x1] =	stream.linear.gather [hbm4b:s7+s4], $0x10, $0x38;
	[tilespmem:$0x10780] =	vst v63  }
0x17a: {  	s9 =	sadd.s32 $0x60, s0;
	s10 =	simm.s32 $0xA800  }
0x17b: {  	(v2sf) =	vpush v3, $0x5;
	[tilespmem:s10], [sflag:$0x1] =	stream.linear.gather [hbm4b:s9+s4], $0x10, $0x38;
	[tilespmem:$0x10780] =	vst v63  }
0x17c: {  	s12 =	sadd.s32 $0x70, s0;
	s13 =	simm.s32 $0xA880  }
0x17d: {  	[tilespmem:s13], [sflag:$0x1] =	stream.linear.gather [hbm4b:s12+s4], $0x10, $0x38;
	[tilespmem:$0x10780] =	vst v63  }
0x17e: {  	s0 =	sadd.s32 $0xF4280, s0;
	s6 =	simm.s32 $0xA900  }
0x17f: {  	[tilespmem:s6], [sflag:$0x1] =	stream.linear.gather [hbm4b:s0+s4], $0x10, $0x38;
	[tilespmem:$0x10780] =	vst v63  }
0x180: {  	s7 =	sadd.s32 $0x10, s0;
	s8 =	simm.s32 $0xA980  }
0x181: {  	[tilespmem:s8], [sflag:$0x1] =	stream.linear.gather [hbm4b:s7+s4], $0x10, $0x38;
	[tilespmem:$0x10780] =	vst v63  }
0x182: {  	s9 =	sadd.s32 $0x20, s0;
	s10 =	simm.s32 $0xAA00  }
0x183: {  	[tilespmem:s10], [sflag:$0x1] =	stream.linear.gather [hbm4b:s9+s4], $0x10, $0x38;
	[tilespmem:$0x10780] =	vst v63  }
0x184: {  	s12 =	sadd.s32 $0x30, s0;
	s13 =	simm.s32 $0xAA80  }
0x185: {  	[tilespmem:s13], [sflag:$0x1] =	stream.linear.gather [hbm4b:s12+s4], $0x10, $0x38;
	[tilespmem:$0x10780] =	vst v63  }
0x186: {  	s5 =	sadd.s32 $0x40, s0;
	s6 =	simm.s32 $0xAB00  }
0x187: {  	[tilespmem:s6], [sflag:$0x1] =	stream.linear.gather [hbm4b:s5+s4], $0x10, $0x38;
	[tilespmem:$0x10780] =	vst v63  }
0x188: {  	s7 =	sadd.s32 $0x50, s0;
	s8 =	simm.s32 $0xAB80  }
0x189: {  	[tilespmem:s8], [sflag:$0x1] =	stream.linear.gather [hbm4b:s7+s4], $0x10, $0x38;
	[tilespmem:$0x10780] =	vst v63  }
0x18a: {  	s9 =	sadd.s32 $0x60, s0;
	s10 =	simm.s32 $0xAC00;
	s13 =	spop (v2sf)  }
0x18b: {  	[tilespmem:s10], [sflag:$0x1] =	stream.linear.gather [hbm4b:s9+s4], $0x10, $0x38;
	[tilespmem:$0x10780] =	vst v63  }
0x18c: {  	s0 =	sadd.s32 $0x70, s0;
	s12 =	simm.s32 $0xAC80;
	s5 =	sshll.u32 s13, $0x3  }
0x18d: {  	[tilespmem:s12], [sflag:$0x1] =	stream.linear.gather [hbm4b:s0+s4], $0x10, $0x38;
	[tilespmem:$0x10780] =	vst v63  }
0x18e: {  	s3 =	sand.u32 $0xFFFFFC00, s5;
	s0 =	sand.u32 $0x70, s13  }
0x18f: {  	s0 =	sor.u32 s0, s3  }
0x190: {  	s0 =	sshrl.u32 s0, $0x3  }
0x191: {  	s6 =	simm.s32 $0x2D00;
	s0 =	sadd.s32 s1, s0  }
0x192: {  	[tilespmem:s6], [sflag:$0x1] =	stream.linear.gather [hbm4b:s0+s4], $0x10, $0x38;
	[tilespmem:$0x10780] =	vst v63  }
0x193: {  	s8 =	simm.s32 $0x2D80;
	s7 =	sadd.s32 $0x10, s0  }
0x194: {  	[tilespmem:s8], [sflag:$0x1] =	stream.linear.gather [hbm4b:s7+s4], $0x10, $0x38;
	[tilespmem:$0x10780] =	vst v63  }
0x195: {  	s10 =	simm.s32 $0x2E00;
	s9 =	sadd.s32 $0x20, s0  }
0x196: {  	[tilespmem:s10], [sflag:$0x1] =	stream.linear.gather [hbm4b:s9+s4], $0x10, $0x38;
	[tilespmem:$0x10780] =	vst v63  }
0x197: {  	s13 =	simm.s32 $0x2E80;
	s12 =	sadd.s32 $0x30, s0  }
0x198: {  	[tilespmem:s13], [sflag:$0x1] =	stream.linear.gather [hbm4b:s12+s4], $0x10, $0x38;
	[tilespmem:$0x10780] =	vst v63  }
0x199: {  	s5 =	sadd.s32 $0x40, s0;
	s6 =	simm.s32 $0x2F00  }
0x19a: {  	[tilespmem:s6], [sflag:$0x1] =	stream.linear.gather [hbm4b:s5+s4], $0x10, $0x38;
	[tilespmem:$0x10780] =	vst v63  }
0x19b: {  	s7 =	sadd.s32 $0x50, s0;
	s8 =	simm.s32 $0x2F80  }
0x19c: {  	[tilespmem:s8], [sflag:$0x1] =	stream.linear.gather [hbm4b:s7+s4], $0x10, $0x38;
	[tilespmem:$0x10780] =	vst v63  }
0x19d: {  	s9 =	sadd.s32 $0x60, s0;
	s10 =	simm.s32 $0x3000  }
0x19e: {  	(v2sf) =	vpush v2, $0x5;
	[tilespmem:s10], [sflag:$0x1] =	stream.linear.gather [hbm4b:s9+s4], $0x10, $0x38;
	[tilespmem:$0x10780] =	vst v63  }
0x19f: {  	s12 =	sadd.s32 $0x70, s0;
	s13 =	simm.s32 $0x3080  }
0x1a0: {  	[tilespmem:s13], [sflag:$0x1] =	stream.linear.gather [hbm4b:s12+s4], $0x10, $0x38;
	[tilespmem:$0x10780] =	vst v63  }
0x1a1: {  	s0 =	sadd.s32 $0xF4280, s0;
	s6 =	simm.s32 $0x3100  }
0x1a2: {  	[tilespmem:s6], [sflag:$0x1] =	stream.linear.gather [hbm4b:s0+s4], $0x10, $0x38;
	[tilespmem:$0x10780] =	vst v63  }
0x1a3: {  	s7 =	sadd.s32 $0x10, s0;
	s8 =	simm.s32 $0x3180  }
0x1a4: {  	[tilespmem:s8], [sflag:$0x1] =	stream.linear.gather [hbm4b:s7+s4], $0x10, $0x38;
	[tilespmem:$0x10780] =	vst v63  }
0x1a5: {  	s9 =	sadd.s32 $0x20, s0;
	s10 =	simm.s32 $0x3200  }
0x1a6: {  	[tilespmem:s10], [sflag:$0x1] =	stream.linear.gather [hbm4b:s9+s4], $0x10, $0x38;
	[tilespmem:$0x10780] =	vst v63  }
0x1a7: {  	s12 =	sadd.s32 $0x30, s0;
	s13 =	simm.s32 $0x3280  }
0x1a8: {  	[tilespmem:s13], [sflag:$0x1] =	stream.linear.gather [hbm4b:s12+s4], $0x10, $0x38;
	[tilespmem:$0x10780] =	vst v63  }
0x1a9: {  	s5 =	sadd.s32 $0x40, s0;
	s6 =	simm.s32 $0x3300  }
0x1aa: {  	[tilespmem:s6], [sflag:$0x1] =	stream.linear.gather [hbm4b:s5+s4], $0x10, $0x38;
	[tilespmem:$0x10780] =	vst v63  }
0x1ab: {  	s7 =	sadd.s32 $0x50, s0;
	s8 =	simm.s32 $0x3380  }
0x1ac: {  	[tilespmem:s8], [sflag:$0x1] =	stream.linear.gather [hbm4b:s7+s4], $0x10, $0x38;
	[tilespmem:$0x10780] =	vst v63  }
0x1ad: {  	s9 =	sadd.s32 $0x60, s0;
	s10 =	simm.s32 $0x3400;
	s13 =	spop (v2sf)  }
0x1ae: {  	[tilespmem:s10], [sflag:$0x1] =	stream.linear.gather [hbm4b:s9+s4], $0x10, $0x38;
	[tilespmem:$0x10780] =	vst v63  }
0x1af: {  	s0 =	sadd.s32 $0x70, s0;
	s12 =	simm.s32 $0x3480;
	s5 =	sshll.u32 s13, $0x3  }
0x1b0: {  	[tilespmem:s12], [sflag:$0x1] =	stream.linear.gather [hbm4b:s0+s4], $0x10, $0x38;
	[tilespmem:$0x10780] =	vst v63  }
0x1b1: {  	s3 =	sand.u32 $0xFFFFFC00, s5;
	s0 =	sand.u32 $0x70, s13  }
0x1b2: {  	s0 =	sor.u32 s0, s3  }
0x1b3: {  	s0 =	sshrl.u32 s0, $0x3  }
0x1b4: {  	s6 =	simm.s32 $0xAD00;
	s0 =	sadd.s32 s2, s0  }
0x1b5: {  	[tilespmem:s6], [sflag:$0x1] =	stream.linear.gather [hbm4b:s0+s4], $0x10, $0x38;
	[tilespmem:$0x10780] =	vst v63  }
0x1b6: {  	s8 =	simm.s32 $0xAD80;
	s7 =	sadd.s32 $0x10, s0  }
0x1b7: {  	[tilespmem:s8], [sflag:$0x1] =	stream.linear.gather [hbm4b:s7+s4], $0x10, $0x38;
	[tilespmem:$0x10780] =	vst v63  }
0x1b8: {  	s10 =	simm.s32 $0xAE00;
	s9 =	sadd.s32 $0x20, s0  }
0x1b9: {  	[tilespmem:s10], [sflag:$0x1] =	stream.linear.gather [hbm4b:s9+s4], $0x10, $0x38;
	[tilespmem:$0x10780] =	vst v63  }
0x1ba: {  	s13 =	simm.s32 $0xAE80;
	s12 =	sadd.s32 $0x30, s0  }
0x1bb: {  	[tilespmem:s13], [sflag:$0x1] =	stream.linear.gather [hbm4b:s12+s4], $0x10, $0x38;
	[tilespmem:$0x10780] =	vst v63  }
0x1bc: {  	s5 =	sadd.s32 $0x40, s0;
	s6 =	simm.s32 $0xAF00  }
0x1bd: {  	[tilespmem:s6], [sflag:$0x1] =	stream.linear.gather [hbm4b:s5+s4], $0x10, $0x38;
	[tilespmem:$0x10780] =	vst v63  }
0x1be: {  	s7 =	sadd.s32 $0x50, s0;
	s8 =	simm.s32 $0xAF80  }
0x1bf: {  	[tilespmem:s8], [sflag:$0x1] =	stream.linear.gather [hbm4b:s7+s4], $0x10, $0x38;
	[tilespmem:$0x10780] =	vst v63  }
0x1c0: {  	s9 =	sadd.s32 $0x60, s0;
	s10 =	simm.s32 $0xB000  }
0x1c1: {  	(v2sf) =	vpush v3, $0x6;
	[tilespmem:s10], [sflag:$0x1] =	stream.linear.gather [hbm4b:s9+s4], $0x10, $0x38;
	[tilespmem:$0x10780] =	vst v63  }
0x1c2: {  	s12 =	sadd.s32 $0x70, s0;
	s13 =	simm.s32 $0xB080  }
0x1c3: {  	[tilespmem:s13], [sflag:$0x1] =	stream.linear.gather [hbm4b:s12+s4], $0x10, $0x38;
	[tilespmem:$0x10780] =	vst v63  }
0x1c4: {  	s0 =	sadd.s32 $0xF4280, s0;
	s6 =	simm.s32 $0xB100  }
0x1c5: {  	[tilespmem:s6], [sflag:$0x1] =	stream.linear.gather [hbm4b:s0+s4], $0x10, $0x38;
	[tilespmem:$0x10780] =	vst v63  }
0x1c6: {  	s7 =	sadd.s32 $0x10, s0;
	s8 =	simm.s32 $0xB180  }
0x1c7: {  	[tilespmem:s8], [sflag:$0x1] =	stream.linear.gather [hbm4b:s7+s4], $0x10, $0x38;
	[tilespmem:$0x10780] =	vst v63  }
0x1c8: {  	s9 =	sadd.s32 $0x20, s0;
	s10 =	simm.s32 $0xB200  }
0x1c9: {  	[tilespmem:s10], [sflag:$0x1] =	stream.linear.gather [hbm4b:s9+s4], $0x10, $0x38;
	[tilespmem:$0x10780] =	vst v63  }
0x1ca: {  	s12 =	sadd.s32 $0x30, s0;
	s13 =	simm.s32 $0xB280  }
0x1cb: {  	[tilespmem:s13], [sflag:$0x1] =	stream.linear.gather [hbm4b:s12+s4], $0x10, $0x38;
	[tilespmem:$0x10780] =	vst v63  }
0x1cc: {  	s5 =	sadd.s32 $0x40, s0;
	s6 =	simm.s32 $0xB300  }
0x1cd: {  	[tilespmem:s6], [sflag:$0x1] =	stream.linear.gather [hbm4b:s5+s4], $0x10, $0x38;
	[tilespmem:$0x10780] =	vst v63  }
0x1ce: {  	s7 =	sadd.s32 $0x50, s0;
	s8 =	simm.s32 $0xB380  }
0x1cf: {  	[tilespmem:s8], [sflag:$0x1] =	stream.linear.gather [hbm4b:s7+s4], $0x10, $0x38;
	[tilespmem:$0x10780] =	vst v63  }
0x1d0: {  	s9 =	sadd.s32 $0x60, s0;
	s10 =	simm.s32 $0xB400;
	s13 =	spop (v2sf)  }
0x1d1: {  	[tilespmem:s10], [sflag:$0x1] =	stream.linear.gather [hbm4b:s9+s4], $0x10, $0x38;
	[tilespmem:$0x10780] =	vst v63  }
0x1d2: {  	s0 =	sadd.s32 $0x70, s0;
	s12 =	simm.s32 $0xB480;
	s5 =	sshll.u32 s13, $0x3  }
0x1d3: {  	[tilespmem:s12], [sflag:$0x1] =	stream.linear.gather [hbm4b:s0+s4], $0x10, $0x38;
	[tilespmem:$0x10780] =	vst v63  }
0x1d4: {  	s3 =	sand.u32 $0xFFFFFC00, s5;
	s0 =	sand.u32 $0x70, s13  }
0x1d5: {  	s0 =	sor.u32 s0, s3  }
0x1d6: {  	s0 =	sshrl.u32 s0, $0x3  }
0x1d7: {  	s6 =	simm.s32 $0x3500;
	s0 =	sadd.s32 s1, s0  }
0x1d8: {  	[tilespmem:s6], [sflag:$0x1] =	stream.linear.gather [hbm4b:s0+s4], $0x10, $0x38;
	[tilespmem:$0x10780] =	vst v63  }
0x1d9: {  	s8 =	simm.s32 $0x3580;
	s7 =	sadd.s32 $0x10, s0  }
0x1da: {  	[tilespmem:s8], [sflag:$0x1] =	stream.linear.gather [hbm4b:s7+s4], $0x10, $0x38;
	[tilespmem:$0x10780] =	vst v63  }
0x1db: {  	s10 =	simm.s32 $0x3600;
	s9 =	sadd.s32 $0x20, s0  }
0x1dc: {  	[tilespmem:s10], [sflag:$0x1] =	stream.linear.gather [hbm4b:s9+s4], $0x10, $0x38;
	[tilespmem:$0x10780] =	vst v63  }
0x1dd: {  	s13 =	simm.s32 $0x3680;
	s12 =	sadd.s32 $0x30, s0  }
0x1de: {  	[tilespmem:s13], [sflag:$0x1] =	stream.linear.gather [hbm4b:s12+s4], $0x10, $0x38;
	[tilespmem:$0x10780] =	vst v63  }
0x1df: {  	s5 =	sadd.s32 $0x40, s0;
	s6 =	simm.s32 $0x3700  }
0x1e0: {  	[tilespmem:s6], [sflag:$0x1] =	stream.linear.gather [hbm4b:s5+s4], $0x10, $0x38;
	[tilespmem:$0x10780] =	vst v63  }
0x1e1: {  	s7 =	sadd.s32 $0x50, s0;
	s8 =	simm.s32 $0x3780  }
0x1e2: {  	[tilespmem:s8], [sflag:$0x1] =	stream.linear.gather [hbm4b:s7+s4], $0x10, $0x38;
	[tilespmem:$0x10780] =	vst v63  }
0x1e3: {  	s9 =	sadd.s32 $0x60, s0;
	s10 =	simm.s32 $0x3800  }
0x1e4: {  	(v2sf) =	vpush v2, $0x6;
	[tilespmem:s10], [sflag:$0x1] =	stream.linear.gather [hbm4b:s9+s4], $0x10, $0x38;
	[tilespmem:$0x10780] =	vst v63  }
0x1e5: {  	s12 =	sadd.s32 $0x70, s0;
	s13 =	simm.s32 $0x3880  }
0x1e6: {  	[tilespmem:s13], [sflag:$0x1] =	stream.linear.gather [hbm4b:s12+s4], $0x10, $0x38;
	[tilespmem:$0x10780] =	vst v63  }
0x1e7: {  	s0 =	sadd.s32 $0xF4280, s0;
	s6 =	simm.s32 $0x3900  }
0x1e8: {  	[tilespmem:s6], [sflag:$0x1] =	stream.linear.gather [hbm4b:s0+s4], $0x10, $0x38;
	[tilespmem:$0x10780] =	vst v63  }
0x1e9: {  	s7 =	sadd.s32 $0x10, s0;
	s8 =	simm.s32 $0x3980  }
0x1ea: {  	[tilespmem:s8], [sflag:$0x1] =	stream.linear.gather [hbm4b:s7+s4], $0x10, $0x38;
	[tilespmem:$0x10780] =	vst v63  }
0x1eb: {  	s9 =	sadd.s32 $0x20, s0;
	s10 =	simm.s32 $0x3A00  }
0x1ec: {  	[tilespmem:s10], [sflag:$0x1] =	stream.linear.gather [hbm4b:s9+s4], $0x10, $0x38;
	[tilespmem:$0x10780] =	vst v63  }
0x1ed: {  	s12 =	sadd.s32 $0x30, s0;
	s13 =	simm.s32 $0x3A80  }
0x1ee: {  	[tilespmem:s13], [sflag:$0x1] =	stream.linear.gather [hbm4b:s12+s4], $0x10, $0x38;
	[tilespmem:$0x10780] =	vst v63  }
0x1ef: {  	s5 =	sadd.s32 $0x40, s0;
	s6 =	simm.s32 $0x3B00  }
0x1f0: {  	[tilespmem:s6], [sflag:$0x1] =	stream.linear.gather [hbm4b:s5+s4], $0x10, $0x38;
	[tilespmem:$0x10780] =	vst v63  }
0x1f1: {  	s7 =	sadd.s32 $0x50, s0;
	s8 =	simm.s32 $0x3B80  }
0x1f2: {  	[tilespmem:s8], [sflag:$0x1] =	stream.linear.gather [hbm4b:s7+s4], $0x10, $0x38;
	[tilespmem:$0x10780] =	vst v63  }
0x1f3: {  	s9 =	sadd.s32 $0x60, s0;
	s10 =	simm.s32 $0x3C00;
	s13 =	spop (v2sf)  }
0x1f4: {  	[tilespmem:s10], [sflag:$0x1] =	stream.linear.gather [hbm4b:s9+s4], $0x10, $0x38;
	[tilespmem:$0x10780] =	vst v63  }
0x1f5: {  	s0 =	sadd.s32 $0x70, s0;
	s12 =	simm.s32 $0x3C80;
	s5 =	sshll.u32 s13, $0x3  }
0x1f6: {  	[tilespmem:s12], [sflag:$0x1] =	stream.linear.gather [hbm4b:s0+s4], $0x10, $0x38;
	[tilespmem:$0x10780] =	vst v63  }
0x1f7: {  	s3 =	sand.u32 $0xFFFFFC00, s5;
	s0 =	sand.u32 $0x70, s13  }
0x1f8: {  	s0 =	sor.u32 s0, s3  }
0x1f9: {  	s0 =	sshrl.u32 s0, $0x3  }
0x1fa: {  	s6 =	simm.s32 $0xB500;
	s0 =	sadd.s32 s2, s0  }
0x1fb: {  	[tilespmem:s6], [sflag:$0x1] =	stream.linear.gather [hbm4b:s0+s4], $0x10, $0x38;
	[tilespmem:$0x10780] =	vst v63  }
0x1fc: {  	s8 =	simm.s32 $0xB580;
	s7 =	sadd.s32 $0x10, s0  }
0x1fd: {  	[tilespmem:s8], [sflag:$0x1] =	stream.linear.gather [hbm4b:s7+s4], $0x10, $0x38;
	[tilespmem:$0x10780] =	vst v63  }
0x1fe: {  	s10 =	simm.s32 $0xB600;
	s9 =	sadd.s32 $0x20, s0  }
0x1ff: {  	[tilespmem:s10], [sflag:$0x1] =	stream.linear.gather [hbm4b:s9+s4], $0x10, $0x38;
	[tilespmem:$0x10780] =	vst v63  }
0x200: {  	s13 =	simm.s32 $0xB680;
	s12 =	sadd.s32 $0x30, s0  }
0x201: {  	[tilespmem:s13], [sflag:$0x1] =	stream.linear.gather [hbm4b:s12+s4], $0x10, $0x38;
	[tilespmem:$0x10780] =	vst v63  }
0x202: {  	s5 =	sadd.s32 $0x40, s0;
	s6 =	simm.s32 $0xB700  }
0x203: {  	[tilespmem:s6], [sflag:$0x1] =	stream.linear.gather [hbm4b:s5+s4], $0x10, $0x38;
	[tilespmem:$0x10780] =	vst v63  }
0x204: {  	s7 =	sadd.s32 $0x50, s0;
	s8 =	simm.s32 $0xB780  }
0x205: {  	[tilespmem:s8], [sflag:$0x1] =	stream.linear.gather [hbm4b:s7+s4], $0x10, $0x38;
	[tilespmem:$0x10780] =	vst v63  }
0x206: {  	s9 =	sadd.s32 $0x60, s0;
	s10 =	simm.s32 $0xB800  }
0x207: {  	(v2sf) =	vpush v3, $0x7;
	[tilespmem:s10], [sflag:$0x1] =	stream.linear.gather [hbm4b:s9+s4], $0x10, $0x38;
	[tilespmem:$0x10780] =	vst v63  }
0x208: {  	s12 =	sadd.s32 $0x70, s0;
	s13 =	simm.s32 $0xB880  }
0x209: {  	[tilespmem:s13], [sflag:$0x1] =	stream.linear.gather [hbm4b:s12+s4], $0x10, $0x38;
	[tilespmem:$0x10780] =	vst v63  }
0x20a: {  	s0 =	sadd.s32 $0xF4280, s0;
	s6 =	simm.s32 $0xB900  }
0x20b: {  	[tilespmem:s6], [sflag:$0x1] =	stream.linear.gather [hbm4b:s0+s4], $0x10, $0x38;
	[tilespmem:$0x10780] =	vst v63  }
0x20c: {  	s7 =	sadd.s32 $0x10, s0;
	s8 =	simm.s32 $0xB980  }
0x20d: {  	[tilespmem:s8], [sflag:$0x1] =	stream.linear.gather [hbm4b:s7+s4], $0x10, $0x38;
	[tilespmem:$0x10780] =	vst v63  }
0x20e: {  	s9 =	sadd.s32 $0x20, s0;
	s10 =	simm.s32 $0xBA00  }
0x20f: {  	[tilespmem:s10], [sflag:$0x1] =	stream.linear.gather [hbm4b:s9+s4], $0x10, $0x38;
	[tilespmem:$0x10780] =	vst v63  }
0x210: {  	s12 =	sadd.s32 $0x30, s0;
	s13 =	simm.s32 $0xBA80  }
0x211: {  	[tilespmem:s13], [sflag:$0x1] =	stream.linear.gather [hbm4b:s12+s4], $0x10, $0x38;
	[tilespmem:$0x10780] =	vst v63  }
0x212: {  	s5 =	sadd.s32 $0x40, s0;
	s6 =	simm.s32 $0xBB00  }
0x213: {  	[tilespmem:s6], [sflag:$0x1] =	stream.linear.gather [hbm4b:s5+s4], $0x10, $0x38;
	[tilespmem:$0x10780] =	vst v63  }
0x214: {  	s7 =	sadd.s32 $0x50, s0;
	s8 =	simm.s32 $0xBB80  }
0x215: {  	[tilespmem:s8], [sflag:$0x1] =	stream.linear.gather [hbm4b:s7+s4], $0x10, $0x38;
	[tilespmem:$0x10780] =	vst v63  }
0x216: {  	s9 =	sadd.s32 $0x60, s0;
	s10 =	simm.s32 $0xBC00;
	s13 =	spop (v2sf)  }
0x217: {  	[tilespmem:s10], [sflag:$0x1] =	stream.linear.gather [hbm4b:s9+s4], $0x10, $0x38;
	[tilespmem:$0x10780] =	vst v63  }
0x218: {  	s0 =	sadd.s32 $0x70, s0;
	s12 =	simm.s32 $0xBC80;
	s5 =	sshll.u32 s13, $0x3  }
0x219: {  	[tilespmem:s12], [sflag:$0x1] =	stream.linear.gather [hbm4b:s0+s4], $0x10, $0x38;
	[tilespmem:$0x10780] =	vst v63  }
0x21a: {  	s3 =	sand.u32 $0xFFFFFC00, s5;
	s0 =	sand.u32 $0x70, s13  }
0x21b: {  	s0 =	sor.u32 s0, s3  }
0x21c: {  	s0 =	sshrl.u32 s0, $0x3  }
0x21d: {  	s6 =	simm.s32 $0x3D00;
	s0 =	sadd.s32 s1, s0  }
0x21e: {  	[tilespmem:s6], [sflag:$0x1] =	stream.linear.gather [hbm4b:s0+s4], $0x10, $0x38;
	[tilespmem:$0x10780] =	vst v63  }
0x21f: {  	s8 =	simm.s32 $0x3D80;
	s7 =	sadd.s32 $0x10, s0  }
0x220: {  	[tilespmem:s8], [sflag:$0x1] =	stream.linear.gather [hbm4b:s7+s4], $0x10, $0x38;
	[tilespmem:$0x10780] =	vst v63  }
0x221: {  	s10 =	simm.s32 $0x3E00;
	s9 =	sadd.s32 $0x20, s0  }
0x222: {  	[tilespmem:s10], [sflag:$0x1] =	stream.linear.gather [hbm4b:s9+s4], $0x10, $0x38;
	[tilespmem:$0x10780] =	vst v63  }
0x223: {  	s13 =	simm.s32 $0x3E80;
	s12 =	sadd.s32 $0x30, s0  }
0x224: {  	[tilespmem:s13], [sflag:$0x1] =	stream.linear.gather [hbm4b:s12+s4], $0x10, $0x38;
	[tilespmem:$0x10780] =	vst v63  }
0x225: {  	s5 =	sadd.s32 $0x40, s0;
	s6 =	simm.s32 $0x3F00  }
0x226: {  	[tilespmem:s6], [sflag:$0x1] =	stream.linear.gather [hbm4b:s5+s4], $0x10, $0x38;
	[tilespmem:$0x10780] =	vst v63  }
0x227: {  	s7 =	sadd.s32 $0x50, s0;
	s8 =	simm.s32 $0x3F80  }
0x228: {  	[tilespmem:s8], [sflag:$0x1] =	stream.linear.gather [hbm4b:s7+s4], $0x10, $0x38;
	[tilespmem:$0x10780] =	vst v63  }
0x229: {  	s9 =	sadd.s32 $0x60, s0;
	s10 =	simm.s32 $0x4000  }
0x22a: {  	(v2sf) =	vpush v2, $0x7;
	[tilespmem:s10], [sflag:$0x1] =	stream.linear.gather [hbm4b:s9+s4], $0x10, $0x38;
	[tilespmem:$0x10780] =	vst v63  }
0x22b: {  	s12 =	sadd.s32 $0x70, s0;
	s13 =	simm.s32 $0x4080  }
0x22c: {  	[tilespmem:s13], [sflag:$0x1] =	stream.linear.gather [hbm4b:s12+s4], $0x10, $0x38;
	[tilespmem:$0x10780] =	vst v63  }
0x22d: {  	s0 =	sadd.s32 $0xF4280, s0;
	s6 =	simm.s32 $0x4100  }
0x22e: {  	[tilespmem:s6], [sflag:$0x1] =	stream.linear.gather [hbm4b:s0+s4], $0x10, $0x38;
	[tilespmem:$0x10780] =	vst v63  }
0x22f: {  	s7 =	sadd.s32 $0x10, s0;
	s8 =	simm.s32 $0x4180  }
0x230: {  	[tilespmem:s8], [sflag:$0x1] =	stream.linear.gather [hbm4b:s7+s4], $0x10, $0x38;
	[tilespmem:$0x10780] =	vst v63  }
0x231: {  	s9 =	sadd.s32 $0x20, s0;
	s10 =	simm.s32 $0x4200  }
0x232: {  	[tilespmem:s10], [sflag:$0x1] =	stream.linear.gather [hbm4b:s9+s4], $0x10, $0x38;
	[tilespmem:$0x10780] =	vst v63  }
0x233: {  	s12 =	sadd.s32 $0x30, s0;
	s13 =	simm.s32 $0x4280  }
0x234: {  	[tilespmem:s13], [sflag:$0x1] =	stream.linear.gather [hbm4b:s12+s4], $0x10, $0x38;
	[tilespmem:$0x10780] =	vst v63  }
0x235: {  	s5 =	sadd.s32 $0x40, s0;
	s6 =	simm.s32 $0x4300  }
0x236: {  	[tilespmem:s6], [sflag:$0x1] =	stream.linear.gather [hbm4b:s5+s4], $0x10, $0x38;
	[tilespmem:$0x10780] =	vst v63  }
0x237: {  	s7 =	sadd.s32 $0x50, s0;
	s8 =	simm.s32 $0x4380  }
0x238: {  	[tilespmem:s8], [sflag:$0x1] =	stream.linear.gather [hbm4b:s7+s4], $0x10, $0x38;
	[tilespmem:$0x10780] =	vst v63  }
0x239: {  	s9 =	sadd.s32 $0x60, s0;
	s10 =	simm.s32 $0x4400;
	s13 =	spop (v2sf)  }
0x23a: {  	[tilespmem:s10], [sflag:$0x1] =	stream.linear.gather [hbm4b:s9+s4], $0x10, $0x38;
	[tilespmem:$0x10780] =	vst v63  }
0x23b: {  	s0 =	sadd.s32 $0x70, s0;
	s12 =	simm.s32 $0x4480;
	s5 =	sshll.u32 s13, $0x3  }
0x23c: {  	[tilespmem:s12], [sflag:$0x1] =	stream.linear.gather [hbm4b:s0+s4], $0x10, $0x38;
	[tilespmem:$0x10780] =	vst v63  }
0x23d: {  	s3 =	sand.u32 $0xFFFFFC00, s5;
	s0 =	sand.u32 $0x70, s13  }
0x23e: {  	s0 =	sor.u32 s0, s3  }
0x23f: {  	s0 =	sshrl.u32 s0, $0x3  }
0x240: {  	s6 =	simm.s32 $0xBD00;
	s0 =	sadd.s32 s2, s0  }
0x241: {  	[tilespmem:s6], [sflag:$0x1] =	stream.linear.gather [hbm4b:s0+s4], $0x10, $0x38;
	[tilespmem:$0x10780] =	vst v63  }
0x242: {  	s8 =	simm.s32 $0xBD80;
	s7 =	sadd.s32 $0x10, s0  }
0x243: {  	[tilespmem:s8], [sflag:$0x1] =	stream.linear.gather [hbm4b:s7+s4], $0x10, $0x38;
	[tilespmem:$0x10780] =	vst v63  }
0x244: {  	s10 =	simm.s32 $0xBE00;
	s9 =	sadd.s32 $0x20, s0  }
0x245: {  	[tilespmem:s10], [sflag:$0x1] =	stream.linear.gather [hbm4b:s9+s4], $0x10, $0x38;
	[tilespmem:$0x10780] =	vst v63  }
0x246: {  	s13 =	simm.s32 $0xBE80;
	s12 =	sadd.s32 $0x30, s0  }
0x247: {  	[tilespmem:s13], [sflag:$0x1] =	stream.linear.gather [hbm4b:s12+s4], $0x10, $0x38;
	[tilespmem:$0x10780] =	vst v63  }
0x248: {  	s5 =	sadd.s32 $0x40, s0;
	s6 =	simm.s32 $0xBF00  }
0x249: {  	[tilespmem:s6], [sflag:$0x1] =	stream.linear.gather [hbm4b:s5+s4], $0x10, $0x38;
	[tilespmem:$0x10780] =	vst v63  }
0x24a: {  	s7 =	sadd.s32 $0x50, s0;
	s8 =	simm.s32 $0xBF80  }
0x24b: {  	[tilespmem:s8], [sflag:$0x1] =	stream.linear.gather [hbm4b:s7+s4], $0x10, $0x38;
	[tilespmem:$0x10780] =	vst v63  }
0x24c: {  	s9 =	sadd.s32 $0x60, s0;
	s10 =	simm.s32 $0xC000  }
0x24d: {  	[tilespmem:s10], [sflag:$0x1] =	stream.linear.gather [hbm4b:s9+s4], $0x10, $0x38;
	[tilespmem:$0x10780] =	vst v63  }
0x24e: {  	s12 =	sadd.s32 $0x70, s0;
	s13 =	simm.s32 $0xC080  }
0x24f: {  	[tilespmem:s13], [sflag:$0x1] =	stream.linear.gather [hbm4b:s12+s4], $0x10, $0x38;
	[tilespmem:$0x10780] =	vst v63  }
0x250: {  	s0 =	sadd.s32 $0xF4280, s0;
	s6 =	simm.s32 $0xC100  }
0x251: {  	[tilespmem:s6], [sflag:$0x1] =	stream.linear.gather [hbm4b:s0+s4], $0x10, $0x38;
	[tilespmem:$0x10780] =	vst v63  }
0x252: {  	s7 =	sadd.s32 $0x10, s0;
	s8 =	simm.s32 $0xC180  }
0x253: {  	[tilespmem:s8], [sflag:$0x1] =	stream.linear.gather [hbm4b:s7+s4], $0x10, $0x38;
	[tilespmem:$0x10780] =	vst v63  }
0x254: {  	s9 =	sadd.s32 $0x20, s0;
	s10 =	simm.s32 $0xC200  }
0x255: {  	[tilespmem:s10], [sflag:$0x1] =	stream.linear.gather [hbm4b:s9+s4], $0x10, $0x38;
	[tilespmem:$0x10780] =	vst v63  }
0x256: {  	s12 =	sadd.s32 $0x30, s0;
	s13 =	simm.s32 $0xC280  }
0x257: {  	[tilespmem:s13], [sflag:$0x1] =	stream.linear.gather [hbm4b:s12+s4], $0x10, $0x38;
	[tilespmem:$0x10780] =	vst v63  }
0x258: {  	s5 =	sadd.s32 $0x40, s0;
	s6 =	simm.s32 $0xC300  }
0x259: {  	[tilespmem:s6], [sflag:$0x1] =	stream.linear.gather [hbm4b:s5+s4], $0x10, $0x38;
	[tilespmem:$0x10780] =	vst v63  }
0x25a: {  	s7 =	sadd.s32 $0x50, s0;
	s8 =	simm.s32 $0xC380  }
0x25b: {  	[tilespmem:s8], [sflag:$0x1] =	stream.linear.gather [hbm4b:s7+s4], $0x10, $0x38;
	[tilespmem:$0x10780] =	vst v63  }
0x25c: {  	s9 =	sadd.s32 $0x60, s0;
	s10 =	simm.s32 $0xC400  }
0x25d: {  	[tilespmem:s10], [sflag:$0x1] =	stream.linear.gather [hbm4b:s9+s4], $0x10, $0x38;
	[tilespmem:$0x10780] =	vst v63  }
0x25e: {  	s0 =	sadd.s32 $0x70, s0;
	s12 =	simm.s32 $0xC480  }
0x25f: {  	[tilespmem:s12], [sflag:$0x1] =	stream.linear.gather [hbm4b:s0+s4], $0x10, $0x38;
	[tilespmem:$0x10780] =	vst v63  }
0x260: {  	v2 =	vld [tilespmem:$0x8];
	_ =	sdelay $0x4  }
0x261: {  	v3 =	vshra.s32 v2, $0x1F;
	v60 =	vand.u32 $0xF, v2  }
0x262: {  	vm12 =	vlt.s32 v2, $0x1;
	v3 =	vshrl.u32 v3, $0x1C;
	vm13 =	vne.s32 v60, $0x0  }
0x263: {  	v2 =	vadd.s32 v3, v2;
	vm0 =	vmand vm12, vm13  }
0x264: {  	v2 =	vshrl.u32 v2, $0x4;
	v3 =	vsel vm0, $0xFFFFFFFF, v0  }
0x265: {  	v2 =	vadd.s32 v3, v2  }
0x266: {  	v3 =	vshll.u32 v2, $0x4  }
0x267: {  	(v2sf) =	vpush v3, $0x0;
	_ =	sdelay $0xe  }
0x268: {  	s13 =	spop (v2sf)  }
0x269: {  	s5 =	sshll.u32 s13, $0x3  }
0x26a: {  	s0 =	sand.u32 $0x70, s13;
	s3 =	sand.u32 $0xFFFFFC00, s5  }
0x26b: {  	s0 =	sor.u32 s0, s3  }
0x26c: {  	s0 =	sshrl.u32 s0, $0x3  }
0x26d: {  	s6 =	simm.s32 $0x4500;
	s0 =	sadd.s32 s1, s0  }
0x26e: {  	v2 =	vld [tilespmem:$0x288];
	[tilespmem:s6], [sflag:$0x2] =	stream.linear.gather [hbm4b:s0+s4], $0x10, $0x38  }
0x26f: {  	s8 =	simm.s32 $0x4580;
	s7 =	sadd.s32 $0x10, s0  }
0x270: {  	[tilespmem:s8], [sflag:$0x2] =	stream.linear.gather [hbm4b:s7+s4], $0x10, $0x38;
	[tilespmem:$0x10780] =	vst v63  }
0x271: {  	s10 =	simm.s32 $0x4600;
	s9 =	sadd.s32 $0x20, s0  }
0x272: {  	[tilespmem:s10], [sflag:$0x2] =	stream.linear.gather [hbm4b:s9+s4], $0x10, $0x38;
	[tilespmem:$0x10780] =	vst v63  }
0x273: {  	s13 =	simm.s32 $0x4680;
	s12 =	sadd.s32 $0x30, s0  }
0x274: {  	v61 =	vshra.s32 v2, $0x1F;
	v62 =	vand.u32 $0xF, v2;
	[tilespmem:s13], [sflag:$0x2] =	stream.linear.gather [hbm4b:s12+s4], $0x10, $0x38;
	[tilespmem:$0x10780] =	vst v63  }
0x275: {  	vm15 =	vlt.s32 v2, $0x1;
	vm14 =	vne.s32 v62, $0x0;
	v4 =	vshrl.u32 v61, $0x1C;
	s5 =	sadd.s32 $0x40, s0;
	s6 =	simm.s32 $0x4700  }
0x276: {  	v2 =	vadd.s32 v4, v2;
	vm0 =	vmand vm15, vm14;
	[tilespmem:s6], [sflag:$0x2] =	stream.linear.gather [hbm4b:s5+s4], $0x10, $0x38;
	[tilespmem:$0x10780] =	vst v63  }
0x277: {  	v2 =	vshrl.u32 v2, $0x4;
	v63 =	vsel vm0, $0xFFFFFFFF, v0;
	s7 =	sadd.s32 $0x50, s0;
	s8 =	simm.s32 $0x4780  }
0x278: {  	v2 =	vadd.s32 v63, v2;
	[tilespmem:s8], [sflag:$0x2] =	stream.linear.gather [hbm4b:s7+s4], $0x10, $0x38;
	[tilespmem:$0x10780] =	vst v63  }
0x279: {  	v2 =	vshll.u32 v2, $0x4;
	s9 =	sadd.s32 $0x60, s0;
	s10 =	simm.s32 $0x4800  }
0x27a: {  	(v2sf) =	vpush v2, $0x0;
	[tilespmem:s10], [sflag:$0x2] =	stream.linear.gather [hbm4b:s9+s4], $0x10, $0x38;
	[tilespmem:$0x10780] =	vst v63  }
0x27b: {  	s12 =	sadd.s32 $0x70, s0;
	s13 =	simm.s32 $0x4880  }
0x27c: {  	[tilespmem:s13], [sflag:$0x2] =	stream.linear.gather [hbm4b:s12+s4], $0x10, $0x38;
	[tilespmem:$0x10780] =	vst v63  }
0x27d: {  	s0 =	sadd.s32 $0xF4280, s0;
	s6 =	simm.s32 $0x4900  }
0x27e: {  	[tilespmem:s6], [sflag:$0x2] =	stream.linear.gather [hbm4b:s0+s4], $0x10, $0x38;
	[tilespmem:$0x10780] =	vst v63  }
0x27f: {  	s7 =	sadd.s32 $0x10, s0;
	s8 =	simm.s32 $0x4980  }
0x280: {  	[tilespmem:s8], [sflag:$0x2] =	stream.linear.gather [hbm4b:s7+s4], $0x10, $0x38;
	[tilespmem:$0x10780] =	vst v63  }
0x281: {  	s9 =	sadd.s32 $0x20, s0;
	s10 =	simm.s32 $0x4A00  }
0x282: {  	[tilespmem:s10], [sflag:$0x2] =	stream.linear.gather [hbm4b:s9+s4], $0x10, $0x38;
	[tilespmem:$0x10780] =	vst v63  }
0x283: {  	s12 =	sadd.s32 $0x30, s0;
	s13 =	simm.s32 $0x4A80  }
0x284: {  	[tilespmem:s13], [sflag:$0x2] =	stream.linear.gather [hbm4b:s12+s4], $0x10, $0x38;
	[tilespmem:$0x10780] =	vst v63  }
0x285: {  	s5 =	sadd.s32 $0x40, s0;
	s6 =	simm.s32 $0x4B00  }
0x286: {  	[tilespmem:s6], [sflag:$0x2] =	stream.linear.gather [hbm4b:s5+s4], $0x10, $0x38;
	[tilespmem:$0x10780] =	vst v63  }
0x287: {  	s7 =	sadd.s32 $0x50, s0;
	s8 =	simm.s32 $0x4B80  }
0x288: {  	[tilespmem:s8], [sflag:$0x2] =	stream.linear.gather [hbm4b:s7+s4], $0x10, $0x38;
	[tilespmem:$0x10780] =	vst v63  }
0x289: {  	s9 =	sadd.s32 $0x60, s0;
	s10 =	simm.s32 $0x4C00;
	s13 =	spop (v2sf)  }
0x28a: {  	[tilespmem:s10], [sflag:$0x2] =	stream.linear.gather [hbm4b:s9+s4], $0x10, $0x38;
	[tilespmem:$0x10780] =	vst v63  }
0x28b: {  	s0 =	sadd.s32 $0x70, s0;
	s12 =	simm.s32 $0x4C80;
	s5 =	sshll.u32 s13, $0x3  }
0x28c: {  	[tilespmem:s12], [sflag:$0x2] =	stream.linear.gather [hbm4b:s0+s4], $0x10, $0x38;
	[tilespmem:$0x10780] =	vst v63  }
0x28d: {  	s3 =	sand.u32 $0xFFFFFC00, s5;
	s0 =	sand.u32 $0x70, s13  }
0x28e: {  	s0 =	sor.u32 s0, s3  }
0x28f: {  	s0 =	sshrl.u32 s0, $0x3  }
0x290: {  	s6 =	simm.s32 $0xC500;
	s0 =	sadd.s32 s2, s0  }
0x291: {  	[tilespmem:s6], [sflag:$0x2] =	stream.linear.gather [hbm4b:s0+s4], $0x10, $0x38;
	[tilespmem:$0x10780] =	vst v63  }
0x292: {  	s8 =	simm.s32 $0xC580;
	s7 =	sadd.s32 $0x10, s0  }
0x293: {  	[tilespmem:s8], [sflag:$0x2] =	stream.linear.gather [hbm4b:s7+s4], $0x10, $0x38;
	[tilespmem:$0x10780] =	vst v63  }
0x294: {  	s10 =	simm.s32 $0xC600;
	s9 =	sadd.s32 $0x20, s0  }
0x295: {  	[tilespmem:s10], [sflag:$0x2] =	stream.linear.gather [hbm4b:s9+s4], $0x10, $0x38;
	[tilespmem:$0x10780] =	vst v63  }
0x296: {  	s13 =	simm.s32 $0xC680;
	s12 =	sadd.s32 $0x30, s0  }
0x297: {  	[tilespmem:s13], [sflag:$0x2] =	stream.linear.gather [hbm4b:s12+s4], $0x10, $0x38;
	[tilespmem:$0x10780] =	vst v63  }
0x298: {  	s5 =	sadd.s32 $0x40, s0;
	s6 =	simm.s32 $0xC700  }
0x299: {  	[tilespmem:s6], [sflag:$0x2] =	stream.linear.gather [hbm4b:s5+s4], $0x10, $0x38;
	[tilespmem:$0x10780] =	vst v63  }
0x29a: {  	s7 =	sadd.s32 $0x50, s0;
	s8 =	simm.s32 $0xC780  }
0x29b: {  	[tilespmem:s8], [sflag:$0x2] =	stream.linear.gather [hbm4b:s7+s4], $0x10, $0x38;
	[tilespmem:$0x10780] =	vst v63  }
0x29c: {  	s9 =	sadd.s32 $0x60, s0;
	s10 =	simm.s32 $0xC800  }
0x29d: {  	(v2sf) =	vpush v3, $0x1;
	[tilespmem:s10], [sflag:$0x2] =	stream.linear.gather [hbm4b:s9+s4], $0x10, $0x38;
	[tilespmem:$0x10780] =	vst v63  }
0x29e: {  	s12 =	sadd.s32 $0x70, s0;
	s13 =	simm.s32 $0xC880  }
0x29f: {  	[tilespmem:s13], [sflag:$0x2] =	stream.linear.gather [hbm4b:s12+s4], $0x10, $0x38;
	[tilespmem:$0x10780] =	vst v63  }
0x2a0: {  	s0 =	sadd.s32 $0xF4280, s0;
	s6 =	simm.s32 $0xC900  }
0x2a1: {  	[tilespmem:s6], [sflag:$0x2] =	stream.linear.gather [hbm4b:s0+s4], $0x10, $0x38;
	[tilespmem:$0x10780] =	vst v63  }
0x2a2: {  	s7 =	sadd.s32 $0x10, s0;
	s8 =	simm.s32 $0xC980  }
0x2a3: {  	[tilespmem:s8], [sflag:$0x2] =	stream.linear.gather [hbm4b:s7+s4], $0x10, $0x38;
	[tilespmem:$0x10780] =	vst v63  }
0x2a4: {  	s9 =	sadd.s32 $0x20, s0;
	s10 =	simm.s32 $0xCA00  }
0x2a5: {  	[tilespmem:s10], [sflag:$0x2] =	stream.linear.gather [hbm4b:s9+s4], $0x10, $0x38;
	[tilespmem:$0x10780] =	vst v63  }
0x2a6: {  	s12 =	sadd.s32 $0x30, s0;
	s13 =	simm.s32 $0xCA80  }
0x2a7: {  	[tilespmem:s13], [sflag:$0x2] =	stream.linear.gather [hbm4b:s12+s4], $0x10, $0x38;
	[tilespmem:$0x10780] =	vst v63  }
0x2a8: {  	s5 =	sadd.s32 $0x40, s0;
	s6 =	simm.s32 $0xCB00  }
0x2a9: {  	[tilespmem:s6], [sflag:$0x2] =	stream.linear.gather [hbm4b:s5+s4], $0x10, $0x38;
	[tilespmem:$0x10780] =	vst v63  }
0x2aa: {  	s7 =	sadd.s32 $0x50, s0;
	s8 =	simm.s32 $0xCB80  }
0x2ab: {  	[tilespmem:s8], [sflag:$0x2] =	stream.linear.gather [hbm4b:s7+s4], $0x10, $0x38;
	[tilespmem:$0x10780] =	vst v63  }
0x2ac: {  	s9 =	sadd.s32 $0x60, s0;
	s10 =	simm.s32 $0xCC00;
	s13 =	spop (v2sf)  }
0x2ad: {  	[tilespmem:s10], [sflag:$0x2] =	stream.linear.gather [hbm4b:s9+s4], $0x10, $0x38;
	[tilespmem:$0x10780] =	vst v63  }
0x2ae: {  	s0 =	sadd.s32 $0x70, s0;
	s12 =	simm.s32 $0xCC80;
	s5 =	sshll.u32 s13, $0x3  }
0x2af: {  	[tilespmem:s12], [sflag:$0x2] =	stream.linear.gather [hbm4b:s0+s4], $0x10, $0x38;
	[tilespmem:$0x10780] =	vst v63  }
0x2b0: {  	s3 =	sand.u32 $0xFFFFFC00, s5;
	s0 =	sand.u32 $0x70, s13  }
0x2b1: {  	s0 =	sor.u32 s0, s3  }
0x2b2: {  	s0 =	sshrl.u32 s0, $0x3  }
0x2b3: {  	s6 =	simm.s32 $0x4D00;
	s0 =	sadd.s32 s1, s0  }
0x2b4: {  	[tilespmem:s6], [sflag:$0x2] =	stream.linear.gather [hbm4b:s0+s4], $0x10, $0x38;
	[tilespmem:$0x10780] =	vst v63  }
0x2b5: {  	s8 =	simm.s32 $0x4D80;
	s7 =	sadd.s32 $0x10, s0  }
0x2b6: {  	[tilespmem:s8], [sflag:$0x2] =	stream.linear.gather [hbm4b:s7+s4], $0x10, $0x38;
	[tilespmem:$0x10780] =	vst v63  }
0x2b7: {  	s10 =	simm.s32 $0x4E00;
	s9 =	sadd.s32 $0x20, s0  }
0x2b8: {  	[tilespmem:s10], [sflag:$0x2] =	stream.linear.gather [hbm4b:s9+s4], $0x10, $0x38;
	[tilespmem:$0x10780] =	vst v63  }
0x2b9: {  	s13 =	simm.s32 $0x4E80;
	s12 =	sadd.s32 $0x30, s0  }
0x2ba: {  	[tilespmem:s13], [sflag:$0x2] =	stream.linear.gather [hbm4b:s12+s4], $0x10, $0x38;
	[tilespmem:$0x10780] =	vst v63  }
0x2bb: {  	s5 =	sadd.s32 $0x40, s0;
	s6 =	simm.s32 $0x4F00  }
0x2bc: {  	[tilespmem:s6], [sflag:$0x2] =	stream.linear.gather [hbm4b:s5+s4], $0x10, $0x38;
	[tilespmem:$0x10780] =	vst v63  }
0x2bd: {  	s7 =	sadd.s32 $0x50, s0;
	s8 =	simm.s32 $0x4F80  }
0x2be: {  	[tilespmem:s8], [sflag:$0x2] =	stream.linear.gather [hbm4b:s7+s4], $0x10, $0x38;
	[tilespmem:$0x10780] =	vst v63  }
0x2bf: {  	s9 =	sadd.s32 $0x60, s0;
	s10 =	simm.s32 $0x5000  }
0x2c0: {  	(v2sf) =	vpush v2, $0x1;
	[tilespmem:s10], [sflag:$0x2] =	stream.linear.gather [hbm4b:s9+s4], $0x10, $0x38;
	[tilespmem:$0x10780] =	vst v63  }
0x2c1: {  	s12 =	sadd.s32 $0x70, s0;
	s13 =	simm.s32 $0x5080  }
0x2c2: {  	[tilespmem:s13], [sflag:$0x2] =	stream.linear.gather [hbm4b:s12+s4], $0x10, $0x38;
	[tilespmem:$0x10780] =	vst v63  }
0x2c3: {  	s0 =	sadd.s32 $0xF4280, s0;
	s6 =	simm.s32 $0x5100  }
0x2c4: {  	[tilespmem:s6], [sflag:$0x2] =	stream.linear.gather [hbm4b:s0+s4], $0x10, $0x38;
	[tilespmem:$0x10780] =	vst v63  }
0x2c5: {  	s7 =	sadd.s32 $0x10, s0;
	s8 =	simm.s32 $0x5180  }
0x2c6: {  	[tilespmem:s8], [sflag:$0x2] =	stream.linear.gather [hbm4b:s7+s4], $0x10, $0x38;
	[tilespmem:$0x10780] =	vst v63  }
0x2c7: {  	s9 =	sadd.s32 $0x20, s0;
	s10 =	simm.s32 $0x5200  }
0x2c8: {  	[tilespmem:s10], [sflag:$0x2] =	stream.linear.gather [hbm4b:s9+s4], $0x10, $0x38;
	[tilespmem:$0x10780] =	vst v63  }
0x2c9: {  	s12 =	sadd.s32 $0x30, s0;
	s13 =	simm.s32 $0x5280  }
0x2ca: {  	[tilespmem:s13], [sflag:$0x2] =	stream.linear.gather [hbm4b:s12+s4], $0x10, $0x38;
	[tilespmem:$0x10780] =	vst v63  }
0x2cb: {  	s5 =	sadd.s32 $0x40, s0;
	s6 =	simm.s32 $0x5300  }
0x2cc: {  	[tilespmem:s6], [sflag:$0x2] =	stream.linear.gather [hbm4b:s5+s4], $0x10, $0x38;
	[tilespmem:$0x10780] =	vst v63  }
0x2cd: {  	s7 =	sadd.s32 $0x50, s0;
	s8 =	simm.s32 $0x5380  }
0x2ce: {  	[tilespmem:s8], [sflag:$0x2] =	stream.linear.gather [hbm4b:s7+s4], $0x10, $0x38;
	[tilespmem:$0x10780] =	vst v63  }
0x2cf: {  	s9 =	sadd.s32 $0x60, s0;
	s10 =	simm.s32 $0x5400;
	s13 =	spop (v2sf)  }
0x2d0: {  	[tilespmem:s10], [sflag:$0x2] =	stream.linear.gather [hbm4b:s9+s4], $0x10, $0x38;
	[tilespmem:$0x10780] =	vst v63  }
0x2d1: {  	s0 =	sadd.s32 $0x70, s0;
	s12 =	simm.s32 $0x5480;
	s5 =	sshll.u32 s13, $0x3  }
0x2d2: {  	[tilespmem:s12], [sflag:$0x2] =	stream.linear.gather [hbm4b:s0+s4], $0x10, $0x38;
	[tilespmem:$0x10780] =	vst v63  }
0x2d3: {  	s3 =	sand.u32 $0xFFFFFC00, s5;
	s0 =	sand.u32 $0x70, s13  }
0x2d4: {  	s0 =	sor.u32 s0, s3  }
0x2d5: {  	s0 =	sshrl.u32 s0, $0x3  }
0x2d6: {  	s6 =	simm.s32 $0xCD00;
	s0 =	sadd.s32 s2, s0  }
0x2d7: {  	[tilespmem:s6], [sflag:$0x2] =	stream.linear.gather [hbm4b:s0+s4], $0x10, $0x38;
	[tilespmem:$0x10780] =	vst v63  }
0x2d8: {  	s8 =	simm.s32 $0xCD80;
	s7 =	sadd.s32 $0x10, s0  }
0x2d9: {  	[tilespmem:s8], [sflag:$0x2] =	stream.linear.gather [hbm4b:s7+s4], $0x10, $0x38;
	[tilespmem:$0x10780] =	vst v63  }
0x2da: {  	s10 =	simm.s32 $0xCE00;
	s9 =	sadd.s32 $0x20, s0  }
0x2db: {  	[tilespmem:s10], [sflag:$0x2] =	stream.linear.gather [hbm4b:s9+s4], $0x10, $0x38;
	[tilespmem:$0x10780] =	vst v63  }
0x2dc: {  	s13 =	simm.s32 $0xCE80;
	s12 =	sadd.s32 $0x30, s0  }
0x2dd: {  	[tilespmem:s13], [sflag:$0x2] =	stream.linear.gather [hbm4b:s12+s4], $0x10, $0x38;
	[tilespmem:$0x10780] =	vst v63  }
0x2de: {  	s5 =	sadd.s32 $0x40, s0;
	s6 =	simm.s32 $0xCF00  }
0x2df: {  	[tilespmem:s6], [sflag:$0x2] =	stream.linear.gather [hbm4b:s5+s4], $0x10, $0x38;
	[tilespmem:$0x10780] =	vst v63  }
0x2e0: {  	s7 =	sadd.s32 $0x50, s0;
	s8 =	simm.s32 $0xCF80  }
0x2e1: {  	[tilespmem:s8], [sflag:$0x2] =	stream.linear.gather [hbm4b:s7+s4], $0x10, $0x38;
	[tilespmem:$0x10780] =	vst v63  }
0x2e2: {  	s9 =	sadd.s32 $0x60, s0;
	s10 =	simm.s32 $0xD000  }
0x2e3: {  	(v2sf) =	vpush v3, $0x2;
	[tilespmem:s10], [sflag:$0x2] =	stream.linear.gather [hbm4b:s9+s4], $0x10, $0x38;
	[tilespmem:$0x10780] =	vst v63  }
0x2e4: {  	s12 =	sadd.s32 $0x70, s0;
	s13 =	simm.s32 $0xD080  }
0x2e5: {  	[tilespmem:s13], [sflag:$0x2] =	stream.linear.gather [hbm4b:s12+s4], $0x10, $0x38;
	[tilespmem:$0x10780] =	vst v63  }
0x2e6: {  	s0 =	sadd.s32 $0xF4280, s0;
	s6 =	simm.s32 $0xD100  }
0x2e7: {  	[tilespmem:s6], [sflag:$0x2] =	stream.linear.gather [hbm4b:s0+s4], $0x10, $0x38;
	[tilespmem:$0x10780] =	vst v63  }
0x2e8: {  	s7 =	sadd.s32 $0x10, s0;
	s8 =	simm.s32 $0xD180  }
0x2e9: {  	[tilespmem:s8], [sflag:$0x2] =	stream.linear.gather [hbm4b:s7+s4], $0x10, $0x38;
	[tilespmem:$0x10780] =	vst v63  }
0x2ea: {  	s9 =	sadd.s32 $0x20, s0;
	s10 =	simm.s32 $0xD200  }
0x2eb: {  	[tilespmem:s10], [sflag:$0x2] =	stream.linear.gather [hbm4b:s9+s4], $0x10, $0x38;
	[tilespmem:$0x10780] =	vst v63  }
0x2ec: {  	s12 =	sadd.s32 $0x30, s0;
	s13 =	simm.s32 $0xD280  }
0x2ed: {  	[tilespmem:s13], [sflag:$0x2] =	stream.linear.gather [hbm4b:s12+s4], $0x10, $0x38;
	[tilespmem:$0x10780] =	vst v63  }
0x2ee: {  	s5 =	sadd.s32 $0x40, s0;
	s6 =	simm.s32 $0xD300  }
0x2ef: {  	[tilespmem:s6], [sflag:$0x2] =	stream.linear.gather [hbm4b:s5+s4], $0x10, $0x38;
	[tilespmem:$0x10780] =	vst v63  }
0x2f0: {  	s7 =	sadd.s32 $0x50, s0;
	s8 =	simm.s32 $0xD380  }
0x2f1: {  	[tilespmem:s8], [sflag:$0x2] =	stream.linear.gather [hbm4b:s7+s4], $0x10, $0x38;
	[tilespmem:$0x10780] =	vst v63  }
0x2f2: {  	s9 =	sadd.s32 $0x60, s0;
	s10 =	simm.s32 $0xD400;
	s13 =	spop (v2sf)  }
0x2f3: {  	[tilespmem:s10], [sflag:$0x2] =	stream.linear.gather [hbm4b:s9+s4], $0x10, $0x38;
	[tilespmem:$0x10780] =	vst v63  }
0x2f4: {  	s0 =	sadd.s32 $0x70, s0;
	s12 =	simm.s32 $0xD480;
	s5 =	sshll.u32 s13, $0x3  }
0x2f5: {  	[tilespmem:s12], [sflag:$0x2] =	stream.linear.gather [hbm4b:s0+s4], $0x10, $0x38;
	[tilespmem:$0x10780] =	vst v63  }
0x2f6: {  	s3 =	sand.u32 $0xFFFFFC00, s5;
	s0 =	sand.u32 $0x70, s13  }
0x2f7: {  	s0 =	sor.u32 s0, s3  }
0x2f8: {  	s0 =	sshrl.u32 s0, $0x3  }
0x2f9: {  	s6 =	simm.s32 $0x5500;
	s0 =	sadd.s32 s1, s0  }
0x2fa: {  	[tilespmem:s6], [sflag:$0x2] =	stream.linear.gather [hbm4b:s0+s4], $0x10, $0x38;
	[tilespmem:$0x10780] =	vst v63  }
0x2fb: {  	s8 =	simm.s32 $0x5580;
	s7 =	sadd.s32 $0x10, s0  }
0x2fc: {  	[tilespmem:s8], [sflag:$0x2] =	stream.linear.gather [hbm4b:s7+s4], $0x10, $0x38;
	[tilespmem:$0x10780] =	vst v63  }
0x2fd: {  	s10 =	simm.s32 $0x5600;
	s9 =	sadd.s32 $0x20, s0  }
0x2fe: {  	[tilespmem:s10], [sflag:$0x2] =	stream.linear.gather [hbm4b:s9+s4], $0x10, $0x38;
	[tilespmem:$0x10780] =	vst v63  }
0x2ff: {  	s13 =	simm.s32 $0x5680;
	s12 =	sadd.s32 $0x30, s0  }
0x300: {  	[tilespmem:s13], [sflag:$0x2] =	stream.linear.gather [hbm4b:s12+s4], $0x10, $0x38;
	[tilespmem:$0x10780] =	vst v63  }
0x301: {  	s5 =	sadd.s32 $0x40, s0;
	s6 =	simm.s32 $0x5700  }
0x302: {  	[tilespmem:s6], [sflag:$0x2] =	stream.linear.gather [hbm4b:s5+s4], $0x10, $0x38;
	[tilespmem:$0x10780] =	vst v63  }
0x303: {  	s7 =	sadd.s32 $0x50, s0;
	s8 =	simm.s32 $0x5780  }
0x304: {  	[tilespmem:s8], [sflag:$0x2] =	stream.linear.gather [hbm4b:s7+s4], $0x10, $0x38;
	[tilespmem:$0x10780] =	vst v63  }
0x305: {  	s9 =	sadd.s32 $0x60, s0;
	s10 =	simm.s32 $0x5800  }
0x306: {  	(v2sf) =	vpush v2, $0x2;
	[tilespmem:s10], [sflag:$0x2] =	stream.linear.gather [hbm4b:s9+s4], $0x10, $0x38;
	[tilespmem:$0x10780] =	vst v63  }
0x307: {  	s12 =	sadd.s32 $0x70, s0;
	s13 =	simm.s32 $0x5880  }
0x308: {  	[tilespmem:s13], [sflag:$0x2] =	stream.linear.gather [hbm4b:s12+s4], $0x10, $0x38;
	[tilespmem:$0x10780] =	vst v63  }
0x309: {  	s0 =	sadd.s32 $0xF4280, s0;
	s6 =	simm.s32 $0x5900  }
0x30a: {  	[tilespmem:s6], [sflag:$0x2] =	stream.linear.gather [hbm4b:s0+s4], $0x10, $0x38;
	[tilespmem:$0x10780] =	vst v63  }
0x30b: {  	s7 =	sadd.s32 $0x10, s0;
	s8 =	simm.s32 $0x5980  }
0x30c: {  	[tilespmem:s8], [sflag:$0x2] =	stream.linear.gather [hbm4b:s7+s4], $0x10, $0x38;
	[tilespmem:$0x10780] =	vst v63  }
0x30d: {  	s9 =	sadd.s32 $0x20, s0;
	s10 =	simm.s32 $0x5A00  }
0x30e: {  	[tilespmem:s10], [sflag:$0x2] =	stream.linear.gather [hbm4b:s9+s4], $0x10, $0x38;
	[tilespmem:$0x10780] =	vst v63  }
0x30f: {  	s12 =	sadd.s32 $0x30, s0;
	s13 =	simm.s32 $0x5A80  }
0x310: {  	[tilespmem:s13], [sflag:$0x2] =	stream.linear.gather [hbm4b:s12+s4], $0x10, $0x38;
	[tilespmem:$0x10780] =	vst v63  }
0x311: {  	s5 =	sadd.s32 $0x40, s0;
	s6 =	simm.s32 $0x5B00  }
0x312: {  	[tilespmem:s6], [sflag:$0x2] =	stream.linear.gather [hbm4b:s5+s4], $0x10, $0x38;
	[tilespmem:$0x10780] =	vst v63  }
0x313: {  	s7 =	sadd.s32 $0x50, s0;
	s8 =	simm.s32 $0x5B80  }
0x314: {  	[tilespmem:s8], [sflag:$0x2] =	stream.linear.gather [hbm4b:s7+s4], $0x10, $0x38;
	[tilespmem:$0x10780] =	vst v63  }
0x315: {  	s9 =	sadd.s32 $0x60, s0;
	s10 =	simm.s32 $0x5C00;
	s13 =	spop (v2sf)  }
0x316: {  	[tilespmem:s10], [sflag:$0x2] =	stream.linear.gather [hbm4b:s9+s4], $0x10, $0x38;
	[tilespmem:$0x10780] =	vst v63  }
0x317: {  	s0 =	sadd.s32 $0x70, s0;
	s12 =	simm.s32 $0x5C80;
	s5 =	sshll.u32 s13, $0x3  }
0x318: {  	[tilespmem:s12], [sflag:$0x2] =	stream.linear.gather [hbm4b:s0+s4], $0x10, $0x38;
	[tilespmem:$0x10780] =	vst v63  }
0x319: {  	s3 =	sand.u32 $0xFFFFFC00, s5;
	s0 =	sand.u32 $0x70, s13  }
0x31a: {  	s0 =	sor.u32 s0, s3  }
0x31b: {  	s0 =	sshrl.u32 s0, $0x3  }
0x31c: {  	s6 =	simm.s32 $0xD500;
	s0 =	sadd.s32 s2, s0  }
0x31d: {  	[tilespmem:s6], [sflag:$0x2] =	stream.linear.gather [hbm4b:s0+s4], $0x10, $0x38;
	[tilespmem:$0x10780] =	vst v63  }
0x31e: {  	s8 =	simm.s32 $0xD580;
	s7 =	sadd.s32 $0x10, s0  }
0x31f: {  	[tilespmem:s8], [sflag:$0x2] =	stream.linear.gather [hbm4b:s7+s4], $0x10, $0x38;
	[tilespmem:$0x10780] =	vst v63  }
0x320: {  	s10 =	simm.s32 $0xD600;
	s9 =	sadd.s32 $0x20, s0  }
0x321: {  	[tilespmem:s10], [sflag:$0x2] =	stream.linear.gather [hbm4b:s9+s4], $0x10, $0x38;
	[tilespmem:$0x10780] =	vst v63  }
0x322: {  	s13 =	simm.s32 $0xD680;
	s12 =	sadd.s32 $0x30, s0  }
0x323: {  	[tilespmem:s13], [sflag:$0x2] =	stream.linear.gather [hbm4b:s12+s4], $0x10, $0x38;
	[tilespmem:$0x10780] =	vst v63  }
0x324: {  	s5 =	sadd.s32 $0x40, s0;
	s6 =	simm.s32 $0xD700  }
0x325: {  	[tilespmem:s6], [sflag:$0x2] =	stream.linear.gather [hbm4b:s5+s4], $0x10, $0x38;
	[tilespmem:$0x10780] =	vst v63  }
0x326: {  	s7 =	sadd.s32 $0x50, s0;
	s8 =	simm.s32 $0xD780  }
0x327: {  	[tilespmem:s8], [sflag:$0x2] =	stream.linear.gather [hbm4b:s7+s4], $0x10, $0x38;
	[tilespmem:$0x10780] =	vst v63  }
0x328: {  	s9 =	sadd.s32 $0x60, s0;
	s10 =	simm.s32 $0xD800  }
0x329: {  	(v2sf) =	vpush v3, $0x3;
	[tilespmem:s10], [sflag:$0x2] =	stream.linear.gather [hbm4b:s9+s4], $0x10, $0x38;
	[tilespmem:$0x10780] =	vst v63  }
0x32a: {  	s12 =	sadd.s32 $0x70, s0;
	s13 =	simm.s32 $0xD880  }
0x32b: {  	[tilespmem:s13], [sflag:$0x2] =	stream.linear.gather [hbm4b:s12+s4], $0x10, $0x38;
	[tilespmem:$0x10780] =	vst v63  }
0x32c: {  	s0 =	sadd.s32 $0xF4280, s0;
	s6 =	simm.s32 $0xD900  }
0x32d: {  	[tilespmem:s6], [sflag:$0x2] =	stream.linear.gather [hbm4b:s0+s4], $0x10, $0x38;
	[tilespmem:$0x10780] =	vst v63  }
0x32e: {  	s7 =	sadd.s32 $0x10, s0;
	s8 =	simm.s32 $0xD980  }
0x32f: {  	[tilespmem:s8], [sflag:$0x2] =	stream.linear.gather [hbm4b:s7+s4], $0x10, $0x38;
	[tilespmem:$0x10780] =	vst v63  }
0x330: {  	s9 =	sadd.s32 $0x20, s0;
	s10 =	simm.s32 $0xDA00  }
0x331: {  	[tilespmem:s10], [sflag:$0x2] =	stream.linear.gather [hbm4b:s9+s4], $0x10, $0x38;
	[tilespmem:$0x10780] =	vst v63  }
0x332: {  	s12 =	sadd.s32 $0x30, s0;
	s13 =	simm.s32 $0xDA80  }
0x333: {  	[tilespmem:s13], [sflag:$0x2] =	stream.linear.gather [hbm4b:s12+s4], $0x10, $0x38;
	[tilespmem:$0x10780] =	vst v63  }
0x334: {  	s5 =	sadd.s32 $0x40, s0;
	s6 =	simm.s32 $0xDB00  }
0x335: {  	[tilespmem:s6], [sflag:$0x2] =	stream.linear.gather [hbm4b:s5+s4], $0x10, $0x38;
	[tilespmem:$0x10780] =	vst v63  }
0x336: {  	s7 =	sadd.s32 $0x50, s0;
	s8 =	simm.s32 $0xDB80  }
0x337: {  	[tilespmem:s8], [sflag:$0x2] =	stream.linear.gather [hbm4b:s7+s4], $0x10, $0x38;
	[tilespmem:$0x10780] =	vst v63  }
0x338: {  	s9 =	sadd.s32 $0x60, s0;
	s10 =	simm.s32 $0xDC00;
	s13 =	spop (v2sf)  }
0x339: {  	[tilespmem:s10], [sflag:$0x2] =	stream.linear.gather [hbm4b:s9+s4], $0x10, $0x38;
	[tilespmem:$0x10780] =	vst v63  }
0x33a: {  	s0 =	sadd.s32 $0x70, s0;
	s12 =	simm.s32 $0xDC80;
	s5 =	sshll.u32 s13, $0x3  }
0x33b: {  	[tilespmem:s12], [sflag:$0x2] =	stream.linear.gather [hbm4b:s0+s4], $0x10, $0x38;
	[tilespmem:$0x10780] =	vst v63  }
0x33c: {  	s3 =	sand.u32 $0xFFFFFC00, s5;
	s0 =	sand.u32 $0x70, s13  }
0x33d: {  	s0 =	sor.u32 s0, s3  }
0x33e: {  	s0 =	sshrl.u32 s0, $0x3  }
0x33f: {  	s6 =	simm.s32 $0x5D00;
	s0 =	sadd.s32 s1, s0  }
0x340: {  	[tilespmem:s6], [sflag:$0x2] =	stream.linear.gather [hbm4b:s0+s4], $0x10, $0x38;
	[tilespmem:$0x10780] =	vst v63  }
0x341: {  	s8 =	simm.s32 $0x5D80;
	s7 =	sadd.s32 $0x10, s0  }
0x342: {  	[tilespmem:s8], [sflag:$0x2] =	stream.linear.gather [hbm4b:s7+s4], $0x10, $0x38;
	[tilespmem:$0x10780] =	vst v63  }
0x343: {  	s10 =	simm.s32 $0x5E00;
	s9 =	sadd.s32 $0x20, s0  }
0x344: {  	[tilespmem:s10], [sflag:$0x2] =	stream.linear.gather [hbm4b:s9+s4], $0x10, $0x38;
	[tilespmem:$0x10780] =	vst v63  }
0x345: {  	s13 =	simm.s32 $0x5E80;
	s12 =	sadd.s32 $0x30, s0  }
0x346: {  	[tilespmem:s13], [sflag:$0x2] =	stream.linear.gather [hbm4b:s12+s4], $0x10, $0x38;
	[tilespmem:$0x10780] =	vst v63  }
0x347: {  	s5 =	sadd.s32 $0x40, s0;
	s6 =	simm.s32 $0x5F00  }
0x348: {  	[tilespmem:s6], [sflag:$0x2] =	stream.linear.gather [hbm4b:s5+s4], $0x10, $0x38;
	[tilespmem:$0x10780] =	vst v63  }
0x349: {  	s7 =	sadd.s32 $0x50, s0;
	s8 =	simm.s32 $0x5F80  }
0x34a: {  	[tilespmem:s8], [sflag:$0x2] =	stream.linear.gather [hbm4b:s7+s4], $0x10, $0x38;
	[tilespmem:$0x10780] =	vst v63  }
0x34b: {  	s9 =	sadd.s32 $0x60, s0;
	s10 =	simm.s32 $0x6000  }
0x34c: {  	(v2sf) =	vpush v2, $0x3;
	[tilespmem:s10], [sflag:$0x2] =	stream.linear.gather [hbm4b:s9+s4], $0x10, $0x38;
	[tilespmem:$0x10780] =	vst v63  }
0x34d: {  	s12 =	sadd.s32 $0x70, s0;
	s13 =	simm.s32 $0x6080  }
0x34e: {  	[tilespmem:s13], [sflag:$0x2] =	stream.linear.gather [hbm4b:s12+s4], $0x10, $0x38;
	[tilespmem:$0x10780] =	vst v63  }
0x34f: {  	s0 =	sadd.s32 $0xF4280, s0;
	s6 =	simm.s32 $0x6100  }
0x350: {  	[tilespmem:s6], [sflag:$0x2] =	stream.linear.gather [hbm4b:s0+s4], $0x10, $0x38;
	[tilespmem:$0x10780] =	vst v63  }
0x351: {  	s7 =	sadd.s32 $0x10, s0;
	s8 =	simm.s32 $0x6180  }
0x352: {  	[tilespmem:s8], [sflag:$0x2] =	stream.linear.gather [hbm4b:s7+s4], $0x10, $0x38;
	[tilespmem:$0x10780] =	vst v63  }
0x353: {  	s9 =	sadd.s32 $0x20, s0;
	s10 =	simm.s32 $0x6200  }
0x354: {  	[tilespmem:s10], [sflag:$0x2] =	stream.linear.gather [hbm4b:s9+s4], $0x10, $0x38;
	[tilespmem:$0x10780] =	vst v63  }
0x355: {  	s12 =	sadd.s32 $0x30, s0;
	s13 =	simm.s32 $0x6280  }
0x356: {  	[tilespmem:s13], [sflag:$0x2] =	stream.linear.gather [hbm4b:s12+s4], $0x10, $0x38;
	[tilespmem:$0x10780] =	vst v63  }
0x357: {  	s5 =	sadd.s32 $0x40, s0;
	s6 =	simm.s32 $0x6300  }
0x358: {  	[tilespmem:s6], [sflag:$0x2] =	stream.linear.gather [hbm4b:s5+s4], $0x10, $0x38;
	[tilespmem:$0x10780] =	vst v63  }
0x359: {  	s7 =	sadd.s32 $0x50, s0;
	s8 =	simm.s32 $0x6380  }
0x35a: {  	[tilespmem:s8], [sflag:$0x2] =	stream.linear.gather [hbm4b:s7+s4], $0x10, $0x38;
	[tilespmem:$0x10780] =	vst v63  }
0x35b: {  	s9 =	sadd.s32 $0x60, s0;
	s10 =	simm.s32 $0x6400;
	s13 =	spop (v2sf)  }
0x35c: {  	[tilespmem:s10], [sflag:$0x2] =	stream.linear.gather [hbm4b:s9+s4], $0x10, $0x38;
	[tilespmem:$0x10780] =	vst v63  }
0x35d: {  	s0 =	sadd.s32 $0x70, s0;
	s12 =	simm.s32 $0x6480;
	s5 =	sshll.u32 s13, $0x3  }
0x35e: {  	[tilespmem:s12], [sflag:$0x2] =	stream.linear.gather [hbm4b:s0+s4], $0x10, $0x38;
	[tilespmem:$0x10780] =	vst v63  }
0x35f: {  	s3 =	sand.u32 $0xFFFFFC00, s5;
	s0 =	sand.u32 $0x70, s13  }
0x360: {  	s0 =	sor.u32 s0, s3  }
0x361: {  	s0 =	sshrl.u32 s0, $0x3  }
0x362: {  	s6 =	simm.s32 $0xDD00;
	s0 =	sadd.s32 s2, s0  }
0x363: {  	[tilespmem:s6], [sflag:$0x2] =	stream.linear.gather [hbm4b:s0+s4], $0x10, $0x38;
	[tilespmem:$0x10780] =	vst v63  }
0x364: {  	s8 =	simm.s32 $0xDD80;
	s7 =	sadd.s32 $0x10, s0  }
0x365: {  	[tilespmem:s8], [sflag:$0x2] =	stream.linear.gather [hbm4b:s7+s4], $0x10, $0x38;
	[tilespmem:$0x10780] =	vst v63  }
0x366: {  	s10 =	simm.s32 $0xDE00;
	s9 =	sadd.s32 $0x20, s0  }
0x367: {  	[tilespmem:s10], [sflag:$0x2] =	stream.linear.gather [hbm4b:s9+s4], $0x10, $0x38;
	[tilespmem:$0x10780] =	vst v63  }
0x368: {  	s13 =	simm.s32 $0xDE80;
	s12 =	sadd.s32 $0x30, s0  }
0x369: {  	[tilespmem:s13], [sflag:$0x2] =	stream.linear.gather [hbm4b:s12+s4], $0x10, $0x38;
	[tilespmem:$0x10780] =	vst v63  }
0x36a: {  	s5 =	sadd.s32 $0x40, s0;
	s6 =	simm.s32 $0xDF00  }
0x36b: {  	[tilespmem:s6], [sflag:$0x2] =	stream.linear.gather [hbm4b:s5+s4], $0x10, $0x38;
	[tilespmem:$0x10780] =	vst v63  }
0x36c: {  	s7 =	sadd.s32 $0x50, s0;
	s8 =	simm.s32 $0xDF80  }
0x36d: {  	[tilespmem:s8], [sflag:$0x2] =	stream.linear.gather [hbm4b:s7+s4], $0x10, $0x38;
	[tilespmem:$0x10780] =	vst v63  }
0x36e: {  	s9 =	sadd.s32 $0x60, s0;
	s10 =	simm.s32 $0xE000  }
0x36f: {  	(v2sf) =	vpush v3, $0x4;
	[tilespmem:s10], [sflag:$0x2] =	stream.linear.gather [hbm4b:s9+s4], $0x10, $0x38;
	[tilespmem:$0x10780] =	vst v63  }
0x370: {  	s12 =	sadd.s32 $0x70, s0;
	s13 =	simm.s32 $0xE080  }
0x371: {  	[tilespmem:s13], [sflag:$0x2] =	stream.linear.gather [hbm4b:s12+s4], $0x10, $0x38;
	[tilespmem:$0x10780] =	vst v63  }
0x372: {  	s0 =	sadd.s32 $0xF4280, s0;
	s6 =	simm.s32 $0xE100  }
0x373: {  	[tilespmem:s6], [sflag:$0x2] =	stream.linear.gather [hbm4b:s0+s4], $0x10, $0x38;
	[tilespmem:$0x10780] =	vst v63  }
0x374: {  	s7 =	sadd.s32 $0x10, s0;
	s8 =	simm.s32 $0xE180  }
0x375: {  	[tilespmem:s8], [sflag:$0x2] =	stream.linear.gather [hbm4b:s7+s4], $0x10, $0x38;
	[tilespmem:$0x10780] =	vst v63  }
0x376: {  	s9 =	sadd.s32 $0x20, s0;
	s10 =	simm.s32 $0xE200  }
0x377: {  	[tilespmem:s10], [sflag:$0x2] =	stream.linear.gather [hbm4b:s9+s4], $0x10, $0x38;
	[tilespmem:$0x10780] =	vst v63  }
0x378: {  	s12 =	sadd.s32 $0x30, s0;
	s13 =	simm.s32 $0xE280  }
0x379: {  	[tilespmem:s13], [sflag:$0x2] =	stream.linear.gather [hbm4b:s12+s4], $0x10, $0x38;
	[tilespmem:$0x10780] =	vst v63  }
0x37a: {  	s5 =	sadd.s32 $0x40, s0;
	s6 =	simm.s32 $0xE300  }
0x37b: {  	[tilespmem:s6], [sflag:$0x2] =	stream.linear.gather [hbm4b:s5+s4], $0x10, $0x38;
	[tilespmem:$0x10780] =	vst v63  }
0x37c: {  	s7 =	sadd.s32 $0x50, s0;
	s8 =	simm.s32 $0xE380  }
0x37d: {  	[tilespmem:s8], [sflag:$0x2] =	stream.linear.gather [hbm4b:s7+s4], $0x10, $0x38;
	[tilespmem:$0x10780] =	vst v63  }
0x37e: {  	s9 =	sadd.s32 $0x60, s0;
	s10 =	simm.s32 $0xE400;
	s13 =	spop (v2sf)  }
0x37f: {  	[tilespmem:s10], [sflag:$0x2] =	stream.linear.gather [hbm4b:s9+s4], $0x10, $0x38;
	[tilespmem:$0x10780] =	vst v63  }
0x380: {  	s0 =	sadd.s32 $0x70, s0;
	s12 =	simm.s32 $0xE480;
	s5 =	sshll.u32 s13, $0x3  }
0x381: {  	[tilespmem:s12], [sflag:$0x2] =	stream.linear.gather [hbm4b:s0+s4], $0x10, $0x38;
	[tilespmem:$0x10780] =	vst v63  }
0x382: {  	s3 =	sand.u32 $0xFFFFFC00, s5;
	s0 =	sand.u32 $0x70, s13  }
0x383: {  	s0 =	sor.u32 s0, s3  }
0x384: {  	s0 =	sshrl.u32 s0, $0x3  }
0x385: {  	s6 =	simm.s32 $0x6500;
	s0 =	sadd.s32 s1, s0  }
0x386: {  	[tilespmem:s6], [sflag:$0x2] =	stream.linear.gather [hbm4b:s0+s4], $0x10, $0x38;
	[tilespmem:$0x10780] =	vst v63  }
0x387: {  	s8 =	simm.s32 $0x6580;
	s7 =	sadd.s32 $0x10, s0  }
0x388: {  	[tilespmem:s8], [sflag:$0x2] =	stream.linear.gather [hbm4b:s7+s4], $0x10, $0x38;
	[tilespmem:$0x10780] =	vst v63  }
0x389: {  	s10 =	simm.s32 $0x6600;
	s9 =	sadd.s32 $0x20, s0  }
0x38a: {  	[tilespmem:s10], [sflag:$0x2] =	stream.linear.gather [hbm4b:s9+s4], $0x10, $0x38;
	[tilespmem:$0x10780] =	vst v63  }
0x38b: {  	s13 =	simm.s32 $0x6680;
	s12 =	sadd.s32 $0x30, s0  }
0x38c: {  	[tilespmem:s13], [sflag:$0x2] =	stream.linear.gather [hbm4b:s12+s4], $0x10, $0x38;
	[tilespmem:$0x10780] =	vst v63  }
0x38d: {  	s5 =	sadd.s32 $0x40, s0;
	s6 =	simm.s32 $0x6700  }
0x38e: {  	[tilespmem:s6], [sflag:$0x2] =	stream.linear.gather [hbm4b:s5+s4], $0x10, $0x38;
	[tilespmem:$0x10780] =	vst v63  }
0x38f: {  	s7 =	sadd.s32 $0x50, s0;
	s8 =	simm.s32 $0x6780  }
0x390: {  	[tilespmem:s8], [sflag:$0x2] =	stream.linear.gather [hbm4b:s7+s4], $0x10, $0x38;
	[tilespmem:$0x10780] =	vst v63  }
0x391: {  	s9 =	sadd.s32 $0x60, s0;
	s10 =	simm.s32 $0x6800  }
0x392: {  	(v2sf) =	vpush v2, $0x4;
	[tilespmem:s10], [sflag:$0x2] =	stream.linear.gather [hbm4b:s9+s4], $0x10, $0x38;
	[tilespmem:$0x10780] =	vst v63  }
0x393: {  	s12 =	sadd.s32 $0x70, s0;
	s13 =	simm.s32 $0x6880  }
0x394: {  	[tilespmem:s13], [sflag:$0x2] =	stream.linear.gather [hbm4b:s12+s4], $0x10, $0x38;
	[tilespmem:$0x10780] =	vst v63  }
0x395: {  	s0 =	sadd.s32 $0xF4280, s0;
	s6 =	simm.s32 $0x6900  }
0x396: {  	[tilespmem:s6], [sflag:$0x2] =	stream.linear.gather [hbm4b:s0+s4], $0x10, $0x38;
	[tilespmem:$0x10780] =	vst v63  }
0x397: {  	s7 =	sadd.s32 $0x10, s0;
	s8 =	simm.s32 $0x6980  }
0x398: {  	[tilespmem:s8], [sflag:$0x2] =	stream.linear.gather [hbm4b:s7+s4], $0x10, $0x38;
	[tilespmem:$0x10780] =	vst v63  }
0x399: {  	s9 =	sadd.s32 $0x20, s0;
	s10 =	simm.s32 $0x6A00  }
0x39a: {  	[tilespmem:s10], [sflag:$0x2] =	stream.linear.gather [hbm4b:s9+s4], $0x10, $0x38;
	[tilespmem:$0x10780] =	vst v63  }
0x39b: {  	s12 =	sadd.s32 $0x30, s0;
	s13 =	simm.s32 $0x6A80  }
0x39c: {  	[tilespmem:s13], [sflag:$0x2] =	stream.linear.gather [hbm4b:s12+s4], $0x10, $0x38;
	[tilespmem:$0x10780] =	vst v63  }
0x39d: {  	s5 =	sadd.s32 $0x40, s0;
	s6 =	simm.s32 $0x6B00  }
0x39e: {  	[tilespmem:s6], [sflag:$0x2] =	stream.linear.gather [hbm4b:s5+s4], $0x10, $0x38;
	[tilespmem:$0x10780] =	vst v63  }
0x39f: {  	s7 =	sadd.s32 $0x50, s0;
	s8 =	simm.s32 $0x6B80  }
0x3a0: {  	[tilespmem:s8], [sflag:$0x2] =	stream.linear.gather [hbm4b:s7+s4], $0x10, $0x38;
	[tilespmem:$0x10780] =	vst v63  }
0x3a1: {  	s9 =	sadd.s32 $0x60, s0;
	s10 =	simm.s32 $0x6C00;
	s13 =	spop (v2sf)  }
0x3a2: {  	[tilespmem:s10], [sflag:$0x2] =	stream.linear.gather [hbm4b:s9+s4], $0x10, $0x38;
	[tilespmem:$0x10780] =	vst v63  }
0x3a3: {  	s0 =	sadd.s32 $0x70, s0;
	s12 =	simm.s32 $0x6C80;
	s5 =	sshll.u32 s13, $0x3  }
0x3a4: {  	[tilespmem:s12], [sflag:$0x2] =	stream.linear.gather [hbm4b:s0+s4], $0x10, $0x38;
	[tilespmem:$0x10780] =	vst v63  }
0x3a5: {  	s3 =	sand.u32 $0xFFFFFC00, s5;
	s0 =	sand.u32 $0x70, s13  }
0x3a6: {  	s0 =	sor.u32 s0, s3  }
0x3a7: {  	s0 =	sshrl.u32 s0, $0x3  }
0x3a8: {  	s6 =	simm.s32 $0xE500;
	s0 =	sadd.s32 s2, s0  }
0x3a9: {  	[tilespmem:s6], [sflag:$0x2] =	stream.linear.gather [hbm4b:s0+s4], $0x10, $0x38;
	[tilespmem:$0x10780] =	vst v63  }
0x3aa: {  	s8 =	simm.s32 $0xE580;
	s7 =	sadd.s32 $0x10, s0  }
0x3ab: {  	[tilespmem:s8], [sflag:$0x2] =	stream.linear.gather [hbm4b:s7+s4], $0x10, $0x38;
	[tilespmem:$0x10780] =	vst v63  }
0x3ac: {  	s10 =	simm.s32 $0xE600;
	s9 =	sadd.s32 $0x20, s0  }
0x3ad: {  	[tilespmem:s10], [sflag:$0x2] =	stream.linear.gather [hbm4b:s9+s4], $0x10, $0x38;
	[tilespmem:$0x10780] =	vst v63  }
0x3ae: {  	s13 =	simm.s32 $0xE680;
	s12 =	sadd.s32 $0x30, s0  }
0x3af: {  	[tilespmem:s13], [sflag:$0x2] =	stream.linear.gather [hbm4b:s12+s4], $0x10, $0x38;
	[tilespmem:$0x10780] =	vst v63  }
0x3b0: {  	s5 =	sadd.s32 $0x40, s0;
	s6 =	simm.s32 $0xE700  }
0x3b1: {  	[tilespmem:s6], [sflag:$0x2] =	stream.linear.gather [hbm4b:s5+s4], $0x10, $0x38;
	[tilespmem:$0x10780] =	vst v63  }
0x3b2: {  	s7 =	sadd.s32 $0x50, s0;
	s8 =	simm.s32 $0xE780  }
0x3b3: {  	[tilespmem:s8], [sflag:$0x2] =	stream.linear.gather [hbm4b:s7+s4], $0x10, $0x38;
	[tilespmem:$0x10780] =	vst v63  }
0x3b4: {  	s9 =	sadd.s32 $0x60, s0;
	s10 =	simm.s32 $0xE800  }
0x3b5: {  	(v2sf) =	vpush v3, $0x5;
	[tilespmem:s10], [sflag:$0x2] =	stream.linear.gather [hbm4b:s9+s4], $0x10, $0x38;
	[tilespmem:$0x10780] =	vst v63  }
0x3b6: {  	s12 =	sadd.s32 $0x70, s0;
	s13 =	simm.s32 $0xE880  }
0x3b7: {  	[tilespmem:s13], [sflag:$0x2] =	stream.linear.gather [hbm4b:s12+s4], $0x10, $0x38;
	[tilespmem:$0x10780] =	vst v63  }
0x3b8: {  	s0 =	sadd.s32 $0xF4280, s0;
	s6 =	simm.s32 $0xE900  }
0x3b9: {  	[tilespmem:s6], [sflag:$0x2] =	stream.linear.gather [hbm4b:s0+s4], $0x10, $0x38;
	[tilespmem:$0x10780] =	vst v63  }
0x3ba: {  	s7 =	sadd.s32 $0x10, s0;
	s8 =	simm.s32 $0xE980  }
0x3bb: {  	[tilespmem:s8], [sflag:$0x2] =	stream.linear.gather [hbm4b:s7+s4], $0x10, $0x38;
	[tilespmem:$0x10780] =	vst v63  }
0x3bc: {  	s9 =	sadd.s32 $0x20, s0;
	s10 =	simm.s32 $0xEA00  }
0x3bd: {  	[tilespmem:s10], [sflag:$0x2] =	stream.linear.gather [hbm4b:s9+s4], $0x10, $0x38;
	[tilespmem:$0x10780] =	vst v63  }
0x3be: {  	s12 =	sadd.s32 $0x30, s0;
	s13 =	simm.s32 $0xEA80  }
0x3bf: {  	[tilespmem:s13], [sflag:$0x2] =	stream.linear.gather [hbm4b:s12+s4], $0x10, $0x38;
	[tilespmem:$0x10780] =	vst v63  }
0x3c0: {  	s5 =	sadd.s32 $0x40, s0;
	s6 =	simm.s32 $0xEB00  }
0x3c1: {  	[tilespmem:s6], [sflag:$0x2] =	stream.linear.gather [hbm4b:s5+s4], $0x10, $0x38;
	[tilespmem:$0x10780] =	vst v63  }
0x3c2: {  	s7 =	sadd.s32 $0x50, s0;
	s8 =	simm.s32 $0xEB80  }
0x3c3: {  	[tilespmem:s8], [sflag:$0x2] =	stream.linear.gather [hbm4b:s7+s4], $0x10, $0x38;
	[tilespmem:$0x10780] =	vst v63  }
0x3c4: {  	s9 =	sadd.s32 $0x60, s0;
	s10 =	simm.s32 $0xEC00;
	s13 =	spop (v2sf)  }
0x3c5: {  	[tilespmem:s10], [sflag:$0x2] =	stream.linear.gather [hbm4b:s9+s4], $0x10, $0x38;
	[tilespmem:$0x10780] =	vst v63  }
0x3c6: {  	s0 =	sadd.s32 $0x70, s0;
	s12 =	simm.s32 $0xEC80;
	s5 =	sshll.u32 s13, $0x3  }
0x3c7: {  	[tilespmem:s12], [sflag:$0x2] =	stream.linear.gather [hbm4b:s0+s4], $0x10, $0x38;
	[tilespmem:$0x10780] =	vst v63  }
0x3c8: {  	s3 =	sand.u32 $0xFFFFFC00, s5;
	s0 =	sand.u32 $0x70, s13  }
0x3c9: {  	s0 =	sor.u32 s0, s3  }
0x3ca: {  	s0 =	sshrl.u32 s0, $0x3  }
0x3cb: {  	s6 =	simm.s32 $0x6D00;
	s0 =	sadd.s32 s1, s0  }
0x3cc: {  	[tilespmem:s6], [sflag:$0x2] =	stream.linear.gather [hbm4b:s0+s4], $0x10, $0x38;
	[tilespmem:$0x10780] =	vst v63  }
0x3cd: {  	s8 =	simm.s32 $0x6D80;
	s7 =	sadd.s32 $0x10, s0  }
0x3ce: {  	[tilespmem:s8], [sflag:$0x2] =	stream.linear.gather [hbm4b:s7+s4], $0x10, $0x38;
	[tilespmem:$0x10780] =	vst v63  }
0x3cf: {  	s10 =	simm.s32 $0x6E00;
	s9 =	sadd.s32 $0x20, s0  }
0x3d0: {  	[tilespmem:s10], [sflag:$0x2] =	stream.linear.gather [hbm4b:s9+s4], $0x10, $0x38;
	[tilespmem:$0x10780] =	vst v63  }
0x3d1: {  	s13 =	simm.s32 $0x6E80;
	s12 =	sadd.s32 $0x30, s0  }
0x3d2: {  	[tilespmem:s13], [sflag:$0x2] =	stream.linear.gather [hbm4b:s12+s4], $0x10, $0x38;
	[tilespmem:$0x10780] =	vst v63  }
0x3d3: {  	s5 =	sadd.s32 $0x40, s0;
	s6 =	simm.s32 $0x6F00  }
0x3d4: {  	[tilespmem:s6], [sflag:$0x2] =	stream.linear.gather [hbm4b:s5+s4], $0x10, $0x38;
	[tilespmem:$0x10780] =	vst v63  }
0x3d5: {  	s7 =	sadd.s32 $0x50, s0;
	s8 =	simm.s32 $0x6F80  }
0x3d6: {  	[tilespmem:s8], [sflag:$0x2] =	stream.linear.gather [hbm4b:s7+s4], $0x10, $0x38;
	[tilespmem:$0x10780] =	vst v63  }
0x3d7: {  	s9 =	sadd.s32 $0x60, s0;
	s10 =	simm.s32 $0x7000  }
0x3d8: {  	(v2sf) =	vpush v2, $0x5;
	[tilespmem:s10], [sflag:$0x2] =	stream.linear.gather [hbm4b:s9+s4], $0x10, $0x38;
	[tilespmem:$0x10780] =	vst v63  }
0x3d9: {  	s12 =	sadd.s32 $0x70, s0;
	s13 =	simm.s32 $0x7080  }
0x3da: {  	[tilespmem:s13], [sflag:$0x2] =	stream.linear.gather [hbm4b:s12+s4], $0x10, $0x38;
	[tilespmem:$0x10780] =	vst v63  }
0x3db: {  	s0 =	sadd.s32 $0xF4280, s0;
	s6 =	simm.s32 $0x7100  }
0x3dc: {  	[tilespmem:s6], [sflag:$0x2] =	stream.linear.gather [hbm4b:s0+s4], $0x10, $0x38;
	[tilespmem:$0x10780] =	vst v63  }
0x3dd: {  	s7 =	sadd.s32 $0x10, s0;
	s8 =	simm.s32 $0x7180  }
0x3de: {  	[tilespmem:s8], [sflag:$0x2] =	stream.linear.gather [hbm4b:s7+s4], $0x10, $0x38;
	[tilespmem:$0x10780] =	vst v63  }
0x3df: {  	s9 =	sadd.s32 $0x20, s0;
	s10 =	simm.s32 $0x7200  }
0x3e0: {  	[tilespmem:s10], [sflag:$0x2] =	stream.linear.gather [hbm4b:s9+s4], $0x10, $0x38;
	[tilespmem:$0x10780] =	vst v63  }
0x3e1: {  	s12 =	sadd.s32 $0x30, s0;
	s13 =	simm.s32 $0x7280  }
0x3e2: {  	[tilespmem:s13], [sflag:$0x2] =	stream.linear.gather [hbm4b:s12+s4], $0x10, $0x38;
	[tilespmem:$0x10780] =	vst v63  }
0x3e3: {  	s5 =	sadd.s32 $0x40, s0;
	s6 =	simm.s32 $0x7300  }
0x3e4: {  	[tilespmem:s6], [sflag:$0x2] =	stream.linear.gather [hbm4b:s5+s4], $0x10, $0x38;
	[tilespmem:$0x10780] =	vst v63  }
0x3e5: {  	s7 =	sadd.s32 $0x50, s0;
	s8 =	simm.s32 $0x7380  }
0x3e6: {  	[tilespmem:s8], [sflag:$0x2] =	stream.linear.gather [hbm4b:s7+s4], $0x10, $0x38;
	[tilespmem:$0x10780] =	vst v63  }
0x3e7: {  	s9 =	sadd.s32 $0x60, s0;
	s10 =	simm.s32 $0x7400;
	s13 =	spop (v2sf)  }
0x3e8: {  	[tilespmem:s10], [sflag:$0x2] =	stream.linear.gather [hbm4b:s9+s4], $0x10, $0x38;
	[tilespmem:$0x10780] =	vst v63  }
0x3e9: {  	s0 =	sadd.s32 $0x70, s0;
	s12 =	simm.s32 $0x7480;
	s5 =	sshll.u32 s13, $0x3  }
0x3ea: {  	[tilespmem:s12], [sflag:$0x2] =	stream.linear.gather [hbm4b:s0+s4], $0x10, $0x38;
	[tilespmem:$0x10780] =	vst v63  }
0x3eb: {  	s3 =	sand.u32 $0xFFFFFC00, s5;
	s0 =	sand.u32 $0x70, s13  }
0x3ec: {  	s0 =	sor.u32 s0, s3  }
0x3ed: {  	s0 =	sshrl.u32 s0, $0x3  }
0x3ee: {  	s6 =	simm.s32 $0xED00;
	s0 =	sadd.s32 s2, s0  }
0x3ef: {  	[tilespmem:s6], [sflag:$0x2] =	stream.linear.gather [hbm4b:s0+s4], $0x10, $0x38;
	[tilespmem:$0x10780] =	vst v63  }
0x3f0: {  	s8 =	simm.s32 $0xED80;
	s7 =	sadd.s32 $0x10, s0  }
0x3f1: {  	[tilespmem:s8], [sflag:$0x2] =	stream.linear.gather [hbm4b:s7+s4], $0x10, $0x38;
	[tilespmem:$0x10780] =	vst v63  }
0x3f2: {  	s10 =	simm.s32 $0xEE00;
	s9 =	sadd.s32 $0x20, s0  }
0x3f3: {  	[tilespmem:s10], [sflag:$0x2] =	stream.linear.gather [hbm4b:s9+s4], $0x10, $0x38;
	[tilespmem:$0x10780] =	vst v63  }
0x3f4: {  	s13 =	simm.s32 $0xEE80;
	s12 =	sadd.s32 $0x30, s0  }
0x3f5: {  	[tilespmem:s13], [sflag:$0x2] =	stream.linear.gather [hbm4b:s12+s4], $0x10, $0x38;
	[tilespmem:$0x10780] =	vst v63  }
0x3f6: {  	s5 =	sadd.s32 $0x40, s0;
	s6 =	simm.s32 $0xEF00  }
0x3f7: {  	[tilespmem:s6], [sflag:$0x2] =	stream.linear.gather [hbm4b:s5+s4], $0x10, $0x38;
	[tilespmem:$0x10780] =	vst v63  }
0x3f8: {  	s7 =	sadd.s32 $0x50, s0;
	s8 =	simm.s32 $0xEF80  }
0x3f9: {  	[tilespmem:s8], [sflag:$0x2] =	stream.linear.gather [hbm4b:s7+s4], $0x10, $0x38;
	[tilespmem:$0x10780] =	vst v63  }
0x3fa: {  	s9 =	sadd.s32 $0x60, s0;
	s10 =	simm.s32 $0xF000  }
0x3fb: {  	(v2sf) =	vpush v3, $0x6;
	[tilespmem:s10], [sflag:$0x2] =	stream.linear.gather [hbm4b:s9+s4], $0x10, $0x38;
	[tilespmem:$0x10780] =	vst v63  }
0x3fc: {  	s12 =	sadd.s32 $0x70, s0;
	s13 =	simm.s32 $0xF080  }
0x3fd: {  	[tilespmem:s13], [sflag:$0x2] =	stream.linear.gather [hbm4b:s12+s4], $0x10, $0x38;
	[tilespmem:$0x10780] =	vst v63  }
0x3fe: {  	s0 =	sadd.s32 $0xF4280, s0;
	s6 =	simm.s32 $0xF100  }
0x3ff: {  	[tilespmem:s6], [sflag:$0x2] =	stream.linear.gather [hbm4b:s0+s4], $0x10, $0x38;
	[tilespmem:$0x10780] =	vst v63  }
0x400: {  	s7 =	sadd.s32 $0x10, s0;
	s8 =	simm.s32 $0xF180  }
0x401: {  	[tilespmem:s8], [sflag:$0x2] =	stream.linear.gather [hbm4b:s7+s4], $0x10, $0x38;
	[tilespmem:$0x10780] =	vst v63  }
0x402: {  	s9 =	sadd.s32 $0x20, s0;
	s10 =	simm.s32 $0xF200  }
0x403: {  	[tilespmem:s10], [sflag:$0x2] =	stream.linear.gather [hbm4b:s9+s4], $0x10, $0x38;
	[tilespmem:$0x10780] =	vst v63  }
0x404: {  	s12 =	sadd.s32 $0x30, s0;
	s13 =	simm.s32 $0xF280  }
0x405: {  	[tilespmem:s13], [sflag:$0x2] =	stream.linear.gather [hbm4b:s12+s4], $0x10, $0x38;
	[tilespmem:$0x10780] =	vst v63  }
0x406: {  	s5 =	sadd.s32 $0x40, s0;
	s6 =	simm.s32 $0xF300  }
0x407: {  	[tilespmem:s6], [sflag:$0x2] =	stream.linear.gather [hbm4b:s5+s4], $0x10, $0x38;
	[tilespmem:$0x10780] =	vst v63  }
0x408: {  	s7 =	sadd.s32 $0x50, s0;
	s8 =	simm.s32 $0xF380  }
0x409: {  	[tilespmem:s8], [sflag:$0x2] =	stream.linear.gather [hbm4b:s7+s4], $0x10, $0x38;
	[tilespmem:$0x10780] =	vst v63  }
0x40a: {  	s9 =	sadd.s32 $0x60, s0;
	s10 =	simm.s32 $0xF400;
	s13 =	spop (v2sf)  }
0x40b: {  	[tilespmem:s10], [sflag:$0x2] =	stream.linear.gather [hbm4b:s9+s4], $0x10, $0x38;
	[tilespmem:$0x10780] =	vst v63  }
0x40c: {  	s0 =	sadd.s32 $0x70, s0;
	s12 =	simm.s32 $0xF480;
	s5 =	sshll.u32 s13, $0x3  }
0x40d: {  	[tilespmem:s12], [sflag:$0x2] =	stream.linear.gather [hbm4b:s0+s4], $0x10, $0x38;
	[tilespmem:$0x10780] =	vst v63  }
0x40e: {  	s3 =	sand.u32 $0xFFFFFC00, s5;
	s0 =	sand.u32 $0x70, s13  }
0x40f: {  	s0 =	sor.u32 s0, s3  }
0x410: {  	s0 =	sshrl.u32 s0, $0x3  }
0x411: {  	s6 =	simm.s32 $0x7500;
	s0 =	sadd.s32 s1, s0  }
0x412: {  	[tilespmem:s6], [sflag:$0x2] =	stream.linear.gather [hbm4b:s0+s4], $0x10, $0x38;
	[tilespmem:$0x10780] =	vst v63  }
0x413: {  	s8 =	simm.s32 $0x7580;
	s7 =	sadd.s32 $0x10, s0  }
0x414: {  	[tilespmem:s8], [sflag:$0x2] =	stream.linear.gather [hbm4b:s7+s4], $0x10, $0x38;
	[tilespmem:$0x10780] =	vst v63  }
0x415: {  	s10 =	simm.s32 $0x7600;
	s9 =	sadd.s32 $0x20, s0  }
0x416: {  	[tilespmem:s10], [sflag:$0x2] =	stream.linear.gather [hbm4b:s9+s4], $0x10, $0x38;
	[tilespmem:$0x10780] =	vst v63  }
0x417: {  	s13 =	simm.s32 $0x7680;
	s12 =	sadd.s32 $0x30, s0  }
0x418: {  	[tilespmem:s13], [sflag:$0x2] =	stream.linear.gather [hbm4b:s12+s4], $0x10, $0x38;
	[tilespmem:$0x10780] =	vst v63  }
0x419: {  	s5 =	sadd.s32 $0x40, s0;
	s6 =	simm.s32 $0x7700  }
0x41a: {  	[tilespmem:s6], [sflag:$0x2] =	stream.linear.gather [hbm4b:s5+s4], $0x10, $0x38;
	[tilespmem:$0x10780] =	vst v63  }
0x41b: {  	s7 =	sadd.s32 $0x50, s0;
	s8 =	simm.s32 $0x7780  }
0x41c: {  	[tilespmem:s8], [sflag:$0x2] =	stream.linear.gather [hbm4b:s7+s4], $0x10, $0x38;
	[tilespmem:$0x10780] =	vst v63  }
0x41d: {  	s9 =	sadd.s32 $0x60, s0;
	s10 =	simm.s32 $0x7800  }
0x41e: {  	(v2sf) =	vpush v2, $0x6;
	[tilespmem:s10], [sflag:$0x2] =	stream.linear.gather [hbm4b:s9+s4], $0x10, $0x38;
	[tilespmem:$0x10780] =	vst v63  }
0x41f: {  	s12 =	sadd.s32 $0x70, s0;
	s13 =	simm.s32 $0x7880  }
0x420: {  	[tilespmem:s13], [sflag:$0x2] =	stream.linear.gather [hbm4b:s12+s4], $0x10, $0x38;
	[tilespmem:$0x10780] =	vst v63  }
0x421: {  	s0 =	sadd.s32 $0xF4280, s0;
	s6 =	simm.s32 $0x7900  }
0x422: {  	[tilespmem:s6], [sflag:$0x2] =	stream.linear.gather [hbm4b:s0+s4], $0x10, $0x38;
	[tilespmem:$0x10780] =	vst v63  }
0x423: {  	s7 =	sadd.s32 $0x10, s0;
	s8 =	simm.s32 $0x7980  }
0x424: {  	[tilespmem:s8], [sflag:$0x2] =	stream.linear.gather [hbm4b:s7+s4], $0x10, $0x38;
	[tilespmem:$0x10780] =	vst v63  }
0x425: {  	s9 =	sadd.s32 $0x20, s0;
	s10 =	simm.s32 $0x7A00  }
0x426: {  	[tilespmem:s10], [sflag:$0x2] =	stream.linear.gather [hbm4b:s9+s4], $0x10, $0x38;
	[tilespmem:$0x10780] =	vst v63  }
0x427: {  	s12 =	sadd.s32 $0x30, s0;
	s13 =	simm.s32 $0x7A80  }
0x428: {  	[tilespmem:s13], [sflag:$0x2] =	stream.linear.gather [hbm4b:s12+s4], $0x10, $0x38;
	[tilespmem:$0x10780] =	vst v63  }
0x429: {  	s5 =	sadd.s32 $0x40, s0;
	s6 =	simm.s32 $0x7B00  }
0x42a: {  	[tilespmem:s6], [sflag:$0x2] =	stream.linear.gather [hbm4b:s5+s4], $0x10, $0x38;
	[tilespmem:$0x10780] =	vst v63  }
0x42b: {  	s7 =	sadd.s32 $0x50, s0;
	s8 =	simm.s32 $0x7B80  }
0x42c: {  	[tilespmem:s8], [sflag:$0x2] =	stream.linear.gather [hbm4b:s7+s4], $0x10, $0x38;
	[tilespmem:$0x10780] =	vst v63  }
0x42d: {  	s9 =	sadd.s32 $0x60, s0;
	s10 =	simm.s32 $0x7C00;
	s13 =	spop (v2sf)  }
0x42e: {  	[tilespmem:s10], [sflag:$0x2] =	stream.linear.gather [hbm4b:s9+s4], $0x10, $0x38;
	[tilespmem:$0x10780] =	vst v63  }
0x42f: {  	s0 =	sadd.s32 $0x70, s0;
	s12 =	simm.s32 $0x7C80;
	s5 =	sshll.u32 s13, $0x3  }
0x430: {  	[tilespmem:s12], [sflag:$0x2] =	stream.linear.gather [hbm4b:s0+s4], $0x10, $0x38;
	[tilespmem:$0x10780] =	vst v63  }
0x431: {  	s3 =	sand.u32 $0xFFFFFC00, s5;
	s0 =	sand.u32 $0x70, s13  }
0x432: {  	s0 =	sor.u32 s0, s3  }
0x433: {  	s0 =	sshrl.u32 s0, $0x3  }
0x434: {  	s6 =	simm.s32 $0xF500;
	s0 =	sadd.s32 s2, s0  }
0x435: {  	[tilespmem:s6], [sflag:$0x2] =	stream.linear.gather [hbm4b:s0+s4], $0x10, $0x38;
	[tilespmem:$0x10780] =	vst v63  }
0x436: {  	s8 =	simm.s32 $0xF580;
	s7 =	sadd.s32 $0x10, s0  }
0x437: {  	[tilespmem:s8], [sflag:$0x2] =	stream.linear.gather [hbm4b:s7+s4], $0x10, $0x38;
	[tilespmem:$0x10780] =	vst v63  }
0x438: {  	s10 =	simm.s32 $0xF600;
	s9 =	sadd.s32 $0x20, s0  }
0x439: {  	[tilespmem:s10], [sflag:$0x2] =	stream.linear.gather [hbm4b:s9+s4], $0x10, $0x38;
	[tilespmem:$0x10780] =	vst v63  }
0x43a: {  	s13 =	simm.s32 $0xF680;
	s12 =	sadd.s32 $0x30, s0  }
0x43b: {  	[tilespmem:s13], [sflag:$0x2] =	stream.linear.gather [hbm4b:s12+s4], $0x10, $0x38;
	[tilespmem:$0x10780] =	vst v63  }
0x43c: {  	s5 =	sadd.s32 $0x40, s0;
	s6 =	simm.s32 $0xF700  }
0x43d: {  	[tilespmem:s6], [sflag:$0x2] =	stream.linear.gather [hbm4b:s5+s4], $0x10, $0x38;
	[tilespmem:$0x10780] =	vst v63  }
0x43e: {  	s7 =	sadd.s32 $0x50, s0;
	s8 =	simm.s32 $0xF780  }
0x43f: {  	[tilespmem:s8], [sflag:$0x2] =	stream.linear.gather [hbm4b:s7+s4], $0x10, $0x38;
	[tilespmem:$0x10780] =	vst v63  }
0x440: {  	s9 =	sadd.s32 $0x60, s0;
	s10 =	simm.s32 $0xF800  }
0x441: {  	(v2sf) =	vpush v3, $0x7;
	[tilespmem:s10], [sflag:$0x2] =	stream.linear.gather [hbm4b:s9+s4], $0x10, $0x38;
	[tilespmem:$0x10780] =	vst v63  }
0x442: {  	s12 =	sadd.s32 $0x70, s0;
	s13 =	simm.s32 $0xF880  }
0x443: {  	[tilespmem:s13], [sflag:$0x2] =	stream.linear.gather [hbm4b:s12+s4], $0x10, $0x38;
	[tilespmem:$0x10780] =	vst v63  }
0x444: {  	s0 =	sadd.s32 $0xF4280, s0;
	s6 =	simm.s32 $0xF900  }
0x445: {  	[tilespmem:s6], [sflag:$0x2] =	stream.linear.gather [hbm4b:s0+s4], $0x10, $0x38;
	[tilespmem:$0x10780] =	vst v63  }
0x446: {  	s7 =	sadd.s32 $0x10, s0;
	s8 =	simm.s32 $0xF980  }
0x447: {  	[tilespmem:s8], [sflag:$0x2] =	stream.linear.gather [hbm4b:s7+s4], $0x10, $0x38;
	[tilespmem:$0x10780] =	vst v63  }
0x448: {  	s9 =	sadd.s32 $0x20, s0;
	s10 =	simm.s32 $0xFA00  }
0x449: {  	[tilespmem:s10], [sflag:$0x2] =	stream.linear.gather [hbm4b:s9+s4], $0x10, $0x38;
	[tilespmem:$0x10780] =	vst v63  }
0x44a: {  	s12 =	sadd.s32 $0x30, s0;
	s13 =	simm.s32 $0xFA80  }
0x44b: {  	[tilespmem:s13], [sflag:$0x2] =	stream.linear.gather [hbm4b:s12+s4], $0x10, $0x38;
	[tilespmem:$0x10780] =	vst v63  }
0x44c: {  	s5 =	sadd.s32 $0x40, s0;
	s6 =	simm.s32 $0xFB00  }
0x44d: {  	[tilespmem:s6], [sflag:$0x2] =	stream.linear.gather [hbm4b:s5+s4], $0x10, $0x38;
	[tilespmem:$0x10780] =	vst v63  }
0x44e: {  	s7 =	sadd.s32 $0x50, s0;
	s8 =	simm.s32 $0xFB80  }
0x44f: {  	[tilespmem:s8], [sflag:$0x2] =	stream.linear.gather [hbm4b:s7+s4], $0x10, $0x38;
	[tilespmem:$0x10780] =	vst v63  }
0x450: {  	s9 =	sadd.s32 $0x60, s0;
	s10 =	simm.s32 $0xFC00;
	s13 =	spop (v2sf)  }
0x451: {  	[tilespmem:s10], [sflag:$0x2] =	stream.linear.gather [hbm4b:s9+s4], $0x10, $0x38;
	[tilespmem:$0x10780] =	vst v63  }
0x452: {  	s0 =	sadd.s32 $0x70, s0;
	s12 =	simm.s32 $0xFC80;
	s5 =	sshll.u32 s13, $0x3  }
0x453: {  	[tilespmem:s12], [sflag:$0x2] =	stream.linear.gather [hbm4b:s0+s4], $0x10, $0x38;
	[tilespmem:$0x10780] =	vst v63  }
0x454: {  	s3 =	sand.u32 $0xFFFFFC00, s5;
	s0 =	sand.u32 $0x70, s13  }
0x455: {  	s0 =	sor.u32 s0, s3  }
0x456: {  	s0 =	sshrl.u32 s0, $0x3  }
0x457: {  	s6 =	simm.s32 $0x7D00;
	s0 =	sadd.s32 s1, s0  }
0x458: {  	[tilespmem:s6], [sflag:$0x2] =	stream.linear.gather [hbm4b:s0+s4], $0x10, $0x38;
	[tilespmem:$0x10780] =	vst v63  }
0x459: {  	s8 =	simm.s32 $0x7D80;
	s7 =	sadd.s32 $0x10, s0  }
0x45a: {  	[tilespmem:s8], [sflag:$0x2] =	stream.linear.gather [hbm4b:s7+s4], $0x10, $0x38;
	[tilespmem:$0x10780] =	vst v63  }
0x45b: {  	s10 =	simm.s32 $0x7E00;
	s9 =	sadd.s32 $0x20, s0  }
0x45c: {  	[tilespmem:s10], [sflag:$0x2] =	stream.linear.gather [hbm4b:s9+s4], $0x10, $0x38;
	[tilespmem:$0x10780] =	vst v63  }
0x45d: {  	s13 =	simm.s32 $0x7E80;
	s12 =	sadd.s32 $0x30, s0  }
0x45e: {  	[tilespmem:s13], [sflag:$0x2] =	stream.linear.gather [hbm4b:s12+s4], $0x10, $0x38;
	[tilespmem:$0x10780] =	vst v63  }
0x45f: {  	s5 =	sadd.s32 $0x40, s0;
	s6 =	simm.s32 $0x7F00  }
0x460: {  	[tilespmem:s6], [sflag:$0x2] =	stream.linear.gather [hbm4b:s5+s4], $0x10, $0x38;
	[tilespmem:$0x10780] =	vst v63  }
0x461: {  	s7 =	sadd.s32 $0x50, s0;
	s8 =	simm.s32 $0x7F80  }
0x462: {  	[tilespmem:s8], [sflag:$0x2] =	stream.linear.gather [hbm4b:s7+s4], $0x10, $0x38;
	[tilespmem:$0x10780] =	vst v63  }
0x463: {  	s9 =	sadd.s32 $0x60, s0;
	s10 =	simm.s32 $0x8000  }
0x464: {  	(v2sf) =	vpush v2, $0x7;
	[tilespmem:s10], [sflag:$0x2] =	stream.linear.gather [hbm4b:s9+s4], $0x10, $0x38;
	[tilespmem:$0x10780] =	vst v63  }
0x465: {  	s12 =	sadd.s32 $0x70, s0;
	s13 =	simm.s32 $0x8080  }
0x466: {  	[tilespmem:s13], [sflag:$0x2] =	stream.linear.gather [hbm4b:s12+s4], $0x10, $0x38;
	[tilespmem:$0x10780] =	vst v63  }
0x467: {  	s0 =	sadd.s32 $0xF4280, s0;
	s6 =	simm.s32 $0x8100  }
0x468: {  	[tilespmem:s6], [sflag:$0x2] =	stream.linear.gather [hbm4b:s0+s4], $0x10, $0x38;
	[tilespmem:$0x10780] =	vst v63  }
0x469: {  	s7 =	sadd.s32 $0x10, s0;
	s8 =	simm.s32 $0x8180  }
0x46a: {  	[tilespmem:s8], [sflag:$0x2] =	stream.linear.gather [hbm4b:s7+s4], $0x10, $0x38;
	[tilespmem:$0x10780] =	vst v63  }
0x46b: {  	s9 =	sadd.s32 $0x20, s0;
	s10 =	simm.s32 $0x8200  }
0x46c: {  	[tilespmem:s10], [sflag:$0x2] =	stream.linear.gather [hbm4b:s9+s4], $0x10, $0x38;
	[tilespmem:$0x10780] =	vst v63  }
0x46d: {  	s12 =	sadd.s32 $0x30, s0;
	s13 =	simm.s32 $0x8280  }
0x46e: {  	[tilespmem:s13], [sflag:$0x2] =	stream.linear.gather [hbm4b:s12+s4], $0x10, $0x38;
	[tilespmem:$0x10780] =	vst v63  }
0x46f: {  	s5 =	sadd.s32 $0x40, s0;
	s6 =	simm.s32 $0x8300  }
0x470: {  	[tilespmem:s6], [sflag:$0x2] =	stream.linear.gather [hbm4b:s5+s4], $0x10, $0x38;
	[tilespmem:$0x10780] =	vst v63  }
0x471: {  	s7 =	sadd.s32 $0x50, s0;
	s8 =	simm.s32 $0x8380  }
0x472: {  	[tilespmem:s8], [sflag:$0x2] =	stream.linear.gather [hbm4b:s7+s4], $0x10, $0x38;
	[tilespmem:$0x10780] =	vst v63  }
0x473: {  	s9 =	sadd.s32 $0x60, s0;
	s10 =	simm.s32 $0x8400;
	s13 =	spop (v2sf)  }
0x474: {  	[tilespmem:s10], [sflag:$0x2] =	stream.linear.gather [hbm4b:s9+s4], $0x10, $0x38;
	[tilespmem:$0x10780] =	vst v63  }
0x475: {  	s0 =	sadd.s32 $0x70, s0;
	s12 =	simm.s32 $0x8480;
	s5 =	sshll.u32 s13, $0x3  }
0x476: {  	[tilespmem:s12], [sflag:$0x2] =	stream.linear.gather [hbm4b:s0+s4], $0x10, $0x38;
	[tilespmem:$0x10780] =	vst v63  }
0x477: {  	s3 =	sand.u32 $0xFFFFFC00, s5;
	s0 =	sand.u32 $0x70, s13  }
0x478: {  	s0 =	sor.u32 s0, s3  }
0x479: {  	s0 =	sshrl.u32 s0, $0x3  }
0x47a: {  	s6 =	simm.s32 $0xFD00;
	s0 =	sadd.s32 s2, s0  }
0x47b: {  	[tilespmem:s6], [sflag:$0x2] =	stream.linear.gather [hbm4b:s0+s4], $0x10, $0x38;
	[tilespmem:$0x10780] =	vst v63  }
0x47c: {  	s8 =	simm.s32 $0xFD80;
	s7 =	sadd.s32 $0x10, s0  }
0x47d: {  	[tilespmem:s8], [sflag:$0x2] =	stream.linear.gather [hbm4b:s7+s4], $0x10, $0x38;
	[tilespmem:$0x10780] =	vst v63  }
0x47e: {  	s9 =	sadd.s32 $0x20, s0  }
0x47f: {  	[tilespmem:s14], [sflag:$0x2] =	stream.linear.gather [hbm4b:s9+s4], $0x10, $0x38;
	[tilespmem:$0x10780] =	vst v63  }
0x480: {  	s10 =	sadd.s32 $0x30, s0  }
0x481: {  	[tilespmem:s15], [sflag:$0x2] =	stream.linear.gather [hbm4b:s10+s4], $0x10, $0x38;
	[tilespmem:$0x10780] =	vst v63  }
0x482: {  	s12 =	sadd.s32 $0x40, s0  }
0x483: {  	[tilespmem:s16], [sflag:$0x2] =	stream.linear.gather [hbm4b:s12+s4], $0x10, $0x38;
	[tilespmem:$0x10780] =	vst v63  }
0x484: {  	s13 =	sadd.s32 $0x50, s0  }
0x485: {  	[tilespmem:s17], [sflag:$0x2] =	stream.linear.gather [hbm4b:s13+s4], $0x10, $0x38;
	[tilespmem:$0x10780] =	vst v63  }
0x486: {  	s5 =	sadd.s32 $0x60, s0  }
0x487: {  	[tilespmem:s18], [sflag:$0x2] =	stream.linear.gather [hbm4b:s5+s4], $0x10, $0x38;
	[tilespmem:$0x10780] =	vst v63  }
0x488: {  	s6 =	sadd.s32 $0x70, s0  }
0x489: {  	[tilespmem:s19], [sflag:$0x2] =	stream.linear.gather [hbm4b:s6+s4], $0x10, $0x38;
	[tilespmem:$0x10780] =	vst v63  }
0x48a: {  	s0 =	sadd.s32 $0xF4280, s0  }
0x48b: {  	[tilespmem:s20], [sflag:$0x2] =	stream.linear.gather [hbm4b:s0+s4], $0x10, $0x38;
	[tilespmem:$0x10780] =	vst v63  }
0x48c: {  	s7 =	sadd.s32 $0x10, s0  }
0x48d: {  	[tilespmem:s21], [sflag:$0x2] =	stream.linear.gather [hbm4b:s7+s4], $0x10, $0x38;
	[tilespmem:$0x10780] =	vst v63  }
0x48e: {  	s8 =	sadd.s32 $0x20, s0  }
0x48f: {  	[tilespmem:s22], [sflag:$0x2] =	stream.linear.gather [hbm4b:s8+s4], $0x10, $0x38;
	[tilespmem:$0x10780] =	vst v63  }
0x490: {  	s9 =	sadd.s32 $0x30, s0  }
0x491: {  	[tilespmem:s23], [sflag:$0x2] =	stream.linear.gather [hbm4b:s9+s4], $0x10, $0x38;
	[tilespmem:$0x10780] =	vst v63  }
0x492: {  	s10 =	sadd.s32 $0x40, s0  }
0x493: {  	[tilespmem:s24], [sflag:$0x2] =	stream.linear.gather [hbm4b:s10+s4], $0x10, $0x38;
	[tilespmem:$0x10780] =	vst v63  }
0x494: {  	s12 =	sadd.s32 $0x50, s0  }
0x495: {  	[tilespmem:s25], [sflag:$0x2] =	stream.linear.gather [hbm4b:s12+s4], $0x10, $0x38;
	[tilespmem:$0x10780] =	vst v63  }
.Ltmp2:
0x496: {  	s13 =	sadd.s32 $0x60, s0;
	(pc) =	sbr.rel .LBB2_2-.Ltmp2, $4  }
0x497: {  	[tilespmem:s26], [sflag:$0x2] =	stream.linear.gather [hbm4b:s13+s4], $0x10, $0x38;
	[tilespmem:$0x10780] =	vst v63  }
0x498: {  	s31 =	simm.s32 $0x290;
	s0 =	sadd.s32 $0x70, s0  }
0x499: {  	[tilespmem:s29], [sflag:$0x2] =	stream.linear.gather [hbm4b:s0+s4], $0x10, $0x38;
	[tilespmem:$0x10780] =	vst v63  }
0x49a: {  	s3 =	simm.s32 $0x10500;
	s10 =	simm.s32 $0x0;
	s0 =	simm.s32 $0x10  }
.LBB2_5:
0x49b: {  	s13 =	simm.s32 $0x4500  }
0x49c: {  	[tilespmem:s13], [sflag:$0x2] =	stream.linear.gather [hbm4b:s6+s4], $0x10, $0x38;
	[tilespmem:$0x10780] =	vst v63  }
0x49d: {  	s13 =	simm.s32 $0x4580  }
0x49e: {  	[tilespmem:s13], [sflag:$0x2] =	stream.linear.gather [hbm4b:s12+s4], $0x10, $0x38;
	[tilespmem:$0x10780] =	vst v63  }
0x49f: {  	s13 =	simm.s32 $0x4600  }
0x4a0: {  	[tilespmem:s13], [sflag:$0x2] =	stream.linear.gather [hbm4b:s8+s4], $0x10, $0x38;
	[tilespmem:$0x10780] =	vst v63  }
0x4a1: {  	s12 =	simm.s32 $0x4680  }
0x4a2: {  	v4 =	vshra.s32 v3, $0x1F;
	v5 =	vand.u32 $0xF, v3;
	[tilespmem:s12], [sflag:$0x2] =	stream.linear.gather [hbm4b:s9+s4], $0x10, $0x38;
	[tilespmem:$0x10780] =	vst v63  }
0x4a3: {  	vm1 =	vlt.s32 v3, $0x1;
	vm0 =	vne.s32 v5, $0x0;
	v4 =	vshrl.u32 v4, $0x1C;
	s13 =	simm.s32 $0x4700  }
0x4a4: {  	v3 =	vadd.s32 v4, v3;
	vm0 =	vmand vm1, vm0;
	[tilespmem:s13], [sflag:$0x2] =	stream.linear.gather [hbm4b:s7+s4], $0x10, $0x38;
	[tilespmem:$0x10780] =	vst v63  }
0x4a5: {  	v3 =	vshrl.u32 v3, $0x4;
	v63 =	vsel vm0, $0xFFFFFFFF, v0;
	s9 =	simm.s32 $0x4780  }
0x4a6: {  	v3 =	vadd.s32 v63, v3;
	[tilespmem:s9], [sflag:$0x2] =	stream.linear.gather [hbm4b:s5+s4], $0x10, $0x38;
	[tilespmem:$0x10780] =	vst v63  }
0x4a7: {  	v3 =	vshll.u32 v3, $0x4;
	s12 =	sadd.s32 $0x60, s6;
	s13 =	simm.s32 $0x4800  }
0x4a8: {  	(v2sf) =	vpush v3, $0x0;
	[tilespmem:s13], [sflag:$0x2] =	stream.linear.gather [hbm4b:s12+s4], $0x10, $0x38;
	[tilespmem:$0x10780] =	vst v63  }
0x4a9: {  	s8 =	simm.s32 $0x4880;
	s7 =	sadd.s32 $0x70, s6  }
0x4aa: {  	[tilespmem:s8], [sflag:$0x2] =	stream.linear.gather [hbm4b:s7+s4], $0x10, $0x38;
	[tilespmem:$0x10780] =	vst v63  }
0x4ab: {  	s5 =	sadd.s32 $0xF4280, s6;
	s9 =	simm.s32 $0x4900  }
0x4ac: {  	[tilespmem:s9], [sflag:$0x2] =	stream.linear.gather [hbm4b:s5+s4], $0x10, $0x38;
	[tilespmem:$0x10780] =	vst v63  }
0x4ad: {  	s12 =	sadd.s32 $0x10, s5;
	s13 =	simm.s32 $0x4980  }
0x4ae: {  	[tilespmem:s13], [sflag:$0x2] =	stream.linear.gather [hbm4b:s12+s4], $0x10, $0x38;
	[tilespmem:$0x10780] =	vst v63  }
0x4af: {  	s8 =	sadd.s32 $0x20, s5;
	s9 =	simm.s32 $0x4A00  }
0x4b0: {  	[tilespmem:s9], [sflag:$0x2] =	stream.linear.gather [hbm4b:s8+s4], $0x10, $0x38;
	[tilespmem:$0x10780] =	vst v63  }
0x4b1: {  	s12 =	sadd.s32 $0x30, s5;
	s13 =	simm.s32 $0x4A80  }
0x4b2: {  	[tilespmem:s13], [sflag:$0x2] =	stream.linear.gather [hbm4b:s12+s4], $0x10, $0x38;
	[tilespmem:$0x10780] =	vst v63  }
0x4b3: {  	s8 =	sadd.s32 $0x40, s5;
	s9 =	simm.s32 $0x4B00  }
0x4b4: {  	[tilespmem:s9], [sflag:$0x2] =	stream.linear.gather [hbm4b:s8+s4], $0x10, $0x38;
	[tilespmem:$0x10780] =	vst v63  }
0x4b5: {  	s12 =	sadd.s32 $0x50, s5;
	s13 =	simm.s32 $0x4B80  }
0x4b6: {  	[tilespmem:s13], [sflag:$0x2] =	stream.linear.gather [hbm4b:s12+s4], $0x10, $0x38;
	[tilespmem:$0x10780] =	vst v63  }
0x4b7: {  	s7 =	sadd.s32 $0x60, s5;
	s8 =	simm.s32 $0x4C00;
	s12 =	spop (v2sf)  }
0x4b8: {  	[tilespmem:s8], [sflag:$0x2] =	stream.linear.gather [hbm4b:s7+s4], $0x10, $0x38;
	[tilespmem:$0x10780] =	vst v63  }
0x4b9: {  	s5 =	sadd.s32 $0x70, s5;
	s9 =	simm.s32 $0x4C80;
	s13 =	sshll.u32 s12, $0x3  }
0x4ba: {  	[tilespmem:s9], [sflag:$0x2] =	stream.linear.gather [hbm4b:s5+s4], $0x10, $0x38;
	[tilespmem:$0x10780] =	vst v63  }
0x4bb: {  	s6 =	sand.u32 $0xFFFFFC00, s13;
	s5 =	sand.u32 $0x70, s12  }
0x4bc: {  	s5 =	sor.u32 s5, s6  }
0x4bd: {  	s5 =	sshrl.u32 s5, $0x3  }
0x4be: {  	s7 =	simm.s32 $0xC500;
	s5 =	sadd.s32 s2, s5  }
0x4bf: {  	[tilespmem:s7], [sflag:$0x2] =	stream.linear.gather [hbm4b:s5+s4], $0x10, $0x38;
	[tilespmem:$0x10780] =	vst v63  }
0x4c0: {  	s9 =	simm.s32 $0xC580;
	s8 =	sadd.s32 $0x10, s5  }
0x4c1: {  	[tilespmem:s9], [sflag:$0x2] =	stream.linear.gather [hbm4b:s8+s4], $0x10, $0x38;
	[tilespmem:$0x10780] =	vst v63  }
0x4c2: {  	s13 =	simm.s32 $0xC600;
	s12 =	sadd.s32 $0x20, s5  }
0x4c3: {  	[tilespmem:s13], [sflag:$0x2] =	stream.linear.gather [hbm4b:s12+s4], $0x10, $0x38;
	[tilespmem:$0x10780] =	vst v63  }
0x4c4: {  	s8 =	sadd.s32 $0x30, s5;
	s9 =	simm.s32 $0xC680  }
0x4c5: {  	[tilespmem:s9], [sflag:$0x2] =	stream.linear.gather [hbm4b:s8+s4], $0x10, $0x38;
	[tilespmem:$0x10780] =	vst v63  }
0x4c6: {  	s12 =	sadd.s32 $0x40, s5;
	s13 =	simm.s32 $0xC700  }
0x4c7: {  	[tilespmem:s13], [sflag:$0x2] =	stream.linear.gather [hbm4b:s12+s4], $0x10, $0x38;
	[tilespmem:$0x10780] =	vst v63  }
0x4c8: {  	s8 =	sadd.s32 $0x50, s5;
	s9 =	simm.s32 $0xC780  }
0x4c9: {  	[tilespmem:s9], [sflag:$0x2] =	stream.linear.gather [hbm4b:s8+s4], $0x10, $0x38;
	[tilespmem:$0x10780] =	vst v63  }
0x4ca: {  	s12 =	sadd.s32 $0x60, s5;
	s13 =	simm.s32 $0xC800  }
0x4cb: {  	(v2sf) =	vpush v2, $0x1;
	[tilespmem:s13], [sflag:$0x2] =	stream.linear.gather [hbm4b:s12+s4], $0x10, $0x38;
	[tilespmem:$0x10780] =	vst v63  }
0x4cc: {  	s7 =	sadd.s32 $0x70, s5;
	s8 =	simm.s32 $0xC880  }
0x4cd: {  	[tilespmem:s8], [sflag:$0x2] =	stream.linear.gather [hbm4b:s7+s4], $0x10, $0x38;
	[tilespmem:$0x10780] =	vst v63  }
0x4ce: {  	s5 =	sadd.s32 $0xF4280, s5;
	s9 =	simm.s32 $0xC900  }
0x4cf: {  	[tilespmem:s9], [sflag:$0x2] =	stream.linear.gather [hbm4b:s5+s4], $0x10, $0x38;
	[tilespmem:$0x10780] =	vst v63  }
0x4d0: {  	s12 =	sadd.s32 $0x10, s5;
	s13 =	simm.s32 $0xC980  }
0x4d1: {  	[tilespmem:s13], [sflag:$0x2] =	stream.linear.gather [hbm4b:s12+s4], $0x10, $0x38;
	[tilespmem:$0x10780] =	vst v63  }
0x4d2: {  	s8 =	sadd.s32 $0x20, s5;
	s9 =	simm.s32 $0xCA00  }
0x4d3: {  	[tilespmem:s9], [sflag:$0x2] =	stream.linear.gather [hbm4b:s8+s4], $0x10, $0x38;
	[tilespmem:$0x10780] =	vst v63  }
0x4d4: {  	s12 =	sadd.s32 $0x30, s5;
	s13 =	simm.s32 $0xCA80  }
0x4d5: {  	[tilespmem:s13], [sflag:$0x2] =	stream.linear.gather [hbm4b:s12+s4], $0x10, $0x38;
	[tilespmem:$0x10780] =	vst v63  }
0x4d6: {  	s8 =	sadd.s32 $0x40, s5;
	s9 =	simm.s32 $0xCB00  }
0x4d7: {  	[tilespmem:s9], [sflag:$0x2] =	stream.linear.gather [hbm4b:s8+s4], $0x10, $0x38;
	[tilespmem:$0x10780] =	vst v63  }
0x4d8: {  	s12 =	sadd.s32 $0x50, s5;
	s13 =	simm.s32 $0xCB80  }
0x4d9: {  	[tilespmem:s13], [sflag:$0x2] =	stream.linear.gather [hbm4b:s12+s4], $0x10, $0x38;
	[tilespmem:$0x10780] =	vst v63  }
0x4da: {  	s7 =	sadd.s32 $0x60, s5;
	s8 =	simm.s32 $0xCC00;
	s12 =	spop (v2sf)  }
0x4db: {  	[tilespmem:s8], [sflag:$0x2] =	stream.linear.gather [hbm4b:s7+s4], $0x10, $0x38;
	[tilespmem:$0x10780] =	vst v63  }
0x4dc: {  	s5 =	sadd.s32 $0x70, s5;
	s9 =	simm.s32 $0xCC80;
	s13 =	sshll.u32 s12, $0x3  }
0x4dd: {  	[tilespmem:s9], [sflag:$0x2] =	stream.linear.gather [hbm4b:s5+s4], $0x10, $0x38;
	[tilespmem:$0x10780] =	vst v63  }
0x4de: {  	s6 =	sand.u32 $0xFFFFFC00, s13;
	s5 =	sand.u32 $0x70, s12  }
0x4df: {  	s5 =	sor.u32 s5, s6  }
0x4e0: {  	s5 =	sshrl.u32 s5, $0x3  }
0x4e1: {  	s7 =	simm.s32 $0x4D00;
	s5 =	sadd.s32 s1, s5  }
0x4e2: {  	[tilespmem:s7], [sflag:$0x2] =	stream.linear.gather [hbm4b:s5+s4], $0x10, $0x38;
	[tilespmem:$0x10780] =	vst v63  }
0x4e3: {  	s9 =	simm.s32 $0x4D80;
	s8 =	sadd.s32 $0x10, s5  }
0x4e4: {  	[tilespmem:s9], [sflag:$0x2] =	stream.linear.gather [hbm4b:s8+s4], $0x10, $0x38;
	[tilespmem:$0x10780] =	vst v63  }
0x4e5: {  	s13 =	simm.s32 $0x4E00;
	s12 =	sadd.s32 $0x20, s5  }
0x4e6: {  	[tilespmem:s13], [sflag:$0x2] =	stream.linear.gather [hbm4b:s12+s4], $0x10, $0x38;
	[tilespmem:$0x10780] =	vst v63  }
0x4e7: {  	s8 =	sadd.s32 $0x30, s5;
	s9 =	simm.s32 $0x4E80  }
0x4e8: {  	[tilespmem:s9], [sflag:$0x2] =	stream.linear.gather [hbm4b:s8+s4], $0x10, $0x38;
	[tilespmem:$0x10780] =	vst v63  }
0x4e9: {  	s12 =	sadd.s32 $0x40, s5;
	s13 =	simm.s32 $0x4F00  }
0x4ea: {  	[tilespmem:s13], [sflag:$0x2] =	stream.linear.gather [hbm4b:s12+s4], $0x10, $0x38;
	[tilespmem:$0x10780] =	vst v63  }
0x4eb: {  	s8 =	sadd.s32 $0x50, s5;
	s9 =	simm.s32 $0x4F80  }
0x4ec: {  	[tilespmem:s9], [sflag:$0x2] =	stream.linear.gather [hbm4b:s8+s4], $0x10, $0x38;
	[tilespmem:$0x10780] =	vst v63  }
0x4ed: {  	s12 =	sadd.s32 $0x60, s5;
	s13 =	simm.s32 $0x5000  }
0x4ee: {  	(v2sf) =	vpush v3, $0x1;
	[tilespmem:s13], [sflag:$0x2] =	stream.linear.gather [hbm4b:s12+s4], $0x10, $0x38;
	[tilespmem:$0x10780] =	vst v63  }
0x4ef: {  	s7 =	sadd.s32 $0x70, s5;
	s8 =	simm.s32 $0x5080  }
0x4f0: {  	[tilespmem:s8], [sflag:$0x2] =	stream.linear.gather [hbm4b:s7+s4], $0x10, $0x38;
	[tilespmem:$0x10780] =	vst v63  }
0x4f1: {  	s5 =	sadd.s32 $0xF4280, s5;
	s9 =	simm.s32 $0x5100  }
0x4f2: {  	[tilespmem:s9], [sflag:$0x2] =	stream.linear.gather [hbm4b:s5+s4], $0x10, $0x38;
	[tilespmem:$0x10780] =	vst v63  }
0x4f3: {  	s12 =	sadd.s32 $0x10, s5;
	s13 =	simm.s32 $0x5180  }
0x4f4: {  	[tilespmem:s13], [sflag:$0x2] =	stream.linear.gather [hbm4b:s12+s4], $0x10, $0x38;
	[tilespmem:$0x10780] =	vst v63  }
0x4f5: {  	s8 =	sadd.s32 $0x20, s5;
	s9 =	simm.s32 $0x5200  }
0x4f6: {  	[tilespmem:s9], [sflag:$0x2] =	stream.linear.gather [hbm4b:s8+s4], $0x10, $0x38;
	[tilespmem:$0x10780] =	vst v63  }
0x4f7: {  	s12 =	sadd.s32 $0x30, s5;
	s13 =	simm.s32 $0x5280  }
0x4f8: {  	[tilespmem:s13], [sflag:$0x2] =	stream.linear.gather [hbm4b:s12+s4], $0x10, $0x38;
	[tilespmem:$0x10780] =	vst v63  }
0x4f9: {  	s8 =	sadd.s32 $0x40, s5;
	s9 =	simm.s32 $0x5300  }
0x4fa: {  	[tilespmem:s9], [sflag:$0x2] =	stream.linear.gather [hbm4b:s8+s4], $0x10, $0x38;
	[tilespmem:$0x10780] =	vst v63  }
0x4fb: {  	s12 =	sadd.s32 $0x50, s5;
	s13 =	simm.s32 $0x5380  }
0x4fc: {  	[tilespmem:s13], [sflag:$0x2] =	stream.linear.gather [hbm4b:s12+s4], $0x10, $0x38;
	[tilespmem:$0x10780] =	vst v63  }
0x4fd: {  	s7 =	sadd.s32 $0x60, s5;
	s8 =	simm.s32 $0x5400;
	s12 =	spop (v2sf)  }
0x4fe: {  	[tilespmem:s8], [sflag:$0x2] =	stream.linear.gather [hbm4b:s7+s4], $0x10, $0x38;
	[tilespmem:$0x10780] =	vst v63  }
0x4ff: {  	s5 =	sadd.s32 $0x70, s5;
	s9 =	simm.s32 $0x5480;
	s13 =	sshll.u32 s12, $0x3  }
0x500: {  	[tilespmem:s9], [sflag:$0x2] =	stream.linear.gather [hbm4b:s5+s4], $0x10, $0x38;
	[tilespmem:$0x10780] =	vst v63  }
0x501: {  	s6 =	sand.u32 $0xFFFFFC00, s13;
	s5 =	sand.u32 $0x70, s12  }
0x502: {  	s5 =	sor.u32 s5, s6  }
0x503: {  	s5 =	sshrl.u32 s5, $0x3  }
0x504: {  	s7 =	simm.s32 $0xCD00;
	s5 =	sadd.s32 s2, s5  }
0x505: {  	[tilespmem:s7], [sflag:$0x2] =	stream.linear.gather [hbm4b:s5+s4], $0x10, $0x38;
	[tilespmem:$0x10780] =	vst v63  }
0x506: {  	s9 =	simm.s32 $0xCD80;
	s8 =	sadd.s32 $0x10, s5  }
0x507: {  	[tilespmem:s9], [sflag:$0x2] =	stream.linear.gather [hbm4b:s8+s4], $0x10, $0x38;
	[tilespmem:$0x10780] =	vst v63  }
0x508: {  	s13 =	simm.s32 $0xCE00;
	s12 =	sadd.s32 $0x20, s5  }
0x509: {  	[tilespmem:s13], [sflag:$0x2] =	stream.linear.gather [hbm4b:s12+s4], $0x10, $0x38;
	[tilespmem:$0x10780] =	vst v63  }
0x50a: {  	s8 =	sadd.s32 $0x30, s5;
	s9 =	simm.s32 $0xCE80  }
0x50b: {  	[tilespmem:s9], [sflag:$0x2] =	stream.linear.gather [hbm4b:s8+s4], $0x10, $0x38;
	[tilespmem:$0x10780] =	vst v63  }
0x50c: {  	s12 =	sadd.s32 $0x40, s5;
	s13 =	simm.s32 $0xCF00  }
0x50d: {  	[tilespmem:s13], [sflag:$0x2] =	stream.linear.gather [hbm4b:s12+s4], $0x10, $0x38;
	[tilespmem:$0x10780] =	vst v63  }
0x50e: {  	s8 =	sadd.s32 $0x50, s5;
	s9 =	simm.s32 $0xCF80  }
0x50f: {  	[tilespmem:s9], [sflag:$0x2] =	stream.linear.gather [hbm4b:s8+s4], $0x10, $0x38;
	[tilespmem:$0x10780] =	vst v63  }
0x510: {  	s12 =	sadd.s32 $0x60, s5;
	s13 =	simm.s32 $0xD000  }
0x511: {  	(v2sf) =	vpush v2, $0x2;
	[tilespmem:s13], [sflag:$0x2] =	stream.linear.gather [hbm4b:s12+s4], $0x10, $0x38;
	[tilespmem:$0x10780] =	vst v63  }
0x512: {  	s7 =	sadd.s32 $0x70, s5;
	s8 =	simm.s32 $0xD080  }
0x513: {  	[tilespmem:s8], [sflag:$0x2] =	stream.linear.gather [hbm4b:s7+s4], $0x10, $0x38;
	[tilespmem:$0x10780] =	vst v63  }
0x514: {  	s5 =	sadd.s32 $0xF4280, s5;
	s9 =	simm.s32 $0xD100  }
0x515: {  	[tilespmem:s9], [sflag:$0x2] =	stream.linear.gather [hbm4b:s5+s4], $0x10, $0x38;
	[tilespmem:$0x10780] =	vst v63  }
0x516: {  	s12 =	sadd.s32 $0x10, s5;
	s13 =	simm.s32 $0xD180  }
0x517: {  	[tilespmem:s13], [sflag:$0x2] =	stream.linear.gather [hbm4b:s12+s4], $0x10, $0x38;
	[tilespmem:$0x10780] =	vst v63  }
0x518: {  	s8 =	sadd.s32 $0x20, s5;
	s9 =	simm.s32 $0xD200  }
0x519: {  	[tilespmem:s9], [sflag:$0x2] =	stream.linear.gather [hbm4b:s8+s4], $0x10, $0x38;
	[tilespmem:$0x10780] =	vst v63  }
0x51a: {  	s12 =	sadd.s32 $0x30, s5;
	s13 =	simm.s32 $0xD280  }
0x51b: {  	[tilespmem:s13], [sflag:$0x2] =	stream.linear.gather [hbm4b:s12+s4], $0x10, $0x38;
	[tilespmem:$0x10780] =	vst v63  }
0x51c: {  	s8 =	sadd.s32 $0x40, s5;
	s9 =	simm.s32 $0xD300  }
0x51d: {  	[tilespmem:s9], [sflag:$0x2] =	stream.linear.gather [hbm4b:s8+s4], $0x10, $0x38;
	[tilespmem:$0x10780] =	vst v63  }
0x51e: {  	s12 =	sadd.s32 $0x50, s5;
	s13 =	simm.s32 $0xD380  }
0x51f: {  	[tilespmem:s13], [sflag:$0x2] =	stream.linear.gather [hbm4b:s12+s4], $0x10, $0x38;
	[tilespmem:$0x10780] =	vst v63  }
0x520: {  	s7 =	sadd.s32 $0x60, s5;
	s8 =	simm.s32 $0xD400;
	s12 =	spop (v2sf)  }
0x521: {  	[tilespmem:s8], [sflag:$0x2] =	stream.linear.gather [hbm4b:s7+s4], $0x10, $0x38;
	[tilespmem:$0x10780] =	vst v63  }
0x522: {  	s5 =	sadd.s32 $0x70, s5;
	s9 =	simm.s32 $0xD480;
	s13 =	sshll.u32 s12, $0x3  }
0x523: {  	[tilespmem:s9], [sflag:$0x2] =	stream.linear.gather [hbm4b:s5+s4], $0x10, $0x38;
	[tilespmem:$0x10780] =	vst v63  }
0x524: {  	s6 =	sand.u32 $0xFFFFFC00, s13;
	s5 =	sand.u32 $0x70, s12  }
0x525: {  	s5 =	sor.u32 s5, s6  }
0x526: {  	s5 =	sshrl.u32 s5, $0x3  }
0x527: {  	s7 =	simm.s32 $0x5500;
	s5 =	sadd.s32 s1, s5  }
0x528: {  	[tilespmem:s7], [sflag:$0x2] =	stream.linear.gather [hbm4b:s5+s4], $0x10, $0x38;
	[tilespmem:$0x10780] =	vst v63  }
0x529: {  	s9 =	simm.s32 $0x5580;
	s8 =	sadd.s32 $0x10, s5  }
0x52a: {  	[tilespmem:s9], [sflag:$0x2] =	stream.linear.gather [hbm4b:s8+s4], $0x10, $0x38;
	[tilespmem:$0x10780] =	vst v63  }
0x52b: {  	s13 =	simm.s32 $0x5600;
	s12 =	sadd.s32 $0x20, s5  }
0x52c: {  	[tilespmem:s13], [sflag:$0x2] =	stream.linear.gather [hbm4b:s12+s4], $0x10, $0x38;
	[tilespmem:$0x10780] =	vst v63  }
0x52d: {  	s8 =	sadd.s32 $0x30, s5;
	s9 =	simm.s32 $0x5680  }
0x52e: {  	[tilespmem:s9], [sflag:$0x2] =	stream.linear.gather [hbm4b:s8+s4], $0x10, $0x38;
	[tilespmem:$0x10780] =	vst v63  }
0x52f: {  	s12 =	sadd.s32 $0x40, s5;
	s13 =	simm.s32 $0x5700  }
0x530: {  	[tilespmem:s13], [sflag:$0x2] =	stream.linear.gather [hbm4b:s12+s4], $0x10, $0x38;
	[tilespmem:$0x10780] =	vst v63  }
0x531: {  	s8 =	sadd.s32 $0x50, s5;
	s9 =	simm.s32 $0x5780  }
0x532: {  	[tilespmem:s9], [sflag:$0x2] =	stream.linear.gather [hbm4b:s8+s4], $0x10, $0x38;
	[tilespmem:$0x10780] =	vst v63  }
0x533: {  	s12 =	sadd.s32 $0x60, s5;
	s13 =	simm.s32 $0x5800  }
0x534: {  	(v2sf) =	vpush v3, $0x2;
	[tilespmem:s13], [sflag:$0x2] =	stream.linear.gather [hbm4b:s12+s4], $0x10, $0x38;
	[tilespmem:$0x10780] =	vst v63  }
0x535: {  	s7 =	sadd.s32 $0x70, s5;
	s8 =	simm.s32 $0x5880  }
0x536: {  	[tilespmem:s8], [sflag:$0x2] =	stream.linear.gather [hbm4b:s7+s4], $0x10, $0x38;
	[tilespmem:$0x10780] =	vst v63  }
0x537: {  	s5 =	sadd.s32 $0xF4280, s5;
	s9 =	simm.s32 $0x5900  }
0x538: {  	[tilespmem:s9], [sflag:$0x2] =	stream.linear.gather [hbm4b:s5+s4], $0x10, $0x38;
	[tilespmem:$0x10780] =	vst v63  }
0x539: {  	s12 =	sadd.s32 $0x10, s5;
	s13 =	simm.s32 $0x5980  }
0x53a: {  	[tilespmem:s13], [sflag:$0x2] =	stream.linear.gather [hbm4b:s12+s4], $0x10, $0x38;
	[tilespmem:$0x10780] =	vst v63  }
0x53b: {  	s8 =	sadd.s32 $0x20, s5;
	s9 =	simm.s32 $0x5A00  }
0x53c: {  	[tilespmem:s9], [sflag:$0x2] =	stream.linear.gather [hbm4b:s8+s4], $0x10, $0x38;
	[tilespmem:$0x10780] =	vst v63  }
0x53d: {  	s12 =	sadd.s32 $0x30, s5;
	s13 =	simm.s32 $0x5A80  }
0x53e: {  	[tilespmem:s13], [sflag:$0x2] =	stream.linear.gather [hbm4b:s12+s4], $0x10, $0x38;
	[tilespmem:$0x10780] =	vst v63  }
0x53f: {  	s8 =	sadd.s32 $0x40, s5;
	s9 =	simm.s32 $0x5B00  }
0x540: {  	[tilespmem:s9], [sflag:$0x2] =	stream.linear.gather [hbm4b:s8+s4], $0x10, $0x38;
	[tilespmem:$0x10780] =	vst v63  }
0x541: {  	s12 =	sadd.s32 $0x50, s5;
	s13 =	simm.s32 $0x5B80  }
0x542: {  	[tilespmem:s13], [sflag:$0x2] =	stream.linear.gather [hbm4b:s12+s4], $0x10, $0x38;
	[tilespmem:$0x10780] =	vst v63  }
0x543: {  	s7 =	sadd.s32 $0x60, s5;
	s8 =	simm.s32 $0x5C00;
	s12 =	spop (v2sf)  }
0x544: {  	[tilespmem:s8], [sflag:$0x2] =	stream.linear.gather [hbm4b:s7+s4], $0x10, $0x38;
	[tilespmem:$0x10780] =	vst v63  }
0x545: {  	s5 =	sadd.s32 $0x70, s5;
	s9 =	simm.s32 $0x5C80;
	s13 =	sshll.u32 s12, $0x3  }
0x546: {  	[tilespmem:s9], [sflag:$0x2] =	stream.linear.gather [hbm4b:s5+s4], $0x10, $0x38;
	[tilespmem:$0x10780] =	vst v63  }
0x547: {  	s6 =	sand.u32 $0xFFFFFC00, s13;
	s5 =	sand.u32 $0x70, s12  }
0x548: {  	s5 =	sor.u32 s5, s6  }
0x549: {  	s5 =	sshrl.u32 s5, $0x3  }
0x54a: {  	s7 =	simm.s32 $0xD500;
	s5 =	sadd.s32 s2, s5  }
0x54b: {  	[tilespmem:s7], [sflag:$0x2] =	stream.linear.gather [hbm4b:s5+s4], $0x10, $0x38;
	[tilespmem:$0x10780] =	vst v63  }
0x54c: {  	s9 =	simm.s32 $0xD580;
	s8 =	sadd.s32 $0x10, s5  }
0x54d: {  	[tilespmem:s9], [sflag:$0x2] =	stream.linear.gather [hbm4b:s8+s4], $0x10, $0x38;
	[tilespmem:$0x10780] =	vst v63  }
0x54e: {  	s13 =	simm.s32 $0xD600;
	s12 =	sadd.s32 $0x20, s5  }
0x54f: {  	[tilespmem:s13], [sflag:$0x2] =	stream.linear.gather [hbm4b:s12+s4], $0x10, $0x38;
	[tilespmem:$0x10780] =	vst v63  }
0x550: {  	s8 =	sadd.s32 $0x30, s5;
	s9 =	simm.s32 $0xD680  }
0x551: {  	[tilespmem:s9], [sflag:$0x2] =	stream.linear.gather [hbm4b:s8+s4], $0x10, $0x38;
	[tilespmem:$0x10780] =	vst v63  }
0x552: {  	s12 =	sadd.s32 $0x40, s5;
	s13 =	simm.s32 $0xD700  }
0x553: {  	[tilespmem:s13], [sflag:$0x2] =	stream.linear.gather [hbm4b:s12+s4], $0x10, $0x38;
	[tilespmem:$0x10780] =	vst v63  }
0x554: {  	s8 =	sadd.s32 $0x50, s5;
	s9 =	simm.s32 $0xD780  }
0x555: {  	[tilespmem:s9], [sflag:$0x2] =	stream.linear.gather [hbm4b:s8+s4], $0x10, $0x38;
	[tilespmem:$0x10780] =	vst v63  }
0x556: {  	s12 =	sadd.s32 $0x60, s5;
	s13 =	simm.s32 $0xD800  }
0x557: {  	(v2sf) =	vpush v2, $0x3;
	[tilespmem:s13], [sflag:$0x2] =	stream.linear.gather [hbm4b:s12+s4], $0x10, $0x38;
	[tilespmem:$0x10780] =	vst v63  }
0x558: {  	s7 =	sadd.s32 $0x70, s5;
	s8 =	simm.s32 $0xD880  }
0x559: {  	[tilespmem:s8], [sflag:$0x2] =	stream.linear.gather [hbm4b:s7+s4], $0x10, $0x38;
	[tilespmem:$0x10780] =	vst v63  }
0x55a: {  	s5 =	sadd.s32 $0xF4280, s5;
	s9 =	simm.s32 $0xD900  }
0x55b: {  	[tilespmem:s9], [sflag:$0x2] =	stream.linear.gather [hbm4b:s5+s4], $0x10, $0x38;
	[tilespmem:$0x10780] =	vst v63  }
0x55c: {  	s12 =	sadd.s32 $0x10, s5;
	s13 =	simm.s32 $0xD980  }
0x55d: {  	[tilespmem:s13], [sflag:$0x2] =	stream.linear.gather [hbm4b:s12+s4], $0x10, $0x38;
	[tilespmem:$0x10780] =	vst v63  }
0x55e: {  	s8 =	sadd.s32 $0x20, s5;
	s9 =	simm.s32 $0xDA00  }
0x55f: {  	[tilespmem:s9], [sflag:$0x2] =	stream.linear.gather [hbm4b:s8+s4], $0x10, $0x38;
	[tilespmem:$0x10780] =	vst v63  }
0x560: {  	s12 =	sadd.s32 $0x30, s5;
	s13 =	simm.s32 $0xDA80  }
0x561: {  	[tilespmem:s13], [sflag:$0x2] =	stream.linear.gather [hbm4b:s12+s4], $0x10, $0x38;
	[tilespmem:$0x10780] =	vst v63  }
0x562: {  	s8 =	sadd.s32 $0x40, s5;
	s9 =	simm.s32 $0xDB00  }
0x563: {  	[tilespmem:s9], [sflag:$0x2] =	stream.linear.gather [hbm4b:s8+s4], $0x10, $0x38;
	[tilespmem:$0x10780] =	vst v63  }
0x564: {  	s12 =	sadd.s32 $0x50, s5;
	s13 =	simm.s32 $0xDB80  }
0x565: {  	[tilespmem:s13], [sflag:$0x2] =	stream.linear.gather [hbm4b:s12+s4], $0x10, $0x38;
	[tilespmem:$0x10780] =	vst v63  }
0x566: {  	s7 =	sadd.s32 $0x60, s5;
	s8 =	simm.s32 $0xDC00;
	s12 =	spop (v2sf)  }
0x567: {  	[tilespmem:s8], [sflag:$0x2] =	stream.linear.gather [hbm4b:s7+s4], $0x10, $0x38;
	[tilespmem:$0x10780] =	vst v63  }
0x568: {  	s5 =	sadd.s32 $0x70, s5;
	s9 =	simm.s32 $0xDC80;
	s13 =	sshll.u32 s12, $0x3  }
0x569: {  	[tilespmem:s9], [sflag:$0x2] =	stream.linear.gather [hbm4b:s5+s4], $0x10, $0x38;
	[tilespmem:$0x10780] =	vst v63  }
0x56a: {  	s6 =	sand.u32 $0xFFFFFC00, s13;
	s5 =	sand.u32 $0x70, s12  }
0x56b: {  	s5 =	sor.u32 s5, s6  }
0x56c: {  	s5 =	sshrl.u32 s5, $0x3  }
0x56d: {  	s7 =	simm.s32 $0x5D00;
	s5 =	sadd.s32 s1, s5  }
0x56e: {  	[tilespmem:s7], [sflag:$0x2] =	stream.linear.gather [hbm4b:s5+s4], $0x10, $0x38;
	[tilespmem:$0x10780] =	vst v63  }
0x56f: {  	s9 =	simm.s32 $0x5D80;
	s8 =	sadd.s32 $0x10, s5  }
0x570: {  	[tilespmem:s9], [sflag:$0x2] =	stream.linear.gather [hbm4b:s8+s4], $0x10, $0x38;
	[tilespmem:$0x10780] =	vst v63  }
0x571: {  	s13 =	simm.s32 $0x5E00;
	s12 =	sadd.s32 $0x20, s5  }
0x572: {  	[tilespmem:s13], [sflag:$0x2] =	stream.linear.gather [hbm4b:s12+s4], $0x10, $0x38;
	[tilespmem:$0x10780] =	vst v63  }
0x573: {  	s8 =	sadd.s32 $0x30, s5;
	s9 =	simm.s32 $0x5E80  }
0x574: {  	[tilespmem:s9], [sflag:$0x2] =	stream.linear.gather [hbm4b:s8+s4], $0x10, $0x38;
	[tilespmem:$0x10780] =	vst v63  }
0x575: {  	s12 =	sadd.s32 $0x40, s5;
	s13 =	simm.s32 $0x5F00  }
0x576: {  	[tilespmem:s13], [sflag:$0x2] =	stream.linear.gather [hbm4b:s12+s4], $0x10, $0x38;
	[tilespmem:$0x10780] =	vst v63  }
0x577: {  	s8 =	sadd.s32 $0x50, s5;
	s9 =	simm.s32 $0x5F80  }
0x578: {  	[tilespmem:s9], [sflag:$0x2] =	stream.linear.gather [hbm4b:s8+s4], $0x10, $0x38;
	[tilespmem:$0x10780] =	vst v63  }
0x579: {  	s12 =	sadd.s32 $0x60, s5;
	s13 =	simm.s32 $0x6000  }
0x57a: {  	(v2sf) =	vpush v3, $0x3;
	[tilespmem:s13], [sflag:$0x2] =	stream.linear.gather [hbm4b:s12+s4], $0x10, $0x38;
	[tilespmem:$0x10780] =	vst v63  }
0x57b: {  	s7 =	sadd.s32 $0x70, s5;
	s8 =	simm.s32 $0x6080  }
0x57c: {  	[tilespmem:s8], [sflag:$0x2] =	stream.linear.gather [hbm4b:s7+s4], $0x10, $0x38;
	[tilespmem:$0x10780] =	vst v63  }
0x57d: {  	s5 =	sadd.s32 $0xF4280, s5;
	s9 =	simm.s32 $0x6100  }
0x57e: {  	[tilespmem:s9], [sflag:$0x2] =	stream.linear.gather [hbm4b:s5+s4], $0x10, $0x38;
	[tilespmem:$0x10780] =	vst v63  }
0x57f: {  	s12 =	sadd.s32 $0x10, s5;
	s13 =	simm.s32 $0x6180  }
0x580: {  	[tilespmem:s13], [sflag:$0x2] =	stream.linear.gather [hbm4b:s12+s4], $0x10, $0x38;
	[tilespmem:$0x10780] =	vst v63  }
0x581: {  	s8 =	sadd.s32 $0x20, s5;
	s9 =	simm.s32 $0x6200  }
0x582: {  	[tilespmem:s9], [sflag:$0x2] =	stream.linear.gather [hbm4b:s8+s4], $0x10, $0x38;
	[tilespmem:$0x10780] =	vst v63  }
0x583: {  	s12 =	sadd.s32 $0x30, s5;
	s13 =	simm.s32 $0x6280  }
0x584: {  	[tilespmem:s13], [sflag:$0x2] =	stream.linear.gather [hbm4b:s12+s4], $0x10, $0x38;
	[tilespmem:$0x10780] =	vst v63  }
0x585: {  	s8 =	sadd.s32 $0x40, s5;
	s9 =	simm.s32 $0x6300  }
0x586: {  	[tilespmem:s9], [sflag:$0x2] =	stream.linear.gather [hbm4b:s8+s4], $0x10, $0x38;
	[tilespmem:$0x10780] =	vst v63  }
0x587: {  	s12 =	sadd.s32 $0x50, s5;
	s13 =	simm.s32 $0x6380  }
0x588: {  	[tilespmem:s13], [sflag:$0x2] =	stream.linear.gather [hbm4b:s12+s4], $0x10, $0x38;
	[tilespmem:$0x10780] =	vst v63  }
0x589: {  	s7 =	sadd.s32 $0x60, s5;
	s8 =	simm.s32 $0x6400;
	s12 =	spop (v2sf)  }
0x58a: {  	[tilespmem:s8], [sflag:$0x2] =	stream.linear.gather [hbm4b:s7+s4], $0x10, $0x38;
	[tilespmem:$0x10780] =	vst v63  }
0x58b: {  	s5 =	sadd.s32 $0x70, s5;
	s9 =	simm.s32 $0x6480;
	s13 =	sshll.u32 s12, $0x3  }
0x58c: {  	[tilespmem:s9], [sflag:$0x2] =	stream.linear.gather [hbm4b:s5+s4], $0x10, $0x38;
	[tilespmem:$0x10780] =	vst v63  }
0x58d: {  	s6 =	sand.u32 $0xFFFFFC00, s13;
	s5 =	sand.u32 $0x70, s12  }
0x58e: {  	s5 =	sor.u32 s5, s6  }
0x58f: {  	s5 =	sshrl.u32 s5, $0x3  }
0x590: {  	s7 =	simm.s32 $0xDD00;
	s5 =	sadd.s32 s2, s5  }
0x591: {  	[tilespmem:s7], [sflag:$0x2] =	stream.linear.gather [hbm4b:s5+s4], $0x10, $0x38;
	[tilespmem:$0x10780] =	vst v63  }
0x592: {  	s9 =	simm.s32 $0xDD80;
	s8 =	sadd.s32 $0x10, s5  }
0x593: {  	[tilespmem:s9], [sflag:$0x2] =	stream.linear.gather [hbm4b:s8+s4], $0x10, $0x38;
	[tilespmem:$0x10780] =	vst v63  }
0x594: {  	s13 =	simm.s32 $0xDE00;
	s12 =	sadd.s32 $0x20, s5  }
0x595: {  	[tilespmem:s13], [sflag:$0x2] =	stream.linear.gather [hbm4b:s12+s4], $0x10, $0x38;
	[tilespmem:$0x10780] =	vst v63  }
0x596: {  	s8 =	sadd.s32 $0x30, s5;
	s9 =	simm.s32 $0xDE80  }
0x597: {  	[tilespmem:s9], [sflag:$0x2] =	stream.linear.gather [hbm4b:s8+s4], $0x10, $0x38;
	[tilespmem:$0x10780] =	vst v63  }
0x598: {  	s12 =	sadd.s32 $0x40, s5;
	s13 =	simm.s32 $0xDF00  }
0x599: {  	[tilespmem:s13], [sflag:$0x2] =	stream.linear.gather [hbm4b:s12+s4], $0x10, $0x38;
	[tilespmem:$0x10780] =	vst v63  }
0x59a: {  	s8 =	sadd.s32 $0x50, s5;
	s9 =	simm.s32 $0xDF80  }
0x59b: {  	[tilespmem:s9], [sflag:$0x2] =	stream.linear.gather [hbm4b:s8+s4], $0x10, $0x38;
	[tilespmem:$0x10780] =	vst v63  }
0x59c: {  	s12 =	sadd.s32 $0x60, s5;
	s13 =	simm.s32 $0xE000  }
0x59d: {  	(v2sf) =	vpush v2, $0x4;
	[tilespmem:s13], [sflag:$0x2] =	stream.linear.gather [hbm4b:s12+s4], $0x10, $0x38;
	[tilespmem:$0x10780] =	vst v63  }
0x59e: {  	s7 =	sadd.s32 $0x70, s5;
	s8 =	simm.s32 $0xE080  }
0x59f: {  	[tilespmem:s8], [sflag:$0x2] =	stream.linear.gather [hbm4b:s7+s4], $0x10, $0x38;
	[tilespmem:$0x10780] =	vst v63  }
0x5a0: {  	s5 =	sadd.s32 $0xF4280, s5;
	s9 =	simm.s32 $0xE100  }
0x5a1: {  	[tilespmem:s9], [sflag:$0x2] =	stream.linear.gather [hbm4b:s5+s4], $0x10, $0x38;
	[tilespmem:$0x10780] =	vst v63  }
0x5a2: {  	s12 =	sadd.s32 $0x10, s5;
	s13 =	simm.s32 $0xE180  }
0x5a3: {  	[tilespmem:s13], [sflag:$0x2] =	stream.linear.gather [hbm4b:s12+s4], $0x10, $0x38;
	[tilespmem:$0x10780] =	vst v63  }
0x5a4: {  	s8 =	sadd.s32 $0x20, s5;
	s9 =	simm.s32 $0xE200  }
0x5a5: {  	[tilespmem:s9], [sflag:$0x2] =	stream.linear.gather [hbm4b:s8+s4], $0x10, $0x38;
	[tilespmem:$0x10780] =	vst v63  }
0x5a6: {  	s12 =	sadd.s32 $0x30, s5;
	s13 =	simm.s32 $0xE280  }
0x5a7: {  	[tilespmem:s13], [sflag:$0x2] =	stream.linear.gather [hbm4b:s12+s4], $0x10, $0x38;
	[tilespmem:$0x10780] =	vst v63  }
0x5a8: {  	s8 =	sadd.s32 $0x40, s5;
	s9 =	simm.s32 $0xE300  }
0x5a9: {  	[tilespmem:s9], [sflag:$0x2] =	stream.linear.gather [hbm4b:s8+s4], $0x10, $0x38;
	[tilespmem:$0x10780] =	vst v63  }
0x5aa: {  	s12 =	sadd.s32 $0x50, s5;
	s13 =	simm.s32 $0xE380  }
0x5ab: {  	[tilespmem:s13], [sflag:$0x2] =	stream.linear.gather [hbm4b:s12+s4], $0x10, $0x38;
	[tilespmem:$0x10780] =	vst v63  }
0x5ac: {  	s7 =	sadd.s32 $0x60, s5;
	s8 =	simm.s32 $0xE400;
	s12 =	spop (v2sf)  }
0x5ad: {  	[tilespmem:s8], [sflag:$0x2] =	stream.linear.gather [hbm4b:s7+s4], $0x10, $0x38;
	[tilespmem:$0x10780] =	vst v63  }
0x5ae: {  	s5 =	sadd.s32 $0x70, s5;
	s9 =	simm.s32 $0xE480;
	s13 =	sshll.u32 s12, $0x3  }
0x5af: {  	[tilespmem:s9], [sflag:$0x2] =	stream.linear.gather [hbm4b:s5+s4], $0x10, $0x38;
	[tilespmem:$0x10780] =	vst v63  }
0x5b0: {  	s6 =	sand.u32 $0xFFFFFC00, s13;
	s5 =	sand.u32 $0x70, s12  }
0x5b1: {  	s5 =	sor.u32 s5, s6  }
0x5b2: {  	s5 =	sshrl.u32 s5, $0x3  }
0x5b3: {  	s7 =	simm.s32 $0x6500;
	s5 =	sadd.s32 s1, s5  }
0x5b4: {  	[tilespmem:s7], [sflag:$0x2] =	stream.linear.gather [hbm4b:s5+s4], $0x10, $0x38;
	[tilespmem:$0x10780] =	vst v63  }
0x5b5: {  	s9 =	simm.s32 $0x6580;
	s8 =	sadd.s32 $0x10, s5  }
0x5b6: {  	[tilespmem:s9], [sflag:$0x2] =	stream.linear.gather [hbm4b:s8+s4], $0x10, $0x38;
	[tilespmem:$0x10780] =	vst v63  }
0x5b7: {  	s13 =	simm.s32 $0x6600;
	s12 =	sadd.s32 $0x20, s5  }
0x5b8: {  	[tilespmem:s13], [sflag:$0x2] =	stream.linear.gather [hbm4b:s12+s4], $0x10, $0x38;
	[tilespmem:$0x10780] =	vst v63  }
0x5b9: {  	s8 =	sadd.s32 $0x30, s5;
	s9 =	simm.s32 $0x6680  }
0x5ba: {  	[tilespmem:s9], [sflag:$0x2] =	stream.linear.gather [hbm4b:s8+s4], $0x10, $0x38;
	[tilespmem:$0x10780] =	vst v63  }
0x5bb: {  	s12 =	sadd.s32 $0x40, s5;
	s13 =	simm.s32 $0x6700  }
0x5bc: {  	[tilespmem:s13], [sflag:$0x2] =	stream.linear.gather [hbm4b:s12+s4], $0x10, $0x38;
	[tilespmem:$0x10780] =	vst v63  }
0x5bd: {  	s8 =	sadd.s32 $0x50, s5;
	s9 =	simm.s32 $0x6780  }
0x5be: {  	[tilespmem:s9], [sflag:$0x2] =	stream.linear.gather [hbm4b:s8+s4], $0x10, $0x38;
	[tilespmem:$0x10780] =	vst v63  }
0x5bf: {  	s12 =	sadd.s32 $0x60, s5;
	s13 =	simm.s32 $0x6800  }
0x5c0: {  	(v2sf) =	vpush v3, $0x4;
	[tilespmem:s13], [sflag:$0x2] =	stream.linear.gather [hbm4b:s12+s4], $0x10, $0x38;
	[tilespmem:$0x10780] =	vst v63  }
0x5c1: {  	s7 =	sadd.s32 $0x70, s5;
	s8 =	simm.s32 $0x6880  }
0x5c2: {  	[tilespmem:s8], [sflag:$0x2] =	stream.linear.gather [hbm4b:s7+s4], $0x10, $0x38;
	[tilespmem:$0x10780] =	vst v63  }
0x5c3: {  	s5 =	sadd.s32 $0xF4280, s5;
	s9 =	simm.s32 $0x6900  }
0x5c4: {  	[tilespmem:s9], [sflag:$0x2] =	stream.linear.gather [hbm4b:s5+s4], $0x10, $0x38;
	[tilespmem:$0x10780] =	vst v63  }
0x5c5: {  	s12 =	sadd.s32 $0x10, s5;
	s13 =	simm.s32 $0x6980  }
0x5c6: {  	[tilespmem:s13], [sflag:$0x2] =	stream.linear.gather [hbm4b:s12+s4], $0x10, $0x38;
	[tilespmem:$0x10780] =	vst v63  }
0x5c7: {  	s8 =	sadd.s32 $0x20, s5;
	s9 =	simm.s32 $0x6A00  }
0x5c8: {  	[tilespmem:s9], [sflag:$0x2] =	stream.linear.gather [hbm4b:s8+s4], $0x10, $0x38;
	[tilespmem:$0x10780] =	vst v63  }
0x5c9: {  	s12 =	sadd.s32 $0x30, s5;
	s13 =	simm.s32 $0x6A80  }
0x5ca: {  	[tilespmem:s13], [sflag:$0x2] =	stream.linear.gather [hbm4b:s12+s4], $0x10, $0x38;
	[tilespmem:$0x10780] =	vst v63  }
0x5cb: {  	s8 =	sadd.s32 $0x40, s5;
	s9 =	simm.s32 $0x6B00  }
0x5cc: {  	[tilespmem:s9], [sflag:$0x2] =	stream.linear.gather [hbm4b:s8+s4], $0x10, $0x38;
	[tilespmem:$0x10780] =	vst v63  }
0x5cd: {  	s12 =	sadd.s32 $0x50, s5;
	s13 =	simm.s32 $0x6B80  }
0x5ce: {  	[tilespmem:s13], [sflag:$0x2] =	stream.linear.gather [hbm4b:s12+s4], $0x10, $0x38;
	[tilespmem:$0x10780] =	vst v63  }
0x5cf: {  	s7 =	sadd.s32 $0x60, s5;
	s8 =	simm.s32 $0x6C00;
	s12 =	spop (v2sf)  }
0x5d0: {  	[tilespmem:s8], [sflag:$0x2] =	stream.linear.gather [hbm4b:s7+s4], $0x10, $0x38;
	[tilespmem:$0x10780] =	vst v63  }
0x5d1: {  	s5 =	sadd.s32 $0x70, s5;
	s9 =	simm.s32 $0x6C80;
	s13 =	sshll.u32 s12, $0x3  }
0x5d2: {  	[tilespmem:s9], [sflag:$0x2] =	stream.linear.gather [hbm4b:s5+s4], $0x10, $0x38;
	[tilespmem:$0x10780] =	vst v63  }
0x5d3: {  	s6 =	sand.u32 $0xFFFFFC00, s13;
	s5 =	sand.u32 $0x70, s12  }
0x5d4: {  	s5 =	sor.u32 s5, s6  }
0x5d5: {  	s5 =	sshrl.u32 s5, $0x3  }
0x5d6: {  	s7 =	simm.s32 $0xE500;
	s5 =	sadd.s32 s2, s5  }
0x5d7: {  	[tilespmem:s7], [sflag:$0x2] =	stream.linear.gather [hbm4b:s5+s4], $0x10, $0x38;
	[tilespmem:$0x10780] =	vst v63  }
0x5d8: {  	s9 =	simm.s32 $0xE580;
	s8 =	sadd.s32 $0x10, s5  }
0x5d9: {  	[tilespmem:s9], [sflag:$0x2] =	stream.linear.gather [hbm4b:s8+s4], $0x10, $0x38;
	[tilespmem:$0x10780] =	vst v63  }
0x5da: {  	s13 =	simm.s32 $0xE600;
	s12 =	sadd.s32 $0x20, s5  }
0x5db: {  	[tilespmem:s13], [sflag:$0x2] =	stream.linear.gather [hbm4b:s12+s4], $0x10, $0x38;
	[tilespmem:$0x10780] =	vst v63  }
0x5dc: {  	s8 =	sadd.s32 $0x30, s5;
	s9 =	simm.s32 $0xE680  }
0x5dd: {  	[tilespmem:s9], [sflag:$0x2] =	stream.linear.gather [hbm4b:s8+s4], $0x10, $0x38;
	[tilespmem:$0x10780] =	vst v63  }
0x5de: {  	s12 =	sadd.s32 $0x40, s5;
	s13 =	simm.s32 $0xE700  }
0x5df: {  	[tilespmem:s13], [sflag:$0x2] =	stream.linear.gather [hbm4b:s12+s4], $0x10, $0x38;
	[tilespmem:$0x10780] =	vst v63  }
0x5e0: {  	s8 =	sadd.s32 $0x50, s5;
	s9 =	simm.s32 $0xE780  }
0x5e1: {  	[tilespmem:s9], [sflag:$0x2] =	stream.linear.gather [hbm4b:s8+s4], $0x10, $0x38;
	[tilespmem:$0x10780] =	vst v63  }
0x5e2: {  	s12 =	sadd.s32 $0x60, s5;
	s13 =	simm.s32 $0xE800  }
0x5e3: {  	(v2sf) =	vpush v2, $0x5;
	[tilespmem:s13], [sflag:$0x2] =	stream.linear.gather [hbm4b:s12+s4], $0x10, $0x38;
	[tilespmem:$0x10780] =	vst v63  }
0x5e4: {  	s7 =	sadd.s32 $0x70, s5;
	s8 =	simm.s32 $0xE880  }
0x5e5: {  	[tilespmem:s8], [sflag:$0x2] =	stream.linear.gather [hbm4b:s7+s4], $0x10, $0x38;
	[tilespmem:$0x10780] =	vst v63  }
0x5e6: {  	s5 =	sadd.s32 $0xF4280, s5;
	s9 =	simm.s32 $0xE900  }
0x5e7: {  	[tilespmem:s9], [sflag:$0x2] =	stream.linear.gather [hbm4b:s5+s4], $0x10, $0x38;
	[tilespmem:$0x10780] =	vst v63  }
0x5e8: {  	s12 =	sadd.s32 $0x10, s5;
	s13 =	simm.s32 $0xE980  }
0x5e9: {  	[tilespmem:s13], [sflag:$0x2] =	stream.linear.gather [hbm4b:s12+s4], $0x10, $0x38;
	[tilespmem:$0x10780] =	vst v63  }
0x5ea: {  	s8 =	sadd.s32 $0x20, s5;
	s9 =	simm.s32 $0xEA00  }
0x5eb: {  	[tilespmem:s9], [sflag:$0x2] =	stream.linear.gather [hbm4b:s8+s4], $0x10, $0x38;
	[tilespmem:$0x10780] =	vst v63  }
0x5ec: {  	s12 =	sadd.s32 $0x30, s5;
	s13 =	simm.s32 $0xEA80  }
0x5ed: {  	[tilespmem:s13], [sflag:$0x2] =	stream.linear.gather [hbm4b:s12+s4], $0x10, $0x38;
	[tilespmem:$0x10780] =	vst v63  }
0x5ee: {  	s8 =	sadd.s32 $0x40, s5;
	s9 =	simm.s32 $0xEB00  }
0x5ef: {  	[tilespmem:s9], [sflag:$0x2] =	stream.linear.gather [hbm4b:s8+s4], $0x10, $0x38;
	[tilespmem:$0x10780] =	vst v63  }
0x5f0: {  	s12 =	sadd.s32 $0x50, s5;
	s13 =	simm.s32 $0xEB80  }
0x5f1: {  	[tilespmem:s13], [sflag:$0x2] =	stream.linear.gather [hbm4b:s12+s4], $0x10, $0x38;
	[tilespmem:$0x10780] =	vst v63  }
0x5f2: {  	s7 =	sadd.s32 $0x60, s5;
	s8 =	simm.s32 $0xEC00;
	s12 =	spop (v2sf)  }
0x5f3: {  	[tilespmem:s8], [sflag:$0x2] =	stream.linear.gather [hbm4b:s7+s4], $0x10, $0x38;
	[tilespmem:$0x10780] =	vst v63  }
0x5f4: {  	s5 =	sadd.s32 $0x70, s5;
	s9 =	simm.s32 $0xEC80;
	s13 =	sshll.u32 s12, $0x3  }
0x5f5: {  	[tilespmem:s9], [sflag:$0x2] =	stream.linear.gather [hbm4b:s5+s4], $0x10, $0x38;
	[tilespmem:$0x10780] =	vst v63  }
0x5f6: {  	s6 =	sand.u32 $0xFFFFFC00, s13;
	s5 =	sand.u32 $0x70, s12  }
0x5f7: {  	s5 =	sor.u32 s5, s6  }
0x5f8: {  	s5 =	sshrl.u32 s5, $0x3  }
0x5f9: {  	s7 =	simm.s32 $0x6D00;
	s5 =	sadd.s32 s1, s5  }
0x5fa: {  	[tilespmem:s7], [sflag:$0x2] =	stream.linear.gather [hbm4b:s5+s4], $0x10, $0x38;
	[tilespmem:$0x10780] =	vst v63  }
0x5fb: {  	s9 =	simm.s32 $0x6D80;
	s8 =	sadd.s32 $0x10, s5  }
0x5fc: {  	[tilespmem:s9], [sflag:$0x2] =	stream.linear.gather [hbm4b:s8+s4], $0x10, $0x38;
	[tilespmem:$0x10780] =	vst v63  }
0x5fd: {  	s13 =	simm.s32 $0x6E00;
	s12 =	sadd.s32 $0x20, s5  }
0x5fe: {  	[tilespmem:s13], [sflag:$0x2] =	stream.linear.gather [hbm4b:s12+s4], $0x10, $0x38;
	[tilespmem:$0x10780] =	vst v63  }
0x5ff: {  	s8 =	sadd.s32 $0x30, s5;
	s9 =	simm.s32 $0x6E80  }
0x600: {  	[tilespmem:s9], [sflag:$0x2] =	stream.linear.gather [hbm4b:s8+s4], $0x10, $0x38;
	[tilespmem:$0x10780] =	vst v63  }
0x601: {  	s12 =	sadd.s32 $0x40, s5;
	s13 =	simm.s32 $0x6F00  }
0x602: {  	[tilespmem:s13], [sflag:$0x2] =	stream.linear.gather [hbm4b:s12+s4], $0x10, $0x38;
	[tilespmem:$0x10780] =	vst v63  }
0x603: {  	s8 =	sadd.s32 $0x50, s5;
	s9 =	simm.s32 $0x6F80  }
0x604: {  	[tilespmem:s9], [sflag:$0x2] =	stream.linear.gather [hbm4b:s8+s4], $0x10, $0x38;
	[tilespmem:$0x10780] =	vst v63  }
0x605: {  	s12 =	sadd.s32 $0x60, s5;
	s13 =	simm.s32 $0x7000  }
0x606: {  	(v2sf) =	vpush v3, $0x5;
	[tilespmem:s13], [sflag:$0x2] =	stream.linear.gather [hbm4b:s12+s4], $0x10, $0x38;
	[tilespmem:$0x10780] =	vst v63  }
0x607: {  	s7 =	sadd.s32 $0x70, s5;
	s8 =	simm.s32 $0x7080  }
0x608: {  	[tilespmem:s8], [sflag:$0x2] =	stream.linear.gather [hbm4b:s7+s4], $0x10, $0x38;
	[tilespmem:$0x10780] =	vst v63  }
0x609: {  	s5 =	sadd.s32 $0xF4280, s5;
	s9 =	simm.s32 $0x7100  }
0x60a: {  	[tilespmem:s9], [sflag:$0x2] =	stream.linear.gather [hbm4b:s5+s4], $0x10, $0x38;
	[tilespmem:$0x10780] =	vst v63  }
0x60b: {  	s12 =	sadd.s32 $0x10, s5;
	s13 =	simm.s32 $0x7180  }
0x60c: {  	[tilespmem:s13], [sflag:$0x2] =	stream.linear.gather [hbm4b:s12+s4], $0x10, $0x38;
	[tilespmem:$0x10780] =	vst v63  }
0x60d: {  	s8 =	sadd.s32 $0x20, s5;
	s9 =	simm.s32 $0x7200  }
0x60e: {  	[tilespmem:s9], [sflag:$0x2] =	stream.linear.gather [hbm4b:s8+s4], $0x10, $0x38;
	[tilespmem:$0x10780] =	vst v63  }
0x60f: {  	s12 =	sadd.s32 $0x30, s5;
	s13 =	simm.s32 $0x7280  }
0x610: {  	[tilespmem:s13], [sflag:$0x2] =	stream.linear.gather [hbm4b:s12+s4], $0x10, $0x38;
	[tilespmem:$0x10780] =	vst v63  }
0x611: {  	s8 =	sadd.s32 $0x40, s5;
	s9 =	simm.s32 $0x7300  }
0x612: {  	[tilespmem:s9], [sflag:$0x2] =	stream.linear.gather [hbm4b:s8+s4], $0x10, $0x38;
	[tilespmem:$0x10780] =	vst v63  }
0x613: {  	s12 =	sadd.s32 $0x50, s5;
	s13 =	simm.s32 $0x7380  }
0x614: {  	[tilespmem:s13], [sflag:$0x2] =	stream.linear.gather [hbm4b:s12+s4], $0x10, $0x38;
	[tilespmem:$0x10780] =	vst v63  }
0x615: {  	s7 =	sadd.s32 $0x60, s5;
	s8 =	simm.s32 $0x7400;
	s12 =	spop (v2sf)  }
0x616: {  	[tilespmem:s8], [sflag:$0x2] =	stream.linear.gather [hbm4b:s7+s4], $0x10, $0x38;
	[tilespmem:$0x10780] =	vst v63  }
0x617: {  	s5 =	sadd.s32 $0x70, s5;
	s9 =	simm.s32 $0x7480;
	s13 =	sshll.u32 s12, $0x3  }
0x618: {  	[tilespmem:s9], [sflag:$0x2] =	stream.linear.gather [hbm4b:s5+s4], $0x10, $0x38;
	[tilespmem:$0x10780] =	vst v63  }
0x619: {  	s6 =	sand.u32 $0xFFFFFC00, s13;
	s5 =	sand.u32 $0x70, s12  }
0x61a: {  	s5 =	sor.u32 s5, s6  }
0x61b: {  	s5 =	sshrl.u32 s5, $0x3  }
0x61c: {  	s7 =	simm.s32 $0xED00;
	s5 =	sadd.s32 s2, s5  }
0x61d: {  	[tilespmem:s7], [sflag:$0x2] =	stream.linear.gather [hbm4b:s5+s4], $0x10, $0x38;
	[tilespmem:$0x10780] =	vst v63  }
0x61e: {  	s9 =	simm.s32 $0xED80;
	s8 =	sadd.s32 $0x10, s5  }
0x61f: {  	[tilespmem:s9], [sflag:$0x2] =	stream.linear.gather [hbm4b:s8+s4], $0x10, $0x38;
	[tilespmem:$0x10780] =	vst v63  }
0x620: {  	s13 =	simm.s32 $0xEE00;
	s12 =	sadd.s32 $0x20, s5  }
0x621: {  	[tilespmem:s13], [sflag:$0x2] =	stream.linear.gather [hbm4b:s12+s4], $0x10, $0x38;
	[tilespmem:$0x10780] =	vst v63  }
0x622: {  	s8 =	sadd.s32 $0x30, s5;
	s9 =	simm.s32 $0xEE80  }
0x623: {  	[tilespmem:s9], [sflag:$0x2] =	stream.linear.gather [hbm4b:s8+s4], $0x10, $0x38;
	[tilespmem:$0x10780] =	vst v63  }
0x624: {  	s12 =	sadd.s32 $0x40, s5;
	s13 =	simm.s32 $0xEF00  }
0x625: {  	[tilespmem:s13], [sflag:$0x2] =	stream.linear.gather [hbm4b:s12+s4], $0x10, $0x38;
	[tilespmem:$0x10780] =	vst v63  }
0x626: {  	s8 =	sadd.s32 $0x50, s5;
	s9 =	simm.s32 $0xEF80  }
0x627: {  	[tilespmem:s9], [sflag:$0x2] =	stream.linear.gather [hbm4b:s8+s4], $0x10, $0x38;
	[tilespmem:$0x10780] =	vst v63  }
0x628: {  	s12 =	sadd.s32 $0x60, s5;
	s13 =	simm.s32 $0xF000  }
0x629: {  	(v2sf) =	vpush v2, $0x6;
	[tilespmem:s13], [sflag:$0x2] =	stream.linear.gather [hbm4b:s12+s4], $0x10, $0x38;
	[tilespmem:$0x10780] =	vst v63  }
0x62a: {  	s7 =	sadd.s32 $0x70, s5;
	s8 =	simm.s32 $0xF080  }
0x62b: {  	[tilespmem:s8], [sflag:$0x2] =	stream.linear.gather [hbm4b:s7+s4], $0x10, $0x38;
	[tilespmem:$0x10780] =	vst v63  }
0x62c: {  	s5 =	sadd.s32 $0xF4280, s5;
	s9 =	simm.s32 $0xF100  }
0x62d: {  	[tilespmem:s9], [sflag:$0x2] =	stream.linear.gather [hbm4b:s5+s4], $0x10, $0x38;
	[tilespmem:$0x10780] =	vst v63  }
0x62e: {  	s12 =	sadd.s32 $0x10, s5;
	s13 =	simm.s32 $0xF180  }
0x62f: {  	[tilespmem:s13], [sflag:$0x2] =	stream.linear.gather [hbm4b:s12+s4], $0x10, $0x38;
	[tilespmem:$0x10780] =	vst v63  }
0x630: {  	s8 =	sadd.s32 $0x20, s5;
	s9 =	simm.s32 $0xF200  }
0x631: {  	[tilespmem:s9], [sflag:$0x2] =	stream.linear.gather [hbm4b:s8+s4], $0x10, $0x38;
	[tilespmem:$0x10780] =	vst v63  }
0x632: {  	s12 =	sadd.s32 $0x30, s5;
	s13 =	simm.s32 $0xF280  }
0x633: {  	[tilespmem:s13], [sflag:$0x2] =	stream.linear.gather [hbm4b:s12+s4], $0x10, $0x38;
	[tilespmem:$0x10780] =	vst v63  }
0x634: {  	s8 =	sadd.s32 $0x40, s5;
	s9 =	simm.s32 $0xF300  }
0x635: {  	[tilespmem:s9], [sflag:$0x2] =	stream.linear.gather [hbm4b:s8+s4], $0x10, $0x38;
	[tilespmem:$0x10780] =	vst v63  }
0x636: {  	s12 =	sadd.s32 $0x50, s5;
	s13 =	simm.s32 $0xF380  }
0x637: {  	[tilespmem:s13], [sflag:$0x2] =	stream.linear.gather [hbm4b:s12+s4], $0x10, $0x38;
	[tilespmem:$0x10780] =	vst v63  }
0x638: {  	s7 =	sadd.s32 $0x60, s5;
	s8 =	simm.s32 $0xF400;
	s12 =	spop (v2sf)  }
0x639: {  	[tilespmem:s8], [sflag:$0x2] =	stream.linear.gather [hbm4b:s7+s4], $0x10, $0x38;
	[tilespmem:$0x10780] =	vst v63  }
0x63a: {  	s5 =	sadd.s32 $0x70, s5;
	s9 =	simm.s32 $0xF480;
	s13 =	sshll.u32 s12, $0x3  }
0x63b: {  	[tilespmem:s9], [sflag:$0x2] =	stream.linear.gather [hbm4b:s5+s4], $0x10, $0x38;
	[tilespmem:$0x10780] =	vst v63  }
0x63c: {  	s6 =	sand.u32 $0xFFFFFC00, s13;
	s5 =	sand.u32 $0x70, s12  }
0x63d: {  	s5 =	sor.u32 s5, s6  }
0x63e: {  	s5 =	sshrl.u32 s5, $0x3  }
0x63f: {  	s7 =	simm.s32 $0x7500;
	s5 =	sadd.s32 s1, s5  }
0x640: {  	[tilespmem:s7], [sflag:$0x2] =	stream.linear.gather [hbm4b:s5+s4], $0x10, $0x38;
	[tilespmem:$0x10780] =	vst v63  }
0x641: {  	s9 =	simm.s32 $0x7580;
	s8 =	sadd.s32 $0x10, s5  }
0x642: {  	[tilespmem:s9], [sflag:$0x2] =	stream.linear.gather [hbm4b:s8+s4], $0x10, $0x38;
	[tilespmem:$0x10780] =	vst v63  }
0x643: {  	s13 =	simm.s32 $0x7600;
	s12 =	sadd.s32 $0x20, s5  }
0x644: {  	[tilespmem:s13], [sflag:$0x2] =	stream.linear.gather [hbm4b:s12+s4], $0x10, $0x38;
	[tilespmem:$0x10780] =	vst v63  }
0x645: {  	s8 =	sadd.s32 $0x30, s5;
	s9 =	simm.s32 $0x7680  }
0x646: {  	[tilespmem:s9], [sflag:$0x2] =	stream.linear.gather [hbm4b:s8+s4], $0x10, $0x38;
	[tilespmem:$0x10780] =	vst v63  }
0x647: {  	s12 =	sadd.s32 $0x40, s5;
	s13 =	simm.s32 $0x7700  }
0x648: {  	[tilespmem:s13], [sflag:$0x2] =	stream.linear.gather [hbm4b:s12+s4], $0x10, $0x38;
	[tilespmem:$0x10780] =	vst v63  }
0x649: {  	s8 =	sadd.s32 $0x50, s5;
	s9 =	simm.s32 $0x7780  }
0x64a: {  	[tilespmem:s9], [sflag:$0x2] =	stream.linear.gather [hbm4b:s8+s4], $0x10, $0x38;
	[tilespmem:$0x10780] =	vst v63  }
0x64b: {  	s12 =	sadd.s32 $0x60, s5;
	s13 =	simm.s32 $0x7800  }
0x64c: {  	(v2sf) =	vpush v3, $0x6;
	[tilespmem:s13], [sflag:$0x2] =	stream.linear.gather [hbm4b:s12+s4], $0x10, $0x38;
	[tilespmem:$0x10780] =	vst v63  }
0x64d: {  	s7 =	sadd.s32 $0x70, s5;
	s8 =	simm.s32 $0x7880  }
0x64e: {  	[tilespmem:s8], [sflag:$0x2] =	stream.linear.gather [hbm4b:s7+s4], $0x10, $0x38;
	[tilespmem:$0x10780] =	vst v63  }
0x64f: {  	s5 =	sadd.s32 $0xF4280, s5;
	s9 =	simm.s32 $0x7900  }
0x650: {  	[tilespmem:s9], [sflag:$0x2] =	stream.linear.gather [hbm4b:s5+s4], $0x10, $0x38;
	[tilespmem:$0x10780] =	vst v63  }
0x651: {  	s12 =	sadd.s32 $0x10, s5;
	s13 =	simm.s32 $0x7980  }
0x652: {  	[tilespmem:s13], [sflag:$0x2] =	stream.linear.gather [hbm4b:s12+s4], $0x10, $0x38;
	[tilespmem:$0x10780] =	vst v63  }
0x653: {  	s8 =	sadd.s32 $0x20, s5;
	s9 =	simm.s32 $0x7A00  }
0x654: {  	[tilespmem:s9], [sflag:$0x2] =	stream.linear.gather [hbm4b:s8+s4], $0x10, $0x38;
	[tilespmem:$0x10780] =	vst v63  }
0x655: {  	s12 =	sadd.s32 $0x30, s5;
	s13 =	simm.s32 $0x7A80  }
0x656: {  	[tilespmem:s13], [sflag:$0x2] =	stream.linear.gather [hbm4b:s12+s4], $0x10, $0x38;
	[tilespmem:$0x10780] =	vst v63  }
0x657: {  	s8 =	sadd.s32 $0x40, s5;
	s9 =	simm.s32 $0x7B00  }
0x658: {  	[tilespmem:s9], [sflag:$0x2] =	stream.linear.gather [hbm4b:s8+s4], $0x10, $0x38;
	[tilespmem:$0x10780] =	vst v63  }
0x659: {  	s12 =	sadd.s32 $0x50, s5;
	s13 =	simm.s32 $0x7B80  }
0x65a: {  	[tilespmem:s13], [sflag:$0x2] =	stream.linear.gather [hbm4b:s12+s4], $0x10, $0x38;
	[tilespmem:$0x10780] =	vst v63  }
0x65b: {  	s7 =	sadd.s32 $0x60, s5;
	s8 =	simm.s32 $0x7C00;
	s12 =	spop (v2sf)  }
0x65c: {  	[tilespmem:s8], [sflag:$0x2] =	stream.linear.gather [hbm4b:s7+s4], $0x10, $0x38;
	[tilespmem:$0x10780] =	vst v63  }
0x65d: {  	s5 =	sadd.s32 $0x70, s5;
	s9 =	simm.s32 $0x7C80;
	s13 =	sshll.u32 s12, $0x3  }
0x65e: {  	[tilespmem:s9], [sflag:$0x2] =	stream.linear.gather [hbm4b:s5+s4], $0x10, $0x38;
	[tilespmem:$0x10780] =	vst v63  }
0x65f: {  	s6 =	sand.u32 $0xFFFFFC00, s13;
	s5 =	sand.u32 $0x70, s12  }
0x660: {  	s5 =	sor.u32 s5, s6  }
0x661: {  	s5 =	sshrl.u32 s5, $0x3  }
0x662: {  	s7 =	simm.s32 $0xF500;
	s5 =	sadd.s32 s2, s5  }
0x663: {  	[tilespmem:s7], [sflag:$0x2] =	stream.linear.gather [hbm4b:s5+s4], $0x10, $0x38;
	[tilespmem:$0x10780] =	vst v63  }
0x664: {  	s9 =	simm.s32 $0xF580;
	s8 =	sadd.s32 $0x10, s5  }
0x665: {  	[tilespmem:s9], [sflag:$0x2] =	stream.linear.gather [hbm4b:s8+s4], $0x10, $0x38;
	[tilespmem:$0x10780] =	vst v63  }
0x666: {  	s13 =	simm.s32 $0xF600;
	s12 =	sadd.s32 $0x20, s5  }
0x667: {  	[tilespmem:s13], [sflag:$0x2] =	stream.linear.gather [hbm4b:s12+s4], $0x10, $0x38;
	[tilespmem:$0x10780] =	vst v63  }
0x668: {  	s8 =	sadd.s32 $0x30, s5;
	s9 =	simm.s32 $0xF680  }
0x669: {  	[tilespmem:s9], [sflag:$0x2] =	stream.linear.gather [hbm4b:s8+s4], $0x10, $0x38;
	[tilespmem:$0x10780] =	vst v63  }
0x66a: {  	s12 =	sadd.s32 $0x40, s5;
	s13 =	simm.s32 $0xF700  }
0x66b: {  	[tilespmem:s13], [sflag:$0x2] =	stream.linear.gather [hbm4b:s12+s4], $0x10, $0x38;
	[tilespmem:$0x10780] =	vst v63  }
0x66c: {  	s8 =	sadd.s32 $0x50, s5;
	s9 =	simm.s32 $0xF780  }
0x66d: {  	[tilespmem:s9], [sflag:$0x2] =	stream.linear.gather [hbm4b:s8+s4], $0x10, $0x38;
	[tilespmem:$0x10780] =	vst v63  }
0x66e: {  	s12 =	sadd.s32 $0x60, s5;
	s13 =	simm.s32 $0xF800  }
0x66f: {  	(v2sf) =	vpush v2, $0x7;
	[tilespmem:s13], [sflag:$0x2] =	stream.linear.gather [hbm4b:s12+s4], $0x10, $0x38;
	[tilespmem:$0x10780] =	vst v63  }
0x670: {  	s7 =	sadd.s32 $0x70, s5;
	s8 =	simm.s32 $0xF880  }
0x671: {  	[tilespmem:s8], [sflag:$0x2] =	stream.linear.gather [hbm4b:s7+s4], $0x10, $0x38;
	[tilespmem:$0x10780] =	vst v63  }
0x672: {  	s5 =	sadd.s32 $0xF4280, s5;
	s9 =	simm.s32 $0xF900  }
0x673: {  	[tilespmem:s9], [sflag:$0x2] =	stream.linear.gather [hbm4b:s5+s4], $0x10, $0x38;
	[tilespmem:$0x10780] =	vst v63  }
0x674: {  	s12 =	sadd.s32 $0x10, s5;
	s13 =	simm.s32 $0xF980  }
0x675: {  	[tilespmem:s13], [sflag:$0x2] =	stream.linear.gather [hbm4b:s12+s4], $0x10, $0x38;
	[tilespmem:$0x10780] =	vst v63  }
0x676: {  	s8 =	sadd.s32 $0x20, s5;
	s9 =	simm.s32 $0xFA00  }
0x677: {  	[tilespmem:s9], [sflag:$0x2] =	stream.linear.gather [hbm4b:s8+s4], $0x10, $0x38;
	[tilespmem:$0x10780] =	vst v63  }
0x678: {  	s12 =	sadd.s32 $0x30, s5;
	s13 =	simm.s32 $0xFA80  }
0x679: {  	[tilespmem:s13], [sflag:$0x2] =	stream.linear.gather [hbm4b:s12+s4], $0x10, $0x38;
	[tilespmem:$0x10780] =	vst v63  }
0x67a: {  	s8 =	sadd.s32 $0x40, s5;
	s9 =	simm.s32 $0xFB00  }
0x67b: {  	[tilespmem:s9], [sflag:$0x2] =	stream.linear.gather [hbm4b:s8+s4], $0x10, $0x38;
	[tilespmem:$0x10780] =	vst v63  }
0x67c: {  	s12 =	sadd.s32 $0x50, s5;
	s13 =	simm.s32 $0xFB80  }
0x67d: {  	[tilespmem:s13], [sflag:$0x2] =	stream.linear.gather [hbm4b:s12+s4], $0x10, $0x38;
	[tilespmem:$0x10780] =	vst v63  }
0x67e: {  	s7 =	sadd.s32 $0x60, s5;
	s8 =	simm.s32 $0xFC00;
	s12 =	spop (v2sf)  }
0x67f: {  	[tilespmem:s8], [sflag:$0x2] =	stream.linear.gather [hbm4b:s7+s4], $0x10, $0x38;
	[tilespmem:$0x10780] =	vst v63  }
0x680: {  	s5 =	sadd.s32 $0x70, s5;
	s9 =	simm.s32 $0xFC80;
	s13 =	sshll.u32 s12, $0x3  }
0x681: {  	[tilespmem:s9], [sflag:$0x2] =	stream.linear.gather [hbm4b:s5+s4], $0x10, $0x38;
	[tilespmem:$0x10780] =	vst v63  }
0x682: {  	s6 =	sand.u32 $0xFFFFFC00, s13;
	s5 =	sand.u32 $0x70, s12  }
0x683: {  	s5 =	sor.u32 s5, s6  }
0x684: {  	s5 =	sshrl.u32 s5, $0x3  }
0x685: {  	s7 =	simm.s32 $0x7D00;
	s5 =	sadd.s32 s1, s5  }
0x686: {  	[tilespmem:s7], [sflag:$0x2] =	stream.linear.gather [hbm4b:s5+s4], $0x10, $0x38;
	[tilespmem:$0x10780] =	vst v63  }
0x687: {  	s9 =	simm.s32 $0x7D80;
	s8 =	sadd.s32 $0x10, s5  }
0x688: {  	[tilespmem:s9], [sflag:$0x2] =	stream.linear.gather [hbm4b:s8+s4], $0x10, $0x38;
	[tilespmem:$0x10780] =	vst v63  }
0x689: {  	s13 =	simm.s32 $0x7E00;
	s12 =	sadd.s32 $0x20, s5  }
0x68a: {  	[tilespmem:s13], [sflag:$0x2] =	stream.linear.gather [hbm4b:s12+s4], $0x10, $0x38;
	[tilespmem:$0x10780] =	vst v63  }
0x68b: {  	s8 =	sadd.s32 $0x30, s5;
	s9 =	simm.s32 $0x7E80  }
0x68c: {  	[tilespmem:s9], [sflag:$0x2] =	stream.linear.gather [hbm4b:s8+s4], $0x10, $0x38;
	[tilespmem:$0x10780] =	vst v63  }
0x68d: {  	s12 =	sadd.s32 $0x40, s5;
	s13 =	simm.s32 $0x7F00  }
0x68e: {  	[tilespmem:s13], [sflag:$0x2] =	stream.linear.gather [hbm4b:s12+s4], $0x10, $0x38;
	[tilespmem:$0x10780] =	vst v63  }
0x68f: {  	s8 =	sadd.s32 $0x50, s5;
	s9 =	simm.s32 $0x7F80  }
0x690: {  	[tilespmem:s9], [sflag:$0x2] =	stream.linear.gather [hbm4b:s8+s4], $0x10, $0x38;
	[tilespmem:$0x10780] =	vst v63  }
0x691: {  	s12 =	sadd.s32 $0x60, s5;
	s13 =	simm.s32 $0x8000  }
0x692: {  	(v2sf) =	vpush v3, $0x7;
	[tilespmem:s13], [sflag:$0x2] =	stream.linear.gather [hbm4b:s12+s4], $0x10, $0x38;
	[tilespmem:$0x10780] =	vst v63  }
0x693: {  	s7 =	sadd.s32 $0x70, s5;
	s8 =	simm.s32 $0x8080  }
0x694: {  	[tilespmem:s8], [sflag:$0x2] =	stream.linear.gather [hbm4b:s7+s4], $0x10, $0x38;
	[tilespmem:$0x10780] =	vst v63  }
0x695: {  	s5 =	sadd.s32 $0xF4280, s5;
	s9 =	simm.s32 $0x8100  }
0x696: {  	[tilespmem:s9], [sflag:$0x2] =	stream.linear.gather [hbm4b:s5+s4], $0x10, $0x38;
	[tilespmem:$0x10780] =	vst v63  }
0x697: {  	s12 =	sadd.s32 $0x10, s5;
	s13 =	simm.s32 $0x8180  }
0x698: {  	[tilespmem:s13], [sflag:$0x2] =	stream.linear.gather [hbm4b:s12+s4], $0x10, $0x38;
	[tilespmem:$0x10780] =	vst v63  }
0x699: {  	s8 =	sadd.s32 $0x20, s5;
	s9 =	simm.s32 $0x8200  }
0x69a: {  	[tilespmem:s9], [sflag:$0x2] =	stream.linear.gather [hbm4b:s8+s4], $0x10, $0x38;
	[tilespmem:$0x10780] =	vst v63  }
0x69b: {  	s12 =	sadd.s32 $0x30, s5;
	s13 =	simm.s32 $0x8280  }
0x69c: {  	[tilespmem:s13], [sflag:$0x2] =	stream.linear.gather [hbm4b:s12+s4], $0x10, $0x38;
	[tilespmem:$0x10780] =	vst v63  }
0x69d: {  	s8 =	sadd.s32 $0x40, s5;
	s9 =	simm.s32 $0x8300  }
0x69e: {  	[tilespmem:s9], [sflag:$0x2] =	stream.linear.gather [hbm4b:s8+s4], $0x10, $0x38;
	[tilespmem:$0x10780] =	vst v63  }
0x69f: {  	s12 =	sadd.s32 $0x50, s5;
	s13 =	simm.s32 $0x8380  }
0x6a0: {  	[tilespmem:s13], [sflag:$0x2] =	stream.linear.gather [hbm4b:s12+s4], $0x10, $0x38;
	[tilespmem:$0x10780] =	vst v63  }
0x6a1: {  	s7 =	sadd.s32 $0x60, s5;
	s8 =	simm.s32 $0x8400;
	s12 =	spop (v2sf)  }
0x6a2: {  	[tilespmem:s8], [sflag:$0x2] =	stream.linear.gather [hbm4b:s7+s4], $0x10, $0x38;
	[tilespmem:$0x10780] =	vst v63  }
0x6a3: {  	s5 =	sadd.s32 $0x70, s5;
	s9 =	simm.s32 $0x8480;
	s13 =	sshll.u32 s12, $0x3  }
0x6a4: {  	[tilespmem:s9], [sflag:$0x2] =	stream.linear.gather [hbm4b:s5+s4], $0x10, $0x38;
	[tilespmem:$0x10780] =	vst v63  }
0x6a5: {  	s6 =	sand.u32 $0xFFFFFC00, s13;
	s5 =	sand.u32 $0x70, s12  }
0x6a6: {  	s5 =	sor.u32 s5, s6  }
0x6a7: {  	s5 =	sshrl.u32 s5, $0x3  }
0x6a8: {  	s7 =	simm.s32 $0xFD00;
	s5 =	sadd.s32 s2, s5  }
0x6a9: {  	[tilespmem:s7], [sflag:$0x2] =	stream.linear.gather [hbm4b:s5+s4], $0x10, $0x38;
	[tilespmem:$0x10780] =	vst v63  }
0x6aa: {  	s9 =	simm.s32 $0xFD80;
	s8 =	sadd.s32 $0x10, s5  }
0x6ab: {  	[tilespmem:s9], [sflag:$0x2] =	stream.linear.gather [hbm4b:s8+s4], $0x10, $0x38;
	[tilespmem:$0x10780] =	vst v63  }
0x6ac: {  	s12 =	sadd.s32 $0x20, s5  }
0x6ad: {  	[tilespmem:s14], [sflag:$0x2] =	stream.linear.gather [hbm4b:s12+s4], $0x10, $0x38;
	[tilespmem:$0x10780] =	vst v63  }
0x6ae: {  	s13 =	sadd.s32 $0x30, s5  }
0x6af: {  	[tilespmem:s15], [sflag:$0x2] =	stream.linear.gather [hbm4b:s13+s4], $0x10, $0x38;
	[tilespmem:$0x10780] =	vst v63  }
0x6b0: {  	s7 =	sadd.s32 $0x40, s5  }
0x6b1: {  	[tilespmem:s16], [sflag:$0x2] =	stream.linear.gather [hbm4b:s7+s4], $0x10, $0x38;
	[tilespmem:$0x10780] =	vst v63  }
0x6b2: {  	s8 =	sadd.s32 $0x50, s5  }
0x6b3: {  	[tilespmem:s17], [sflag:$0x2] =	stream.linear.gather [hbm4b:s8+s4], $0x10, $0x38;
	[tilespmem:$0x10780] =	vst v63  }
0x6b4: {  	s9 =	sadd.s32 $0x60, s5  }
0x6b5: {  	[tilespmem:s18], [sflag:$0x2] =	stream.linear.gather [hbm4b:s9+s4], $0x10, $0x38;
	[tilespmem:$0x10780] =	vst v63  }
0x6b6: {  	s12 =	sadd.s32 $0x70, s5  }
0x6b7: {  	[tilespmem:s19], [sflag:$0x2] =	stream.linear.gather [hbm4b:s12+s4], $0x10, $0x38;
	[tilespmem:$0x10780] =	vst v63  }
0x6b8: {  	s5 =	sadd.s32 $0xF4280, s5  }
0x6b9: {  	[tilespmem:s20], [sflag:$0x2] =	stream.linear.gather [hbm4b:s5+s4], $0x10, $0x38;
	[tilespmem:$0x10780] =	vst v63  }
0x6ba: {  	s13 =	sadd.s32 $0x10, s5  }
0x6bb: {  	[tilespmem:s21], [sflag:$0x2] =	stream.linear.gather [hbm4b:s13+s4], $0x10, $0x38;
	[tilespmem:$0x10780] =	vst v63  }
0x6bc: {  	s7 =	sadd.s32 $0x20, s5  }
0x6bd: {  	[tilespmem:s22], [sflag:$0x2] =	stream.linear.gather [hbm4b:s7+s4], $0x10, $0x38;
	[tilespmem:$0x10780] =	vst v63  }
0x6be: {  	s8 =	sadd.s32 $0x30, s5  }
0x6bf: {  	[tilespmem:s23], [sflag:$0x2] =	stream.linear.gather [hbm4b:s8+s4], $0x10, $0x38;
	[tilespmem:$0x10780] =	vst v63  }
0x6c0: {  	s9 =	sadd.s32 $0x40, s5  }
0x6c1: {  	[tilespmem:s24], [sflag:$0x2] =	stream.linear.gather [hbm4b:s9+s4], $0x10, $0x38;
	[tilespmem:$0x10780] =	vst v63  }
0x6c2: {  	s12 =	sadd.s32 $0x50, s5  }
0x6c3: {  	[tilespmem:s25], [sflag:$0x2] =	stream.linear.gather [hbm4b:s12+s4], $0x10, $0x38;
	[tilespmem:$0x10780] =	vst v63  }
0x6c4: {  	s13 =	sadd.s32 $0x60, s5  }
0x6c5: {  	[tilespmem:s26], [sflag:$0x2] =	stream.linear.gather [hbm4b:s13+s4], $0x10, $0x38;
	[tilespmem:$0x10780] =	vst v63  }
0x6c6: {  	s5 =	sadd.s32 $0x70, s5  }
0x6c7: {  	[tilespmem:s29], [sflag:$0x2] =	stream.linear.gather [hbm4b:s5+s4], $0x10, $0x38;
	[tilespmem:$0x10780] =	vst v63  }
.LBB2_6:
0x6c8: {  	s10 =	sadd.s32 $0x1, s10  }
0x6c9: {  	p0 =	sne.s32 s10, $0x40  }
.Ltmp3:
0x6ca: {  	_ = 	snop;
	(pc) =	sbr.rel @!p0 .LBB2_7-.Ltmp3, $2  }
0x6cb: {  	_ =	sdelay $0x2  }
0x6cc: {  	s31 =	sadd.s32 $0x8, s31;
	s0 =	sadd.s32 $0x8, s0;
	s3 =	sadd.s32 $0x8, s3  }
.LBB2_2:
0x6cd: {  	s5 =	sand.u32 $0x1, s10  }
0x6ce: {  	s6 =	simm.s32 $0x1;
	p0 =	seq.s32 s5, $0x0  }
0x6cf: {  	s6 =	simm.s32 @!p0 $0x2  }
0x6d0: {  	_ =	swait.ge [sflag:s6], $0x800  }
0x6d1: {  	[sflag:s6] =	ssyncset.done $0x0  }
0x6d2: {  	[sflag:s6] =	ssyncadd.s32 $0xFFFFF800  }
0x6d3: {  	_ =	swait.ge [sflag:s6], $0x800  }
0x6d4: {  	[sflag:s6] =	ssyncset.done $0x0  }
0x6d5: {  	[sflag:s6] =	ssyncadd.s32 $0xFFFFF800  }
0x6d6: {  	v2 =	vld [tilespmem:s0+$0xFFFFFFF0]  }
0x6d7: {  	v3 =	vld [tilespmem:s31+$0xFFFFFFF0];
	_ =	sdelay $0x3  }
0x6d8: {  	v4 =	vshra.s32 v2, $0x1F  }
0x6d9: {  	s13 =	sshll.u32 s5, $0x3;
	v5 =	vshra.s32 v3, $0x1F;
	v4 =	vshrl.u32 v4, $0x1C  }
0x6da: {  	v6 =	vmov s13;
	v5 =	vshrl.u32 v5, $0x1C;
	v4 =	vadd.s32 v4, v2  }
0x6db: {  	v55 =	vshll.u32 v6, $0xB;
	v5 =	vadd.s32 v5, v3;
	v4 =	vshrl.u32 v4, $0x4  }
0x6dc: {  	v54 =	vshrl.u32 v5, $0x4;
	v5 =	vor.u32 v1, v55;
	v4 =	vshll.u32 v4, $0x4  }
0x6dd: {  	v9 =	vor.u32 $0x80, v5;
	v2 =	vsub.s32 v2, v4  }
0x6de: {  	v11 =	vor.u32 $0x100, v5;
	v13 =	vor.u32 $0x180, v5;
	v6 =	vand.u32 $0xFFFFFF80, v2  }
0x6df: {  	v4 =	vshll.u32 v54, $0x4;
	v2 =	vand.u32 $0x7F, v2;
	v56 =	vadd.s32 v5, v6  }
0x6e0: {  	v3 =	vsub.s32 v3, v4;
	v10 =	vadd.s32 v9, v6;
	v4 =	vor.u32 v2, v56  }
0x6e1: {  	v7 =	vand.u32 $0xFFFFFF80, v3;
	v12 =	vadd.s32 v11, v6;
	v10 =	vor.u32 v2, v10  }
0x6e2: {  	v3 =	vand.u32 $0x7F, v3;
	v8 =	vadd.s32 v5, v7;
	v12 =	vor.u32 v2, v12  }
0x6e3: {  	v14 =	vadd.s32 v13, v6;
	v8 =	vor.u32 v3, v8  }
0x6e4: {  	v17 =	vor.u32 $0x280, v5;
	v9 =	vadd.s32 v9, v7;
	v14 =	vor.u32 v2, v14  }
0x6e5: {  	v15 =	vor.u32 $0x200, v5;
	v18 =	vadd.s32 v17, v6;
	v9 =	vor.u32 v3, v9;
	v4 =	vld.idx.msk [tilespmem:v4+s11+$0x0], $0xffff  }
0x6e6: {  	v19 =	vor.u32 $0x300, v5;
	v11 =	vadd.s32 v11, v7;
	v18 =	vor.u32 v2, v18;
	v10 =	vld.idx.msk [tilespmem:v10+s11+$0x0], $0xffff  }
0x6e7: {  	v62 =	vor.u32 $0x380, v5;
	v13 =	vadd.s32 v13, v7;
	v11 =	vor.u32 v3, v11;
	v12 =	vld.idx.msk [tilespmem:v12+s11+$0x0], $0xffff  }
0x6e8: {  	v26 =	vor.u32 $0x400, v5;
	v17 =	vadd.s32 v17, v7;
	v13 =	vor.u32 v3, v13;
	v8 =	vld.idx.msk [tilespmem:v8+s28+$0x0], $0xffff  }
0x6e9: {  	v33 =	vor.u32 $0x480, v5;
	v16 =	vadd.s32 v15, v6;
	v58 =	vor.u32 v3, v17;
	v57 =	vld.idx.msk [tilespmem:v14+s11+$0x0], $0xffff  }
0x6ea: {  	v36 =	vor.u32 $0x500, v5;
	v16 =	vor.u32 v2, v16;
	v15 =	vadd.s32 v15, v7;
	v9 =	vld.idx.msk [tilespmem:v9+s28+$0x0], $0xffff  }
0x6eb: {  	v40 =	vor.u32 $0x580, v5;
	v43 =	vor.u32 $0x600, v5;
	v15 =	vor.u32 v3, v15;
	v21 =	vld.idx.msk [tilespmem:v18+s11+$0x0], $0xffff  }
0x6ec: {  	v46 =	vor.u32 $0x680, v5;
	v50 =	vor.u32 $0x700, v5;
	v59 =	vadd.s32 v19, v6;
	v11 =	vld.idx.msk [tilespmem:v11+s28+$0x0], $0xffff  }
0x6ed: {  	v19 =	vadd.s32 v19, v7;
	v17 =	vor.u32 v2, v59;
	v13 =	vld.idx.msk [tilespmem:v13+s28+$0x0], $0xffff;
	v4 =	vmul.f32 v8, v4  }
0x6ee: {  	v22 =	vadd.s32 v62, v6;
	v28 =	vadd.s32 v26, v6;
	v61 =	vor.u32 v3, v19;
	v14 =	vld.idx.msk [tilespmem:v58+s28+$0x0], $0xffff  }
0x6ef: {  	v23 =	vadd.s32 v62, v7;
	v60 =	vld.idx.msk [tilespmem:v16+s11+$0x0], $0xffff;
	v9 =	vmul.f32 v9, v10;
	v4 =	vadd.f32 $0.0e+00, v4  }
0x6f0: {  	v35 =	vadd.s32 v33, v6;
	v29 =	vadd.s32 v26, v7;
	v25 =	vor.u32 v3, v23;
	v15 =	vld.idx.msk [tilespmem:v15+s28+$0x0], $0xffff  }
0x6f1: {  	v63 =	vmul.f32 v11, v12;
	v12 =	vor.u32 v2, v22;
	v4 =	vadd.f32 v9, v4  }
0x6f2: {  	v32 =	vor.u32 v3, v29;
	v24 =	vld.idx.msk [tilespmem:v17+s11+$0x0], $0xffff;
	v8 =	vmul.f32 v13, v57;
	v10 =	vor.u32 v2, v28  }
0x6f3: {  	v16 =	vld.idx.msk [tilespmem:v61+s28+$0x0], $0xffff;
	v30 =	vmul.f32 v14, v21;
	v14 =	vadd.s32 v33, v7;
	v4 =	vadd.f32 v63, v4  }
0x6f4: {  	v39 =	vadd.s32 v36, v6;
	v42 =	vadd.s32 v40, v6;
	v38 =	vor.u32 v3, v14  }
0x6f5: {  	v27 =	vmul.f32 v15, v60;
	v13 =	vld.idx.msk [tilespmem:v25+s28+$0x0], $0xffff;
	v9 =	vor.u32 v2, v35;
	v4 =	vadd.f32 v8, v4  }
0x6f6: {  	v45 =	vadd.s32 v43, v6;
	v15 =	vadd.s32 v36, v7;
	v14 =	vor.u32 v2, v39;
	v31 =	vld.idx.msk [tilespmem:v12+s11+$0x0], $0xffff  }
0x6f7: {  	v49 =	vadd.s32 v46, v6;
	v41 =	vor.u32 v3, v15;
	v37 =	vld.idx.msk [tilespmem:v10+s11+$0x0], $0xffff;
	v4 =	vadd.f32 v27, v4  }
0x6f8: {  	v34 =	vmul.f32 v16, v24;
	v16 =	vadd.s32 v40, v7;
	v15 =	vor.u32 v2, v42;
	v12 =	vld.idx.msk [tilespmem:v32+s28+$0x0], $0xffff  }
0x6f9: {  	v17 =	vadd.s32 v43, v7;
	v44 =	vor.u32 v3, v16;
	v10 =	vld.idx.msk [tilespmem:v38+s28+$0x0], $0xffff;
	v4 =	vadd.f32 v30, v4  }
0x6fa: {  	v53 =	vadd.s32 v50, v6;
	v18 =	vadd.s32 v46, v7;
	v48 =	vor.u32 v3, v17;
	v9 =	vld.idx.msk [tilespmem:v9+s11+$0x0], $0xffff  }
0x6fb: {  	v16 =	vor.u32 v2, v45;
	v47 =	vld.idx.msk [tilespmem:v14+s11+$0x0], $0xffff;
	v11 =	vmul.f32 v13, v31;
	v4 =	vadd.f32 v34, v4  }
0x6fc: {  	v5 =	vor.u32 $0x780, v5;
	v19 =	vadd.s32 v50, v7;
	v52 =	vor.u32 v3, v18;
	v13 =	vld.idx.msk [tilespmem:v41+s28+$0x0], $0xffff  }
0x6fd: {  	v17 =	vor.u32 v2, v49;
	v51 =	vld.idx.msk [tilespmem:v15+s11+$0x0], $0xffff;
	v8 =	vmul.f32 v12, v37;
	v4 =	vadd.f32 v11, v4  }
0x6fe: {  	v6 =	vadd.s32 v5, v6;
	v5 =	vadd.s32 v5, v7;
	v55 =	vor.u32 v3, v19;
	v11 =	vld.idx.msk [tilespmem:v44+s28+$0x0], $0xffff  }
0x6ff: {  	v18 =	vor.u32 v2, v53;
	v56 =	vld.idx.msk [tilespmem:v48+s28+$0x0], $0xffff;
	v9 =	vmul.f32 v10, v9;
	v4 =	vadd.f32 v8, v4  }
0x700: {  	v3 =	vor.u32 v3, v5;
	v54 =	vld.idx.msk [tilespmem:v16+s11+$0x0], $0xffff  }
0x701: {  	v59 =	vld.idx.msk [tilespmem:v52+s28+$0x0], $0xffff;
	v2 =	vor.u32 v2, v6;
	v57 =	vmul.f32 v13, v47;
	v4 =	vadd.f32 v9, v4  }
0x702: {  	v58 =	vld.idx.msk [tilespmem:v17+s11+$0x0], $0xffff  }
0x703: {  	v62 =	vld.idx.msk [tilespmem:v55+s28+$0x0], $0xffff;
	v60 =	vmul.f32 v11, v51;
	v4 =	vadd.f32 v57, v4  }
0x704: {  	v61 =	vld.idx.msk [tilespmem:v18+s11+$0x0], $0xffff  }
0x705: {  	v3 =	vld.idx.msk [tilespmem:v3+s28+$0x0], $0xffff;
	v6 =	vmul.f32 v56, v54;
	v4 =	vadd.f32 v60, v4  }
0x706: {  	v2 =	vld.idx.msk [tilespmem:v2+s11+$0x0], $0xffff  }
0x707: {  	v5 =	vmul.f32 v59, v58;
	v4 =	vadd.f32 v6, v4;
	_ =	sdelay $0x1  }
0x708: {  	v63 =	vmul.f32 v62, v61;
	v4 =	vadd.f32 v5, v4  }
0x709: {  	p0 =	sgt.u32 s10, $0x3D  }
.Ltmp4:
0x70a: {  	v2 =	vmul.f32 v3, v2;
	v4 =	vadd.f32 v63, v4;
	(pc) =	sbr.rel @p0 .LBB2_6-.Ltmp4, $3  }
0x70b: {  	_ = 	snop  }
0x70c: {  	v2 =	vadd.f32 v2, v4;
	_ =	sdelay $0x1  }
0x70d: {  	[tilespmem:s3+$0x0] =	vst.msk $0xff, v2  }
0x70e: {  	v2 =	vld [tilespmem:s0+$0x0];
	_ =	sdelay $0x4  }
0x70f: {  	v3 =	vshra.s32 v2, $0x1F;
	v4 =	vand.u32 $0xF, v2  }
0x710: {  	vm0 =	vlt.s32 v2, $0x1;
	v3 =	vshrl.u32 v3, $0x1C;
	vm1 =	vne.s32 v4, $0x0  }
0x711: {  	v2 =	vadd.s32 v3, v2;
	vm0 =	vmand vm0, vm1  }
0x712: {  	v2 =	vshrl.u32 v2, $0x4;
	v3 =	vsel vm0, $0xFFFFFFFF, v0  }
0x713: {  	v2 =	vadd.s32 v3, v2  }
0x714: {  	v2 =	vshll.u32 v2, $0x4  }
0x715: {  	(v2sf) =	vpush v2, $0x0;
	_ =	sdelay $0xe  }
0x716: {  	s6 =	spop (v2sf)  }
0x717: {  	s7 =	sshll.u32 s6, $0x3  }
0x718: {  	p0 =	sne.s32 s5, $0x0;
	s6 =	sand.u32 $0x70, s6;
	s7 =	sand.u32 $0xFFFFFC00, s7  }
.Ltmp5:
0x719: {  	s6 =	sor.u32 s6, s7;
	(pc) =	sbr.rel @p0 .LBB2_5-.Ltmp5, $4  }
0x71a: {  	s6 =	sshrl.u32 s6, $0x3  }
0x71b: {  	s6 =	sadd.s32 s1, s6  }
0x71c: {  	s12 =	sadd.s32 $0x10, s6;
	s8 =	sadd.s32 $0x20, s6  }
0x71d: {  	v3 =	vld [tilespmem:s31+$0x0];
	s9 =	sadd.s32 $0x30, s6;
	s7 =	sadd.s32 $0x40, s6;
	s5 =	sadd.s32 $0x50, s6  }
0x71e: {  	[tilespmem:s11], [sflag:$0x1] =	stream.linear.gather [hbm4b:s6+s4], $0x10, $0x38;
	[tilespmem:$0x10780] =	vst v63  }
0x71f: {  	s13 =	simm.s32 $0x580  }
0x720: {  	[tilespmem:s13], [sflag:$0x1] =	stream.linear.gather [hbm4b:s12+s4], $0x10, $0x38;
	[tilespmem:$0x10780] =	vst v63  }
0x721: {  	s13 =	simm.s32 $0x600  }
0x722: {  	[tilespmem:s13], [sflag:$0x1] =	stream.linear.gather [hbm4b:s8+s4], $0x10, $0x38;
	[tilespmem:$0x10780] =	vst v63  }
0x723: {  	s13 =	simm.s32 $0x680  }
0x724: {  	v4 =	vshra.s32 v3, $0x1F;
	v5 =	vand.u32 $0xF, v3;
	[tilespmem:s13], [sflag:$0x1] =	stream.linear.gather [hbm4b:s9+s4], $0x10, $0x38;
	[tilespmem:$0x10780] =	vst v63  }
0x725: {  	s12 =	simm.s32 $0x700;
	vm1 =	vlt.s32 v3, $0x1;
	vm0 =	vne.s32 v5, $0x0;
	v4 =	vshrl.u32 v4, $0x1C  }
0x726: {  	v3 =	vadd.s32 v4, v3;
	vm0 =	vmand vm1, vm0;
	[tilespmem:s12], [sflag:$0x1] =	stream.linear.gather [hbm4b:s7+s4], $0x10, $0x38;
	[tilespmem:$0x10780] =	vst v63  }
0x727: {  	s13 =	simm.s32 $0x780;
	v3 =	vshrl.u32 v3, $0x4;
	v63 =	vsel vm0, $0xFFFFFFFF, v0  }
0x728: {  	v3 =	vadd.s32 v63, v3;
	[tilespmem:s13], [sflag:$0x1] =	stream.linear.gather [hbm4b:s5+s4], $0x10, $0x38;
	[tilespmem:$0x10780] =	vst v63  }
0x729: {  	s8 =	sadd.s32 $0x60, s6;
	s9 =	simm.s32 $0x800;
	v3 =	vshll.u32 v3, $0x4  }
0x72a: {  	(v2sf) =	vpush v3, $0x0;
	[tilespmem:s9], [sflag:$0x1] =	stream.linear.gather [hbm4b:s8+s4], $0x10, $0x38;
	[tilespmem:$0x10780] =	vst v63  }
0x72b: {  	s12 =	sadd.s32 $0x70, s6;
	s13 =	simm.s32 $0x880  }
0x72c: {  	[tilespmem:s13], [sflag:$0x1] =	stream.linear.gather [hbm4b:s12+s4], $0x10, $0x38;
	[tilespmem:$0x10780] =	vst v63  }
0x72d: {  	s7 =	simm.s32 $0x900;
	s5 =	sadd.s32 $0xF4280, s6  }
0x72e: {  	[tilespmem:s7], [sflag:$0x1] =	stream.linear.gather [hbm4b:s5+s4], $0x10, $0x38;
	[tilespmem:$0x10780] =	vst v63  }
0x72f: {  	s8 =	sadd.s32 $0x10, s5;
	s9 =	simm.s32 $0x980  }
0x730: {  	[tilespmem:s9], [sflag:$0x1] =	stream.linear.gather [hbm4b:s8+s4], $0x10, $0x38;
	[tilespmem:$0x10780] =	vst v63  }
0x731: {  	s12 =	sadd.s32 $0x20, s5;
	s13 =	simm.s32 $0xA00  }
0x732: {  	[tilespmem:s13], [sflag:$0x1] =	stream.linear.gather [hbm4b:s12+s4], $0x10, $0x38;
	[tilespmem:$0x10780] =	vst v63  }
0x733: {  	s8 =	sadd.s32 $0x30, s5;
	s9 =	simm.s32 $0xA80  }
0x734: {  	[tilespmem:s9], [sflag:$0x1] =	stream.linear.gather [hbm4b:s8+s4], $0x10, $0x38;
	[tilespmem:$0x10780] =	vst v63  }
0x735: {  	s12 =	sadd.s32 $0x40, s5;
	s13 =	simm.s32 $0xB00  }
0x736: {  	[tilespmem:s13], [sflag:$0x1] =	stream.linear.gather [hbm4b:s12+s4], $0x10, $0x38;
	[tilespmem:$0x10780] =	vst v63  }
0x737: {  	s8 =	sadd.s32 $0x50, s5;
	s9 =	simm.s32 $0xB80  }
0x738: {  	[tilespmem:s9], [sflag:$0x1] =	stream.linear.gather [hbm4b:s8+s4], $0x10, $0x38;
	[tilespmem:$0x10780] =	vst v63  }
0x739: {  	s12 =	sadd.s32 $0x60, s5;
	s13 =	simm.s32 $0xC00;
	s8 =	spop (v2sf)  }
0x73a: {  	[tilespmem:s13], [sflag:$0x1] =	stream.linear.gather [hbm4b:s12+s4], $0x10, $0x38;
	[tilespmem:$0x10780] =	vst v63  }
0x73b: {  	s7 =	simm.s32 $0xC80;
	s5 =	sadd.s32 $0x70, s5;
	s9 =	sshll.u32 s8, $0x3  }
0x73c: {  	[tilespmem:s7], [sflag:$0x1] =	stream.linear.gather [hbm4b:s5+s4], $0x10, $0x38;
	[tilespmem:$0x10780] =	vst v63  }
0x73d: {  	s6 =	sand.u32 $0xFFFFFC00, s9;
	s5 =	sand.u32 $0x70, s8  }
0x73e: {  	s5 =	sor.u32 s5, s6  }
0x73f: {  	s5 =	sshrl.u32 s5, $0x3  }
0x740: {  	s5 =	sadd.s32 s2, s5  }
0x741: {  	[tilespmem:s28], [sflag:$0x1] =	stream.linear.gather [hbm4b:s5+s4], $0x10, $0x38;
	[tilespmem:$0x10780] =	vst v63  }
0x742: {  	s13 =	simm.s32 $0x8580;
	s12 =	sadd.s32 $0x10, s5  }
0x743: {  	[tilespmem:s13], [sflag:$0x1] =	stream.linear.gather [hbm4b:s12+s4], $0x10, $0x38;
	[tilespmem:$0x10780] =	vst v63  }
0x744: {  	s9 =	simm.s32 $0x8600;
	s8 =	sadd.s32 $0x20, s5  }
0x745: {  	[tilespmem:s9], [sflag:$0x1] =	stream.linear.gather [hbm4b:s8+s4], $0x10, $0x38;
	[tilespmem:$0x10780] =	vst v63  }
0x746: {  	s12 =	sadd.s32 $0x30, s5;
	s13 =	simm.s32 $0x8680  }
0x747: {  	[tilespmem:s13], [sflag:$0x1] =	stream.linear.gather [hbm4b:s12+s4], $0x10, $0x38;
	[tilespmem:$0x10780] =	vst v63  }
0x748: {  	s8 =	sadd.s32 $0x40, s5;
	s9 =	simm.s32 $0x8700  }
0x749: {  	[tilespmem:s9], [sflag:$0x1] =	stream.linear.gather [hbm4b:s8+s4], $0x10, $0x38;
	[tilespmem:$0x10780] =	vst v63  }
0x74a: {  	s12 =	sadd.s32 $0x50, s5;
	s13 =	simm.s32 $0x8780  }
0x74b: {  	[tilespmem:s13], [sflag:$0x1] =	stream.linear.gather [hbm4b:s12+s4], $0x10, $0x38;
	[tilespmem:$0x10780] =	vst v63  }
0x74c: {  	s8 =	sadd.s32 $0x60, s5;
	s9 =	simm.s32 $0x8800  }
0x74d: {  	(v2sf) =	vpush v2, $0x1;
	[tilespmem:s9], [sflag:$0x1] =	stream.linear.gather [hbm4b:s8+s4], $0x10, $0x38;
	[tilespmem:$0x10780] =	vst v63  }
0x74e: {  	s12 =	sadd.s32 $0x70, s5;
	s13 =	simm.s32 $0x8880  }
0x74f: {  	[tilespmem:s13], [sflag:$0x1] =	stream.linear.gather [hbm4b:s12+s4], $0x10, $0x38;
	[tilespmem:$0x10780] =	vst v63  }
0x750: {  	s7 =	simm.s32 $0x8900;
	s5 =	sadd.s32 $0xF4280, s5  }
0x751: {  	[tilespmem:s7], [sflag:$0x1] =	stream.linear.gather [hbm4b:s5+s4], $0x10, $0x38;
	[tilespmem:$0x10780] =	vst v63  }
0x752: {  	s8 =	sadd.s32 $0x10, s5;
	s9 =	simm.s32 $0x8980  }
0x753: {  	[tilespmem:s9], [sflag:$0x1] =	stream.linear.gather [hbm4b:s8+s4], $0x10, $0x38;
	[tilespmem:$0x10780] =	vst v63  }
0x754: {  	s12 =	sadd.s32 $0x20, s5;
	s13 =	simm.s32 $0x8A00  }
0x755: {  	[tilespmem:s13], [sflag:$0x1] =	stream.linear.gather [hbm4b:s12+s4], $0x10, $0x38;
	[tilespmem:$0x10780] =	vst v63  }
0x756: {  	s8 =	sadd.s32 $0x30, s5;
	s9 =	simm.s32 $0x8A80  }
0x757: {  	[tilespmem:s9], [sflag:$0x1] =	stream.linear.gather [hbm4b:s8+s4], $0x10, $0x38;
	[tilespmem:$0x10780] =	vst v63  }
0x758: {  	s12 =	sadd.s32 $0x40, s5;
	s13 =	simm.s32 $0x8B00  }
0x759: {  	[tilespmem:s13], [sflag:$0x1] =	stream.linear.gather [hbm4b:s12+s4], $0x10, $0x38;
	[tilespmem:$0x10780] =	vst v63  }
0x75a: {  	s7 =	sadd.s32 $0x50, s5;
	s8 =	simm.s32 $0x8B80  }
0x75b: {  	[tilespmem:s8], [sflag:$0x1] =	stream.linear.gather [hbm4b:s7+s4], $0x10, $0x38;
	[tilespmem:$0x10780] =	vst v63  }
0x75c: {  	s9 =	sadd.s32 $0x60, s5;
	s12 =	simm.s32 $0x8C00;
	s7 =	spop (v2sf)  }
0x75d: {  	[tilespmem:s12], [sflag:$0x1] =	stream.linear.gather [hbm4b:s9+s4], $0x10, $0x38;
	[tilespmem:$0x10780] =	vst v63  }
0x75e: {  	s5 =	sadd.s32 $0x70, s5;
	s13 =	simm.s32 $0x8C80;
	s8 =	sshll.u32 s7, $0x3  }
0x75f: {  	[tilespmem:s13], [sflag:$0x1] =	stream.linear.gather [hbm4b:s5+s4], $0x10, $0x38;
	[tilespmem:$0x10780] =	vst v63  }
0x760: {  	s6 =	sand.u32 $0xFFFFFC00, s8;
	s5 =	sand.u32 $0x70, s7  }
0x761: {  	s5 =	sor.u32 s5, s6  }
0x762: {  	s5 =	sshrl.u32 s5, $0x3  }
0x763: {  	s9 =	simm.s32 $0xD00;
	s5 =	sadd.s32 s1, s5  }
0x764: {  	[tilespmem:s9], [sflag:$0x1] =	stream.linear.gather [hbm4b:s5+s4], $0x10, $0x38;
	[tilespmem:$0x10780] =	vst v63  }
0x765: {  	s13 =	simm.s32 $0xD80;
	s12 =	sadd.s32 $0x10, s5  }
0x766: {  	[tilespmem:s13], [sflag:$0x1] =	stream.linear.gather [hbm4b:s12+s4], $0x10, $0x38;
	[tilespmem:$0x10780] =	vst v63  }
0x767: {  	s8 =	sadd.s32 $0x20, s5;
	s9 =	simm.s32 $0xE00  }
0x768: {  	[tilespmem:s9], [sflag:$0x1] =	stream.linear.gather [hbm4b:s8+s4], $0x10, $0x38;
	[tilespmem:$0x10780] =	vst v63  }
0x769: {  	s12 =	sadd.s32 $0x30, s5;
	s13 =	simm.s32 $0xE80  }
0x76a: {  	[tilespmem:s13], [sflag:$0x1] =	stream.linear.gather [hbm4b:s12+s4], $0x10, $0x38;
	[tilespmem:$0x10780] =	vst v63  }
0x76b: {  	s8 =	sadd.s32 $0x40, s5;
	s9 =	simm.s32 $0xF00  }
0x76c: {  	[tilespmem:s9], [sflag:$0x1] =	stream.linear.gather [hbm4b:s8+s4], $0x10, $0x38;
	[tilespmem:$0x10780] =	vst v63  }
0x76d: {  	s12 =	sadd.s32 $0x50, s5;
	s13 =	simm.s32 $0xF80  }
0x76e: {  	[tilespmem:s13], [sflag:$0x1] =	stream.linear.gather [hbm4b:s12+s4], $0x10, $0x38;
	[tilespmem:$0x10780] =	vst v63  }
0x76f: {  	s8 =	sadd.s32 $0x60, s5;
	s9 =	simm.s32 $0x1000  }
0x770: {  	(v2sf) =	vpush v3, $0x1;
	[tilespmem:s9], [sflag:$0x1] =	stream.linear.gather [hbm4b:s8+s4], $0x10, $0x38;
	[tilespmem:$0x10780] =	vst v63  }
0x771: {  	s12 =	sadd.s32 $0x70, s5;
	s13 =	simm.s32 $0x1080  }
0x772: {  	[tilespmem:s13], [sflag:$0x1] =	stream.linear.gather [hbm4b:s12+s4], $0x10, $0x38;
	[tilespmem:$0x10780] =	vst v63  }
0x773: {  	s7 =	simm.s32 $0x1100;
	s5 =	sadd.s32 $0xF4280, s5  }
0x774: {  	[tilespmem:s7], [sflag:$0x1] =	stream.linear.gather [hbm4b:s5+s4], $0x10, $0x38;
	[tilespmem:$0x10780] =	vst v63  }
0x775: {  	s8 =	sadd.s32 $0x10, s5;
	s9 =	simm.s32 $0x1180  }
0x776: {  	[tilespmem:s9], [sflag:$0x1] =	stream.linear.gather [hbm4b:s8+s4], $0x10, $0x38;
	[tilespmem:$0x10780] =	vst v63  }
0x777: {  	s12 =	sadd.s32 $0x20, s5;
	s13 =	simm.s32 $0x1200  }
0x778: {  	[tilespmem:s13], [sflag:$0x1] =	stream.linear.gather [hbm4b:s12+s4], $0x10, $0x38;
	[tilespmem:$0x10780] =	vst v63  }
0x779: {  	s8 =	sadd.s32 $0x30, s5;
	s9 =	simm.s32 $0x1280  }
0x77a: {  	[tilespmem:s9], [sflag:$0x1] =	stream.linear.gather [hbm4b:s8+s4], $0x10, $0x38;
	[tilespmem:$0x10780] =	vst v63  }
0x77b: {  	s12 =	sadd.s32 $0x40, s5;
	s13 =	simm.s32 $0x1300  }
0x77c: {  	[tilespmem:s13], [sflag:$0x1] =	stream.linear.gather [hbm4b:s12+s4], $0x10, $0x38;
	[tilespmem:$0x10780] =	vst v63  }
0x77d: {  	s7 =	sadd.s32 $0x50, s5;
	s8 =	simm.s32 $0x1380  }
0x77e: {  	[tilespmem:s8], [sflag:$0x1] =	stream.linear.gather [hbm4b:s7+s4], $0x10, $0x38;
	[tilespmem:$0x10780] =	vst v63  }
0x77f: {  	s9 =	sadd.s32 $0x60, s5;
	s12 =	simm.s32 $0x1400;
	s7 =	spop (v2sf)  }
0x780: {  	[tilespmem:s12], [sflag:$0x1] =	stream.linear.gather [hbm4b:s9+s4], $0x10, $0x38;
	[tilespmem:$0x10780] =	vst v63  }
0x781: {  	s5 =	sadd.s32 $0x70, s5;
	s13 =	simm.s32 $0x1480;
	s8 =	sshll.u32 s7, $0x3  }
0x782: {  	[tilespmem:s13], [sflag:$0x1] =	stream.linear.gather [hbm4b:s5+s4], $0x10, $0x38;
	[tilespmem:$0x10780] =	vst v63  }
0x783: {  	s6 =	sand.u32 $0xFFFFFC00, s8;
	s5 =	sand.u32 $0x70, s7  }
0x784: {  	s5 =	sor.u32 s5, s6  }
0x785: {  	s5 =	sshrl.u32 s5, $0x3  }
0x786: {  	s9 =	simm.s32 $0x8D00;
	s5 =	sadd.s32 s2, s5  }
0x787: {  	[tilespmem:s9], [sflag:$0x1] =	stream.linear.gather [hbm4b:s5+s4], $0x10, $0x38;
	[tilespmem:$0x10780] =	vst v63  }
0x788: {  	s13 =	simm.s32 $0x8D80;
	s12 =	sadd.s32 $0x10, s5  }
0x789: {  	[tilespmem:s13], [sflag:$0x1] =	stream.linear.gather [hbm4b:s12+s4], $0x10, $0x38;
	[tilespmem:$0x10780] =	vst v63  }
0x78a: {  	s8 =	sadd.s32 $0x20, s5;
	s9 =	simm.s32 $0x8E00  }
0x78b: {  	[tilespmem:s9], [sflag:$0x1] =	stream.linear.gather [hbm4b:s8+s4], $0x10, $0x38;
	[tilespmem:$0x10780] =	vst v63  }
0x78c: {  	s12 =	sadd.s32 $0x30, s5;
	s13 =	simm.s32 $0x8E80  }
0x78d: {  	[tilespmem:s13], [sflag:$0x1] =	stream.linear.gather [hbm4b:s12+s4], $0x10, $0x38;
	[tilespmem:$0x10780] =	vst v63  }
0x78e: {  	s8 =	sadd.s32 $0x40, s5;
	s9 =	simm.s32 $0x8F00  }
0x78f: {  	[tilespmem:s9], [sflag:$0x1] =	stream.linear.gather [hbm4b:s8+s4], $0x10, $0x38;
	[tilespmem:$0x10780] =	vst v63  }
0x790: {  	s12 =	sadd.s32 $0x50, s5;
	s13 =	simm.s32 $0x8F80  }
0x791: {  	[tilespmem:s13], [sflag:$0x1] =	stream.linear.gather [hbm4b:s12+s4], $0x10, $0x38;
	[tilespmem:$0x10780] =	vst v63  }
0x792: {  	s8 =	sadd.s32 $0x60, s5;
	s9 =	simm.s32 $0x9000  }
0x793: {  	(v2sf) =	vpush v2, $0x2;
	[tilespmem:s9], [sflag:$0x1] =	stream.linear.gather [hbm4b:s8+s4], $0x10, $0x38;
	[tilespmem:$0x10780] =	vst v63  }
0x794: {  	s12 =	sadd.s32 $0x70, s5;
	s13 =	simm.s32 $0x9080  }
0x795: {  	[tilespmem:s13], [sflag:$0x1] =	stream.linear.gather [hbm4b:s12+s4], $0x10, $0x38;
	[tilespmem:$0x10780] =	vst v63  }
0x796: {  	s7 =	simm.s32 $0x9100;
	s5 =	sadd.s32 $0xF4280, s5  }
0x797: {  	[tilespmem:s7], [sflag:$0x1] =	stream.linear.gather [hbm4b:s5+s4], $0x10, $0x38;
	[tilespmem:$0x10780] =	vst v63  }
0x798: {  	s8 =	sadd.s32 $0x10, s5;
	s9 =	simm.s32 $0x9180  }
0x799: {  	[tilespmem:s9], [sflag:$0x1] =	stream.linear.gather [hbm4b:s8+s4], $0x10, $0x38;
	[tilespmem:$0x10780] =	vst v63  }
0x79a: {  	s12 =	sadd.s32 $0x20, s5;
	s13 =	simm.s32 $0x9200  }
0x79b: {  	[tilespmem:s13], [sflag:$0x1] =	stream.linear.gather [hbm4b:s12+s4], $0x10, $0x38;
	[tilespmem:$0x10780] =	vst v63  }
0x79c: {  	s8 =	sadd.s32 $0x30, s5;
	s9 =	simm.s32 $0x9280  }
0x79d: {  	[tilespmem:s9], [sflag:$0x1] =	stream.linear.gather [hbm4b:s8+s4], $0x10, $0x38;
	[tilespmem:$0x10780] =	vst v63  }
0x79e: {  	s12 =	sadd.s32 $0x40, s5;
	s13 =	simm.s32 $0x9300  }
0x79f: {  	[tilespmem:s13], [sflag:$0x1] =	stream.linear.gather [hbm4b:s12+s4], $0x10, $0x38;
	[tilespmem:$0x10780] =	vst v63  }
0x7a0: {  	s7 =	sadd.s32 $0x50, s5;
	s8 =	simm.s32 $0x9380  }
0x7a1: {  	[tilespmem:s8], [sflag:$0x1] =	stream.linear.gather [hbm4b:s7+s4], $0x10, $0x38;
	[tilespmem:$0x10780] =	vst v63  }
0x7a2: {  	s9 =	sadd.s32 $0x60, s5;
	s12 =	simm.s32 $0x9400;
	s7 =	spop (v2sf)  }
0x7a3: {  	[tilespmem:s12], [sflag:$0x1] =	stream.linear.gather [hbm4b:s9+s4], $0x10, $0x38;
	[tilespmem:$0x10780] =	vst v63  }
0x7a4: {  	s5 =	sadd.s32 $0x70, s5;
	s13 =	simm.s32 $0x9480;
	s8 =	sshll.u32 s7, $0x3  }
0x7a5: {  	[tilespmem:s13], [sflag:$0x1] =	stream.linear.gather [hbm4b:s5+s4], $0x10, $0x38;
	[tilespmem:$0x10780] =	vst v63  }
0x7a6: {  	s6 =	sand.u32 $0xFFFFFC00, s8;
	s5 =	sand.u32 $0x70, s7  }
0x7a7: {  	s5 =	sor.u32 s5, s6  }
0x7a8: {  	s5 =	sshrl.u32 s5, $0x3  }
0x7a9: {  	s9 =	simm.s32 $0x1500;
	s5 =	sadd.s32 s1, s5  }
0x7aa: {  	[tilespmem:s9], [sflag:$0x1] =	stream.linear.gather [hbm4b:s5+s4], $0x10, $0x38;
	[tilespmem:$0x10780] =	vst v63  }
0x7ab: {  	s13 =	simm.s32 $0x1580;
	s12 =	sadd.s32 $0x10, s5  }
0x7ac: {  	[tilespmem:s13], [sflag:$0x1] =	stream.linear.gather [hbm4b:s12+s4], $0x10, $0x38;
	[tilespmem:$0x10780] =	vst v63  }
0x7ad: {  	s8 =	sadd.s32 $0x20, s5;
	s9 =	simm.s32 $0x1600  }
0x7ae: {  	[tilespmem:s9], [sflag:$0x1] =	stream.linear.gather [hbm4b:s8+s4], $0x10, $0x38;
	[tilespmem:$0x10780] =	vst v63  }
0x7af: {  	s12 =	sadd.s32 $0x30, s5;
	s13 =	simm.s32 $0x1680  }
0x7b0: {  	[tilespmem:s13], [sflag:$0x1] =	stream.linear.gather [hbm4b:s12+s4], $0x10, $0x38;
	[tilespmem:$0x10780] =	vst v63  }
0x7b1: {  	s8 =	sadd.s32 $0x40, s5;
	s9 =	simm.s32 $0x1700  }
0x7b2: {  	[tilespmem:s9], [sflag:$0x1] =	stream.linear.gather [hbm4b:s8+s4], $0x10, $0x38;
	[tilespmem:$0x10780] =	vst v63  }
0x7b3: {  	s12 =	sadd.s32 $0x50, s5;
	s13 =	simm.s32 $0x1780  }
0x7b4: {  	[tilespmem:s13], [sflag:$0x1] =	stream.linear.gather [hbm4b:s12+s4], $0x10, $0x38;
	[tilespmem:$0x10780] =	vst v63  }
0x7b5: {  	s8 =	sadd.s32 $0x60, s5;
	s9 =	simm.s32 $0x1800  }
0x7b6: {  	(v2sf) =	vpush v3, $0x2;
	[tilespmem:s9], [sflag:$0x1] =	stream.linear.gather [hbm4b:s8+s4], $0x10, $0x38;
	[tilespmem:$0x10780] =	vst v63  }
0x7b7: {  	s12 =	sadd.s32 $0x70, s5;
	s13 =	simm.s32 $0x1880  }
0x7b8: {  	[tilespmem:s13], [sflag:$0x1] =	stream.linear.gather [hbm4b:s12+s4], $0x10, $0x38;
	[tilespmem:$0x10780] =	vst v63  }
0x7b9: {  	s7 =	simm.s32 $0x1900;
	s5 =	sadd.s32 $0xF4280, s5  }
0x7ba: {  	[tilespmem:s7], [sflag:$0x1] =	stream.linear.gather [hbm4b:s5+s4], $0x10, $0x38;
	[tilespmem:$0x10780] =	vst v63  }
0x7bb: {  	s8 =	sadd.s32 $0x10, s5;
	s9 =	simm.s32 $0x1980  }
0x7bc: {  	[tilespmem:s9], [sflag:$0x1] =	stream.linear.gather [hbm4b:s8+s4], $0x10, $0x38;
	[tilespmem:$0x10780] =	vst v63  }
0x7bd: {  	s12 =	sadd.s32 $0x20, s5;
	s13 =	simm.s32 $0x1A00  }
0x7be: {  	[tilespmem:s13], [sflag:$0x1] =	stream.linear.gather [hbm4b:s12+s4], $0x10, $0x38;
	[tilespmem:$0x10780] =	vst v63  }
0x7bf: {  	s8 =	sadd.s32 $0x30, s5;
	s9 =	simm.s32 $0x1A80  }
0x7c0: {  	[tilespmem:s9], [sflag:$0x1] =	stream.linear.gather [hbm4b:s8+s4], $0x10, $0x38;
	[tilespmem:$0x10780] =	vst v63  }
0x7c1: {  	s12 =	sadd.s32 $0x40, s5;
	s13 =	simm.s32 $0x1B00  }
0x7c2: {  	[tilespmem:s13], [sflag:$0x1] =	stream.linear.gather [hbm4b:s12+s4], $0x10, $0x38;
	[tilespmem:$0x10780] =	vst v63  }
0x7c3: {  	s7 =	sadd.s32 $0x50, s5;
	s8 =	simm.s32 $0x1B80  }
0x7c4: {  	[tilespmem:s8], [sflag:$0x1] =	stream.linear.gather [hbm4b:s7+s4], $0x10, $0x38;
	[tilespmem:$0x10780] =	vst v63  }
0x7c5: {  	s9 =	sadd.s32 $0x60, s5;
	s12 =	simm.s32 $0x1C00;
	s7 =	spop (v2sf)  }
0x7c6: {  	[tilespmem:s12], [sflag:$0x1] =	stream.linear.gather [hbm4b:s9+s4], $0x10, $0x38;
	[tilespmem:$0x10780] =	vst v63  }
0x7c7: {  	s5 =	sadd.s32 $0x70, s5;
	s13 =	simm.s32 $0x1C80;
	s8 =	sshll.u32 s7, $0x3  }
0x7c8: {  	[tilespmem:s13], [sflag:$0x1] =	stream.linear.gather [hbm4b:s5+s4], $0x10, $0x38;
	[tilespmem:$0x10780] =	vst v63  }
0x7c9: {  	s6 =	sand.u32 $0xFFFFFC00, s8;
	s5 =	sand.u32 $0x70, s7  }
0x7ca: {  	s5 =	sor.u32 s5, s6  }
0x7cb: {  	s5 =	sshrl.u32 s5, $0x3  }
0x7cc: {  	s9 =	simm.s32 $0x9500;
	s5 =	sadd.s32 s2, s5  }
0x7cd: {  	[tilespmem:s9], [sflag:$0x1] =	stream.linear.gather [hbm4b:s5+s4], $0x10, $0x38;
	[tilespmem:$0x10780] =	vst v63  }
0x7ce: {  	s13 =	simm.s32 $0x9580;
	s12 =	sadd.s32 $0x10, s5  }
0x7cf: {  	[tilespmem:s13], [sflag:$0x1] =	stream.linear.gather [hbm4b:s12+s4], $0x10, $0x38;
	[tilespmem:$0x10780] =	vst v63  }
0x7d0: {  	s8 =	sadd.s32 $0x20, s5;
	s9 =	simm.s32 $0x9600  }
0x7d1: {  	[tilespmem:s9], [sflag:$0x1] =	stream.linear.gather [hbm4b:s8+s4], $0x10, $0x38;
	[tilespmem:$0x10780] =	vst v63  }
0x7d2: {  	s12 =	sadd.s32 $0x30, s5;
	s13 =	simm.s32 $0x9680  }
0x7d3: {  	[tilespmem:s13], [sflag:$0x1] =	stream.linear.gather [hbm4b:s12+s4], $0x10, $0x38;
	[tilespmem:$0x10780] =	vst v63  }
0x7d4: {  	s8 =	sadd.s32 $0x40, s5;
	s9 =	simm.s32 $0x9700  }
0x7d5: {  	[tilespmem:s9], [sflag:$0x1] =	stream.linear.gather [hbm4b:s8+s4], $0x10, $0x38;
	[tilespmem:$0x10780] =	vst v63  }
0x7d6: {  	s12 =	sadd.s32 $0x50, s5;
	s13 =	simm.s32 $0x9780  }
0x7d7: {  	[tilespmem:s13], [sflag:$0x1] =	stream.linear.gather [hbm4b:s12+s4], $0x10, $0x38;
	[tilespmem:$0x10780] =	vst v63  }
0x7d8: {  	s8 =	sadd.s32 $0x60, s5;
	s9 =	simm.s32 $0x9800  }
0x7d9: {  	(v2sf) =	vpush v2, $0x3;
	[tilespmem:s9], [sflag:$0x1] =	stream.linear.gather [hbm4b:s8+s4], $0x10, $0x38;
	[tilespmem:$0x10780] =	vst v63  }
0x7da: {  	s12 =	sadd.s32 $0x70, s5;
	s13 =	simm.s32 $0x9880  }
0x7db: {  	[tilespmem:s13], [sflag:$0x1] =	stream.linear.gather [hbm4b:s12+s4], $0x10, $0x38;
	[tilespmem:$0x10780] =	vst v63  }
0x7dc: {  	s7 =	simm.s32 $0x9900;
	s5 =	sadd.s32 $0xF4280, s5  }
0x7dd: {  	[tilespmem:s7], [sflag:$0x1] =	stream.linear.gather [hbm4b:s5+s4], $0x10, $0x38;
	[tilespmem:$0x10780] =	vst v63  }
0x7de: {  	s8 =	sadd.s32 $0x10, s5;
	s9 =	simm.s32 $0x9980  }
0x7df: {  	[tilespmem:s9], [sflag:$0x1] =	stream.linear.gather [hbm4b:s8+s4], $0x10, $0x38;
	[tilespmem:$0x10780] =	vst v63  }
0x7e0: {  	s12 =	sadd.s32 $0x20, s5;
	s13 =	simm.s32 $0x9A00  }
0x7e1: {  	[tilespmem:s13], [sflag:$0x1] =	stream.linear.gather [hbm4b:s12+s4], $0x10, $0x38;
	[tilespmem:$0x10780] =	vst v63  }
0x7e2: {  	s8 =	sadd.s32 $0x30, s5;
	s9 =	simm.s32 $0x9A80  }
0x7e3: {  	[tilespmem:s9], [sflag:$0x1] =	stream.linear.gather [hbm4b:s8+s4], $0x10, $0x38;
	[tilespmem:$0x10780] =	vst v63  }
0x7e4: {  	s12 =	sadd.s32 $0x40, s5;
	s13 =	simm.s32 $0x9B00  }
0x7e5: {  	[tilespmem:s13], [sflag:$0x1] =	stream.linear.gather [hbm4b:s12+s4], $0x10, $0x38;
	[tilespmem:$0x10780] =	vst v63  }
0x7e6: {  	s7 =	sadd.s32 $0x50, s5;
	s8 =	simm.s32 $0x9B80  }
0x7e7: {  	[tilespmem:s8], [sflag:$0x1] =	stream.linear.gather [hbm4b:s7+s4], $0x10, $0x38;
	[tilespmem:$0x10780] =	vst v63  }
0x7e8: {  	s9 =	sadd.s32 $0x60, s5;
	s12 =	simm.s32 $0x9C00;
	s7 =	spop (v2sf)  }
0x7e9: {  	[tilespmem:s12], [sflag:$0x1] =	stream.linear.gather [hbm4b:s9+s4], $0x10, $0x38;
	[tilespmem:$0x10780] =	vst v63  }
0x7ea: {  	s5 =	sadd.s32 $0x70, s5;
	s13 =	simm.s32 $0x9C80;
	s8 =	sshll.u32 s7, $0x3  }
0x7eb: {  	[tilespmem:s13], [sflag:$0x1] =	stream.linear.gather [hbm4b:s5+s4], $0x10, $0x38;
	[tilespmem:$0x10780] =	vst v63  }
0x7ec: {  	s6 =	sand.u32 $0xFFFFFC00, s8;
	s5 =	sand.u32 $0x70, s7  }
0x7ed: {  	s5 =	sor.u32 s5, s6  }
0x7ee: {  	s5 =	sshrl.u32 s5, $0x3  }
0x7ef: {  	s9 =	simm.s32 $0x1D00;
	s5 =	sadd.s32 s1, s5  }
0x7f0: {  	[tilespmem:s9], [sflag:$0x1] =	stream.linear.gather [hbm4b:s5+s4], $0x10, $0x38;
	[tilespmem:$0x10780] =	vst v63  }
0x7f1: {  	s13 =	simm.s32 $0x1D80;
	s12 =	sadd.s32 $0x10, s5  }
0x7f2: {  	[tilespmem:s13], [sflag:$0x1] =	stream.linear.gather [hbm4b:s12+s4], $0x10, $0x38;
	[tilespmem:$0x10780] =	vst v63  }
0x7f3: {  	s8 =	sadd.s32 $0x20, s5;
	s9 =	simm.s32 $0x1E00  }
0x7f4: {  	[tilespmem:s9], [sflag:$0x1] =	stream.linear.gather [hbm4b:s8+s4], $0x10, $0x38;
	[tilespmem:$0x10780] =	vst v63  }
0x7f5: {  	s12 =	sadd.s32 $0x30, s5;
	s13 =	simm.s32 $0x1E80  }
0x7f6: {  	[tilespmem:s13], [sflag:$0x1] =	stream.linear.gather [hbm4b:s12+s4], $0x10, $0x38;
	[tilespmem:$0x10780] =	vst v63  }
0x7f7: {  	s8 =	sadd.s32 $0x40, s5;
	s9 =	simm.s32 $0x1F00  }
0x7f8: {  	[tilespmem:s9], [sflag:$0x1] =	stream.linear.gather [hbm4b:s8+s4], $0x10, $0x38;
	[tilespmem:$0x10780] =	vst v63  }
0x7f9: {  	s12 =	sadd.s32 $0x50, s5;
	s13 =	simm.s32 $0x1F80  }
0x7fa: {  	[tilespmem:s13], [sflag:$0x1] =	stream.linear.gather [hbm4b:s12+s4], $0x10, $0x38;
	[tilespmem:$0x10780] =	vst v63  }
0x7fb: {  	s8 =	sadd.s32 $0x60, s5;
	s9 =	simm.s32 $0x2000  }
0x7fc: {  	(v2sf) =	vpush v3, $0x3;
	[tilespmem:s9], [sflag:$0x1] =	stream.linear.gather [hbm4b:s8+s4], $0x10, $0x38;
	[tilespmem:$0x10780] =	vst v63  }
0x7fd: {  	s12 =	sadd.s32 $0x70, s5;
	s13 =	simm.s32 $0x2080  }
0x7fe: {  	[tilespmem:s13], [sflag:$0x1] =	stream.linear.gather [hbm4b:s12+s4], $0x10, $0x38;
	[tilespmem:$0x10780] =	vst v63  }
0x7ff: {  	s7 =	simm.s32 $0x2100;
	s5 =	sadd.s32 $0xF4280, s5  }
0x800: {  	[tilespmem:s7], [sflag:$0x1] =	stream.linear.gather [hbm4b:s5+s4], $0x10, $0x38;
	[tilespmem:$0x10780] =	vst v63  }
0x801: {  	s8 =	sadd.s32 $0x10, s5;
	s9 =	simm.s32 $0x2180  }
0x802: {  	[tilespmem:s9], [sflag:$0x1] =	stream.linear.gather [hbm4b:s8+s4], $0x10, $0x38;
	[tilespmem:$0x10780] =	vst v63  }
0x803: {  	s12 =	sadd.s32 $0x20, s5;
	s13 =	simm.s32 $0x2200  }
0x804: {  	[tilespmem:s13], [sflag:$0x1] =	stream.linear.gather [hbm4b:s12+s4], $0x10, $0x38;
	[tilespmem:$0x10780] =	vst v63  }
0x805: {  	s8 =	sadd.s32 $0x30, s5;
	s9 =	simm.s32 $0x2280  }
0x806: {  	[tilespmem:s9], [sflag:$0x1] =	stream.linear.gather [hbm4b:s8+s4], $0x10, $0x38;
	[tilespmem:$0x10780] =	vst v63  }
0x807: {  	s12 =	sadd.s32 $0x40, s5;
	s13 =	simm.s32 $0x2300  }
0x808: {  	[tilespmem:s13], [sflag:$0x1] =	stream.linear.gather [hbm4b:s12+s4], $0x10, $0x38;
	[tilespmem:$0x10780] =	vst v63  }
0x809: {  	s7 =	sadd.s32 $0x50, s5;
	s8 =	simm.s32 $0x2380  }
0x80a: {  	[tilespmem:s8], [sflag:$0x1] =	stream.linear.gather [hbm4b:s7+s4], $0x10, $0x38;
	[tilespmem:$0x10780] =	vst v63  }
0x80b: {  	s9 =	sadd.s32 $0x60, s5;
	s12 =	simm.s32 $0x2400;
	s7 =	spop (v2sf)  }
0x80c: {  	[tilespmem:s12], [sflag:$0x1] =	stream.linear.gather [hbm4b:s9+s4], $0x10, $0x38;
	[tilespmem:$0x10780] =	vst v63  }
0x80d: {  	s5 =	sadd.s32 $0x70, s5;
	s13 =	simm.s32 $0x2480;
	s8 =	sshll.u32 s7, $0x3  }
0x80e: {  	[tilespmem:s13], [sflag:$0x1] =	stream.linear.gather [hbm4b:s5+s4], $0x10, $0x38;
	[tilespmem:$0x10780] =	vst v63  }
0x80f: {  	s6 =	sand.u32 $0xFFFFFC00, s8;
	s5 =	sand.u32 $0x70, s7  }
0x810: {  	s5 =	sor.u32 s5, s6  }
0x811: {  	s5 =	sshrl.u32 s5, $0x3  }
0x812: {  	s9 =	simm.s32 $0x9D00;
	s5 =	sadd.s32 s2, s5  }
0x813: {  	[tilespmem:s9], [sflag:$0x1] =	stream.linear.gather [hbm4b:s5+s4], $0x10, $0x38;
	[tilespmem:$0x10780] =	vst v63  }
0x814: {  	s13 =	simm.s32 $0x9D80;
	s12 =	sadd.s32 $0x10, s5  }
0x815: {  	[tilespmem:s13], [sflag:$0x1] =	stream.linear.gather [hbm4b:s12+s4], $0x10, $0x38;
	[tilespmem:$0x10780] =	vst v63  }
0x816: {  	s8 =	sadd.s32 $0x20, s5;
	s9 =	simm.s32 $0x9E00  }
0x817: {  	[tilespmem:s9], [sflag:$0x1] =	stream.linear.gather [hbm4b:s8+s4], $0x10, $0x38;
	[tilespmem:$0x10780] =	vst v63  }
0x818: {  	s12 =	sadd.s32 $0x30, s5;
	s13 =	simm.s32 $0x9E80  }
0x819: {  	[tilespmem:s13], [sflag:$0x1] =	stream.linear.gather [hbm4b:s12+s4], $0x10, $0x38;
	[tilespmem:$0x10780] =	vst v63  }
0x81a: {  	s8 =	sadd.s32 $0x40, s5;
	s9 =	simm.s32 $0x9F00  }
0x81b: {  	[tilespmem:s9], [sflag:$0x1] =	stream.linear.gather [hbm4b:s8+s4], $0x10, $0x38;
	[tilespmem:$0x10780] =	vst v63  }
0x81c: {  	s12 =	sadd.s32 $0x50, s5;
	s13 =	simm.s32 $0x9F80  }
0x81d: {  	[tilespmem:s13], [sflag:$0x1] =	stream.linear.gather [hbm4b:s12+s4], $0x10, $0x38;
	[tilespmem:$0x10780] =	vst v63  }
0x81e: {  	s8 =	sadd.s32 $0x60, s5;
	s9 =	simm.s32 $0xA000  }
0x81f: {  	(v2sf) =	vpush v2, $0x4;
	[tilespmem:s9], [sflag:$0x1] =	stream.linear.gather [hbm4b:s8+s4], $0x10, $0x38;
	[tilespmem:$0x10780] =	vst v63  }
0x820: {  	s12 =	sadd.s32 $0x70, s5;
	s13 =	simm.s32 $0xA080  }
0x821: {  	[tilespmem:s13], [sflag:$0x1] =	stream.linear.gather [hbm4b:s12+s4], $0x10, $0x38;
	[tilespmem:$0x10780] =	vst v63  }
0x822: {  	s7 =	simm.s32 $0xA100;
	s5 =	sadd.s32 $0xF4280, s5  }
0x823: {  	[tilespmem:s7], [sflag:$0x1] =	stream.linear.gather [hbm4b:s5+s4], $0x10, $0x38;
	[tilespmem:$0x10780] =	vst v63  }
0x824: {  	s8 =	sadd.s32 $0x10, s5;
	s9 =	simm.s32 $0xA180  }
0x825: {  	[tilespmem:s9], [sflag:$0x1] =	stream.linear.gather [hbm4b:s8+s4], $0x10, $0x38;
	[tilespmem:$0x10780] =	vst v63  }
0x826: {  	s12 =	sadd.s32 $0x20, s5;
	s13 =	simm.s32 $0xA200  }
0x827: {  	[tilespmem:s13], [sflag:$0x1] =	stream.linear.gather [hbm4b:s12+s4], $0x10, $0x38;
	[tilespmem:$0x10780] =	vst v63  }
0x828: {  	s8 =	sadd.s32 $0x30, s5;
	s9 =	simm.s32 $0xA280  }
0x829: {  	[tilespmem:s9], [sflag:$0x1] =	stream.linear.gather [hbm4b:s8+s4], $0x10, $0x38;
	[tilespmem:$0x10780] =	vst v63  }
0x82a: {  	s12 =	sadd.s32 $0x40, s5;
	s13 =	simm.s32 $0xA300  }
0x82b: {  	[tilespmem:s13], [sflag:$0x1] =	stream.linear.gather [hbm4b:s12+s4], $0x10, $0x38;
	[tilespmem:$0x10780] =	vst v63  }
0x82c: {  	s7 =	sadd.s32 $0x50, s5;
	s8 =	simm.s32 $0xA380  }
0x82d: {  	[tilespmem:s8], [sflag:$0x1] =	stream.linear.gather [hbm4b:s7+s4], $0x10, $0x38;
	[tilespmem:$0x10780] =	vst v63  }
0x82e: {  	s9 =	sadd.s32 $0x60, s5;
	s12 =	simm.s32 $0xA400;
	s7 =	spop (v2sf)  }
0x82f: {  	[tilespmem:s12], [sflag:$0x1] =	stream.linear.gather [hbm4b:s9+s4], $0x10, $0x38;
	[tilespmem:$0x10780] =	vst v63  }
0x830: {  	s5 =	sadd.s32 $0x70, s5;
	s13 =	simm.s32 $0xA480;
	s8 =	sshll.u32 s7, $0x3  }
0x831: {  	[tilespmem:s13], [sflag:$0x1] =	stream.linear.gather [hbm4b:s5+s4], $0x10, $0x38;
	[tilespmem:$0x10780] =	vst v63  }
0x832: {  	s6 =	sand.u32 $0xFFFFFC00, s8;
	s5 =	sand.u32 $0x70, s7  }
0x833: {  	s5 =	sor.u32 s5, s6  }
0x834: {  	s5 =	sshrl.u32 s5, $0x3  }
0x835: {  	s9 =	simm.s32 $0x2500;
	s5 =	sadd.s32 s1, s5  }
0x836: {  	[tilespmem:s9], [sflag:$0x1] =	stream.linear.gather [hbm4b:s5+s4], $0x10, $0x38;
	[tilespmem:$0x10780] =	vst v63  }
0x837: {  	s13 =	simm.s32 $0x2580;
	s12 =	sadd.s32 $0x10, s5  }
0x838: {  	[tilespmem:s13], [sflag:$0x1] =	stream.linear.gather [hbm4b:s12+s4], $0x10, $0x38;
	[tilespmem:$0x10780] =	vst v63  }
0x839: {  	s8 =	sadd.s32 $0x20, s5;
	s9 =	simm.s32 $0x2600  }
0x83a: {  	[tilespmem:s9], [sflag:$0x1] =	stream.linear.gather [hbm4b:s8+s4], $0x10, $0x38;
	[tilespmem:$0x10780] =	vst v63  }
0x83b: {  	s12 =	sadd.s32 $0x30, s5;
	s13 =	simm.s32 $0x2680  }
0x83c: {  	[tilespmem:s13], [sflag:$0x1] =	stream.linear.gather [hbm4b:s12+s4], $0x10, $0x38;
	[tilespmem:$0x10780] =	vst v63  }
0x83d: {  	s8 =	sadd.s32 $0x40, s5;
	s9 =	simm.s32 $0x2700  }
0x83e: {  	[tilespmem:s9], [sflag:$0x1] =	stream.linear.gather [hbm4b:s8+s4], $0x10, $0x38;
	[tilespmem:$0x10780] =	vst v63  }
0x83f: {  	s12 =	sadd.s32 $0x50, s5;
	s13 =	simm.s32 $0x2780  }
0x840: {  	[tilespmem:s13], [sflag:$0x1] =	stream.linear.gather [hbm4b:s12+s4], $0x10, $0x38;
	[tilespmem:$0x10780] =	vst v63  }
0x841: {  	s8 =	sadd.s32 $0x60, s5;
	s9 =	simm.s32 $0x2800  }
0x842: {  	(v2sf) =	vpush v3, $0x4;
	[tilespmem:s9], [sflag:$0x1] =	stream.linear.gather [hbm4b:s8+s4], $0x10, $0x38;
	[tilespmem:$0x10780] =	vst v63  }
0x843: {  	s12 =	sadd.s32 $0x70, s5;
	s13 =	simm.s32 $0x2880  }
0x844: {  	[tilespmem:s13], [sflag:$0x1] =	stream.linear.gather [hbm4b:s12+s4], $0x10, $0x38;
	[tilespmem:$0x10780] =	vst v63  }
0x845: {  	s7 =	simm.s32 $0x2900;
	s5 =	sadd.s32 $0xF4280, s5  }
0x846: {  	[tilespmem:s7], [sflag:$0x1] =	stream.linear.gather [hbm4b:s5+s4], $0x10, $0x38;
	[tilespmem:$0x10780] =	vst v63  }
0x847: {  	s8 =	sadd.s32 $0x10, s5;
	s9 =	simm.s32 $0x2980  }
0x848: {  	[tilespmem:s9], [sflag:$0x1] =	stream.linear.gather [hbm4b:s8+s4], $0x10, $0x38;
	[tilespmem:$0x10780] =	vst v63  }
0x849: {  	s12 =	sadd.s32 $0x20, s5;
	s13 =	simm.s32 $0x2A00  }
0x84a: {  	[tilespmem:s13], [sflag:$0x1] =	stream.linear.gather [hbm4b:s12+s4], $0x10, $0x38;
	[tilespmem:$0x10780] =	vst v63  }
0x84b: {  	s8 =	sadd.s32 $0x30, s5;
	s9 =	simm.s32 $0x2A80  }
0x84c: {  	[tilespmem:s9], [sflag:$0x1] =	stream.linear.gather [hbm4b:s8+s4], $0x10, $0x38;
	[tilespmem:$0x10780] =	vst v63  }
0x84d: {  	s12 =	sadd.s32 $0x40, s5;
	s13 =	simm.s32 $0x2B00  }
0x84e: {  	[tilespmem:s13], [sflag:$0x1] =	stream.linear.gather [hbm4b:s12+s4], $0x10, $0x38;
	[tilespmem:$0x10780] =	vst v63  }
0x84f: {  	s7 =	sadd.s32 $0x50, s5;
	s8 =	simm.s32 $0x2B80  }
0x850: {  	[tilespmem:s8], [sflag:$0x1] =	stream.linear.gather [hbm4b:s7+s4], $0x10, $0x38;
	[tilespmem:$0x10780] =	vst v63  }
0x851: {  	s9 =	sadd.s32 $0x60, s5;
	s12 =	simm.s32 $0x2C00;
	s7 =	spop (v2sf)  }
0x852: {  	[tilespmem:s12], [sflag:$0x1] =	stream.linear.gather [hbm4b:s9+s4], $0x10, $0x38;
	[tilespmem:$0x10780] =	vst v63  }
0x853: {  	s5 =	sadd.s32 $0x70, s5;
	s13 =	simm.s32 $0x2C80;
	s8 =	sshll.u32 s7, $0x3  }
0x854: {  	[tilespmem:s13], [sflag:$0x1] =	stream.linear.gather [hbm4b:s5+s4], $0x10, $0x38;
	[tilespmem:$0x10780] =	vst v63  }
0x855: {  	s6 =	sand.u32 $0xFFFFFC00, s8;
	s5 =	sand.u32 $0x70, s7  }
0x856: {  	s5 =	sor.u32 s5, s6  }
0x857: {  	s5 =	sshrl.u32 s5, $0x3  }
0x858: {  	s9 =	simm.s32 $0xA500;
	s5 =	sadd.s32 s2, s5  }
0x859: {  	[tilespmem:s9], [sflag:$0x1] =	stream.linear.gather [hbm4b:s5+s4], $0x10, $0x38;
	[tilespmem:$0x10780] =	vst v63  }
0x85a: {  	s13 =	simm.s32 $0xA580;
	s12 =	sadd.s32 $0x10, s5  }
0x85b: {  	[tilespmem:s13], [sflag:$0x1] =	stream.linear.gather [hbm4b:s12+s4], $0x10, $0x38;
	[tilespmem:$0x10780] =	vst v63  }
0x85c: {  	s8 =	sadd.s32 $0x20, s5;
	s9 =	simm.s32 $0xA600  }
0x85d: {  	[tilespmem:s9], [sflag:$0x1] =	stream.linear.gather [hbm4b:s8+s4], $0x10, $0x38;
	[tilespmem:$0x10780] =	vst v63  }
0x85e: {  	s12 =	sadd.s32 $0x30, s5;
	s13 =	simm.s32 $0xA680  }
0x85f: {  	[tilespmem:s13], [sflag:$0x1] =	stream.linear.gather [hbm4b:s12+s4], $0x10, $0x38;
	[tilespmem:$0x10780] =	vst v63  }
0x860: {  	s8 =	sadd.s32 $0x40, s5;
	s9 =	simm.s32 $0xA700  }
0x861: {  	[tilespmem:s9], [sflag:$0x1] =	stream.linear.gather [hbm4b:s8+s4], $0x10, $0x38;
	[tilespmem:$0x10780] =	vst v63  }
0x862: {  	s12 =	sadd.s32 $0x50, s5;
	s13 =	simm.s32 $0xA780  }
0x863: {  	[tilespmem:s13], [sflag:$0x1] =	stream.linear.gather [hbm4b:s12+s4], $0x10, $0x38;
	[tilespmem:$0x10780] =	vst v63  }
0x864: {  	s8 =	sadd.s32 $0x60, s5;
	s9 =	simm.s32 $0xA800  }
0x865: {  	(v2sf) =	vpush v2, $0x5;
	[tilespmem:s9], [sflag:$0x1] =	stream.linear.gather [hbm4b:s8+s4], $0x10, $0x38;
	[tilespmem:$0x10780] =	vst v63  }
0x866: {  	s12 =	sadd.s32 $0x70, s5;
	s13 =	simm.s32 $0xA880  }
0x867: {  	[tilespmem:s13], [sflag:$0x1] =	stream.linear.gather [hbm4b:s12+s4], $0x10, $0x38;
	[tilespmem:$0x10780] =	vst v63  }
0x868: {  	s7 =	simm.s32 $0xA900;
	s5 =	sadd.s32 $0xF4280, s5  }
0x869: {  	[tilespmem:s7], [sflag:$0x1] =	stream.linear.gather [hbm4b:s5+s4], $0x10, $0x38;
	[tilespmem:$0x10780] =	vst v63  }
0x86a: {  	s8 =	sadd.s32 $0x10, s5;
	s9 =	simm.s32 $0xA980  }
0x86b: {  	[tilespmem:s9], [sflag:$0x1] =	stream.linear.gather [hbm4b:s8+s4], $0x10, $0x38;
	[tilespmem:$0x10780] =	vst v63  }
0x86c: {  	s12 =	sadd.s32 $0x20, s5;
	s13 =	simm.s32 $0xAA00  }
0x86d: {  	[tilespmem:s13], [sflag:$0x1] =	stream.linear.gather [hbm4b:s12+s4], $0x10, $0x38;
	[tilespmem:$0x10780] =	vst v63  }
0x86e: {  	s8 =	sadd.s32 $0x30, s5;
	s9 =	simm.s32 $0xAA80  }
0x86f: {  	[tilespmem:s9], [sflag:$0x1] =	stream.linear.gather [hbm4b:s8+s4], $0x10, $0x38;
	[tilespmem:$0x10780] =	vst v63  }
0x870: {  	s12 =	sadd.s32 $0x40, s5;
	s13 =	simm.s32 $0xAB00  }
0x871: {  	[tilespmem:s13], [sflag:$0x1] =	stream.linear.gather [hbm4b:s12+s4], $0x10, $0x38;
	[tilespmem:$0x10780] =	vst v63  }
0x872: {  	s7 =	sadd.s32 $0x50, s5;
	s8 =	simm.s32 $0xAB80  }
0x873: {  	[tilespmem:s8], [sflag:$0x1] =	stream.linear.gather [hbm4b:s7+s4], $0x10, $0x38;
	[tilespmem:$0x10780] =	vst v63  }
0x874: {  	s9 =	sadd.s32 $0x60, s5;
	s12 =	simm.s32 $0xAC00;
	s7 =	spop (v2sf)  }
0x875: {  	[tilespmem:s12], [sflag:$0x1] =	stream.linear.gather [hbm4b:s9+s4], $0x10, $0x38;
	[tilespmem:$0x10780] =	vst v63  }
0x876: {  	s5 =	sadd.s32 $0x70, s5;
	s13 =	simm.s32 $0xAC80;
	s8 =	sshll.u32 s7, $0x3  }
0x877: {  	[tilespmem:s13], [sflag:$0x1] =	stream.linear.gather [hbm4b:s5+s4], $0x10, $0x38;
	[tilespmem:$0x10780] =	vst v63  }
0x878: {  	s6 =	sand.u32 $0xFFFFFC00, s8;
	s5 =	sand.u32 $0x70, s7  }
0x879: {  	s5 =	sor.u32 s5, s6  }
0x87a: {  	s5 =	sshrl.u32 s5, $0x3  }
0x87b: {  	s9 =	simm.s32 $0x2D00;
	s5 =	sadd.s32 s1, s5  }
0x87c: {  	[tilespmem:s9], [sflag:$0x1] =	stream.linear.gather [hbm4b:s5+s4], $0x10, $0x38;
	[tilespmem:$0x10780] =	vst v63  }
0x87d: {  	s13 =	simm.s32 $0x2D80;
	s12 =	sadd.s32 $0x10, s5  }
0x87e: {  	[tilespmem:s13], [sflag:$0x1] =	stream.linear.gather [hbm4b:s12+s4], $0x10, $0x38;
	[tilespmem:$0x10780] =	vst v63  }
0x87f: {  	s8 =	sadd.s32 $0x20, s5;
	s9 =	simm.s32 $0x2E00  }
0x880: {  	[tilespmem:s9], [sflag:$0x1] =	stream.linear.gather [hbm4b:s8+s4], $0x10, $0x38;
	[tilespmem:$0x10780] =	vst v63  }
0x881: {  	s12 =	sadd.s32 $0x30, s5;
	s13 =	simm.s32 $0x2E80  }
0x882: {  	[tilespmem:s13], [sflag:$0x1] =	stream.linear.gather [hbm4b:s12+s4], $0x10, $0x38;
	[tilespmem:$0x10780] =	vst v63  }
0x883: {  	s8 =	sadd.s32 $0x40, s5;
	s9 =	simm.s32 $0x2F00  }
0x884: {  	[tilespmem:s9], [sflag:$0x1] =	stream.linear.gather [hbm4b:s8+s4], $0x10, $0x38;
	[tilespmem:$0x10780] =	vst v63  }
0x885: {  	s12 =	sadd.s32 $0x50, s5;
	s13 =	simm.s32 $0x2F80  }
0x886: {  	[tilespmem:s13], [sflag:$0x1] =	stream.linear.gather [hbm4b:s12+s4], $0x10, $0x38;
	[tilespmem:$0x10780] =	vst v63  }
0x887: {  	s8 =	sadd.s32 $0x60, s5;
	s9 =	simm.s32 $0x3000  }
0x888: {  	(v2sf) =	vpush v3, $0x5;
	[tilespmem:s9], [sflag:$0x1] =	stream.linear.gather [hbm4b:s8+s4], $0x10, $0x38;
	[tilespmem:$0x10780] =	vst v63  }
0x889: {  	s12 =	sadd.s32 $0x70, s5;
	s13 =	simm.s32 $0x3080  }
0x88a: {  	[tilespmem:s13], [sflag:$0x1] =	stream.linear.gather [hbm4b:s12+s4], $0x10, $0x38;
	[tilespmem:$0x10780] =	vst v63  }
0x88b: {  	s7 =	simm.s32 $0x3100;
	s5 =	sadd.s32 $0xF4280, s5  }
0x88c: {  	[tilespmem:s7], [sflag:$0x1] =	stream.linear.gather [hbm4b:s5+s4], $0x10, $0x38;
	[tilespmem:$0x10780] =	vst v63  }
0x88d: {  	s8 =	sadd.s32 $0x10, s5;
	s9 =	simm.s32 $0x3180  }
0x88e: {  	[tilespmem:s9], [sflag:$0x1] =	stream.linear.gather [hbm4b:s8+s4], $0x10, $0x38;
	[tilespmem:$0x10780] =	vst v63  }
0x88f: {  	s12 =	sadd.s32 $0x20, s5;
	s13 =	simm.s32 $0x3200  }
0x890: {  	[tilespmem:s13], [sflag:$0x1] =	stream.linear.gather [hbm4b:s12+s4], $0x10, $0x38;
	[tilespmem:$0x10780] =	vst v63  }
0x891: {  	s8 =	sadd.s32 $0x30, s5;
	s9 =	simm.s32 $0x3280  }
0x892: {  	[tilespmem:s9], [sflag:$0x1] =	stream.linear.gather [hbm4b:s8+s4], $0x10, $0x38;
	[tilespmem:$0x10780] =	vst v63  }
0x893: {  	s12 =	sadd.s32 $0x40, s5;
	s13 =	simm.s32 $0x3300  }
0x894: {  	[tilespmem:s13], [sflag:$0x1] =	stream.linear.gather [hbm4b:s12+s4], $0x10, $0x38;
	[tilespmem:$0x10780] =	vst v63  }
0x895: {  	s7 =	sadd.s32 $0x50, s5;
	s8 =	simm.s32 $0x3380  }
0x896: {  	[tilespmem:s8], [sflag:$0x1] =	stream.linear.gather [hbm4b:s7+s4], $0x10, $0x38;
	[tilespmem:$0x10780] =	vst v63  }
0x897: {  	s9 =	sadd.s32 $0x60, s5;
	s12 =	simm.s32 $0x3400;
	s7 =	spop (v2sf)  }
0x898: {  	[tilespmem:s12], [sflag:$0x1] =	stream.linear.gather [hbm4b:s9+s4], $0x10, $0x38;
	[tilespmem:$0x10780] =	vst v63  }
0x899: {  	s5 =	sadd.s32 $0x70, s5;
	s13 =	simm.s32 $0x3480;
	s8 =	sshll.u32 s7, $0x3  }
0x89a: {  	[tilespmem:s13], [sflag:$0x1] =	stream.linear.gather [hbm4b:s5+s4], $0x10, $0x38;
	[tilespmem:$0x10780] =	vst v63  }
0x89b: {  	s6 =	sand.u32 $0xFFFFFC00, s8;
	s5 =	sand.u32 $0x70, s7  }
0x89c: {  	s5 =	sor.u32 s5, s6  }
0x89d: {  	s5 =	sshrl.u32 s5, $0x3  }
0x89e: {  	s9 =	simm.s32 $0xAD00;
	s5 =	sadd.s32 s2, s5  }
0x89f: {  	[tilespmem:s9], [sflag:$0x1] =	stream.linear.gather [hbm4b:s5+s4], $0x10, $0x38;
	[tilespmem:$0x10780] =	vst v63  }
0x8a0: {  	s13 =	simm.s32 $0xAD80;
	s12 =	sadd.s32 $0x10, s5  }
0x8a1: {  	[tilespmem:s13], [sflag:$0x1] =	stream.linear.gather [hbm4b:s12+s4], $0x10, $0x38;
	[tilespmem:$0x10780] =	vst v63  }
0x8a2: {  	s8 =	sadd.s32 $0x20, s5;
	s9 =	simm.s32 $0xAE00  }
0x8a3: {  	[tilespmem:s9], [sflag:$0x1] =	stream.linear.gather [hbm4b:s8+s4], $0x10, $0x38;
	[tilespmem:$0x10780] =	vst v63  }
0x8a4: {  	s12 =	sadd.s32 $0x30, s5;
	s13 =	simm.s32 $0xAE80  }
0x8a5: {  	[tilespmem:s13], [sflag:$0x1] =	stream.linear.gather [hbm4b:s12+s4], $0x10, $0x38;
	[tilespmem:$0x10780] =	vst v63  }
0x8a6: {  	s8 =	sadd.s32 $0x40, s5;
	s9 =	simm.s32 $0xAF00  }
0x8a7: {  	[tilespmem:s9], [sflag:$0x1] =	stream.linear.gather [hbm4b:s8+s4], $0x10, $0x38;
	[tilespmem:$0x10780] =	vst v63  }
0x8a8: {  	s12 =	sadd.s32 $0x50, s5;
	s13 =	simm.s32 $0xAF80  }
0x8a9: {  	[tilespmem:s13], [sflag:$0x1] =	stream.linear.gather [hbm4b:s12+s4], $0x10, $0x38;
	[tilespmem:$0x10780] =	vst v63  }
0x8aa: {  	s8 =	sadd.s32 $0x60, s5;
	s9 =	simm.s32 $0xB000  }
0x8ab: {  	(v2sf) =	vpush v2, $0x6;
	[tilespmem:s9], [sflag:$0x1] =	stream.linear.gather [hbm4b:s8+s4], $0x10, $0x38;
	[tilespmem:$0x10780] =	vst v63  }
0x8ac: {  	s12 =	sadd.s32 $0x70, s5;
	s13 =	simm.s32 $0xB080  }
0x8ad: {  	[tilespmem:s13], [sflag:$0x1] =	stream.linear.gather [hbm4b:s12+s4], $0x10, $0x38;
	[tilespmem:$0x10780] =	vst v63  }
0x8ae: {  	s7 =	simm.s32 $0xB100;
	s5 =	sadd.s32 $0xF4280, s5  }
0x8af: {  	[tilespmem:s7], [sflag:$0x1] =	stream.linear.gather [hbm4b:s5+s4], $0x10, $0x38;
	[tilespmem:$0x10780] =	vst v63  }
0x8b0: {  	s8 =	sadd.s32 $0x10, s5;
	s9 =	simm.s32 $0xB180  }
0x8b1: {  	[tilespmem:s9], [sflag:$0x1] =	stream.linear.gather [hbm4b:s8+s4], $0x10, $0x38;
	[tilespmem:$0x10780] =	vst v63  }
0x8b2: {  	s12 =	sadd.s32 $0x20, s5;
	s13 =	simm.s32 $0xB200  }
0x8b3: {  	[tilespmem:s13], [sflag:$0x1] =	stream.linear.gather [hbm4b:s12+s4], $0x10, $0x38;
	[tilespmem:$0x10780] =	vst v63  }
0x8b4: {  	s8 =	sadd.s32 $0x30, s5;
	s9 =	simm.s32 $0xB280  }
0x8b5: {  	[tilespmem:s9], [sflag:$0x1] =	stream.linear.gather [hbm4b:s8+s4], $0x10, $0x38;
	[tilespmem:$0x10780] =	vst v63  }
0x8b6: {  	s12 =	sadd.s32 $0x40, s5;
	s13 =	simm.s32 $0xB300  }
0x8b7: {  	[tilespmem:s13], [sflag:$0x1] =	stream.linear.gather [hbm4b:s12+s4], $0x10, $0x38;
	[tilespmem:$0x10780] =	vst v63  }
0x8b8: {  	s7 =	sadd.s32 $0x50, s5;
	s8 =	simm.s32 $0xB380  }
0x8b9: {  	[tilespmem:s8], [sflag:$0x1] =	stream.linear.gather [hbm4b:s7+s4], $0x10, $0x38;
	[tilespmem:$0x10780] =	vst v63  }
0x8ba: {  	s9 =	sadd.s32 $0x60, s5;
	s12 =	simm.s32 $0xB400;
	s7 =	spop (v2sf)  }
0x8bb: {  	[tilespmem:s12], [sflag:$0x1] =	stream.linear.gather [hbm4b:s9+s4], $0x10, $0x38;
	[tilespmem:$0x10780] =	vst v63  }
0x8bc: {  	s5 =	sadd.s32 $0x70, s5;
	s13 =	simm.s32 $0xB480;
	s8 =	sshll.u32 s7, $0x3  }
0x8bd: {  	[tilespmem:s13], [sflag:$0x1] =	stream.linear.gather [hbm4b:s5+s4], $0x10, $0x38;
	[tilespmem:$0x10780] =	vst v63  }
0x8be: {  	s6 =	sand.u32 $0xFFFFFC00, s8;
	s5 =	sand.u32 $0x70, s7  }
0x8bf: {  	s5 =	sor.u32 s5, s6  }
0x8c0: {  	s5 =	sshrl.u32 s5, $0x3  }
0x8c1: {  	s9 =	simm.s32 $0x3500;
	s5 =	sadd.s32 s1, s5  }
0x8c2: {  	[tilespmem:s9], [sflag:$0x1] =	stream.linear.gather [hbm4b:s5+s4], $0x10, $0x38;
	[tilespmem:$0x10780] =	vst v63  }
0x8c3: {  	s13 =	simm.s32 $0x3580;
	s12 =	sadd.s32 $0x10, s5  }
0x8c4: {  	[tilespmem:s13], [sflag:$0x1] =	stream.linear.gather [hbm4b:s12+s4], $0x10, $0x38;
	[tilespmem:$0x10780] =	vst v63  }
0x8c5: {  	s8 =	sadd.s32 $0x20, s5;
	s9 =	simm.s32 $0x3600  }
0x8c6: {  	[tilespmem:s9], [sflag:$0x1] =	stream.linear.gather [hbm4b:s8+s4], $0x10, $0x38;
	[tilespmem:$0x10780] =	vst v63  }
0x8c7: {  	s12 =	sadd.s32 $0x30, s5;
	s13 =	simm.s32 $0x3680  }
0x8c8: {  	[tilespmem:s13], [sflag:$0x1] =	stream.linear.gather [hbm4b:s12+s4], $0x10, $0x38;
	[tilespmem:$0x10780] =	vst v63  }
0x8c9: {  	s8 =	sadd.s32 $0x40, s5;
	s9 =	simm.s32 $0x3700  }
0x8ca: {  	[tilespmem:s9], [sflag:$0x1] =	stream.linear.gather [hbm4b:s8+s4], $0x10, $0x38;
	[tilespmem:$0x10780] =	vst v63  }
0x8cb: {  	s12 =	sadd.s32 $0x50, s5;
	s13 =	simm.s32 $0x3780  }
0x8cc: {  	[tilespmem:s13], [sflag:$0x1] =	stream.linear.gather [hbm4b:s12+s4], $0x10, $0x38;
	[tilespmem:$0x10780] =	vst v63  }
0x8cd: {  	s8 =	sadd.s32 $0x60, s5;
	s9 =	simm.s32 $0x3800  }
0x8ce: {  	(v2sf) =	vpush v3, $0x6;
	[tilespmem:s9], [sflag:$0x1] =	stream.linear.gather [hbm4b:s8+s4], $0x10, $0x38;
	[tilespmem:$0x10780] =	vst v63  }
0x8cf: {  	s12 =	sadd.s32 $0x70, s5;
	s13 =	simm.s32 $0x3880  }
0x8d0: {  	[tilespmem:s13], [sflag:$0x1] =	stream.linear.gather [hbm4b:s12+s4], $0x10, $0x38;
	[tilespmem:$0x10780] =	vst v63  }
0x8d1: {  	s7 =	simm.s32 $0x3900;
	s5 =	sadd.s32 $0xF4280, s5  }
0x8d2: {  	[tilespmem:s7], [sflag:$0x1] =	stream.linear.gather [hbm4b:s5+s4], $0x10, $0x38;
	[tilespmem:$0x10780] =	vst v63  }
0x8d3: {  	s8 =	sadd.s32 $0x10, s5;
	s9 =	simm.s32 $0x3980  }
0x8d4: {  	[tilespmem:s9], [sflag:$0x1] =	stream.linear.gather [hbm4b:s8+s4], $0x10, $0x38;
	[tilespmem:$0x10780] =	vst v63  }
0x8d5: {  	s12 =	sadd.s32 $0x20, s5;
	s13 =	simm.s32 $0x3A00  }
0x8d6: {  	[tilespmem:s13], [sflag:$0x1] =	stream.linear.gather [hbm4b:s12+s4], $0x10, $0x38;
	[tilespmem:$0x10780] =	vst v63  }
0x8d7: {  	s8 =	sadd.s32 $0x30, s5;
	s9 =	simm.s32 $0x3A80  }
0x8d8: {  	[tilespmem:s9], [sflag:$0x1] =	stream.linear.gather [hbm4b:s8+s4], $0x10, $0x38;
	[tilespmem:$0x10780] =	vst v63  }
0x8d9: {  	s12 =	sadd.s32 $0x40, s5;
	s13 =	simm.s32 $0x3B00  }
0x8da: {  	[tilespmem:s13], [sflag:$0x1] =	stream.linear.gather [hbm4b:s12+s4], $0x10, $0x38;
	[tilespmem:$0x10780] =	vst v63  }
0x8db: {  	s7 =	sadd.s32 $0x50, s5;
	s8 =	simm.s32 $0x3B80  }
0x8dc: {  	[tilespmem:s8], [sflag:$0x1] =	stream.linear.gather [hbm4b:s7+s4], $0x10, $0x38;
	[tilespmem:$0x10780] =	vst v63  }
0x8dd: {  	s9 =	sadd.s32 $0x60, s5;
	s12 =	simm.s32 $0x3C00;
	s7 =	spop (v2sf)  }
0x8de: {  	[tilespmem:s12], [sflag:$0x1] =	stream.linear.gather [hbm4b:s9+s4], $0x10, $0x38;
	[tilespmem:$0x10780] =	vst v63  }
0x8df: {  	s5 =	sadd.s32 $0x70, s5;
	s13 =	simm.s32 $0x3C80;
	s8 =	sshll.u32 s7, $0x3  }
0x8e0: {  	[tilespmem:s13], [sflag:$0x1] =	stream.linear.gather [hbm4b:s5+s4], $0x10, $0x38;
	[tilespmem:$0x10780] =	vst v63  }
0x8e1: {  	s6 =	sand.u32 $0xFFFFFC00, s8;
	s5 =	sand.u32 $0x70, s7  }
0x8e2: {  	s5 =	sor.u32 s5, s6  }
0x8e3: {  	s5 =	sshrl.u32 s5, $0x3  }
0x8e4: {  	s9 =	simm.s32 $0xB500;
	s5 =	sadd.s32 s2, s5  }
0x8e5: {  	[tilespmem:s9], [sflag:$0x1] =	stream.linear.gather [hbm4b:s5+s4], $0x10, $0x38;
	[tilespmem:$0x10780] =	vst v63  }
0x8e6: {  	s13 =	simm.s32 $0xB580;
	s12 =	sadd.s32 $0x10, s5  }
0x8e7: {  	[tilespmem:s13], [sflag:$0x1] =	stream.linear.gather [hbm4b:s12+s4], $0x10, $0x38;
	[tilespmem:$0x10780] =	vst v63  }
0x8e8: {  	s8 =	sadd.s32 $0x20, s5;
	s9 =	simm.s32 $0xB600  }
0x8e9: {  	[tilespmem:s9], [sflag:$0x1] =	stream.linear.gather [hbm4b:s8+s4], $0x10, $0x38;
	[tilespmem:$0x10780] =	vst v63  }
0x8ea: {  	s12 =	sadd.s32 $0x30, s5;
	s13 =	simm.s32 $0xB680  }
0x8eb: {  	[tilespmem:s13], [sflag:$0x1] =	stream.linear.gather [hbm4b:s12+s4], $0x10, $0x38;
	[tilespmem:$0x10780] =	vst v63  }
0x8ec: {  	s8 =	sadd.s32 $0x40, s5;
	s9 =	simm.s32 $0xB700  }
0x8ed: {  	[tilespmem:s9], [sflag:$0x1] =	stream.linear.gather [hbm4b:s8+s4], $0x10, $0x38;
	[tilespmem:$0x10780] =	vst v63  }
0x8ee: {  	s12 =	sadd.s32 $0x50, s5;
	s13 =	simm.s32 $0xB780  }
0x8ef: {  	[tilespmem:s13], [sflag:$0x1] =	stream.linear.gather [hbm4b:s12+s4], $0x10, $0x38;
	[tilespmem:$0x10780] =	vst v63  }
0x8f0: {  	s8 =	sadd.s32 $0x60, s5;
	s9 =	simm.s32 $0xB800  }
0x8f1: {  	(v2sf) =	vpush v2, $0x7;
	[tilespmem:s9], [sflag:$0x1] =	stream.linear.gather [hbm4b:s8+s4], $0x10, $0x38;
	[tilespmem:$0x10780] =	vst v63  }
0x8f2: {  	s12 =	sadd.s32 $0x70, s5;
	s13 =	simm.s32 $0xB880  }
0x8f3: {  	[tilespmem:s13], [sflag:$0x1] =	stream.linear.gather [hbm4b:s12+s4], $0x10, $0x38;
	[tilespmem:$0x10780] =	vst v63  }
0x8f4: {  	s7 =	simm.s32 $0xB900;
	s5 =	sadd.s32 $0xF4280, s5  }
0x8f5: {  	[tilespmem:s7], [sflag:$0x1] =	stream.linear.gather [hbm4b:s5+s4], $0x10, $0x38;
	[tilespmem:$0x10780] =	vst v63  }
0x8f6: {  	s8 =	sadd.s32 $0x10, s5;
	s9 =	simm.s32 $0xB980  }
0x8f7: {  	[tilespmem:s9], [sflag:$0x1] =	stream.linear.gather [hbm4b:s8+s4], $0x10, $0x38;
	[tilespmem:$0x10780] =	vst v63  }
0x8f8: {  	s12 =	sadd.s32 $0x20, s5;
	s13 =	simm.s32 $0xBA00  }
0x8f9: {  	[tilespmem:s13], [sflag:$0x1] =	stream.linear.gather [hbm4b:s12+s4], $0x10, $0x38;
	[tilespmem:$0x10780] =	vst v63  }
0x8fa: {  	s8 =	sadd.s32 $0x30, s5;
	s9 =	simm.s32 $0xBA80  }
0x8fb: {  	[tilespmem:s9], [sflag:$0x1] =	stream.linear.gather [hbm4b:s8+s4], $0x10, $0x38;
	[tilespmem:$0x10780] =	vst v63  }
0x8fc: {  	s12 =	sadd.s32 $0x40, s5;
	s13 =	simm.s32 $0xBB00  }
0x8fd: {  	[tilespmem:s13], [sflag:$0x1] =	stream.linear.gather [hbm4b:s12+s4], $0x10, $0x38;
	[tilespmem:$0x10780] =	vst v63  }
0x8fe: {  	s7 =	sadd.s32 $0x50, s5;
	s8 =	simm.s32 $0xBB80  }
0x8ff: {  	[tilespmem:s8], [sflag:$0x1] =	stream.linear.gather [hbm4b:s7+s4], $0x10, $0x38;
	[tilespmem:$0x10780] =	vst v63  }
0x900: {  	s9 =	sadd.s32 $0x60, s5;
	s12 =	simm.s32 $0xBC00;
	s7 =	spop (v2sf)  }
0x901: {  	[tilespmem:s12], [sflag:$0x1] =	stream.linear.gather [hbm4b:s9+s4], $0x10, $0x38;
	[tilespmem:$0x10780] =	vst v63  }
0x902: {  	s5 =	sadd.s32 $0x70, s5;
	s13 =	simm.s32 $0xBC80;
	s8 =	sshll.u32 s7, $0x3  }
0x903: {  	[tilespmem:s13], [sflag:$0x1] =	stream.linear.gather [hbm4b:s5+s4], $0x10, $0x38;
	[tilespmem:$0x10780] =	vst v63  }
0x904: {  	s6 =	sand.u32 $0xFFFFFC00, s8;
	s5 =	sand.u32 $0x70, s7  }
0x905: {  	s5 =	sor.u32 s5, s6  }
0x906: {  	s5 =	sshrl.u32 s5, $0x3  }
0x907: {  	s9 =	simm.s32 $0x3D00;
	s5 =	sadd.s32 s1, s5  }
0x908: {  	[tilespmem:s9], [sflag:$0x1] =	stream.linear.gather [hbm4b:s5+s4], $0x10, $0x38;
	[tilespmem:$0x10780] =	vst v63  }
0x909: {  	s13 =	simm.s32 $0x3D80;
	s12 =	sadd.s32 $0x10, s5  }
0x90a: {  	[tilespmem:s13], [sflag:$0x1] =	stream.linear.gather [hbm4b:s12+s4], $0x10, $0x38;
	[tilespmem:$0x10780] =	vst v63  }
0x90b: {  	s8 =	sadd.s32 $0x20, s5;
	s9 =	simm.s32 $0x3E00  }
0x90c: {  	[tilespmem:s9], [sflag:$0x1] =	stream.linear.gather [hbm4b:s8+s4], $0x10, $0x38;
	[tilespmem:$0x10780] =	vst v63  }
0x90d: {  	s12 =	sadd.s32 $0x30, s5;
	s13 =	simm.s32 $0x3E80  }
0x90e: {  	[tilespmem:s13], [sflag:$0x1] =	stream.linear.gather [hbm4b:s12+s4], $0x10, $0x38;
	[tilespmem:$0x10780] =	vst v63  }
0x90f: {  	s8 =	sadd.s32 $0x40, s5;
	s9 =	simm.s32 $0x3F00  }
0x910: {  	[tilespmem:s9], [sflag:$0x1] =	stream.linear.gather [hbm4b:s8+s4], $0x10, $0x38;
	[tilespmem:$0x10780] =	vst v63  }
0x911: {  	s12 =	sadd.s32 $0x50, s5;
	s13 =	simm.s32 $0x3F80  }
0x912: {  	[tilespmem:s13], [sflag:$0x1] =	stream.linear.gather [hbm4b:s12+s4], $0x10, $0x38;
	[tilespmem:$0x10780] =	vst v63  }
0x913: {  	s8 =	sadd.s32 $0x60, s5;
	s9 =	simm.s32 $0x4000  }
0x914: {  	(v2sf) =	vpush v3, $0x7;
	[tilespmem:s9], [sflag:$0x1] =	stream.linear.gather [hbm4b:s8+s4], $0x10, $0x38;
	[tilespmem:$0x10780] =	vst v63  }
0x915: {  	s12 =	sadd.s32 $0x70, s5;
	s13 =	simm.s32 $0x4080  }
0x916: {  	[tilespmem:s13], [sflag:$0x1] =	stream.linear.gather [hbm4b:s12+s4], $0x10, $0x38;
	[tilespmem:$0x10780] =	vst v63  }
0x917: {  	s7 =	simm.s32 $0x4100;
	s5 =	sadd.s32 $0xF4280, s5  }
0x918: {  	[tilespmem:s7], [sflag:$0x1] =	stream.linear.gather [hbm4b:s5+s4], $0x10, $0x38;
	[tilespmem:$0x10780] =	vst v63  }
0x919: {  	s8 =	sadd.s32 $0x10, s5;
	s9 =	simm.s32 $0x4180  }
0x91a: {  	[tilespmem:s9], [sflag:$0x1] =	stream.linear.gather [hbm4b:s8+s4], $0x10, $0x38;
	[tilespmem:$0x10780] =	vst v63  }
0x91b: {  	s12 =	sadd.s32 $0x20, s5;
	s13 =	simm.s32 $0x4200  }
0x91c: {  	[tilespmem:s13], [sflag:$0x1] =	stream.linear.gather [hbm4b:s12+s4], $0x10, $0x38;
	[tilespmem:$0x10780] =	vst v63  }
0x91d: {  	s8 =	sadd.s32 $0x30, s5;
	s9 =	simm.s32 $0x4280  }
0x91e: {  	[tilespmem:s9], [sflag:$0x1] =	stream.linear.gather [hbm4b:s8+s4], $0x10, $0x38;
	[tilespmem:$0x10780] =	vst v63  }
0x91f: {  	s12 =	sadd.s32 $0x40, s5;
	s13 =	simm.s32 $0x4300  }
0x920: {  	[tilespmem:s13], [sflag:$0x1] =	stream.linear.gather [hbm4b:s12+s4], $0x10, $0x38;
	[tilespmem:$0x10780] =	vst v63  }
0x921: {  	s7 =	sadd.s32 $0x50, s5;
	s8 =	simm.s32 $0x4380  }
0x922: {  	[tilespmem:s8], [sflag:$0x1] =	stream.linear.gather [hbm4b:s7+s4], $0x10, $0x38;
	[tilespmem:$0x10780] =	vst v63  }
0x923: {  	s9 =	sadd.s32 $0x60, s5;
	s12 =	simm.s32 $0x4400;
	s7 =	spop (v2sf)  }
0x924: {  	[tilespmem:s12], [sflag:$0x1] =	stream.linear.gather [hbm4b:s9+s4], $0x10, $0x38;
	[tilespmem:$0x10780] =	vst v63  }
0x925: {  	s5 =	sadd.s32 $0x70, s5;
	s13 =	simm.s32 $0x4480;
	s8 =	sshll.u32 s7, $0x3  }
0x926: {  	[tilespmem:s13], [sflag:$0x1] =	stream.linear.gather [hbm4b:s5+s4], $0x10, $0x38;
	[tilespmem:$0x10780] =	vst v63  }
0x927: {  	s6 =	sand.u32 $0xFFFFFC00, s8;
	s5 =	sand.u32 $0x70, s7  }
0x928: {  	s5 =	sor.u32 s5, s6  }
0x929: {  	s5 =	sshrl.u32 s5, $0x3  }
0x92a: {  	s9 =	simm.s32 $0xBD00;
	s5 =	sadd.s32 s2, s5  }
0x92b: {  	[tilespmem:s9], [sflag:$0x1] =	stream.linear.gather [hbm4b:s5+s4], $0x10, $0x38;
	[tilespmem:$0x10780] =	vst v63  }
0x92c: {  	s13 =	simm.s32 $0xBD80;
	s12 =	sadd.s32 $0x10, s5  }
0x92d: {  	[tilespmem:s13], [sflag:$0x1] =	stream.linear.gather [hbm4b:s12+s4], $0x10, $0x38;
	[tilespmem:$0x10780] =	vst v63  }
0x92e: {  	s8 =	sadd.s32 $0x20, s5;
	s9 =	simm.s32 $0xBE00  }
0x92f: {  	[tilespmem:s9], [sflag:$0x1] =	stream.linear.gather [hbm4b:s8+s4], $0x10, $0x38;
	[tilespmem:$0x10780] =	vst v63  }
0x930: {  	s12 =	sadd.s32 $0x30, s5;
	s13 =	simm.s32 $0xBE80  }
0x931: {  	[tilespmem:s13], [sflag:$0x1] =	stream.linear.gather [hbm4b:s12+s4], $0x10, $0x38;
	[tilespmem:$0x10780] =	vst v63  }
0x932: {  	s8 =	sadd.s32 $0x40, s5;
	s9 =	simm.s32 $0xBF00  }
0x933: {  	[tilespmem:s9], [sflag:$0x1] =	stream.linear.gather [hbm4b:s8+s4], $0x10, $0x38;
	[tilespmem:$0x10780] =	vst v63  }
0x934: {  	s12 =	sadd.s32 $0x50, s5;
	s13 =	simm.s32 $0xBF80  }
0x935: {  	[tilespmem:s13], [sflag:$0x1] =	stream.linear.gather [hbm4b:s12+s4], $0x10, $0x38;
	[tilespmem:$0x10780] =	vst v63  }
0x936: {  	s8 =	sadd.s32 $0x60, s5;
	s9 =	simm.s32 $0xC000  }
0x937: {  	[tilespmem:s9], [sflag:$0x1] =	stream.linear.gather [hbm4b:s8+s4], $0x10, $0x38;
	[tilespmem:$0x10780] =	vst v63  }
0x938: {  	s12 =	sadd.s32 $0x70, s5;
	s13 =	simm.s32 $0xC080  }
0x939: {  	[tilespmem:s13], [sflag:$0x1] =	stream.linear.gather [hbm4b:s12+s4], $0x10, $0x38;
	[tilespmem:$0x10780] =	vst v63  }
0x93a: {  	s7 =	simm.s32 $0xC100;
	s5 =	sadd.s32 $0xF4280, s5  }
0x93b: {  	[tilespmem:s7], [sflag:$0x1] =	stream.linear.gather [hbm4b:s5+s4], $0x10, $0x38;
	[tilespmem:$0x10780] =	vst v63  }
0x93c: {  	s8 =	sadd.s32 $0x10, s5;
	s9 =	simm.s32 $0xC180  }
0x93d: {  	[tilespmem:s9], [sflag:$0x1] =	stream.linear.gather [hbm4b:s8+s4], $0x10, $0x38;
	[tilespmem:$0x10780] =	vst v63  }
0x93e: {  	s12 =	sadd.s32 $0x20, s5;
	s13 =	simm.s32 $0xC200  }
0x93f: {  	[tilespmem:s13], [sflag:$0x1] =	stream.linear.gather [hbm4b:s12+s4], $0x10, $0x38;
	[tilespmem:$0x10780] =	vst v63  }
0x940: {  	s8 =	sadd.s32 $0x30, s5;
	s9 =	simm.s32 $0xC280  }
0x941: {  	[tilespmem:s9], [sflag:$0x1] =	stream.linear.gather [hbm4b:s8+s4], $0x10, $0x38;
	[tilespmem:$0x10780] =	vst v63  }
0x942: {  	s12 =	sadd.s32 $0x40, s5;
	s13 =	simm.s32 $0xC300  }
0x943: {  	[tilespmem:s13], [sflag:$0x1] =	stream.linear.gather [hbm4b:s12+s4], $0x10, $0x38;
	[tilespmem:$0x10780] =	vst v63  }
0x944: {  	s7 =	sadd.s32 $0x50, s5;
	s8 =	simm.s32 $0xC380  }
0x945: {  	[tilespmem:s8], [sflag:$0x1] =	stream.linear.gather [hbm4b:s7+s4], $0x10, $0x38;
	[tilespmem:$0x10780] =	vst v63  }
.Ltmp6:
0x946: {  	_ = 	snop;
	(pc) =	sbr.rel .LBB2_6-.Ltmp6, $4  }
0x947: {  	s9 =	sadd.s32 $0x60, s5;
	s12 =	simm.s32 $0xC400  }
0x948: {  	[tilespmem:s12], [sflag:$0x1] =	stream.linear.gather [hbm4b:s9+s4], $0x10, $0x38;
	[tilespmem:$0x10780] =	vst v63  }
0x949: {  	s5 =	sadd.s32 $0x70, s5;
	s13 =	simm.s32 $0xC480  }
0x94a: {  	[tilespmem:s13], [sflag:$0x1] =	stream.linear.gather [hbm4b:s5+s4], $0x10, $0x38;
	[tilespmem:$0x10780] =	vst v63  }
.LBB2_8:
0x94b: {  	_ =	sfence.sel $0x180000  }
0x94c: {  	[bflag:$0x0] =	sbarrier.arrive $0xFFFF  }
0x94d: {  	_ =	strace $0x90000047  }
0x94e: {  	s0 =	stileid.u32;
	[bflag:$0x2] =	sbarrier.arrive $0xFFFF  }
0x94f: {  	p0 =	sne.s32 s0, $0x0;
	s0 =	rddreg [dreg:$0x5]  }
0x950: {  	s0 =	sadd.s32 @!p0 $0x100000, s0  }
0x951: {  	[sflag:s0] =	ssyncadd.tile.s32 @!p0 $0x1;
	_ =	shalt  }
.Lfunc_end2:
_tile_overlayer_lowered:
.L_overlay_start_2:
0x952: {  	(tag) =	ssettag $0x2  }
0x953: {  	s0 =	rddreg [dreg:$0x0];
	s2 =	stileid.u32  }
0x954: {  	s1 =	rddreg [dreg:$0x1];
	p0 =	sne.s32 s2, $0x0  }
0x955: {  	s3 =	rddreg [dreg:$0x2];
	[bflag:$0x3] =	sbarrier.arrive $0xFFFF;
	s2 =	simm.s32 @!p0 $0x1C03  }
0x956: {  	[timem:s3], [sflag:s2] =	dma.local @!p0 [hbm:s0], s1  }
0x957: {  	s0 =	simm.s32 @!p0 $0x3  }
0x958: {  	_ =	swait.ge @!p0 [sflag:s0], s1  }
0x959: {  	s1 =	ssub.s32 @!p0 $0x0, s1;
	[sflag:s0] =	ssyncset.done @!p0 $0x0  }
0x95a: {  	[sflag:s0] =	ssyncadd.s32 @!p0 s1  }
0x95b: {  	[bflag:$0x3] =	sbarrier.arrive $0xFFFF  }
0x95c: {  	_ =	shalt  }

</sc_bundles>
